<compile_context>
chip_gen: v7x
topology: tpu7x:2x2x1
jax: 0.10.2.dev20260603
libtpu: 0.0.44.dev20260713+nightly
codegen_flags: <defaults>
</compile_context>

<pallas_src>
import functools

import jax
import jax.numpy as jnp
from jax import lax
from jax.experimental import pallas as pl
from jax.experimental.pallas import tpu as pltpu
from jax.experimental.pallas import tpu_sc as plsc

_F32 = jnp.float32
_I32 = jnp.int32

_N = 4 * 256 * 256
_M = _N
_P = 2048
_NPAD = _N + _P

_NSUB = 16
_NCORE = 2
_SLICE = _N // _NSUB
_RBITS = 13
_R = 1 << _RBITS
_PASSES = _M // (_R * _NCORE)
_NBINS = _PASSES * _NCORE
_G = 128
_TRASH = _R
_SHARE = 520
_SROWS = _NSUB * _SHARE
_ZB = 20
_STCAP = _SLICE + (_NBINS + 1) * _G
_CH = 2048
_PKPAD = (_TRASH << 18) | 0


def _min_kernel(cx, cy, cz, o_ref):
    step = pl.program_id(0)

    @pl.when(step == 0)
    def _():
        o_ref[...] = jnp.full_like(o_ref[...], jnp.inf)

    x = cx[...]
    y = cy[...]
    z = cz[...]
    r = jnp.sqrt(x * x + y * y + z * z)
    city = r < 600.0
    big = jnp.float32(jnp.inf)
    mx = jnp.min(jnp.where(city, x * 10.0, big), axis=0)
    my = jnp.min(jnp.where(city, y * 10.0, big), axis=0)
    mz = jnp.min(jnp.where(city, z * 10.0, big), axis=0)
    o_ref[0, :] = jnp.minimum(o_ref[0, :], mx)
    o_ref[1, :] = jnp.minimum(o_ref[1, :], my)
    o_ref[2, :] = jnp.minimum(o_ref[2, :], mz)


def _seg_kernel(minp, cx, cy, cz, seg_ref):
    bx = jnp.floor(jnp.min(minp[0, :]))
    by = jnp.floor(jnp.min(minp[1, :]))
    bz = jnp.floor(jnp.min(minp[2, :]))
    x = cx[...]
    y = cy[...]
    z = cz[...]
    r = jnp.sqrt(x * x + y * y + z * z)
    city = r < 600.0
    lx = jnp.floor(x * 10.0 - bx).astype(_I32)
    ly = jnp.floor(y * 10.0 - by).astype(_I32)
    lz = jnp.floor(z * 10.0 - bz).astype(_I32)
    h = lx * 73856093 + ly * 19349663 + lz * 83492791
    vid = jnp.bitwise_and(h, _M - 1)
    seg_ref[...] = jnp.where(city, vid, _M)


def _feat_mlp(imf, noise, Ws, bs):
    cvec = jnp.dot(noise, Ws[3:, :],
                   preferred_element_type=_F32) + bs[None, :]
    feat = jnp.dot(imf, Ws[:3, :], preferred_element_type=_F32) + cvec
    return jnp.maximum(feat, 0.0)


def _pre_kernel(imf, noise, Ws, bs, feat_ref):
    feat = _feat_mlp(imf[...], noise[...], Ws[...], bs[...])
    p = feat.shape[0]
    tail = jnp.concatenate(
        [jnp.ones((p, 1), _F32), jnp.zeros((p, 63), _F32)], axis=1)
    feat_ref[...] = jnp.concatenate([feat, tail], axis=1)


def _post_kernel(c0b, imf, noise, Ws, bs, psum, Wo, bo, sky, o_ref):
    feat = _feat_mlp(imf[...], noise[...], Ws[...], bs[...])
    ps = psum[...]
    cnt2 = jnp.maximum(ps[:, 64:65], 1.0)
    pooled = ps[:, 0:64] / cnt2
    sp = jnp.maximum(feat + pooled, 0.0)
    c_city = jnp.dot(sp, Wo[3:67, :], preferred_element_type=_F32)
    sky3 = jnp.dot(sky[...][None, :], Wo[3:67, :],
                   preferred_element_type=_F32)
    cb = c0b[...]
    stat = (jnp.dot(imf[...], Wo[0:3, :], preferred_element_type=_F32)
            + jnp.dot(cb, Wo[67:70, :], preferred_element_type=_F32)
            + jnp.dot(noise[...], Wo[70:86, :], preferred_element_type=_F32)
            + bo[...][None, :])
    r2 = jnp.sum(cb * cb, axis=1, keepdims=True)
    city2 = jnp.sqrt(r2) < 600.0
    o_ref[...] = stat + jnp.where(city2, c_city, sky3)


def _read48(ref, idx):
    tot = jnp.zeros((), _I32)
    for k in range(3):
        v = ref[pl.ds(k * 16, 16)]
        lane = lax.iota(_I32, 16) + k * 16
        tot = tot + jnp.sum(jnp.where(lane == idx, v, 0))
    return tot


def _sc_body(feat_hbm, seg_hbm, psum_hbm, btab_hbm,
             segc_v, st_v, pt_v, bk_v, row_v, row2_v, zb_v,
             hist_v, start_v, run_v, sums_sh, sem, sem2, sem3):
    c = lax.axis_index("c")
    s = lax.axis_index("s")
    base = s * _SLICE
    lanes = lax.iota(_I32, 16)

    for rr in range(_ZB):
        for k in range(8):
            zb_v[rr, pl.ds(k * 16, 16)] = jnp.zeros((16,), _F32)
    for k in range(3):
        hist_v[pl.ds(k * 16, 16)] = jnp.zeros((16,), _I32)

    def prefill(g, t):
        st_v[pl.ds(g * 16, 16)] = jnp.full((16,), _PKPAD, _I32)
        return t

    lax.fori_loop(0, _STCAP // 16, prefill, 0)

    def hist_chunk(ch, t):
        pltpu.sync_copy(seg_hbm.at[pl.ds(base + ch * _CH, _CH)], segc_v)

        def hist_body(g, u):
            sv = segc_v[pl.ds(g * 16, 16)]
            b = lax.shift_right_logical(sv, _RBITS)
            cnt, last = plsc.scan_count(b)
            plsc.addupdate_scatter(hist_v, [b], cnt, mask=last)
            return u

        return lax.fori_loop(0, _CH // 16, hist_body, t)

    lax.fori_loop(0, _SLICE // _CH, hist_chunk, 0)

    carry = jnp.zeros((), _I32)
    for k in range(3):
        hv = hist_v[pl.ds(k * 16, 16)]
        av = jnp.bitwise_and(hv + (_G - 1), ~(_G - 1))
        cs = jnp.cumsum(av)
        start_v[pl.ds(k * 16, 16)] = cs - av + carry
        run_v[pl.ds(k * 16, 16)] = cs - av + carry
        carry = carry + jnp.sum(av)

    def perm_chunk(ch, t):
        pltpu.sync_copy(seg_hbm.at[pl.ds(base + ch * _CH, _CH)], segc_v)

        def perm_body(g, u):
            sv = segc_v[pl.ds(g * 16, 16)]
            b = lax.shift_right_logical(sv, _RBITS)
            offv = plsc.load_gather(run_v, [b])
            cnt, last = plsc.scan_count(b)
            pos = offv + cnt - 1
            plsc.store_scatter(run_v, [b], offv + cnt, mask=last)
            pk = (lax.shift_left(jnp.bitwise_and(sv, _R - 1), 18)
                  | (base + ch * _CH + g * 16 + lanes))
            plsc.store_scatter(st_v, [pos], pk)
            return u

        return lax.fori_loop(0, _CH // 16, perm_body, t)

    lax.fori_loop(0, _SLICE // _CH, perm_chunk, 0)

    def pass_body(p, t):
        row0 = s * _SHARE

        def zfire(j, u):
            pltpu.async_copy(zb_v, sums_sh.at[pl.ds(row0 + j * _ZB, _ZB)],
                             sem3)
            return u

        def zdrain(j, u):
            pltpu.make_async_copy(
                zb_v, sums_sh.at[pl.ds(row0 + j * _ZB, _ZB)], sem3).wait()
            return u

        lax.fori_loop(0, _SHARE // _ZB, zfire, 0)
        lax.fori_loop(0, _SHARE // _ZB, zdrain, 0)
        plsc.subcore_barrier()

        bin_id = 2 * p + c
        s_b = _read48(start_v, bin_id)
        n_b = _read48(hist_v, bin_id)
        ng = (n_b + _G - 1) // _G
        nh = ng // 2

        def unpack(g, slot, remap=False):
            for k in range(8):
                pk = st_v[pl.ds(s_b + g * _G + k * 16, 16)]
                pt = jnp.bitwise_and(pk, (1 << 18) - 1)
                bk = lax.shift_right_logical(pk, 18)
                if remap:
                    pt = jnp.where(bk == _TRASH, _N, pt)
                pt_v[slot, pl.ds(k * 16, 16)] = pt
                bk_v[slot, pl.ds(k * 16, 16)] = bk

        def pair_a(h, u):
            g0 = 2 * h
            unpack(g0, 0)
            cp0 = pltpu.async_copy(feat_hbm.at[pt_v.at[0]], row_v, sem)
            unpack(g0 + 1, 1)
            cp1 = pltpu.async_copy(feat_hbm.at[pt_v.at[1]], row2_v, sem2)
            cp0.wait()
            pltpu.sync_copy(row_v, sums_sh.at[bk_v.at[0]], add=True)
            cp1.wait()
            pltpu.sync_copy(row2_v, sums_sh.at[bk_v.at[1]], add=True)
            return u

        lax.fori_loop(0, nh, pair_a, 0)

        @pl.when(ng > 2 * nh)
        def _():
            unpack(2 * nh, 0)
            pltpu.async_copy(feat_hbm.at[pt_v.at[0]], row_v, sem).wait()
            pltpu.sync_copy(row_v, sums_sh.at[bk_v.at[0]], add=True)

        plsc.subcore_barrier()

        lo = p * (_NCORE * _R) + c * _R
        e0 = pltpu.async_copy(
            sums_sh.at[pl.ds(row0, 392)],
            btab_hbm.at[pl.ds(lo + row0, 392)], sem)

        @pl.when(s < _NSUB - 1)
        def _():
            pltpu.async_copy(
                sums_sh.at[pl.ds(row0 + 392, 128)],
                btab_hbm.at[pl.ds(lo + row0 + 392, 128)], sem2)

        e0.wait()

        @pl.when(s < _NSUB - 1)
        def _():
            pltpu.make_async_copy(
                sums_sh.at[pl.ds(row0 + 392, 128)],
                btab_hbm.at[pl.ds(lo + row0 + 392, 128)], sem2).wait()

        plsc.subcore_barrier()
        return t

    lax.fori_loop(0, _PASSES, pass_body, 0)

    def final_bin(p, t):
        bin_id = 2 * p + c
        s_b = _read48(start_v, bin_id)
        n_b = _read48(hist_v, bin_id)
        ng = (n_b + _G - 1) // _G
        nh = ng // 2
        lo = p * (_NCORE * _R) + c * _R

        def unpack2(g, slot):
            for k in range(8):
                pk = st_v[pl.ds(s_b + g * _G + k * 16, 16)]
                pt = jnp.bitwise_and(pk, (1 << 18) - 1)
                bk = lax.shift_right_logical(pk, 18)
                pt_v[slot, pl.ds(k * 16, 16)] = (
                    jnp.where(bk == _TRASH, _N, pt))
                bk_v[slot, pl.ds(k * 16, 16)] = lo + bk

        def pair_f(h, u):
            g0 = 2 * h
            unpack2(g0, 0)
            cp0 = pltpu.async_copy(btab_hbm.at[bk_v.at[0]], row_v, sem)
            unpack2(g0 + 1, 1)
            cp1 = pltpu.async_copy(btab_hbm.at[bk_v.at[1]], row2_v, sem2)
            cp0.wait()
            w0 = pltpu.async_copy(row_v, psum_hbm.at[pt_v.at[0]], sem3)
            cp1.wait()
            w1 = pltpu.async_copy(row2_v, psum_hbm.at[pt_v.at[1]], sem3)
            w0.wait()
            w1.wait()
            return u

        lax.fori_loop(0, nh, pair_f, 0)

        @pl.when(ng > 2 * nh)
        def _():
            unpack2(2 * nh, 0)
            pltpu.async_copy(btab_hbm.at[bk_v.at[0]], row_v, sem).wait()
            pltpu.sync_copy(row_v, psum_hbm.at[pt_v.at[0]])

        return t

    lax.fori_loop(0, _PASSES, final_bin, 0)


def _segment_pool(featm, seg):
    mesh = plsc.VectorSubcoreMesh(core_axis_name="c", subcore_axis_name="s")
    fn = functools.partial(
        pl.kernel,
        mesh=mesh,
        compiler_params=pltpu.CompilerParams(needs_layout_passes=False),
        out_type=[
            jax.ShapeDtypeStruct((_NPAD, 128), _F32),
            jax.ShapeDtypeStruct((_M + 128, 128), _F32),
        ],
        scratch_types=[
            pltpu.VMEM((_CH,), _I32),
            pltpu.VMEM((_STCAP,), _I32),
            pltpu.VMEM((2, _G), _I32),
            pltpu.VMEM((2, _G), _I32),
            pltpu.VMEM((_G, 128), _F32),
            pltpu.VMEM((_G, 128), _F32),
            pltpu.VMEM((_ZB, 128), _F32),
            pltpu.VMEM((48,), _I32),
            pltpu.VMEM((48,), _I32),
            pltpu.VMEM((48,), _I32),
            pltpu.VMEM_SHARED((_SROWS, 128), _F32),
            pltpu.SemaphoreType.DMA,
            pltpu.SemaphoreType.DMA,
            pltpu.SemaphoreType.DMA,
        ],
    )(_sc_body)
    return fn(featm, seg)


def kernel(im, coord, noise, W_sparse, b_sparse, init_sky, W_out, b_out):
    B, F, C, H, W = im.shape
    n = F * H * W
    assert n == _N

    c0 = coord[0]
    im_ft = jnp.transpose(im[:, :, :3], (0, 1, 3, 4, 2)).reshape(n, 3)

    cx = c0[:, 0].reshape(n // 128, 128)
    cy = c0[:, 1].reshape(n // 128, 128)
    cz = c0[:, 2].reshape(n // 128, 128)
    blk = 256
    minp = pl.pallas_call(
        _min_kernel,
        grid=(n // 128 // blk,),
        in_specs=[pl.BlockSpec((blk, 128), lambda i: (i, 0))] * 3,
        out_specs=pl.BlockSpec((8, 128), lambda i: (0, 0)),
        out_shape=jax.ShapeDtypeStruct((8, 128), _F32),
    )(cx, cy, cz)

    seg2d = pl.pallas_call(
        _seg_kernel,
        grid=(n // 128 // blk,),
        in_specs=[
            pl.BlockSpec((8, 128), lambda i: (0, 0)),
            pl.BlockSpec((blk, 128), lambda i: (i, 0)),
            pl.BlockSpec((blk, 128), lambda i: (i, 0)),
            pl.BlockSpec((blk, 128), lambda i: (i, 0)),
        ],
        out_specs=pl.BlockSpec((blk, 128), lambda i: (i, 0)),
        out_shape=jax.ShapeDtypeStruct((n // 128, 128), _I32),
    )(minp, cx, cy, cz)
    seg = seg2d.reshape(n)

    imf_p = jnp.concatenate([im_ft, jnp.zeros((_P, 3), _F32)], axis=0)
    c0_p = jnp.concatenate([c0, jnp.zeros((_P, 3), _F32)], axis=0)
    nblk = _NPAD // _P
    featm = pl.pallas_call(
        _pre_kernel,
        grid=(nblk,),
        in_specs=[
            pl.BlockSpec((_P, 3), lambda i: (i, 0)),
            pl.BlockSpec((1, 16), lambda i: (0, 0)),
            pl.BlockSpec((19, 64), lambda i: (0, 0)),
            pl.BlockSpec((64,), lambda i: (0,)),
        ],
        out_specs=pl.BlockSpec((_P, 128), lambda i: (i, 0)),
        out_shape=jax.ShapeDtypeStruct((_NPAD, 128), _F32),
    )(imf_p, noise, W_sparse, b_sparse)

    psum, _ = _segment_pool(featm, seg)

    out = pl.pallas_call(
        _post_kernel,
        grid=(n // _P,),
        in_specs=[
            pl.BlockSpec((_P, 3), lambda i: (i, 0)),
            pl.BlockSpec((_P, 3), lambda i: (i, 0)),
            pl.BlockSpec((1, 16), lambda i: (0, 0)),
            pl.BlockSpec((19, 64), lambda i: (0, 0)),
            pl.BlockSpec((64,), lambda i: (0,)),
            pl.BlockSpec((_P, 128), lambda i: (i, 0)),
            pl.BlockSpec((86, 3), lambda i: (0, 0)),
            pl.BlockSpec((3,), lambda i: (0,)),
            pl.BlockSpec((64,), lambda i: (0,)),
        ],
        out_specs=pl.BlockSpec((_P, 3), lambda i: (i, 0)),
        out_shape=jax.ShapeDtypeStruct((n, 3), _F32),
    )(c0_p, imf_p, noise, W_sparse, b_sparse, psum, W_out, b_out, init_sky)
    return out

# --- scband reference (transcript-rebuilt; emitter-appended) ---
"""Pipeline reference for scband-sparse-conv-net-59201829208458 (READ-ONLY COPY).

The authoritative reference and input builder live on the scoring server;
editing this copy changes nothing except your own understanding.
"""

import jax, jax.numpy as jnp
import numpy as np


def setup_inputs(seed: int = 0) -> dict:
    key = jax.random.key(seed)
    ks = jax.random.split(key, 8)
    B, F, C, H, W = 1, 4, 3, 256, 256
    N = F * H * W
    d_noise = 16
    ngf = 64
    d_out = 3
    im = jax.random.normal(ks[0], (B, F, C, H, W), dtype=jnp.float32)
    coord = jax.random.normal(ks[1], (1, N, 3), dtype=jnp.float32) * 300.0
    noise = jax.random.normal(ks[2], (1, d_noise), dtype=jnp.float32)
    W_sparse = jax.random.normal(ks[3], (3 + d_noise, ngf), dtype=jnp.float32) * 0.1
    b_sparse = jnp.zeros((ngf,), dtype=jnp.float32)
    init_sky = jax.random.normal(ks[4], (ngf,), dtype=jnp.float32)
    W_out = jax.random.normal(ks[5], (3 + ngf + 3 + d_noise, d_out), dtype=jnp.float32) * 0.05
    b_out = jnp.zeros((d_out,), dtype=jnp.float32)
    return {"im": im, "coord": coord, "noise": noise, "W_sparse": W_sparse,
            "b_sparse": b_sparse, "init_sky": init_sky, "W_out": W_out, "b_out": b_out}


def reference(im, coord, noise, W_sparse, b_sparse, init_sky, W_out, b_out):
    resolution = 10.0
    B, F, C, H, W = im.shape
    N = F * H * W
    c0 = coord[0]  # [N, 3]
    r = jnp.sqrt(jnp.sum(c0 ** 2, axis=-1))
    is_city = r < 600.0
    # voxelize city points (floor-quantize after subtracting masked min, as in torch code)
    loc = c0 * resolution
    masked = jnp.where(is_city[:, None], loc, jnp.inf)
    bias = jnp.floor(jnp.min(masked, axis=0))
    locq = jnp.floor(loc - bias)
    lx = locq[:, 0].astype(jnp.int32)
    ly = locq[:, 1].astype(jnp.int32)
    lz = locq[:, 2].astype(jnp.int32)
    M = N  # voxel hash buckets
    vid = jnp.mod(lx * 73856093 + ly * 19349663 + lz * 83492791, M)
    seg = jnp.where(is_city, vid, M)  # sky points -> dummy bucket M
    # per-point features: RGB + broadcast noise
    im_ft = jnp.transpose(im[:, :, :3], (0, 1, 3, 4, 2)).reshape(N, 3)
    noise_ft = jnp.broadcast_to(noise, (N, noise.shape[1]))
    loc_ft = jnp.concatenate([im_ft, noise_ft], axis=1)
    # submanifold-conv proxy: pointwise MLP
    feat = jax.nn.relu(loc_ft @ W_sparse + b_sparse)
    # sparse U-Net proxy: residual voxel segment-mean (scatter-add + gather)
    sums = jax.ops.segment_sum(feat, seg, num_segments=M + 1)
    counts = jax.ops.segment_sum(jnp.ones((N,), jnp.float32), seg, num_segments=M + 1)
    pooled = sums / jnp.clip(counts, 1.0)[:, None]
    sparse_output = jax.nn.relu(feat + pooled[seg])
    # scatter: city points take sparse features, sky points take learned init_sky
    sparse_ft = jnp.where(is_city[:, None], sparse_output, init_sky[None, :])
    # RandLANet head proxy: per-point linear over [rgb, sparse_ft, coord, noise]
    pts = jnp.concatenate([im_ft, sparse_ft, c0, noise_ft], axis=1)
    out = pts @ W_out + b_out  # [N, d_out]
    return out

if __name__ == "__main__":
    import jax
    _d = setup_inputs()
    print(jax.jit(kernel)(*tuple(_d.values())))

</pallas_src>

<mosaic_0001>
#map = affine_map<(d0, d1) -> (0, 0)>
#map1 = affine_map<(d0, d1) -> (0)>
module attributes {stable_mosaic.version = 14 : i64} {
  func.func @_sc_body(%arg0: i32, %arg1: i32, %arg2: memref<264192x128xf32, #tpu.memory_space<hbm>>, %arg3: memref<262144xi32, #tpu.memory_space<hbm>>, %arg4: memref<264192x128xf32, #tpu.memory_space<hbm>>, %arg5: memref<262272x128xf32, #tpu.memory_space<hbm>>, %arg6: memref<2048xi32, #tpu.memory_space<vmem>>, %arg7: memref<20608xi32, #tpu.memory_space<vmem>>, %arg8: memref<2x128xi32, #tpu.memory_space<vmem>>, %arg9: memref<2x128xi32, #tpu.memory_space<vmem>>, %arg10: memref<128x128xf32, #tpu.memory_space<vmem>>, %arg11: memref<128x128xf32, #tpu.memory_space<vmem>>, %arg12: memref<20x128xf32, #tpu.memory_space<vmem>>, %arg13: memref<48xi32, #tpu.memory_space<vmem>>, %arg14: memref<48xi32, #tpu.memory_space<vmem>>, %arg15: memref<48xi32, #tpu.memory_space<vmem>>, %arg16: memref<8320x128xf32, #tpu.memory_space<vmem_shared>>, %arg17: memref<!tpu.dma_semaphore, #tpu.memory_space<semaphore_mem>>, %arg18: memref<!tpu.dma_semaphore, #tpu.memory_space<semaphore_mem>>, %arg19: memref<!tpu.dma_semaphore, #tpu.memory_space<semaphore_mem>>) attributes {dimension_semantics = [#tpu.dimension_semantics<core_parallel>, #tpu.dimension_semantics<subcore_parallel>], iteration_bounds = array<i64: 2, 16>, scalar_prefetch = 0 : i64, scratch_operands = 14 : i64, tpu.core_type = #tpu.core_type<sc_vector_subcore>, window_params = [{transform_indices = #map}, {transform_indices = #map1}, {transform_indices = #map}, {transform_indices = #map}]} {
    %mul3A = arith.constant 16384 : i32
    %mul3A_0 = arith.muli %arg1, %mul3A : i32
    %iota3A = tpu.iota {dimensions = array<i32: 0>} : vector<16xi32>
    %broadcast_in_dim3A = arith.constant 0.000000e+00 : f32
    %broadcast_in_dim3A_1 = vector.broadcast %broadcast_in_dim3A : f32 to vector<16xf32>
    %swap3A = arith.constant 0 : i32
    %swap3A_2 = arith.index_cast %swap3A : i32 to index
    %swap3A_3 = arith.constant 0 : index
    %swap3A_4 = tpu.vector_load %arg12[%swap3A_2, %swap3A_3] {strides = array<i32>} : memref<20x128xf32, #tpu.memory_space<vmem>>, vector<16xf32>,
    tpu.vector_store %arg12[%swap3A_2, %swap3A_3], %broadcast_in_dim3A_1 {strides = array<i32>} : memref<20x128xf32, #tpu.memory_space<vmem>>, vector<16xf32>,
    %broadcast_in_dim3A_5 = arith.constant 0.000000e+00 : f32
    %broadcast_in_dim3A_6 = vector.broadcast %broadcast_in_dim3A_5 : f32 to vector<16xf32>
    %swap3A_7 = arith.constant 0 : i32
    %swap3A_8 = arith.index_cast %swap3A_7 : i32 to index
    %swap3A_9 = arith.constant 16 : index
    %swap3A_10 = tpu.vector_load %arg12[%swap3A_8, %swap3A_9] {strides = array<i32>} : memref<20x128xf32, #tpu.memory_space<vmem>>, vector<16xf32>,
    tpu.vector_store %arg12[%swap3A_8, %swap3A_9], %broadcast_in_dim3A_6 {strides = array<i32>} : memref<20x128xf32, #tpu.memory_space<vmem>>, vector<16xf32>,
    %broadcast_in_dim3A_11 = arith.constant 0.000000e+00 : f32
    %broadcast_in_dim3A_12 = vector.broadcast %broadcast_in_dim3A_11 : f32 to vector<16xf32>
    %swap3A_13 = arith.constant 0 : i32
    %swap3A_14 = arith.index_cast %swap3A_13 : i32 to index
    %swap3A_15 = arith.constant 32 : index
    %swap3A_16 = tpu.vector_load %arg12[%swap3A_14, %swap3A_15] {strides = array<i32>} : memref<20x128xf32, #tpu.memory_space<vmem>>, vector<16xf32>,
    tpu.vector_store %arg12[%swap3A_14, %swap3A_15], %broadcast_in_dim3A_12 {strides = array<i32>} : memref<20x128xf32, #tpu.memory_space<vmem>>, vector<16xf32>,
    %broadcast_in_dim3A_17 = arith.constant 0.000000e+00 : f32
    %broadcast_in_dim3A_18 = vector.broadcast %broadcast_in_dim3A_17 : f32 to vector<16xf32>
    %swap3A_19 = arith.constant 0 : i32
    %swap3A_20 = arith.index_cast %swap3A_19 : i32 to index
    %swap3A_21 = arith.constant 48 : index
    %swap3A_22 = tpu.vector_load %arg12[%swap3A_20, %swap3A_21] {strides = array<i32>} : memref<20x128xf32, #tpu.memory_space<vmem>>, vector<16xf32>,
    tpu.vector_store %arg12[%swap3A_20, %swap3A_21], %broadcast_in_dim3A_18 {strides = array<i32>} : memref<20x128xf32, #tpu.memory_space<vmem>>, vector<16xf32>,
    %broadcast_in_dim3A_23 = arith.constant 0.000000e+00 : f32
    %broadcast_in_dim3A_24 = vector.broadcast %broadcast_in_dim3A_23 : f32 to vector<16xf32>
    %swap3A_25 = arith.constant 0 : i32
    %swap3A_26 = arith.index_cast %swap3A_25 : i32 to index
    %swap3A_27 = arith.constant 64 : index
    %swap3A_28 = tpu.vector_load %arg12[%swap3A_26, %swap3A_27] {strides = array<i32>} : memref<20x128xf32, #tpu.memory_space<vmem>>, vector<16xf32>,
    tpu.vector_store %arg12[%swap3A_26, %swap3A_27], %broadcast_in_dim3A_24 {strides = array<i32>} : memref<20x128xf32, #tpu.memory_space<vmem>>, vector<16xf32>,
    %broadcast_in_dim3A_29 = arith.constant 0.000000e+00 : f32
    %broadcast_in_dim3A_30 = vector.broadcast %broadcast_in_dim3A_29 : f32 to vector<16xf32>
    %swap3A_31 = arith.constant 0 : i32
    %swap3A_32 = arith.index_cast %swap3A_31 : i32 to index
    %swap3A_33 = arith.constant 80 : index
    %swap3A_34 = tpu.vector_load %arg12[%swap3A_32, %swap3A_33] {strides = array<i32>} : memref<20x128xf32, #tpu.memory_space<vmem>>, vector<16xf32>,
    tpu.vector_store %arg12[%swap3A_32, %swap3A_33], %broadcast_in_dim3A_30 {strides = array<i32>} : memref<20x128xf32, #tpu.memory_space<vmem>>, vector<16xf32>,
    %broadcast_in_dim3A_35 = arith.constant 0.000000e+00 : f32
    %broadcast_in_dim3A_36 = vector.broadcast %broadcast_in_dim3A_35 : f32 to vector<16xf32>
    %swap3A_37 = arith.constant 0 : i32
    %swap3A_38 = arith.index_cast %swap3A_37 : i32 to index
    %swap3A_39 = arith.constant 96 : index
    %swap3A_40 = tpu.vector_load %arg12[%swap3A_38, %swap3A_39] {strides = array<i32>} : memref<20x128xf32, #tpu.memory_space<vmem>>, vector<16xf32>,
    tpu.vector_store %arg12[%swap3A_38, %swap3A_39], %broadcast_in_dim3A_36 {strides = array<i32>} : memref<20x128xf32, #tpu.memory_space<vmem>>, vector<16xf32>,
    %broadcast_in_dim3A_41 = arith.constant 0.000000e+00 : f32
    %broadcast_in_dim3A_42 = vector.broadcast %broadcast_in_dim3A_41 : f32 to vector<16xf32>
    %swap3A_43 = arith.constant 0 : i32
    %swap3A_44 = arith.index_cast %swap3A_43 : i32 to index
    %swap3A_45 = arith.constant 112 : index
    %swap3A_46 = tpu.vector_load %arg12[%swap3A_44, %swap3A_45] {strides = array<i32>} : memref<20x128xf32, #tpu.memory_space<vmem>>, vector<16xf32>,
    tpu.vector_store %arg12[%swap3A_44, %swap3A_45], %broadcast_in_dim3A_42 {strides = array<i32>} : memref<20x128xf32, #tpu.memory_space<vmem>>, vector<16xf32>,
    %broadcast_in_dim3A_47 = arith.constant 0.000000e+00 : f32
    %broadcast_in_dim3A_48 = vector.broadcast %broadcast_in_dim3A_47 : f32 to vector<16xf32>
    %swap3A_49 = arith.constant 1 : i32
    %swap3A_50 = arith.index_cast %swap3A_49 : i32 to index
    %swap3A_51 = arith.constant 0 : index
    %swap3A_52 = tpu.vector_load %arg12[%swap3A_50, %swap3A_51] {strides = array<i32>} : memref<20x128xf32, #tpu.memory_space<vmem>>, vector<16xf32>,
    tpu.vector_store %arg12[%swap3A_50, %swap3A_51], %broadcast_in_dim3A_48 {strides = array<i32>} : memref<20x128xf32, #tpu.memory_space<vmem>>, vector<16xf32>,
    %broadcast_in_dim3A_53 = arith.constant 0.000000e+00 : f32
    %broadcast_in_dim3A_54 = vector.broadcast %broadcast_in_dim3A_53 : f32 to vector<16xf32>
    %swap3A_55 = arith.constant 1 : i32
    %swap3A_56 = arith.index_cast %swap3A_55 : i32 to index
    %swap3A_57 = arith.constant 16 : index
    %swap3A_58 = tpu.vector_load %arg12[%swap3A_56, %swap3A_57] {strides = array<i32>} : memref<20x128xf32, #tpu.memory_space<vmem>>, vector<16xf32>,
    tpu.vector_store %arg12[%swap3A_56, %swap3A_57], %broadcast_in_dim3A_54 {strides = array<i32>} : memref<20x128xf32, #tpu.memory_space<vmem>>, vector<16xf32>,
    %broadcast_in_dim3A_59 = arith.constant 0.000000e+00 : f32
    %broadcast_in_dim3A_60 = vector.broadcast %broadcast_in_dim3A_59 : f32 to vector<16xf32>
    %swap3A_61 = arith.constant 1 : i32
    %swap3A_62 = arith.index_cast %swap3A_61 : i32 to index
    %swap3A_63 = arith.constant 32 : index
    %swap3A_64 = tpu.vector_load %arg12[%swap3A_62, %swap3A_63] {strides = array<i32>} : memref<20x128xf32, #tpu.memory_space<vmem>>, vector<16xf32>,
    tpu.vector_store %arg12[%swap3A_62, %swap3A_63], %broadcast_in_dim3A_60 {strides = array<i32>} : memref<20x128xf32, #tpu.memory_space<vmem>>, vector<16xf32>,
    %broadcast_in_dim3A_65 = arith.constant 0.000000e+00 : f32
    %broadcast_in_dim3A_66 = vector.broadcast %broadcast_in_dim3A_65 : f32 to vector<16xf32>
    %swap3A_67 = arith.constant 1 : i32
    %swap3A_68 = arith.index_cast %swap3A_67 : i32 to index
    %swap3A_69 = arith.constant 48 : index
    %swap3A_70 = tpu.vector_load %arg12[%swap3A_68, %swap3A_69] {strides = array<i32>} : memref<20x128xf32, #tpu.memory_space<vmem>>, vector<16xf32>,
    tpu.vector_store %arg12[%swap3A_68, %swap3A_69], %broadcast_in_dim3A_66 {strides = array<i32>} : memref<20x128xf32, #tpu.memory_space<vmem>>, vector<16xf32>,
    %broadcast_in_dim3A_71 = arith.constant 0.000000e+00 : f32
    %broadcast_in_dim3A_72 = vector.broadcast %broadcast_in_dim3A_71 : f32 to vector<16xf32>
    %swap3A_73 = arith.constant 1 : i32
    %swap3A_74 = arith.index_cast %swap3A_73 : i32 to index
    %swap3A_75 = arith.constant 64 : index
    %swap3A_76 = tpu.vector_load %arg12[%swap3A_74, %swap3A_75] {strides = array<i32>} : memref<20x128xf32, #tpu.memory_space<vmem>>, vector<16xf32>,
    tpu.vector_store %arg12[%swap3A_74, %swap3A_75], %broadcast_in_dim3A_72 {strides = array<i32>} : memref<20x128xf32, #tpu.memory_space<vmem>>, vector<16xf32>,
    %broadcast_in_dim3A_77 = arith.constant 0.000000e+00 : f32
    %broadcast_in_dim3A_78 = vector.broadcast %broadcast_in_dim3A_77 : f32 to vector<16xf32>
    %swap3A_79 = arith.constant 1 : i32
    %swap3A_80 = arith.index_cast %swap3A_79 : i32 to index
    %swap3A_81 = arith.constant 80 : index
    %swap3A_82 = tpu.vector_load %arg12[%swap3A_80, %swap3A_81] {strides = array<i32>} : memref<20x128xf32, #tpu.memory_space<vmem>>, vector<16xf32>,
    tpu.vector_store %arg12[%swap3A_80, %swap3A_81], %broadcast_in_dim3A_78 {strides = array<i32>} : memref<20x128xf32, #tpu.memory_space<vmem>>, vector<16xf32>,
    %broadcast_in_dim3A_83 = arith.constant 0.000000e+00 : f32
    %broadcast_in_dim3A_84 = vector.broadcast %broadcast_in_dim3A_83 : f32 to vector<16xf32>
    %swap3A_85 = arith.constant 1 : i32
    %swap3A_86 = arith.index_cast %swap3A_85 : i32 to index
    %swap3A_87 = arith.constant 96 : index
    %swap3A_88 = tpu.vector_load %arg12[%swap3A_86, %swap3A_87] {strides = array<i32>} : memref<20x128xf32, #tpu.memory_space<vmem>>, vector<16xf32>,
    tpu.vector_store %arg12[%swap3A_86, %swap3A_87], %broadcast_in_dim3A_84 {strides = array<i32>} : memref<20x128xf32, #tpu.memory_space<vmem>>, vector<16xf32>,
    %broadcast_in_dim3A_89 = arith.constant 0.000000e+00 : f32
    %broadcast_in_dim3A_90 = vector.broadcast %broadcast_in_dim3A_89 : f32 to vector<16xf32>
    %swap3A_91 = arith.constant 1 : i32
    %swap3A_92 = arith.index_cast %swap3A_91 : i32 to index
    %swap3A_93 = arith.constant 112 : index
    %swap3A_94 = tpu.vector_load %arg12[%swap3A_92, %swap3A_93] {strides = array<i32>} : memref<20x128xf32, #tpu.memory_space<vmem>>, vector<16xf32>,
    tpu.vector_store %arg12[%swap3A_92, %swap3A_93], %broadcast_in_dim3A_90 {strides = array<i32>} : memref<20x128xf32, #tpu.memory_space<vmem>>, vector<16xf32>,
    %broadcast_in_dim3A_95 = arith.constant 0.000000e+00 : f32
    %broadcast_in_dim3A_96 = vector.broadcast %broadcast_in_dim3A_95 : f32 to vector<16xf32>
    %swap3A_97 = arith.constant 2 : i32
    %swap3A_98 = arith.index_cast %swap3A_97 : i32 to index
    %swap3A_99 = arith.constant 0 : index
    %swap3A_100 = tpu.vector_load %arg12[%swap3A_98, %swap3A_99] {strides = array<i32>} : memref<20x128xf32, #tpu.memory_space<vmem>>, vector<16xf32>,
    tpu.vector_store %arg12[%swap3A_98, %swap3A_99], %broadcast_in_dim3A_96 {strides = array<i32>} : memref<20x128xf32, #tpu.memory_space<vmem>>, vector<16xf32>,
    %broadcast_in_dim3A_101 = arith.constant 0.000000e+00 : f32
    %broadcast_in_dim3A_102 = vector.broadcast %broadcast_in_dim3A_101 : f32 to vector<16xf32>
    %swap3A_103 = arith.constant 2 : i32
    %swap3A_104 = arith.index_cast %swap3A_103 : i32 to index
    %swap3A_105 = arith.constant 16 : index
    %swap3A_106 = tpu.vector_load %arg12[%swap3A_104, %swap3A_105] {strides = array<i32>} : memref<20x128xf32, #tpu.memory_space<vmem>>, vector<16xf32>,
    tpu.vector_store %arg12[%swap3A_104, %swap3A_105], %broadcast_in_dim3A_102 {strides = array<i32>} : memref<20x128xf32, #tpu.memory_space<vmem>>, vector<16xf32>,
    %broadcast_in_dim3A_107 = arith.constant 0.000000e+00 : f32
    %broadcast_in_dim3A_108 = vector.broadcast %broadcast_in_dim3A_107 : f32 to vector<16xf32>
    %swap3A_109 = arith.constant 2 : i32
    %swap3A_110 = arith.index_cast %swap3A_109 : i32 to index
    %swap3A_111 = arith.constant 32 : index
    %swap3A_112 = tpu.vector_load %arg12[%swap3A_110, %swap3A_111] {strides = array<i32>} : memref<20x128xf32, #tpu.memory_space<vmem>>, vector<16xf32>,
    tpu.vector_store %arg12[%swap3A_110, %swap3A_111], %broadcast_in_dim3A_108 {strides = array<i32>} : memref<20x128xf32, #tpu.memory_space<vmem>>, vector<16xf32>,
    %broadcast_in_dim3A_113 = arith.constant 0.000000e+00 : f32
    %broadcast_in_dim3A_114 = vector.broadcast %broadcast_in_dim3A_113 : f32 to vector<16xf32>
    %swap3A_115 = arith.constant 2 : i32
    %swap3A_116 = arith.index_cast %swap3A_115 : i32 to index
    %swap3A_117 = arith.constant 48 : index
    %swap3A_118 = tpu.vector_load %arg12[%swap3A_116, %swap3A_117] {strides = array<i32>} : memref<20x128xf32, #tpu.memory_space<vmem>>, vector<16xf32>,
    tpu.vector_store %arg12[%swap3A_116, %swap3A_117], %broadcast_in_dim3A_114 {strides = array<i32>} : memref<20x128xf32, #tpu.memory_space<vmem>>, vector<16xf32>,
    %broadcast_in_dim3A_119 = arith.constant 0.000000e+00 : f32
    %broadcast_in_dim3A_120 = vector.broadcast %broadcast_in_dim3A_119 : f32 to vector<16xf32>
    %swap3A_121 = arith.constant 2 : i32
    %swap3A_122 = arith.index_cast %swap3A_121 : i32 to index
    %swap3A_123 = arith.constant 64 : index
    %swap3A_124 = tpu.vector_load %arg12[%swap3A_122, %swap3A_123] {strides = array<i32>} : memref<20x128xf32, #tpu.memory_space<vmem>>, vector<16xf32>,
    tpu.vector_store %arg12[%swap3A_122, %swap3A_123], %broadcast_in_dim3A_120 {strides = array<i32>} : memref<20x128xf32, #tpu.memory_space<vmem>>, vector<16xf32>,
    %broadcast_in_dim3A_125 = arith.constant 0.000000e+00 : f32
    %broadcast_in_dim3A_126 = vector.broadcast %broadcast_in_dim3A_125 : f32 to vector<16xf32>
    %swap3A_127 = arith.constant 2 : i32
    %swap3A_128 = arith.index_cast %swap3A_127 : i32 to index
    %swap3A_129 = arith.constant 80 : index
    %swap3A_130 = tpu.vector_load %arg12[%swap3A_128, %swap3A_129] {strides = array<i32>} : memref<20x128xf32, #tpu.memory_space<vmem>>, vector<16xf32>,
    tpu.vector_store %arg12[%swap3A_128, %swap3A_129], %broadcast_in_dim3A_126 {strides = array<i32>} : memref<20x128xf32, #tpu.memory_space<vmem>>, vector<16xf32>,
    %broadcast_in_dim3A_131 = arith.constant 0.000000e+00 : f32
    %broadcast_in_dim3A_132 = vector.broadcast %broadcast_in_dim3A_131 : f32 to vector<16xf32>
    %swap3A_133 = arith.constant 2 : i32
    %swap3A_134 = arith.index_cast %swap3A_133 : i32 to index
    %swap3A_135 = arith.constant 96 : index
    %swap3A_136 = tpu.vector_load %arg12[%swap3A_134, %swap3A_135] {strides = array<i32>} : memref<20x128xf32, #tpu.memory_space<vmem>>, vector<16xf32>,
    tpu.vector_store %arg12[%swap3A_134, %swap3A_135], %broadcast_in_dim3A_132 {strides = array<i32>} : memref<20x128xf32, #tpu.memory_space<vmem>>, vector<16xf32>,
    %broadcast_in_dim3A_137 = arith.constant 0.000000e+00 : f32
    %broadcast_in_dim3A_138 = vector.broadcast %broadcast_in_dim3A_137 : f32 to vector<16xf32>
    %swap3A_139 = arith.constant 2 : i32
    %swap3A_140 = arith.index_cast %swap3A_139 : i32 to index
    %swap3A_141 = arith.constant 112 : index
    %swap3A_142 = tpu.vector_load %arg12[%swap3A_140, %swap3A_141] {strides = array<i32>} : memref<20x128xf32, #tpu.memory_space<vmem>>, vector<16xf32>,
    tpu.vector_store %arg12[%swap3A_140, %swap3A_141], %broadcast_in_dim3A_138 {strides = array<i32>} : memref<20x128xf32, #tpu.memory_space<vmem>>, vector<16xf32>,
    %broadcast_in_dim3A_143 = arith.constant 0.000000e+00 : f32
    %broadcast_in_dim3A_144 = vector.broadcast %broadcast_in_dim3A_143 : f32 to vector<16xf32>
    %swap3A_145 = arith.constant 3 : i32
    %swap3A_146 = arith.index_cast %swap3A_145 : i32 to index
    %swap3A_147 = arith.constant 0 : index
    %swap3A_148 = tpu.vector_load %arg12[%swap3A_146, %swap3A_147] {strides = array<i32>} : memref<20x128xf32, #tpu.memory_space<vmem>>, vector<16xf32>,
    tpu.vector_store %arg12[%swap3A_146, %swap3A_147], %broadcast_in_dim3A_144 {strides = array<i32>} : memref<20x128xf32, #tpu.memory_space<vmem>>, vector<16xf32>,
    %broadcast_in_dim3A_149 = arith.constant 0.000000e+00 : f32
    %broadcast_in_dim3A_150 = vector.broadcast %broadcast_in_dim3A_149 : f32 to vector<16xf32>
    %swap3A_151 = arith.constant 3 : i32
    %swap3A_152 = arith.index_cast %swap3A_151 : i32 to index
    %swap3A_153 = arith.constant 16 : index
    %swap3A_154 = tpu.vector_load %arg12[%swap3A_152, %swap3A_153] {strides = array<i32>} : memref<20x128xf32, #tpu.memory_space<vmem>>, vector<16xf32>,
    tpu.vector_store %arg12[%swap3A_152, %swap3A_153], %broadcast_in_dim3A_150 {strides = array<i32>} : memref<20x128xf32, #tpu.memory_space<vmem>>, vector<16xf32>,
    %broadcast_in_dim3A_155 = arith.constant 0.000000e+00 : f32
    %broadcast_in_dim3A_156 = vector.broadcast %broadcast_in_dim3A_155 : f32 to vector<16xf32>
    %swap3A_157 = arith.constant 3 : i32
    %swap3A_158 = arith.index_cast %swap3A_157 : i32 to index
    %swap3A_159 = arith.constant 32 : index
    %swap3A_160 = tpu.vector_load %arg12[%swap3A_158, %swap3A_159] {strides = array<i32>} : memref<20x128xf32, #tpu.memory_space<vmem>>, vector<16xf32>,
    tpu.vector_store %arg12[%swap3A_158, %swap3A_159], %broadcast_in_dim3A_156 {strides = array<i32>} : memref<20x128xf32, #tpu.memory_space<vmem>>, vector<16xf32>,
    %broadcast_in_dim3A_161 = arith.constant 0.000000e+00 : f32
    %broadcast_in_dim3A_162 = vector.broadcast %broadcast_in_dim3A_161 : f32 to vector<16xf32>
    %swap3A_163 = arith.constant 3 : i32
    %swap3A_164 = arith.index_cast %swap3A_163 : i32 to index
    %swap3A_165 = arith.constant 48 : index
    %swap3A_166 = tpu.vector_load %arg12[%swap3A_164, %swap3A_165] {strides = array<i32>} : memref<20x128xf32, #tpu.memory_space<vmem>>, vector<16xf32>,
    tpu.vector_store %arg12[%swap3A_164, %swap3A_165], %broadcast_in_dim3A_162 {strides = array<i32>} : memref<20x128xf32, #tpu.memory_space<vmem>>, vector<16xf32>,
    %broadcast_in_dim3A_167 = arith.constant 0.000000e+00 : f32
    %broadcast_in_dim3A_168 = vector.broadcast %broadcast_in_dim3A_167 : f32 to vector<16xf32>
    %swap3A_169 = arith.constant 3 : i32
    %swap3A_170 = arith.index_cast %swap3A_169 : i32 to index
    %swap3A_171 = arith.constant 64 : index
    %swap3A_172 = tpu.vector_load %arg12[%swap3A_170, %swap3A_171] {strides = array<i32>} : memref<20x128xf32, #tpu.memory_space<vmem>>, vector<16xf32>,
    tpu.vector_store %arg12[%swap3A_170, %swap3A_171], %broadcast_in_dim3A_168 {strides = array<i32>} : memref<20x128xf32, #tpu.memory_space<vmem>>, vector<16xf32>,
    %broadcast_in_dim3A_173 = arith.constant 0.000000e+00 : f32
    %broadcast_in_dim3A_174 = vector.broadcast %broadcast_in_dim3A_173 : f32 to vector<16xf32>
    %swap3A_175 = arith.constant 3 : i32
    %swap3A_176 = arith.index_cast %swap3A_175 : i32 to index
    %swap3A_177 = arith.constant 80 : index
    %swap3A_178 = tpu.vector_load %arg12[%swap3A_176, %swap3A_177] {strides = array<i32>} : memref<20x128xf32, #tpu.memory_space<vmem>>, vector<16xf32>,
    tpu.vector_store %arg12[%swap3A_176, %swap3A_177], %broadcast_in_dim3A_174 {strides = array<i32>} : memref<20x128xf32, #tpu.memory_space<vmem>>, vector<16xf32>,
    %broadcast_in_dim3A_179 = arith.constant 0.000000e+00 : f32
    %broadcast_in_dim3A_180 = vector.broadcast %broadcast_in_dim3A_179 : f32 to vector<16xf32>
    %swap3A_181 = arith.constant 3 : i32
    %swap3A_182 = arith.index_cast %swap3A_181 : i32 to index
    %swap3A_183 = arith.constant 96 : index
    %swap3A_184 = tpu.vector_load %arg12[%swap3A_182, %swap3A_183] {strides = array<i32>} : memref<20x128xf32, #tpu.memory_space<vmem>>, vector<16xf32>,
    tpu.vector_store %arg12[%swap3A_182, %swap3A_183], %broadcast_in_dim3A_180 {strides = array<i32>} : memref<20x128xf32, #tpu.memory_space<vmem>>, vector<16xf32>,
    %broadcast_in_dim3A_185 = arith.constant 0.000000e+00 : f32
    %broadcast_in_dim3A_186 = vector.broadcast %broadcast_in_dim3A_185 : f32 to vector<16xf32>
    %swap3A_187 = arith.constant 3 : i32
    %swap3A_188 = arith.index_cast %swap3A_187 : i32 to index
    %swap3A_189 = arith.constant 112 : index
    %swap3A_190 = tpu.vector_load %arg12[%swap3A_188, %swap3A_189] {strides = array<i32>} : memref<20x128xf32, #tpu.memory_space<vmem>>, vector<16xf32>,
    tpu.vector_store %arg12[%swap3A_188, %swap3A_189], %broadcast_in_dim3A_186 {strides = array<i32>} : memref<20x128xf32, #tpu.memory_space<vmem>>, vector<16xf32>,
    %broadcast_in_dim3A_191 = arith.constant 0.000000e+00 : f32
    %broadcast_in_dim3A_192 = vector.broadcast %broadcast_in_dim3A_191 : f32 to vector<16xf32>
    %swap3A_193 = arith.constant 4 : i32
    %swap3A_194 = arith.index_cast %swap3A_193 : i32 to index
    %swap3A_195 = arith.constant 0 : index
    %swap3A_196 = tpu.vector_load %arg12[%swap3A_194, %swap3A_195] {strides = array<i32>} : memref<20x128xf32, #tpu.memory_space<vmem>>, vector<16xf32>,
    tpu.vector_store %arg12[%swap3A_194, %swap3A_195], %broadcast_in_dim3A_192 {strides = array<i32>} : memref<20x128xf32, #tpu.memory_space<vmem>>, vector<16xf32>,
    %broadcast_in_dim3A_197 = arith.constant 0.000000e+00 : f32
    %broadcast_in_dim3A_198 = vector.broadcast %broadcast_in_dim3A_197 : f32 to vector<16xf32>
    %swap3A_199 = arith.constant 4 : i32
    %swap3A_200 = arith.index_cast %swap3A_199 : i32 to index
    %swap3A_201 = arith.constant 16 : index
    %swap3A_202 = tpu.vector_load %arg12[%swap3A_200, %swap3A_201] {strides = array<i32>} : memref<20x128xf32, #tpu.memory_space<vmem>>, vector<16xf32>,
    tpu.vector_store %arg12[%swap3A_200, %swap3A_201], %broadcast_in_dim3A_198 {strides = array<i32>} : memref<20x128xf32, #tpu.memory_space<vmem>>, vector<16xf32>,
    %broadcast_in_dim3A_203 = arith.constant 0.000000e+00 : f32
    %broadcast_in_dim3A_204 = vector.broadcast %broadcast_in_dim3A_203 : f32 to vector<16xf32>
    %swap3A_205 = arith.constant 4 : i32
    %swap3A_206 = arith.index_cast %swap3A_205 : i32 to index
    %swap3A_207 = arith.constant 32 : index
    %swap3A_208 = tpu.vector_load %arg12[%swap3A_206, %swap3A_207] {strides = array<i32>} : memref<20x128xf32, #tpu.memory_space<vmem>>, vector<16xf32>,
    tpu.vector_store %arg12[%swap3A_206, %swap3A_207], %broadcast_in_dim3A_204 {strides = array<i32>} : memref<20x128xf32, #tpu.memory_space<vmem>>, vector<16xf32>,
    %broadcast_in_dim3A_209 = arith.constant 0.000000e+00 : f32
    %broadcast_in_dim3A_210 = vector.broadcast %broadcast_in_dim3A_209 : f32 to vector<16xf32>
    %swap3A_211 = arith.constant 4 : i32
    %swap3A_212 = arith.index_cast %swap3A_211 : i32 to index
    %swap3A_213 = arith.constant 48 : index
    %swap3A_214 = tpu.vector_load %arg12[%swap3A_212, %swap3A_213] {strides = array<i32>} : memref<20x128xf32, #tpu.memory_space<vmem>>, vector<16xf32>,
    tpu.vector_store %arg12[%swap3A_212, %swap3A_213], %broadcast_in_dim3A_210 {strides = array<i32>} : memref<20x128xf32, #tpu.memory_space<vmem>>, vector<16xf32>,
    %broadcast_in_dim3A_215 = arith.constant 0.000000e+00 : f32
    %broadcast_in_dim3A_216 = vector.broadcast %broadcast_in_dim3A_215 : f32 to vector<16xf32>
    %swap3A_217 = arith.constant 4 : i32
    %swap3A_218 = arith.index_cast %swap3A_217 : i32 to index
    %swap3A_219 = arith.constant 64 : index
    %swap3A_220 = tpu.vector_load %arg12[%swap3A_218, %swap3A_219] {strides = array<i32>} : memref<20x128xf32, #tpu.memory_space<vmem>>, vector<16xf32>,
    tpu.vector_store %arg12[%swap3A_218, %swap3A_219], %broadcast_in_dim3A_216 {strides = array<i32>} : memref<20x128xf32, #tpu.memory_space<vmem>>, vector<16xf32>,
    %broadcast_in_dim3A_221 = arith.constant 0.000000e+00 : f32
    %broadcast_in_dim3A_222 = vector.broadcast %broadcast_in_dim3A_221 : f32 to vector<16xf32>
    %swap3A_223 = arith.constant 4 : i32
    %swap3A_224 = arith.index_cast %swap3A_223 : i32 to index
    %swap3A_225 = arith.constant 80 : index
    %swap3A_226 = tpu.vector_load %arg12[%swap3A_224, %swap3A_225] {strides = array<i32>} : memref<20x128xf32, #tpu.memory_space<vmem>>, vector<16xf32>,
    tpu.vector_store %arg12[%swap3A_224, %swap3A_225], %broadcast_in_dim3A_222 {strides = array<i32>} : memref<20x128xf32, #tpu.memory_space<vmem>>, vector<16xf32>,
    %broadcast_in_dim3A_227 = arith.constant 0.000000e+00 : f32
    %broadcast_in_dim3A_228 = vector.broadcast %broadcast_in_dim3A_227 : f32 to vector<16xf32>
    %swap3A_229 = arith.constant 4 : i32
    %swap3A_230 = arith.index_cast %swap3A_229 : i32 to index
    %swap3A_231 = arith.constant 96 : index
    %swap3A_232 = tpu.vector_load %arg12[%swap3A_230, %swap3A_231] {strides = array<i32>} : memref<20x128xf32, #tpu.memory_space<vmem>>, vector<16xf32>,
    tpu.vector_store %arg12[%swap3A_230, %swap3A_231], %broadcast_in_dim3A_228 {strides = array<i32>} : memref<20x128xf32, #tpu.memory_space<vmem>>, vector<16xf32>,
    %broadcast_in_dim3A_233 = arith.constant 0.000000e+00 : f32
    %broadcast_in_dim3A_234 = vector.broadcast %broadcast_in_dim3A_233 : f32 to vector<16xf32>
    %swap3A_235 = arith.constant 4 : i32
    %swap3A_236 = arith.index_cast %swap3A_235 : i32 to index
    %swap3A_237 = arith.constant 112 : index
    %swap3A_238 = tpu.vector_load %arg12[%swap3A_236, %swap3A_237] {strides = array<i32>} : memref<20x128xf32, #tpu.memory_space<vmem>>, vector<16xf32>,
    tpu.vector_store %arg12[%swap3A_236, %swap3A_237], %broadcast_in_dim3A_234 {strides = array<i32>} : memref<20x128xf32, #tpu.memory_space<vmem>>, vector<16xf32>,
    %broadcast_in_dim3A_239 = arith.constant 0.000000e+00 : f32
    %broadcast_in_dim3A_240 = vector.broadcast %broadcast_in_dim3A_239 : f32 to vector<16xf32>
    %swap3A_241 = arith.constant 5 : i32
    %swap3A_242 = arith.index_cast %swap3A_241 : i32 to index
    %swap3A_243 = arith.constant 0 : index
    %swap3A_244 = tpu.vector_load %arg12[%swap3A_242, %swap3A_243] {strides = array<i32>} : memref<20x128xf32, #tpu.memory_space<vmem>>, vector<16xf32>,
    tpu.vector_store %arg12[%swap3A_242, %swap3A_243], %broadcast_in_dim3A_240 {strides = array<i32>} : memref<20x128xf32, #tpu.memory_space<vmem>>, vector<16xf32>,
    %broadcast_in_dim3A_245 = arith.constant 0.000000e+00 : f32
    %broadcast_in_dim3A_246 = vector.broadcast %broadcast_in_dim3A_245 : f32 to vector<16xf32>
    %swap3A_247 = arith.constant 5 : i32
    %swap3A_248 = arith.index_cast %swap3A_247 : i32 to index
    %swap3A_249 = arith.constant 16 : index
    %swap3A_250 = tpu.vector_load %arg12[%swap3A_248, %swap3A_249] {strides = array<i32>} : memref<20x128xf32, #tpu.memory_space<vmem>>, vector<16xf32>,
    tpu.vector_store %arg12[%swap3A_248, %swap3A_249], %broadcast_in_dim3A_246 {strides = array<i32>} : memref<20x128xf32, #tpu.memory_space<vmem>>, vector<16xf32>,
    %broadcast_in_dim3A_251 = arith.constant 0.000000e+00 : f32
    %broadcast_in_dim3A_252 = vector.broadcast %broadcast_in_dim3A_251 : f32 to vector<16xf32>
    %swap3A_253 = arith.constant 5 : i32
    %swap3A_254 = arith.index_cast %swap3A_253 : i32 to index
    %swap3A_255 = arith.constant 32 : index
    %swap3A_256 = tpu.vector_load %arg12[%swap3A_254, %swap3A_255] {strides = array<i32>} : memref<20x128xf32, #tpu.memory_space<vmem>>, vector<16xf32>,
    tpu.vector_store %arg12[%swap3A_254, %swap3A_255], %broadcast_in_dim3A_252 {strides = array<i32>} : memref<20x128xf32, #tpu.memory_space<vmem>>, vector<16xf32>,
    %broadcast_in_dim3A_257 = arith.constant 0.000000e+00 : f32
    %broadcast_in_dim3A_258 = vector.broadcast %broadcast_in_dim3A_257 : f32 to vector<16xf32>
    %swap3A_259 = arith.constant 5 : i32
    %swap3A_260 = arith.index_cast %swap3A_259 : i32 to index
    %swap3A_261 = arith.constant 48 : index
    %swap3A_262 = tpu.vector_load %arg12[%swap3A_260, %swap3A_261] {strides = array<i32>} : memref<20x128xf32, #tpu.memory_space<vmem>>, vector<16xf32>,
    tpu.vector_store %arg12[%swap3A_260, %swap3A_261], %broadcast_in_dim3A_258 {strides = array<i32>} : memref<20x128xf32, #tpu.memory_space<vmem>>, vector<16xf32>,
    %broadcast_in_dim3A_263 = arith.constant 0.000000e+00 : f32
    %broadcast_in_dim3A_264 = vector.broadcast %broadcast_in_dim3A_263 : f32 to vector<16xf32>
    %swap3A_265 = arith.constant 5 : i32
    %swap3A_266 = arith.index_cast %swap3A_265 : i32 to index
    %swap3A_267 = arith.constant 64 : index
    %swap3A_268 = tpu.vector_load %arg12[%swap3A_266, %swap3A_267] {strides = array<i32>} : memref<20x128xf32, #tpu.memory_space<vmem>>, vector<16xf32>,
    tpu.vector_store %arg12[%swap3A_266, %swap3A_267], %broadcast_in_dim3A_264 {strides = array<i32>} : memref<20x128xf32, #tpu.memory_space<vmem>>, vector<16xf32>,
    %broadcast_in_dim3A_269 = arith.constant 0.000000e+00 : f32
    %broadcast_in_dim3A_270 = vector.broadcast %broadcast_in_dim3A_269 : f32 to vector<16xf32>
    %swap3A_271 = arith.constant 5 : i32
    %swap3A_272 = arith.index_cast %swap3A_271 : i32 to index
    %swap3A_273 = arith.constant 80 : index
    %swap3A_274 = tpu.vector_load %arg12[%swap3A_272, %swap3A_273] {strides = array<i32>} : memref<20x128xf32, #tpu.memory_space<vmem>>, vector<16xf32>,
    tpu.vector_store %arg12[%swap3A_272, %swap3A_273], %broadcast_in_dim3A_270 {strides = array<i32>} : memref<20x128xf32, #tpu.memory_space<vmem>>, vector<16xf32>,
    %broadcast_in_dim3A_275 = arith.constant 0.000000e+00 : f32
    %broadcast_in_dim3A_276 = vector.broadcast %broadcast_in_dim3A_275 : f32 to vector<16xf32>
    %swap3A_277 = arith.constant 5 : i32
    %swap3A_278 = arith.index_cast %swap3A_277 : i32 to index
    %swap3A_279 = arith.constant 96 : index
    %swap3A_280 = tpu.vector_load %arg12[%swap3A_278, %swap3A_279] {strides = array<i32>} : memref<20x128xf32, #tpu.memory_space<vmem>>, vector<16xf32>,
    tpu.vector_store %arg12[%swap3A_278, %swap3A_279], %broadcast_in_dim3A_276 {strides = array<i32>} : memref<20x128xf32, #tpu.memory_space<vmem>>, vector<16xf32>,
    %broadcast_in_dim3A_281 = arith.constant 0.000000e+00 : f32
    %broadcast_in_dim3A_282 = vector.broadcast %broadcast_in_dim3A_281 : f32 to vector<16xf32>
    %swap3A_283 = arith.constant 5 : i32
    %swap3A_284 = arith.index_cast %swap3A_283 : i32 to index
    %swap3A_285 = arith.constant 112 : index
    %swap3A_286 = tpu.vector_load %arg12[%swap3A_284, %swap3A_285] {strides = array<i32>} : memref<20x128xf32, #tpu.memory_space<vmem>>, vector<16xf32>,
    tpu.vector_store %arg12[%swap3A_284, %swap3A_285], %broadcast_in_dim3A_282 {strides = array<i32>} : memref<20x128xf32, #tpu.memory_space<vmem>>, vector<16xf32>,
    %broadcast_in_dim3A_287 = arith.constant 0.000000e+00 : f32
    %broadcast_in_dim3A_288 = vector.broadcast %broadcast_in_dim3A_287 : f32 to vector<16xf32>
    %swap3A_289 = arith.constant 6 : i32
    %swap3A_290 = arith.index_cast %swap3A_289 : i32 to index
    %swap3A_291 = arith.constant 0 : index
    %swap3A_292 = tpu.vector_load %arg12[%swap3A_290, %swap3A_291] {strides = array<i32>} : memref<20x128xf32, #tpu.memory_space<vmem>>, vector<16xf32>,
    tpu.vector_store %arg12[%swap3A_290, %swap3A_291], %broadcast_in_dim3A_288 {strides = array<i32>} : memref<20x128xf32, #tpu.memory_space<vmem>>, vector<16xf32>,
    %broadcast_in_dim3A_293 = arith.constant 0.000000e+00 : f32
    %broadcast_in_dim3A_294 = vector.broadcast %broadcast_in_dim3A_293 : f32 to vector<16xf32>
    %swap3A_295 = arith.constant 6 : i32
    %swap3A_296 = arith.index_cast %swap3A_295 : i32 to index
    %swap3A_297 = arith.constant 16 : index
    %swap3A_298 = tpu.vector_load %arg12[%swap3A_296, %swap3A_297] {strides = array<i32>} : memref<20x128xf32, #tpu.memory_space<vmem>>, vector<16xf32>,
    tpu.vector_store %arg12[%swap3A_296, %swap3A_297], %broadcast_in_dim3A_294 {strides = array<i32>} : memref<20x128xf32, #tpu.memory_space<vmem>>, vector<16xf32>,
    %broadcast_in_dim3A_299 = arith.constant 0.000000e+00 : f32
    %broadcast_in_dim3A_300 = vector.broadcast %broadcast_in_dim3A_299 : f32 to vector<16xf32>
    %swap3A_301 = arith.constant 6 : i32
    %swap3A_302 = arith.index_cast %swap3A_301 : i32 to index
    %swap3A_303 = arith.constant 32 : index
    %swap3A_304 = tpu.vector_load %arg12[%swap3A_302, %swap3A_303] {strides = array<i32>} : memref<20x128xf32, #tpu.memory_space<vmem>>, vector<16xf32>,
    tpu.vector_store %arg12[%swap3A_302, %swap3A_303], %broadcast_in_dim3A_300 {strides = array<i32>} : memref<20x128xf32, #tpu.memory_space<vmem>>, vector<16xf32>,
    %broadcast_in_dim3A_305 = arith.constant 0.000000e+00 : f32
    %broadcast_in_dim3A_306 = vector.broadcast %broadcast_in_dim3A_305 : f32 to vector<16xf32>
    %swap3A_307 = arith.constant 6 : i32
    %swap3A_308 = arith.index_cast %swap3A_307 : i32 to index
    %swap3A_309 = arith.constant 48 : index
    %swap3A_310 = tpu.vector_load %arg12[%swap3A_308, %swap3A_309] {strides = array<i32>} : memref<20x128xf32, #tpu.memory_space<vmem>>, vector<16xf32>,
    tpu.vector_store %arg12[%swap3A_308, %swap3A_309], %broadcast_in_dim3A_306 {strides = array<i32>} : memref<20x128xf32, #tpu.memory_space<vmem>>, vector<16xf32>,
    %broadcast_in_dim3A_311 = arith.constant 0.000000e+00 : f32
    %broadcast_in_dim3A_312 = vector.broadcast %broadcast_in_dim3A_311 : f32 to vector<16xf32>
    %swap3A_313 = arith.constant 6 : i32
    %swap3A_314 = arith.index_cast %swap3A_313 : i32 to index
    %swap3A_315 = arith.constant 64 : index
    %swap3A_316 = tpu.vector_load %arg12[%swap3A_314, %swap3A_315] {strides = array<i32>} : memref<20x128xf32, #tpu.memory_space<vmem>>, vector<16xf32>,
    tpu.vector_store %arg12[%swap3A_314, %swap3A_315], %broadcast_in_dim3A_312 {strides = array<i32>} : memref<20x128xf32, #tpu.memory_space<vmem>>, vector<16xf32>,
    %broadcast_in_dim3A_317 = arith.constant 0.000000e+00 : f32
    %broadcast_in_dim3A_318 = vector.broadcast %broadcast_in_dim3A_317 : f32 to vector<16xf32>
    %swap3A_319 = arith.constant 6 : i32
    %swap3A_320 = arith.index_cast %swap3A_319 : i32 to index
    %swap3A_321 = arith.constant 80 : index
    %swap3A_322 = tpu.vector_load %arg12[%swap3A_320, %swap3A_321] {strides = array<i32>} : memref<20x128xf32, #tpu.memory_space<vmem>>, vector<16xf32>,
    tpu.vector_store %arg12[%swap3A_320, %swap3A_321], %broadcast_in_dim3A_318 {strides = array<i32>} : memref<20x128xf32, #tpu.memory_space<vmem>>, vector<16xf32>,
    %broadcast_in_dim3A_323 = arith.constant 0.000000e+00 : f32
    %broadcast_in_dim3A_324 = vector.broadcast %broadcast_in_dim3A_323 : f32 to vector<16xf32>
    %swap3A_325 = arith.constant 6 : i32
    %swap3A_326 = arith.index_cast %swap3A_325 : i32 to index
    %swap3A_327 = arith.constant 96 : index
    %swap3A_328 = tpu.vector_load %arg12[%swap3A_326, %swap3A_327] {strides = array<i32>} : memref<20x128xf32, #tpu.memory_space<vmem>>, vector<16xf32>,
    tpu.vector_store %arg12[%swap3A_326, %swap3A_327], %broadcast_in_dim3A_324 {strides = array<i32>} : memref<20x128xf32, #tpu.memory_space<vmem>>, vector<16xf32>,
    %broadcast_in_dim3A_329 = arith.constant 0.000000e+00 : f32
    %broadcast_in_dim3A_330 = vector.broadcast %broadcast_in_dim3A_329 : f32 to vector<16xf32>
    %swap3A_331 = arith.constant 6 : i32
    %swap3A_332 = arith.index_cast %swap3A_331 : i32 to index
    %swap3A_333 = arith.constant 112 : index
    %swap3A_334 = tpu.vector_load %arg12[%swap3A_332, %swap3A_333] {strides = array<i32>} : memref<20x128xf32, #tpu.memory_space<vmem>>, vector<16xf32>,
    tpu.vector_store %arg12[%swap3A_332, %swap3A_333], %broadcast_in_dim3A_330 {strides = array<i32>} : memref<20x128xf32, #tpu.memory_space<vmem>>, vector<16xf32>,
    %broadcast_in_dim3A_335 = arith.constant 0.000000e+00 : f32
    %broadcast_in_dim3A_336 = vector.broadcast %broadcast_in_dim3A_335 : f32 to vector<16xf32>
    %swap3A_337 = arith.constant 7 : i32
    %swap3A_338 = arith.index_cast %swap3A_337 : i32 to index
    %swap3A_339 = arith.constant 0 : index
    %swap3A_340 = tpu.vector_load %arg12[%swap3A_338, %swap3A_339] {strides = array<i32>} : memref<20x128xf32, #tpu.memory_space<vmem>>, vector<16xf32>,
    tpu.vector_store %arg12[%swap3A_338, %swap3A_339], %broadcast_in_dim3A_336 {strides = array<i32>} : memref<20x128xf32, #tpu.memory_space<vmem>>, vector<16xf32>,
    %broadcast_in_dim3A_341 = arith.constant 0.000000e+00 : f32
    %broadcast_in_dim3A_342 = vector.broadcast %broadcast_in_dim3A_341 : f32 to vector<16xf32>
    %swap3A_343 = arith.constant 7 : i32
    %swap3A_344 = arith.index_cast %swap3A_343 : i32 to index
    %swap3A_345 = arith.constant 16 : index
    %swap3A_346 = tpu.vector_load %arg12[%swap3A_344, %swap3A_345] {strides = array<i32>} : memref<20x128xf32, #tpu.memory_space<vmem>>, vector<16xf32>,
    tpu.vector_store %arg12[%swap3A_344, %swap3A_345], %broadcast_in_dim3A_342 {strides = array<i32>} : memref<20x128xf32, #tpu.memory_space<vmem>>, vector<16xf32>,
    %broadcast_in_dim3A_347 = arith.constant 0.000000e+00 : f32
    %broadcast_in_dim3A_348 = vector.broadcast %broadcast_in_dim3A_347 : f32 to vector<16xf32>
    %swap3A_349 = arith.constant 7 : i32
    %swap3A_350 = arith.index_cast %swap3A_349 : i32 to index
    %swap3A_351 = arith.constant 32 : index
    %swap3A_352 = tpu.vector_load %arg12[%swap3A_350, %swap3A_351] {strides = array<i32>} : memref<20x128xf32, #tpu.memory_space<vmem>>, vector<16xf32>,
    tpu.vector_store %arg12[%swap3A_350, %swap3A_351], %broadcast_in_dim3A_348 {strides = array<i32>} : memref<20x128xf32, #tpu.memory_space<vmem>>, vector<16xf32>,
    %broadcast_in_dim3A_353 = arith.constant 0.000000e+00 : f32
    %broadcast_in_dim3A_354 = vector.broadcast %broadcast_in_dim3A_353 : f32 to vector<16xf32>
    %swap3A_355 = arith.constant 7 : i32
    %swap3A_356 = arith.index_cast %swap3A_355 : i32 to index
    %swap3A_357 = arith.constant 48 : index
    %swap3A_358 = tpu.vector_load %arg12[%swap3A_356, %swap3A_357] {strides = array<i32>} : memref<20x128xf32, #tpu.memory_space<vmem>>, vector<16xf32>,
    tpu.vector_store %arg12[%swap3A_356, %swap3A_357], %broadcast_in_dim3A_354 {strides = array<i32>} : memref<20x128xf32, #tpu.memory_space<vmem>>, vector<16xf32>,
    %broadcast_in_dim3A_359 = arith.constant 0.000000e+00 : f32
    %broadcast_in_dim3A_360 = vector.broadcast %broadcast_in_dim3A_359 : f32 to vector<16xf32>
    %swap3A_361 = arith.constant 7 : i32
    %swap3A_362 = arith.index_cast %swap3A_361 : i32 to index
    %swap3A_363 = arith.constant 64 : index
    %swap3A_364 = tpu.vector_load %arg12[%swap3A_362, %swap3A_363] {strides = array<i32>} : memref<20x128xf32, #tpu.memory_space<vmem>>, vector<16xf32>,
    tpu.vector_store %arg12[%swap3A_362, %swap3A_363], %broadcast_in_dim3A_360 {strides = array<i32>} : memref<20x128xf32, #tpu.memory_space<vmem>>, vector<16xf32>,
    %broadcast_in_dim3A_365 = arith.constant 0.000000e+00 : f32
    %broadcast_in_dim3A_366 = vector.broadcast %broadcast_in_dim3A_365 : f32 to vector<16xf32>
    %swap3A_367 = arith.constant 7 : i32
    %swap3A_368 = arith.index_cast %swap3A_367 : i32 to index
    %swap3A_369 = arith.constant 80 : index
    %swap3A_370 = tpu.vector_load %arg12[%swap3A_368, %swap3A_369] {strides = array<i32>} : memref<20x128xf32, #tpu.memory_space<vmem>>, vector<16xf32>,
    tpu.vector_store %arg12[%swap3A_368, %swap3A_369], %broadcast_in_dim3A_366 {strides = array<i32>} : memref<20x128xf32, #tpu.memory_space<vmem>>, vector<16xf32>,
    %broadcast_in_dim3A_371 = arith.constant 0.000000e+00 : f32
    %broadcast_in_dim3A_372 = vector.broadcast %broadcast_in_dim3A_371 : f32 to vector<16xf32>
    %swap3A_373 = arith.constant 7 : i32
    %swap3A_374 = arith.index_cast %swap3A_373 : i32 to index
    %swap3A_375 = arith.constant 96 : index
    %swap3A_376 = tpu.vector_load %arg12[%swap3A_374, %swap3A_375] {strides = array<i32>} : memref<20x128xf32, #tpu.memory_space<vmem>>, vector<16xf32>,
    tpu.vector_store %arg12[%swap3A_374, %swap3A_375], %broadcast_in_dim3A_372 {strides = array<i32>} : memref<20x128xf32, #tpu.memory_space<vmem>>, vector<16xf32>,
    %broadcast_in_dim3A_377 = arith.constant 0.000000e+00 : f32
    %broadcast_in_dim3A_378 = vector.broadcast %broadcast_in_dim3A_377 : f32 to vector<16xf32>
    %swap3A_379 = arith.constant 7 : i32
    %swap3A_380 = arith.index_cast %swap3A_379 : i32 to index
    %swap3A_381 = arith.constant 112 : index
    %swap3A_382 = tpu.vector_load %arg12[%swap3A_380, %swap3A_381] {strides = array<i32>} : memref<20x128xf32, #tpu.memory_space<vmem>>, vector<16xf32>,
    tpu.vector_store %arg12[%swap3A_380, %swap3A_381], %broadcast_in_dim3A_378 {strides = array<i32>} : memref<20x128xf32, #tpu.memory_space<vmem>>, vector<16xf32>,
    %broadcast_in_dim3A_383 = arith.constant 0.000000e+00 : f32
    %broadcast_in_dim3A_384 = vector.broadcast %broadcast_in_dim3A_383 : f32 to vector<16xf32>
    %swap3A_385 = arith.constant 8 : i32
    %swap3A_386 = arith.index_cast %swap3A_385 : i32 to index
    %swap3A_387 = arith.constant 0 : index
    %swap3A_388 = tpu.vector_load %arg12[%swap3A_386, %swap3A_387] {strides = array<i32>} : memref<20x128xf32, #tpu.memory_space<vmem>>, vector<16xf32>,
    tpu.vector_store %arg12[%swap3A_386, %swap3A_387], %broadcast_in_dim3A_384 {strides = array<i32>} : memref<20x128xf32, #tpu.memory_space<vmem>>, vector<16xf32>,
    %broadcast_in_dim3A_389 = arith.constant 0.000000e+00 : f32
    %broadcast_in_dim3A_390 = vector.broadcast %broadcast_in_dim3A_389 : f32 to vector<16xf32>
    %swap3A_391 = arith.constant 8 : i32
    %swap3A_392 = arith.index_cast %swap3A_391 : i32 to index
    %swap3A_393 = arith.constant 16 : index
    %swap3A_394 = tpu.vector_load %arg12[%swap3A_392, %swap3A_393] {strides = array<i32>} : memref<20x128xf32, #tpu.memory_space<vmem>>, vector<16xf32>,
    tpu.vector_store %arg12[%swap3A_392, %swap3A_393], %broadcast_in_dim3A_390 {strides = array<i32>} : memref<20x128xf32, #tpu.memory_space<vmem>>, vector<16xf32>,
    %broadcast_in_dim3A_395 = arith.constant 0.000000e+00 : f32
    %broadcast_in_dim3A_396 = vector.broadcast %broadcast_in_dim3A_395 : f32 to vector<16xf32>
    %swap3A_397 = arith.constant 8 : i32
    %swap3A_398 = arith.index_cast %swap3A_397 : i32 to index
    %swap3A_399 = arith.constant 32 : index
    %swap3A_400 = tpu.vector_load %arg12[%swap3A_398, %swap3A_399] {strides = array<i32>} : memref<20x128xf32, #tpu.memory_space<vmem>>, vector<16xf32>,
    tpu.vector_store %arg12[%swap3A_398, %swap3A_399], %broadcast_in_dim3A_396 {strides = array<i32>} : memref<20x128xf32, #tpu.memory_space<vmem>>, vector<16xf32>,
    %broadcast_in_dim3A_401 = arith.constant 0.000000e+00 : f32
    %broadcast_in_dim3A_402 = vector.broadcast %broadcast_in_dim3A_401 : f32 to vector<16xf32>
    %swap3A_403 = arith.constant 8 : i32
    %swap3A_404 = arith.index_cast %swap3A_403 : i32 to index
    %swap3A_405 = arith.constant 48 : index
    %swap3A_406 = tpu.vector_load %arg12[%swap3A_404, %swap3A_405] {strides = array<i32>} : memref<20x128xf32, #tpu.memory_space<vmem>>, vector<16xf32>,
    tpu.vector_store %arg12[%swap3A_404, %swap3A_405], %broadcast_in_dim3A_402 {strides = array<i32>} : memref<20x128xf32, #tpu.memory_space<vmem>>, vector<16xf32>,
    %broadcast_in_dim3A_407 = arith.constant 0.000000e+00 : f32
    %broadcast_in_dim3A_408 = vector.broadcast %broadcast_in_dim3A_407 : f32 to vector<16xf32>
    %swap3A_409 = arith.constant 8 : i32
    %swap3A_410 = arith.index_cast %swap3A_409 : i32 to index
    %swap3A_411 = arith.constant 64 : index
    %swap3A_412 = tpu.vector_load %arg12[%swap3A_410, %swap3A_411] {strides = array<i32>} : memref<20x128xf32, #tpu.memory_space<vmem>>, vector<16xf32>,
    tpu.vector_store %arg12[%swap3A_410, %swap3A_411], %broadcast_in_dim3A_408 {strides = array<i32>} : memref<20x128xf32, #tpu.memory_space<vmem>>, vector<16xf32>,
    %broadcast_in_dim3A_413 = arith.constant 0.000000e+00 : f32
    %broadcast_in_dim3A_414 = vector.broadcast %broadcast_in_dim3A_413 : f32 to vector<16xf32>
    %swap3A_415 = arith.constant 8 : i32
    %swap3A_416 = arith.index_cast %swap3A_415 : i32 to index
    %swap3A_417 = arith.constant 80 : index
    %swap3A_418 = tpu.vector_load %arg12[%swap3A_416, %swap3A_417] {strides = array<i32>} : memref<20x128xf32, #tpu.memory_space<vmem>>, vector<16xf32>,
    tpu.vector_store %arg12[%swap3A_416, %swap3A_417], %broadcast_in_dim3A_414 {strides = array<i32>} : memref<20x128xf32, #tpu.memory_space<vmem>>, vector<16xf32>,
    %broadcast_in_dim3A_419 = arith.constant 0.000000e+00 : f32
    %broadcast_in_dim3A_420 = vector.broadcast %broadcast_in_dim3A_419 : f32 to vector<16xf32>
    %swap3A_421 = arith.constant 8 : i32
    %swap3A_422 = arith.index_cast %swap3A_421 : i32 to index
    %swap3A_423 = arith.constant 96 : index
    %swap3A_424 = tpu.vector_load %arg12[%swap3A_422, %swap3A_423] {strides = array<i32>} : memref<20x128xf32, #tpu.memory_space<vmem>>, vector<16xf32>,
    tpu.vector_store %arg12[%swap3A_422, %swap3A_423], %broadcast_in_dim3A_420 {strides = array<i32>} : memref<20x128xf32, #tpu.memory_space<vmem>>, vector<16xf32>,
    %broadcast_in_dim3A_425 = arith.constant 0.000000e+00 : f32
    %broadcast_in_dim3A_426 = vector.broadcast %broadcast_in_dim3A_425 : f32 to vector<16xf32>
    %swap3A_427 = arith.constant 8 : i32
    %swap3A_428 = arith.index_cast %swap3A_427 : i32 to index
    %swap3A_429 = arith.constant 112 : index
    %swap3A_430 = tpu.vector_load %arg12[%swap3A_428, %swap3A_429] {strides = array<i32>} : memref<20x128xf32, #tpu.memory_space<vmem>>, vector<16xf32>,
    tpu.vector_store %arg12[%swap3A_428, %swap3A_429], %broadcast_in_dim3A_426 {strides = array<i32>} : memref<20x128xf32, #tpu.memory_space<vmem>>, vector<16xf32>,
    %broadcast_in_dim3A_431 = arith.constant 0.000000e+00 : f32
    %broadcast_in_dim3A_432 = vector.broadcast %broadcast_in_dim3A_431 : f32 to vector<16xf32>
    %swap3A_433 = arith.constant 9 : i32
    %swap3A_434 = arith.index_cast %swap3A_433 : i32 to index
    %swap3A_435 = arith.constant 0 : index
    %swap3A_436 = tpu.vector_load %arg12[%swap3A_434, %swap3A_435] {strides = array<i32>} : memref<20x128xf32, #tpu.memory_space<vmem>>, vector<16xf32>,
    tpu.vector_store %arg12[%swap3A_434, %swap3A_435], %broadcast_in_dim3A_432 {strides = array<i32>} : memref<20x128xf32, #tpu.memory_space<vmem>>, vector<16xf32>,
    %broadcast_in_dim3A_437 = arith.constant 0.000000e+00 : f32
    %broadcast_in_dim3A_438 = vector.broadcast %broadcast_in_dim3A_437 : f32 to vector<16xf32>
    %swap3A_439 = arith.constant 9 : i32
    %swap3A_440 = arith.index_cast %swap3A_439 : i32 to index
    %swap3A_441 = arith.constant 16 : index
    %swap3A_442 = tpu.vector_load %arg12[%swap3A_440, %swap3A_441] {strides = array<i32>} : memref<20x128xf32, #tpu.memory_space<vmem>>, vector<16xf32>,
    tpu.vector_store %arg12[%swap3A_440, %swap3A_441], %broadcast_in_dim3A_438 {strides = array<i32>} : memref<20x128xf32, #tpu.memory_space<vmem>>, vector<16xf32>,
    %broadcast_in_dim3A_443 = arith.constant 0.000000e+00 : f32
    %broadcast_in_dim3A_444 = vector.broadcast %broadcast_in_dim3A_443 : f32 to vector<16xf32>
    %swap3A_445 = arith.constant 9 : i32
    %swap3A_446 = arith.index_cast %swap3A_445 : i32 to index
    %swap3A_447 = arith.constant 32 : index
    %swap3A_448 = tpu.vector_load %arg12[%swap3A_446, %swap3A_447] {strides = array<i32>} : memref<20x128xf32, #tpu.memory_space<vmem>>, vector<16xf32>,
    tpu.vector_store %arg12[%swap3A_446, %swap3A_447], %broadcast_in_dim3A_444 {strides = array<i32>} : memref<20x128xf32, #tpu.memory_space<vmem>>, vector<16xf32>,
    %broadcast_in_dim3A_449 = arith.constant 0.000000e+00 : f32
    %broadcast_in_dim3A_450 = vector.broadcast %broadcast_in_dim3A_449 : f32 to vector<16xf32>
    %swap3A_451 = arith.constant 9 : i32
    %swap3A_452 = arith.index_cast %swap3A_451 : i32 to index
    %swap3A_453 = arith.constant 48 : index
    %swap3A_454 = tpu.vector_load %arg12[%swap3A_452, %swap3A_453] {strides = array<i32>} : memref<20x128xf32, #tpu.memory_space<vmem>>, vector<16xf32>,
    tpu.vector_store %arg12[%swap3A_452, %swap3A_453], %broadcast_in_dim3A_450 {strides = array<i32>} : memref<20x128xf32, #tpu.memory_space<vmem>>, vector<16xf32>,
    %broadcast_in_dim3A_455 = arith.constant 0.000000e+00 : f32
    %broadcast_in_dim3A_456 = vector.broadcast %broadcast_in_dim3A_455 : f32 to vector<16xf32>
    %swap3A_457 = arith.constant 9 : i32
    %swap3A_458 = arith.index_cast %swap3A_457 : i32 to index
    %swap3A_459 = arith.constant 64 : index
    %swap3A_460 = tpu.vector_load %arg12[%swap3A_458, %swap3A_459] {strides = array<i32>} : memref<20x128xf32, #tpu.memory_space<vmem>>, vector<16xf32>,
    tpu.vector_store %arg12[%swap3A_458, %swap3A_459], %broadcast_in_dim3A_456 {strides = array<i32>} : memref<20x128xf32, #tpu.memory_space<vmem>>, vector<16xf32>,
    %broadcast_in_dim3A_461 = arith.constant 0.000000e+00 : f32
    %broadcast_in_dim3A_462 = vector.broadcast %broadcast_in_dim3A_461 : f32 to vector<16xf32>
    %swap3A_463 = arith.constant 9 : i32
    %swap3A_464 = arith.index_cast %swap3A_463 : i32 to index
    %swap3A_465 = arith.constant 80 : index
    %swap3A_466 = tpu.vector_load %arg12[%swap3A_464, %swap3A_465] {strides = array<i32>} : memref<20x128xf32, #tpu.memory_space<vmem>>, vector<16xf32>,
    tpu.vector_store %arg12[%swap3A_464, %swap3A_465], %broadcast_in_dim3A_462 {strides = array<i32>} : memref<20x128xf32, #tpu.memory_space<vmem>>, vector<16xf32>,
    %broadcast_in_dim3A_467 = arith.constant 0.000000e+00 : f32
    %broadcast_in_dim3A_468 = vector.broadcast %broadcast_in_dim3A_467 : f32 to vector<16xf32>
    %swap3A_469 = arith.constant 9 : i32
    %swap3A_470 = arith.index_cast %swap3A_469 : i32 to index
    %swap3A_471 = arith.constant 96 : index
    %swap3A_472 = tpu.vector_load %arg12[%swap3A_470, %swap3A_471] {strides = array<i32>} : memref<20x128xf32, #tpu.memory_space<vmem>>, vector<16xf32>,
    tpu.vector_store %arg12[%swap3A_470, %swap3A_471], %broadcast_in_dim3A_468 {strides = array<i32>} : memref<20x128xf32, #tpu.memory_space<vmem>>, vector<16xf32>,
    %broadcast_in_dim3A_473 = arith.constant 0.000000e+00 : f32
    %broadcast_in_dim3A_474 = vector.broadcast %broadcast_in_dim3A_473 : f32 to vector<16xf32>
    %swap3A_475 = arith.constant 9 : i32
    %swap3A_476 = arith.index_cast %swap3A_475 : i32 to index
    %swap3A_477 = arith.constant 112 : index
    %swap3A_478 = tpu.vector_load %arg12[%swap3A_476, %swap3A_477] {strides = array<i32>} : memref<20x128xf32, #tpu.memory_space<vmem>>, vector<16xf32>,
    tpu.vector_store %arg12[%swap3A_476, %swap3A_477], %broadcast_in_dim3A_474 {strides = array<i32>} : memref<20x128xf32, #tpu.memory_space<vmem>>, vector<16xf32>,
    %broadcast_in_dim3A_479 = arith.constant 0.000000e+00 : f32
    %broadcast_in_dim3A_480 = vector.broadcast %broadcast_in_dim3A_479 : f32 to vector<16xf32>
    %swap3A_481 = arith.constant 10 : i32
    %swap3A_482 = arith.index_cast %swap3A_481 : i32 to index
    %swap3A_483 = arith.constant 0 : index
    %swap3A_484 = tpu.vector_load %arg12[%swap3A_482, %swap3A_483] {strides = array<i32>} : memref<20x128xf32, #tpu.memory_space<vmem>>, vector<16xf32>,
    tpu.vector_store %arg12[%swap3A_482, %swap3A_483], %broadcast_in_dim3A_480 {strides = array<i32>} : memref<20x128xf32, #tpu.memory_space<vmem>>, vector<16xf32>,
    %broadcast_in_dim3A_485 = arith.constant 0.000000e+00 : f32
    %broadcast_in_dim3A_486 = vector.broadcast %broadcast_in_dim3A_485 : f32 to vector<16xf32>
    %swap3A_487 = arith.constant 10 : i32
    %swap3A_488 = arith.index_cast %swap3A_487 : i32 to index
    %swap3A_489 = arith.constant 16 : index
    %swap3A_490 = tpu.vector_load %arg12[%swap3A_488, %swap3A_489] {strides = array<i32>} : memref<20x128xf32, #tpu.memory_space<vmem>>, vector<16xf32>,
    tpu.vector_store %arg12[%swap3A_488, %swap3A_489], %broadcast_in_dim3A_486 {strides = array<i32>} : memref<20x128xf32, #tpu.memory_space<vmem>>, vector<16xf32>,
    %broadcast_in_dim3A_491 = arith.constant 0.000000e+00 : f32
    %broadcast_in_dim3A_492 = vector.broadcast %broadcast_in_dim3A_491 : f32 to vector<16xf32>
    %swap3A_493 = arith.constant 10 : i32
    %swap3A_494 = arith.index_cast %swap3A_493 : i32 to index
    %swap3A_495 = arith.constant 32 : index
    %swap3A_496 = tpu.vector_load %arg12[%swap3A_494, %swap3A_495] {strides = array<i32>} : memref<20x128xf32, #tpu.memory_space<vmem>>, vector<16xf32>,
    tpu.vector_store %arg12[%swap3A_494, %swap3A_495], %broadcast_in_dim3A_492 {strides = array<i32>} : memref<20x128xf32, #tpu.memory_space<vmem>>, vector<16xf32>,
    %broadcast_in_dim3A_497 = arith.constant 0.000000e+00 : f32
    %broadcast_in_dim3A_498 = vector.broadcast %broadcast_in_dim3A_497 : f32 to vector<16xf32>
    %swap3A_499 = arith.constant 10 : i32
    %swap3A_500 = arith.index_cast %swap3A_499 : i32 to index
    %swap3A_501 = arith.constant 48 : index
    %swap3A_502 = tpu.vector_load %arg12[%swap3A_500, %swap3A_501] {strides = array<i32>} : memref<20x128xf32, #tpu.memory_space<vmem>>, vector<16xf32>,
    tpu.vector_store %arg12[%swap3A_500, %swap3A_501], %broadcast_in_dim3A_498 {strides = array<i32>} : memref<20x128xf32, #tpu.memory_space<vmem>>, vector<16xf32>,
    %broadcast_in_dim3A_503 = arith.constant 0.000000e+00 : f32
    %broadcast_in_dim3A_504 = vector.broadcast %broadcast_in_dim3A_503 : f32 to vector<16xf32>
    %swap3A_505 = arith.constant 10 : i32
    %swap3A_506 = arith.index_cast %swap3A_505 : i32 to index
    %swap3A_507 = arith.constant 64 : index
    %swap3A_508 = tpu.vector_load %arg12[%swap3A_506, %swap3A_507] {strides = array<i32>} : memref<20x128xf32, #tpu.memory_space<vmem>>, vector<16xf32>,
    tpu.vector_store %arg12[%swap3A_506, %swap3A_507], %broadcast_in_dim3A_504 {strides = array<i32>} : memref<20x128xf32, #tpu.memory_space<vmem>>, vector<16xf32>,
    %broadcast_in_dim3A_509 = arith.constant 0.000000e+00 : f32
    %broadcast_in_dim3A_510 = vector.broadcast %broadcast_in_dim3A_509 : f32 to vector<16xf32>
    %swap3A_511 = arith.constant 10 : i32
    %swap3A_512 = arith.index_cast %swap3A_511 : i32 to index
    %swap3A_513 = arith.constant 80 : index
    %swap3A_514 = tpu.vector_load %arg12[%swap3A_512, %swap3A_513] {strides = array<i32>} : memref<20x128xf32, #tpu.memory_space<vmem>>, vector<16xf32>,
    tpu.vector_store %arg12[%swap3A_512, %swap3A_513], %broadcast_in_dim3A_510 {strides = array<i32>} : memref<20x128xf32, #tpu.memory_space<vmem>>, vector<16xf32>,
    %broadcast_in_dim3A_515 = arith.constant 0.000000e+00 : f32
    %broadcast_in_dim3A_516 = vector.broadcast %broadcast_in_dim3A_515 : f32 to vector<16xf32>
    %swap3A_517 = arith.constant 10 : i32
    %swap3A_518 = arith.index_cast %swap3A_517 : i32 to index
    %swap3A_519 = arith.constant 96 : index
    %swap3A_520 = tpu.vector_load %arg12[%swap3A_518, %swap3A_519] {strides = array<i32>} : memref<20x128xf32, #tpu.memory_space<vmem>>, vector<16xf32>,
    tpu.vector_store %arg12[%swap3A_518, %swap3A_519], %broadcast_in_dim3A_516 {strides = array<i32>} : memref<20x128xf32, #tpu.memory_space<vmem>>, vector<16xf32>,
    %broadcast_in_dim3A_521 = arith.constant 0.000000e+00 : f32
    %broadcast_in_dim3A_522 = vector.broadcast %broadcast_in_dim3A_521 : f32 to vector<16xf32>
    %swap3A_523 = arith.constant 10 : i32
    %swap3A_524 = arith.index_cast %swap3A_523 : i32 to index
    %swap3A_525 = arith.constant 112 : index
    %swap3A_526 = tpu.vector_load %arg12[%swap3A_524, %swap3A_525] {strides = array<i32>} : memref<20x128xf32, #tpu.memory_space<vmem>>, vector<16xf32>,
    tpu.vector_store %arg12[%swap3A_524, %swap3A_525], %broadcast_in_dim3A_522 {strides = array<i32>} : memref<20x128xf32, #tpu.memory_space<vmem>>, vector<16xf32>,
    %broadcast_in_dim3A_527 = arith.constant 0.000000e+00 : f32
    %broadcast_in_dim3A_528 = vector.broadcast %broadcast_in_dim3A_527 : f32 to vector<16xf32>
    %swap3A_529 = arith.constant 11 : i32
    %swap3A_530 = arith.index_cast %swap3A_529 : i32 to index
    %swap3A_531 = arith.constant 0 : index
    %swap3A_532 = tpu.vector_load %arg12[%swap3A_530, %swap3A_531] {strides = array<i32>} : memref<20x128xf32, #tpu.memory_space<vmem>>, vector<16xf32>,
    tpu.vector_store %arg12[%swap3A_530, %swap3A_531], %broadcast_in_dim3A_528 {strides = array<i32>} : memref<20x128xf32, #tpu.memory_space<vmem>>, vector<16xf32>,
    %broadcast_in_dim3A_533 = arith.constant 0.000000e+00 : f32
    %broadcast_in_dim3A_534 = vector.broadcast %broadcast_in_dim3A_533 : f32 to vector<16xf32>
    %swap3A_535 = arith.constant 11 : i32
    %swap3A_536 = arith.index_cast %swap3A_535 : i32 to index
    %swap3A_537 = arith.constant 16 : index
    %swap3A_538 = tpu.vector_load %arg12[%swap3A_536, %swap3A_537] {strides = array<i32>} : memref<20x128xf32, #tpu.memory_space<vmem>>, vector<16xf32>,
    tpu.vector_store %arg12[%swap3A_536, %swap3A_537], %broadcast_in_dim3A_534 {strides = array<i32>} : memref<20x128xf32, #tpu.memory_space<vmem>>, vector<16xf32>,
    %broadcast_in_dim3A_539 = arith.constant 0.000000e+00 : f32
    %broadcast_in_dim3A_540 = vector.broadcast %broadcast_in_dim3A_539 : f32 to vector<16xf32>
    %swap3A_541 = arith.constant 11 : i32
    %swap3A_542 = arith.index_cast %swap3A_541 : i32 to index
    %swap3A_543 = arith.constant 32 : index
    %swap3A_544 = tpu.vector_load %arg12[%swap3A_542, %swap3A_543] {strides = array<i32>} : memref<20x128xf32, #tpu.memory_space<vmem>>, vector<16xf32>,
    tpu.vector_store %arg12[%swap3A_542, %swap3A_543], %broadcast_in_dim3A_540 {strides = array<i32>} : memref<20x128xf32, #tpu.memory_space<vmem>>, vector<16xf32>,
    %broadcast_in_dim3A_545 = arith.constant 0.000000e+00 : f32
    %broadcast_in_dim3A_546 = vector.broadcast %broadcast_in_dim3A_545 : f32 to vector<16xf32>
    %swap3A_547 = arith.constant 11 : i32
    %swap3A_548 = arith.index_cast %swap3A_547 : i32 to index
    %swap3A_549 = arith.constant 48 : index
    %swap3A_550 = tpu.vector_load %arg12[%swap3A_548, %swap3A_549] {strides = array<i32>} : memref<20x128xf32, #tpu.memory_space<vmem>>, vector<16xf32>,
    tpu.vector_store %arg12[%swap3A_548, %swap3A_549], %broadcast_in_dim3A_546 {strides = array<i32>} : memref<20x128xf32, #tpu.memory_space<vmem>>, vector<16xf32>,
    %broadcast_in_dim3A_551 = arith.constant 0.000000e+00 : f32
    %broadcast_in_dim3A_552 = vector.broadcast %broadcast_in_dim3A_551 : f32 to vector<16xf32>
    %swap3A_553 = arith.constant 11 : i32
    %swap3A_554 = arith.index_cast %swap3A_553 : i32 to index
    %swap3A_555 = arith.constant 64 : index
    %swap3A_556 = tpu.vector_load %arg12[%swap3A_554, %swap3A_555] {strides = array<i32>} : memref<20x128xf32, #tpu.memory_space<vmem>>, vector<16xf32>,
    tpu.vector_store %arg12[%swap3A_554, %swap3A_555], %broadcast_in_dim3A_552 {strides = array<i32>} : memref<20x128xf32, #tpu.memory_space<vmem>>, vector<16xf32>,
    %broadcast_in_dim3A_557 = arith.constant 0.000000e+00 : f32
    %broadcast_in_dim3A_558 = vector.broadcast %broadcast_in_dim3A_557 : f32 to vector<16xf32>
    %swap3A_559 = arith.constant 11 : i32
    %swap3A_560 = arith.index_cast %swap3A_559 : i32 to index
    %swap3A_561 = arith.constant 80 : index
    %swap3A_562 = tpu.vector_load %arg12[%swap3A_560, %swap3A_561] {strides = array<i32>} : memref<20x128xf32, #tpu.memory_space<vmem>>, vector<16xf32>,
    tpu.vector_store %arg12[%swap3A_560, %swap3A_561], %broadcast_in_dim3A_558 {strides = array<i32>} : memref<20x128xf32, #tpu.memory_space<vmem>>, vector<16xf32>,
    %broadcast_in_dim3A_563 = arith.constant 0.000000e+00 : f32
    %broadcast_in_dim3A_564 = vector.broadcast %broadcast_in_dim3A_563 : f32 to vector<16xf32>
    %swap3A_565 = arith.constant 11 : i32
    %swap3A_566 = arith.index_cast %swap3A_565 : i32 to index
    %swap3A_567 = arith.constant 96 : index
    %swap3A_568 = tpu.vector_load %arg12[%swap3A_566, %swap3A_567] {strides = array<i32>} : memref<20x128xf32, #tpu.memory_space<vmem>>, vector<16xf32>,
    tpu.vector_store %arg12[%swap3A_566, %swap3A_567], %broadcast_in_dim3A_564 {strides = array<i32>} : memref<20x128xf32, #tpu.memory_space<vmem>>, vector<16xf32>,
    %broadcast_in_dim3A_569 = arith.constant 0.000000e+00 : f32
    %broadcast_in_dim3A_570 = vector.broadcast %broadcast_in_dim3A_569 : f32 to vector<16xf32>
    %swap3A_571 = arith.constant 11 : i32
    %swap3A_572 = arith.index_cast %swap3A_571 : i32 to index
    %swap3A_573 = arith.constant 112 : index
    %swap3A_574 = tpu.vector_load %arg12[%swap3A_572, %swap3A_573] {strides = array<i32>} : memref<20x128xf32, #tpu.memory_space<vmem>>, vector<16xf32>,
    tpu.vector_store %arg12[%swap3A_572, %swap3A_573], %broadcast_in_dim3A_570 {strides = array<i32>} : memref<20x128xf32, #tpu.memory_space<vmem>>, vector<16xf32>,
    %broadcast_in_dim3A_575 = arith.constant 0.000000e+00 : f32
    %broadcast_in_dim3A_576 = vector.broadcast %broadcast_in_dim3A_575 : f32 to vector<16xf32>
    %swap3A_577 = arith.constant 12 : i32
    %swap3A_578 = arith.index_cast %swap3A_577 : i32 to index
    %swap3A_579 = arith.constant 0 : index
    %swap3A_580 = tpu.vector_load %arg12[%swap3A_578, %swap3A_579] {strides = array<i32>} : memref<20x128xf32, #tpu.memory_space<vmem>>, vector<16xf32>,
    tpu.vector_store %arg12[%swap3A_578, %swap3A_579], %broadcast_in_dim3A_576 {strides = array<i32>} : memref<20x128xf32, #tpu.memory_space<vmem>>, vector<16xf32>,
    %broadcast_in_dim3A_581 = arith.constant 0.000000e+00 : f32
    %broadcast_in_dim3A_582 = vector.broadcast %broadcast_in_dim3A_581 : f32 to vector<16xf32>
    %swap3A_583 = arith.constant 12 : i32
    %swap3A_584 = arith.index_cast %swap3A_583 : i32 to index
    %swap3A_585 = arith.constant 16 : index
    %swap3A_586 = tpu.vector_load %arg12[%swap3A_584, %swap3A_585] {strides = array<i32>} : memref<20x128xf32, #tpu.memory_space<vmem>>, vector<16xf32>,
    tpu.vector_store %arg12[%swap3A_584, %swap3A_585], %broadcast_in_dim3A_582 {strides = array<i32>} : memref<20x128xf32, #tpu.memory_space<vmem>>, vector<16xf32>,
    %broadcast_in_dim3A_587 = arith.constant 0.000000e+00 : f32
    %broadcast_in_dim3A_588 = vector.broadcast %broadcast_in_dim3A_587 : f32 to vector<16xf32>
    %swap3A_589 = arith.constant 12 : i32
    %swap3A_590 = arith.index_cast %swap3A_589 : i32 to index
    %swap3A_591 = arith.constant 32 : index
    %swap3A_592 = tpu.vector_load %arg12[%swap3A_590, %swap3A_591] {strides = array<i32>} : memref<20x128xf32, #tpu.memory_space<vmem>>, vector<16xf32>,
    tpu.vector_store %arg12[%swap3A_590, %swap3A_591], %broadcast_in_dim3A_588 {strides = array<i32>} : memref<20x128xf32, #tpu.memory_space<vmem>>, vector<16xf32>,
    %broadcast_in_dim3A_593 = arith.constant 0.000000e+00 : f32
    %broadcast_in_dim3A_594 = vector.broadcast %broadcast_in_dim3A_593 : f32 to vector<16xf32>
    %swap3A_595 = arith.constant 12 : i32
    %swap3A_596 = arith.index_cast %swap3A_595 : i32 to index
    %swap3A_597 = arith.constant 48 : index
    %swap3A_598 = tpu.vector_load %arg12[%swap3A_596, %swap3A_597] {strides = array<i32>} : memref<20x128xf32, #tpu.memory_space<vmem>>, vector<16xf32>,
    tpu.vector_store %arg12[%swap3A_596, %swap3A_597], %broadcast_in_dim3A_594 {strides = array<i32>} : memref<20x128xf32, #tpu.memory_space<vmem>>, vector<16xf32>,
    %broadcast_in_dim3A_599 = arith.constant 0.000000e+00 : f32
    %broadcast_in_dim3A_600 = vector.broadcast %broadcast_in_dim3A_599 : f32 to vector<16xf32>
    %swap3A_601 = arith.constant 12 : i32
    %swap3A_602 = arith.index_cast %swap3A_601 : i32 to index
    %swap3A_603 = arith.constant 64 : index
    %swap3A_604 = tpu.vector_load %arg12[%swap3A_602, %swap3A_603] {strides = array<i32>} : memref<20x128xf32, #tpu.memory_space<vmem>>, vector<16xf32>,
    tpu.vector_store %arg12[%swap3A_602, %swap3A_603], %broadcast_in_dim3A_600 {strides = array<i32>} : memref<20x128xf32, #tpu.memory_space<vmem>>, vector<16xf32>,
    %broadcast_in_dim3A_605 = arith.constant 0.000000e+00 : f32
    %broadcast_in_dim3A_606 = vector.broadcast %broadcast_in_dim3A_605 : f32 to vector<16xf32>
    %swap3A_607 = arith.constant 12 : i32
    %swap3A_608 = arith.index_cast %swap3A_607 : i32 to index
    %swap3A_609 = arith.constant 80 : index
    %swap3A_610 = tpu.vector_load %arg12[%swap3A_608, %swap3A_609] {strides = array<i32>} : memref<20x128xf32, #tpu.memory_space<vmem>>, vector<16xf32>,
    tpu.vector_store %arg12[%swap3A_608, %swap3A_609], %broadcast_in_dim3A_606 {strides = array<i32>} : memref<20x128xf32, #tpu.memory_space<vmem>>, vector<16xf32>,
    %broadcast_in_dim3A_611 = arith.constant 0.000000e+00 : f32
    %broadcast_in_dim3A_612 = vector.broadcast %broadcast_in_dim3A_611 : f32 to vector<16xf32>
    %swap3A_613 = arith.constant 12 : i32
    %swap3A_614 = arith.index_cast %swap3A_613 : i32 to index
    %swap3A_615 = arith.constant 96 : index
    %swap3A_616 = tpu.vector_load %arg12[%swap3A_614, %swap3A_615] {strides = array<i32>} : memref<20x128xf32, #tpu.memory_space<vmem>>, vector<16xf32>,
    tpu.vector_store %arg12[%swap3A_614, %swap3A_615], %broadcast_in_dim3A_612 {strides = array<i32>} : memref<20x128xf32, #tpu.memory_space<vmem>>, vector<16xf32>,
    %broadcast_in_dim3A_617 = arith.constant 0.000000e+00 : f32
    %broadcast_in_dim3A_618 = vector.broadcast %broadcast_in_dim3A_617 : f32 to vector<16xf32>
    %swap3A_619 = arith.constant 12 : i32
    %swap3A_620 = arith.index_cast %swap3A_619 : i32 to index
    %swap3A_621 = arith.constant 112 : index
    %swap3A_622 = tpu.vector_load %arg12[%swap3A_620, %swap3A_621] {strides = array<i32>} : memref<20x128xf32, #tpu.memory_space<vmem>>, vector<16xf32>,
    tpu.vector_store %arg12[%swap3A_620, %swap3A_621], %broadcast_in_dim3A_618 {strides = array<i32>} : memref<20x128xf32, #tpu.memory_space<vmem>>, vector<16xf32>,
    %broadcast_in_dim3A_623 = arith.constant 0.000000e+00 : f32
    %broadcast_in_dim3A_624 = vector.broadcast %broadcast_in_dim3A_623 : f32 to vector<16xf32>
    %swap3A_625 = arith.constant 13 : i32
    %swap3A_626 = arith.index_cast %swap3A_625 : i32 to index
    %swap3A_627 = arith.constant 0 : index
    %swap3A_628 = tpu.vector_load %arg12[%swap3A_626, %swap3A_627] {strides = array<i32>} : memref<20x128xf32, #tpu.memory_space<vmem>>, vector<16xf32>,
    tpu.vector_store %arg12[%swap3A_626, %swap3A_627], %broadcast_in_dim3A_624 {strides = array<i32>} : memref<20x128xf32, #tpu.memory_space<vmem>>, vector<16xf32>,
    %broadcast_in_dim3A_629 = arith.constant 0.000000e+00 : f32
    %broadcast_in_dim3A_630 = vector.broadcast %broadcast_in_dim3A_629 : f32 to vector<16xf32>
    %swap3A_631 = arith.constant 13 : i32
    %swap3A_632 = arith.index_cast %swap3A_631 : i32 to index
    %swap3A_633 = arith.constant 16 : index
    %swap3A_634 = tpu.vector_load %arg12[%swap3A_632, %swap3A_633] {strides = array<i32>} : memref<20x128xf32, #tpu.memory_space<vmem>>, vector<16xf32>,
    tpu.vector_store %arg12[%swap3A_632, %swap3A_633], %broadcast_in_dim3A_630 {strides = array<i32>} : memref<20x128xf32, #tpu.memory_space<vmem>>, vector<16xf32>,
    %broadcast_in_dim3A_635 = arith.constant 0.000000e+00 : f32
    %broadcast_in_dim3A_636 = vector.broadcast %broadcast_in_dim3A_635 : f32 to vector<16xf32>
    %swap3A_637 = arith.constant 13 : i32
    %swap3A_638 = arith.index_cast %swap3A_637 : i32 to index
    %swap3A_639 = arith.constant 32 : index
    %swap3A_640 = tpu.vector_load %arg12[%swap3A_638, %swap3A_639] {strides = array<i32>} : memref<20x128xf32, #tpu.memory_space<vmem>>, vector<16xf32>,
    tpu.vector_store %arg12[%swap3A_638, %swap3A_639], %broadcast_in_dim3A_636 {strides = array<i32>} : memref<20x128xf32, #tpu.memory_space<vmem>>, vector<16xf32>,
    %broadcast_in_dim3A_641 = arith.constant 0.000000e+00 : f32
    %broadcast_in_dim3A_642 = vector.broadcast %broadcast_in_dim3A_641 : f32 to vector<16xf32>
    %swap3A_643 = arith.constant 13 : i32
    %swap3A_644 = arith.index_cast %swap3A_643 : i32 to index
    %swap3A_645 = arith.constant 48 : index
    %swap3A_646 = tpu.vector_load %arg12[%swap3A_644, %swap3A_645] {strides = array<i32>} : memref<20x128xf32, #tpu.memory_space<vmem>>, vector<16xf32>,
    tpu.vector_store %arg12[%swap3A_644, %swap3A_645], %broadcast_in_dim3A_642 {strides = array<i32>} : memref<20x128xf32, #tpu.memory_space<vmem>>, vector<16xf32>,
    %broadcast_in_dim3A_647 = arith.constant 0.000000e+00 : f32
    %broadcast_in_dim3A_648 = vector.broadcast %broadcast_in_dim3A_647 : f32 to vector<16xf32>
    %swap3A_649 = arith.constant 13 : i32
    %swap3A_650 = arith.index_cast %swap3A_649 : i32 to index
    %swap3A_651 = arith.constant 64 : index
    %swap3A_652 = tpu.vector_load %arg12[%swap3A_650, %swap3A_651] {strides = array<i32>} : memref<20x128xf32, #tpu.memory_space<vmem>>, vector<16xf32>,
    tpu.vector_store %arg12[%swap3A_650, %swap3A_651], %broadcast_in_dim3A_648 {strides = array<i32>} : memref<20x128xf32, #tpu.memory_space<vmem>>, vector<16xf32>,
    %broadcast_in_dim3A_653 = arith.constant 0.000000e+00 : f32
    %broadcast_in_dim3A_654 = vector.broadcast %broadcast_in_dim3A_653 : f32 to vector<16xf32>
    %swap3A_655 = arith.constant 13 : i32
    %swap3A_656 = arith.index_cast %swap3A_655 : i32 to index
    %swap3A_657 = arith.constant 80 : index
    %swap3A_658 = tpu.vector_load %arg12[%swap3A_656, %swap3A_657] {strides = array<i32>} : memref<20x128xf32, #tpu.memory_space<vmem>>, vector<16xf32>,
    tpu.vector_store %arg12[%swap3A_656, %swap3A_657], %broadcast_in_dim3A_654 {strides = array<i32>} : memref<20x128xf32, #tpu.memory_space<vmem>>, vector<16xf32>,
    %broadcast_in_dim3A_659 = arith.constant 0.000000e+00 : f32
    %broadcast_in_dim3A_660 = vector.broadcast %broadcast_in_dim3A_659 : f32 to vector<16xf32>
    %swap3A_661 = arith.constant 13 : i32
    %swap3A_662 = arith.index_cast %swap3A_661 : i32 to index
    %swap3A_663 = arith.constant 96 : index
    %swap3A_664 = tpu.vector_load %arg12[%swap3A_662, %swap3A_663] {strides = array<i32>} : memref<20x128xf32, #tpu.memory_space<vmem>>, vector<16xf32>,
    tpu.vector_store %arg12[%swap3A_662, %swap3A_663], %broadcast_in_dim3A_660 {strides = array<i32>} : memref<20x128xf32, #tpu.memory_space<vmem>>, vector<16xf32>,
    %broadcast_in_dim3A_665 = arith.constant 0.000000e+00 : f32
    %broadcast_in_dim3A_666 = vector.broadcast %broadcast_in_dim3A_665 : f32 to vector<16xf32>
    %swap3A_667 = arith.constant 13 : i32
    %swap3A_668 = arith.index_cast %swap3A_667 : i32 to index
    %swap3A_669 = arith.constant 112 : index
    %swap3A_670 = tpu.vector_load %arg12[%swap3A_668, %swap3A_669] {strides = array<i32>} : memref<20x128xf32, #tpu.memory_space<vmem>>, vector<16xf32>,
    tpu.vector_store %arg12[%swap3A_668, %swap3A_669], %broadcast_in_dim3A_666 {strides = array<i32>} : memref<20x128xf32, #tpu.memory_space<vmem>>, vector<16xf32>,
    %broadcast_in_dim3A_671 = arith.constant 0.000000e+00 : f32
    %broadcast_in_dim3A_672 = vector.broadcast %broadcast_in_dim3A_671 : f32 to vector<16xf32>
    %swap3A_673 = arith.constant 14 : i32
    %swap3A_674 = arith.index_cast %swap3A_673 : i32 to index
    %swap3A_675 = arith.constant 0 : index
    %swap3A_676 = tpu.vector_load %arg12[%swap3A_674, %swap3A_675] {strides = array<i32>} : memref<20x128xf32, #tpu.memory_space<vmem>>, vector<16xf32>,
    tpu.vector_store %arg12[%swap3A_674, %swap3A_675], %broadcast_in_dim3A_672 {strides = array<i32>} : memref<20x128xf32, #tpu.memory_space<vmem>>, vector<16xf32>,
    %broadcast_in_dim3A_677 = arith.constant 0.000000e+00 : f32
    %broadcast_in_dim3A_678 = vector.broadcast %broadcast_in_dim3A_677 : f32 to vector<16xf32>
    %swap3A_679 = arith.constant 14 : i32
    %swap3A_680 = arith.index_cast %swap3A_679 : i32 to index
    %swap3A_681 = arith.constant 16 : index
    %swap3A_682 = tpu.vector_load %arg12[%swap3A_680, %swap3A_681] {strides = array<i32>} : memref<20x128xf32, #tpu.memory_space<vmem>>, vector<16xf32>,
    tpu.vector_store %arg12[%swap3A_680, %swap3A_681], %broadcast_in_dim3A_678 {strides = array<i32>} : memref<20x128xf32, #tpu.memory_space<vmem>>, vector<16xf32>,
    %broadcast_in_dim3A_683 = arith.constant 0.000000e+00 : f32
    %broadcast_in_dim3A_684 = vector.broadcast %broadcast_in_dim3A_683 : f32 to vector<16xf32>
    %swap3A_685 = arith.constant 14 : i32
    %swap3A_686 = arith.index_cast %swap3A_685 : i32 to index
    %swap3A_687 = arith.constant 32 : index
    %swap3A_688 = tpu.vector_load %arg12[%swap3A_686, %swap3A_687] {strides = array<i32>} : memref<20x128xf32, #tpu.memory_space<vmem>>, vector<16xf32>,
    tpu.vector_store %arg12[%swap3A_686, %swap3A_687], %broadcast_in_dim3A_684 {strides = array<i32>} : memref<20x128xf32, #tpu.memory_space<vmem>>, vector<16xf32>,
    %broadcast_in_dim3A_689 = arith.constant 0.000000e+00 : f32
    %broadcast_in_dim3A_690 = vector.broadcast %broadcast_in_dim3A_689 : f32 to vector<16xf32>
    %swap3A_691 = arith.constant 14 : i32
    %swap3A_692 = arith.index_cast %swap3A_691 : i32 to index
    %swap3A_693 = arith.constant 48 : index
    %swap3A_694 = tpu.vector_load %arg12[%swap3A_692, %swap3A_693] {strides = array<i32>} : memref<20x128xf32, #tpu.memory_space<vmem>>, vector<16xf32>,
    tpu.vector_store %arg12[%swap3A_692, %swap3A_693], %broadcast_in_dim3A_690 {strides = array<i32>} : memref<20x128xf32, #tpu.memory_space<vmem>>, vector<16xf32>,
    %broadcast_in_dim3A_695 = arith.constant 0.000000e+00 : f32
    %broadcast_in_dim3A_696 = vector.broadcast %broadcast_in_dim3A_695 : f32 to vector<16xf32>
    %swap3A_697 = arith.constant 14 : i32
    %swap3A_698 = arith.index_cast %swap3A_697 : i32 to index
    %swap3A_699 = arith.constant 64 : index
    %swap3A_700 = tpu.vector_load %arg12[%swap3A_698, %swap3A_699] {strides = array<i32>} : memref<20x128xf32, #tpu.memory_space<vmem>>, vector<16xf32>,
    tpu.vector_store %arg12[%swap3A_698, %swap3A_699], %broadcast_in_dim3A_696 {strides = array<i32>} : memref<20x128xf32, #tpu.memory_space<vmem>>, vector<16xf32>,
    %broadcast_in_dim3A_701 = arith.constant 0.000000e+00 : f32
    %broadcast_in_dim3A_702 = vector.broadcast %broadcast_in_dim3A_701 : f32 to vector<16xf32>
    %swap3A_703 = arith.constant 14 : i32
    %swap3A_704 = arith.index_cast %swap3A_703 : i32 to index
    %swap3A_705 = arith.constant 80 : index
    %swap3A_706 = tpu.vector_load %arg12[%swap3A_704, %swap3A_705] {strides = array<i32>} : memref<20x128xf32, #tpu.memory_space<vmem>>, vector<16xf32>,
    tpu.vector_store %arg12[%swap3A_704, %swap3A_705], %broadcast_in_dim3A_702 {strides = array<i32>} : memref<20x128xf32, #tpu.memory_space<vmem>>, vector<16xf32>,
    %broadcast_in_dim3A_707 = arith.constant 0.000000e+00 : f32
    %broadcast_in_dim3A_708 = vector.broadcast %broadcast_in_dim3A_707 : f32 to vector<16xf32>
    %swap3A_709 = arith.constant 14 : i32
    %swap3A_710 = arith.index_cast %swap3A_709 : i32 to index
    %swap3A_711 = arith.constant 96 : index
    %swap3A_712 = tpu.vector_load %arg12[%swap3A_710, %swap3A_711] {strides = array<i32>} : memref<20x128xf32, #tpu.memory_space<vmem>>, vector<16xf32>,
    tpu.vector_store %arg12[%swap3A_710, %swap3A_711], %broadcast_in_dim3A_708 {strides = array<i32>} : memref<20x128xf32, #tpu.memory_space<vmem>>, vector<16xf32>,
    %broadcast_in_dim3A_713 = arith.constant 0.000000e+00 : f32
    %broadcast_in_dim3A_714 = vector.broadcast %broadcast_in_dim3A_713 : f32 to vector<16xf32>
    %swap3A_715 = arith.constant 14 : i32
    %swap3A_716 = arith.index_cast %swap3A_715 : i32 to index
    %swap3A_717 = arith.constant 112 : index
    %swap3A_718 = tpu.vector_load %arg12[%swap3A_716, %swap3A_717] {strides = array<i32>} : memref<20x128xf32, #tpu.memory_space<vmem>>, vector<16xf32>,
    tpu.vector_store %arg12[%swap3A_716, %swap3A_717], %broadcast_in_dim3A_714 {strides = array<i32>} : memref<20x128xf32, #tpu.memory_space<vmem>>, vector<16xf32>,
    %broadcast_in_dim3A_719 = arith.constant 0.000000e+00 : f32
    %broadcast_in_dim3A_720 = vector.broadcast %broadcast_in_dim3A_719 : f32 to vector<16xf32>
    %swap3A_721 = arith.constant 15 : i32
    %swap3A_722 = arith.index_cast %swap3A_721 : i32 to index
    %swap3A_723 = arith.constant 0 : index
    %swap3A_724 = tpu.vector_load %arg12[%swap3A_722, %swap3A_723] {strides = array<i32>} : memref<20x128xf32, #tpu.memory_space<vmem>>, vector<16xf32>,
    tpu.vector_store %arg12[%swap3A_722, %swap3A_723], %broadcast_in_dim3A_720 {strides = array<i32>} : memref<20x128xf32, #tpu.memory_space<vmem>>, vector<16xf32>,
    %broadcast_in_dim3A_725 = arith.constant 0.000000e+00 : f32
    %broadcast_in_dim3A_726 = vector.broadcast %broadcast_in_dim3A_725 : f32 to vector<16xf32>
    %swap3A_727 = arith.constant 15 : i32
    %swap3A_728 = arith.index_cast %swap3A_727 : i32 to index
    %swap3A_729 = arith.constant 16 : index
    %swap3A_730 = tpu.vector_load %arg12[%swap3A_728, %swap3A_729] {strides = array<i32>} : memref<20x128xf32, #tpu.memory_space<vmem>>, vector<16xf32>,
    tpu.vector_store %arg12[%swap3A_728, %swap3A_729], %broadcast_in_dim3A_726 {strides = array<i32>} : memref<20x128xf32, #tpu.memory_space<vmem>>, vector<16xf32>,
    %broadcast_in_dim3A_731 = arith.constant 0.000000e+00 : f32
    %broadcast_in_dim3A_732 = vector.broadcast %broadcast_in_dim3A_731 : f32 to vector<16xf32>
    %swap3A_733 = arith.constant 15 : i32
    %swap3A_734 = arith.index_cast %swap3A_733 : i32 to index
    %swap3A_735 = arith.constant 32 : index
    %swap3A_736 = tpu.vector_load %arg12[%swap3A_734, %swap3A_735] {strides = array<i32>} : memref<20x128xf32, #tpu.memory_space<vmem>>, vector<16xf32>,
    tpu.vector_store %arg12[%swap3A_734, %swap3A_735], %broadcast_in_dim3A_732 {strides = array<i32>} : memref<20x128xf32, #tpu.memory_space<vmem>>, vector<16xf32>,
    %broadcast_in_dim3A_737 = arith.constant 0.000000e+00 : f32
    %broadcast_in_dim3A_738 = vector.broadcast %broadcast_in_dim3A_737 : f32 to vector<16xf32>
    %swap3A_739 = arith.constant 15 : i32
    %swap3A_740 = arith.index_cast %swap3A_739 : i32 to index
    %swap3A_741 = arith.constant 48 : index
    %swap3A_742 = tpu.vector_load %arg12[%swap3A_740, %swap3A_741] {strides = array<i32>} : memref<20x128xf32, #tpu.memory_space<vmem>>, vector<16xf32>,
    tpu.vector_store %arg12[%swap3A_740, %swap3A_741], %broadcast_in_dim3A_738 {strides = array<i32>} : memref<20x128xf32, #tpu.memory_space<vmem>>, vector<16xf32>,
    %broadcast_in_dim3A_743 = arith.constant 0.000000e+00 : f32
    %broadcast_in_dim3A_744 = vector.broadcast %broadcast_in_dim3A_743 : f32 to vector<16xf32>
    %swap3A_745 = arith.constant 15 : i32
    %swap3A_746 = arith.index_cast %swap3A_745 : i32 to index
    %swap3A_747 = arith.constant 64 : index
    %swap3A_748 = tpu.vector_load %arg12[%swap3A_746, %swap3A_747] {strides = array<i32>} : memref<20x128xf32, #tpu.memory_space<vmem>>, vector<16xf32>,
    tpu.vector_store %arg12[%swap3A_746, %swap3A_747], %broadcast_in_dim3A_744 {strides = array<i32>} : memref<20x128xf32, #tpu.memory_space<vmem>>, vector<16xf32>,
    %broadcast_in_dim3A_749 = arith.constant 0.000000e+00 : f32
    %broadcast_in_dim3A_750 = vector.broadcast %broadcast_in_dim3A_749 : f32 to vector<16xf32>
    %swap3A_751 = arith.constant 15 : i32
    %swap3A_752 = arith.index_cast %swap3A_751 : i32 to index
    %swap3A_753 = arith.constant 80 : index
    %swap3A_754 = tpu.vector_load %arg12[%swap3A_752, %swap3A_753] {strides = array<i32>} : memref<20x128xf32, #tpu.memory_space<vmem>>, vector<16xf32>,
    tpu.vector_store %arg12[%swap3A_752, %swap3A_753], %broadcast_in_dim3A_750 {strides = array<i32>} : memref<20x128xf32, #tpu.memory_space<vmem>>, vector<16xf32>,
    %broadcast_in_dim3A_755 = arith.constant 0.000000e+00 : f32
    %broadcast_in_dim3A_756 = vector.broadcast %broadcast_in_dim3A_755 : f32 to vector<16xf32>
    %swap3A_757 = arith.constant 15 : i32
    %swap3A_758 = arith.index_cast %swap3A_757 : i32 to index
    %swap3A_759 = arith.constant 96 : index
    %swap3A_760 = tpu.vector_load %arg12[%swap3A_758, %swap3A_759] {strides = array<i32>} : memref<20x128xf32, #tpu.memory_space<vmem>>, vector<16xf32>,
    tpu.vector_store %arg12[%swap3A_758, %swap3A_759], %broadcast_in_dim3A_756 {strides = array<i32>} : memref<20x128xf32, #tpu.memory_space<vmem>>, vector<16xf32>,
    %broadcast_in_dim3A_761 = arith.constant 0.000000e+00 : f32
    %broadcast_in_dim3A_762 = vector.broadcast %broadcast_in_dim3A_761 : f32 to vector<16xf32>
    %swap3A_763 = arith.constant 15 : i32
    %swap3A_764 = arith.index_cast %swap3A_763 : i32 to index
    %swap3A_765 = arith.constant 112 : index
    %swap3A_766 = tpu.vector_load %arg12[%swap3A_764, %swap3A_765] {strides = array<i32>} : memref<20x128xf32, #tpu.memory_space<vmem>>, vector<16xf32>,
    tpu.vector_store %arg12[%swap3A_764, %swap3A_765], %broadcast_in_dim3A_762 {strides = array<i32>} : memref<20x128xf32, #tpu.memory_space<vmem>>, vector<16xf32>,
    %broadcast_in_dim3A_767 = arith.constant 0.000000e+00 : f32
    %broadcast_in_dim3A_768 = vector.broadcast %broadcast_in_dim3A_767 : f32 to vector<16xf32>
    %swap3A_769 = arith.constant 16 : i32
    %swap3A_770 = arith.index_cast %swap3A_769 : i32 to index
    %swap3A_771 = arith.constant 0 : index
    %swap3A_772 = tpu.vector_load %arg12[%swap3A_770, %swap3A_771] {strides = array<i32>} : memref<20x128xf32, #tpu.memory_space<vmem>>, vector<16xf32>,
    tpu.vector_store %arg12[%swap3A_770, %swap3A_771], %broadcast_in_dim3A_768 {strides = array<i32>} : memref<20x128xf32, #tpu.memory_space<vmem>>, vector<16xf32>,
    %broadcast_in_dim3A_773 = arith.constant 0.000000e+00 : f32
    %broadcast_in_dim3A_774 = vector.broadcast %broadcast_in_dim3A_773 : f32 to vector<16xf32>
    %swap3A_775 = arith.constant 16 : i32
    %swap3A_776 = arith.index_cast %swap3A_775 : i32 to index
    %swap3A_777 = arith.constant 16 : index
    %swap3A_778 = tpu.vector_load %arg12[%swap3A_776, %swap3A_777] {strides = array<i32>} : memref<20x128xf32, #tpu.memory_space<vmem>>, vector<16xf32>,
    tpu.vector_store %arg12[%swap3A_776, %swap3A_777], %broadcast_in_dim3A_774 {strides = array<i32>} : memref<20x128xf32, #tpu.memory_space<vmem>>, vector<16xf32>,
    %broadcast_in_dim3A_779 = arith.constant 0.000000e+00 : f32
    %broadcast_in_dim3A_780 = vector.broadcast %broadcast_in_dim3A_779 : f32 to vector<16xf32>
    %swap3A_781 = arith.constant 16 : i32
    %swap3A_782 = arith.index_cast %swap3A_781 : i32 to index
    %swap3A_783 = arith.constant 32 : index
    %swap3A_784 = tpu.vector_load %arg12[%swap3A_782, %swap3A_783] {strides = array<i32>} : memref<20x128xf32, #tpu.memory_space<vmem>>, vector<16xf32>,
    tpu.vector_store %arg12[%swap3A_782, %swap3A_783], %broadcast_in_dim3A_780 {strides = array<i32>} : memref<20x128xf32, #tpu.memory_space<vmem>>, vector<16xf32>,
    %broadcast_in_dim3A_785 = arith.constant 0.000000e+00 : f32
    %broadcast_in_dim3A_786 = vector.broadcast %broadcast_in_dim3A_785 : f32 to vector<16xf32>
    %swap3A_787 = arith.constant 16 : i32
    %swap3A_788 = arith.index_cast %swap3A_787 : i32 to index
    %swap3A_789 = arith.constant 48 : index
    %swap3A_790 = tpu.vector_load %arg12[%swap3A_788, %swap3A_789] {strides = array<i32>} : memref<20x128xf32, #tpu.memory_space<vmem>>, vector<16xf32>,
    tpu.vector_store %arg12[%swap3A_788, %swap3A_789], %broadcast_in_dim3A_786 {strides = array<i32>} : memref<20x128xf32, #tpu.memory_space<vmem>>, vector<16xf32>,
    %broadcast_in_dim3A_791 = arith.constant 0.000000e+00 : f32
    %broadcast_in_dim3A_792 = vector.broadcast %broadcast_in_dim3A_791 : f32 to vector<16xf32>
    %swap3A_793 = arith.constant 16 : i32
    %swap3A_794 = arith.index_cast %swap3A_793 : i32 to index
    %swap3A_795 = arith.constant 64 : index
    %swap3A_796 = tpu.vector_load %arg12[%swap3A_794, %swap3A_795] {strides = array<i32>} : memref<20x128xf32, #tpu.memory_space<vmem>>, vector<16xf32>,
    tpu.vector_store %arg12[%swap3A_794, %swap3A_795], %broadcast_in_dim3A_792 {strides = array<i32>} : memref<20x128xf32, #tpu.memory_space<vmem>>, vector<16xf32>,
    %broadcast_in_dim3A_797 = arith.constant 0.000000e+00 : f32
    %broadcast_in_dim3A_798 = vector.broadcast %broadcast_in_dim3A_797 : f32 to vector<16xf32>
    %swap3A_799 = arith.constant 16 : i32
    %swap3A_800 = arith.index_cast %swap3A_799 : i32 to index
    %swap3A_801 = arith.constant 80 : index
    %swap3A_802 = tpu.vector_load %arg12[%swap3A_800, %swap3A_801] {strides = array<i32>} : memref<20x128xf32, #tpu.memory_space<vmem>>, vector<16xf32>,
    tpu.vector_store %arg12[%swap3A_800, %swap3A_801], %broadcast_in_dim3A_798 {strides = array<i32>} : memref<20x128xf32, #tpu.memory_space<vmem>>, vector<16xf32>,
    %broadcast_in_dim3A_803 = arith.constant 0.000000e+00 : f32
    %broadcast_in_dim3A_804 = vector.broadcast %broadcast_in_dim3A_803 : f32 to vector<16xf32>
    %swap3A_805 = arith.constant 16 : i32
    %swap3A_806 = arith.index_cast %swap3A_805 : i32 to index
    %swap3A_807 = arith.constant 96 : index
    %swap3A_808 = tpu.vector_load %arg12[%swap3A_806, %swap3A_807] {strides = array<i32>} : memref<20x128xf32, #tpu.memory_space<vmem>>, vector<16xf32>,
    tpu.vector_store %arg12[%swap3A_806, %swap3A_807], %broadcast_in_dim3A_804 {strides = array<i32>} : memref<20x128xf32, #tpu.memory_space<vmem>>, vector<16xf32>,
    %broadcast_in_dim3A_809 = arith.constant 0.000000e+00 : f32
    %broadcast_in_dim3A_810 = vector.broadcast %broadcast_in_dim3A_809 : f32 to vector<16xf32>
    %swap3A_811 = arith.constant 16 : i32
    %swap3A_812 = arith.index_cast %swap3A_811 : i32 to index
    %swap3A_813 = arith.constant 112 : index
    %swap3A_814 = tpu.vector_load %arg12[%swap3A_812, %swap3A_813] {strides = array<i32>} : memref<20x128xf32, #tpu.memory_space<vmem>>, vector<16xf32>,
    tpu.vector_store %arg12[%swap3A_812, %swap3A_813], %broadcast_in_dim3A_810 {strides = array<i32>} : memref<20x128xf32, #tpu.memory_space<vmem>>, vector<16xf32>,
    %broadcast_in_dim3A_815 = arith.constant 0.000000e+00 : f32
    %broadcast_in_dim3A_816 = vector.broadcast %broadcast_in_dim3A_815 : f32 to vector<16xf32>
    %swap3A_817 = arith.constant 17 : i32
    %swap3A_818 = arith.index_cast %swap3A_817 : i32 to index
    %swap3A_819 = arith.constant 0 : index
    %swap3A_820 = tpu.vector_load %arg12[%swap3A_818, %swap3A_819] {strides = array<i32>} : memref<20x128xf32, #tpu.memory_space<vmem>>, vector<16xf32>,
    tpu.vector_store %arg12[%swap3A_818, %swap3A_819], %broadcast_in_dim3A_816 {strides = array<i32>} : memref<20x128xf32, #tpu.memory_space<vmem>>, vector<16xf32>,
    %broadcast_in_dim3A_821 = arith.constant 0.000000e+00 : f32
    %broadcast_in_dim3A_822 = vector.broadcast %broadcast_in_dim3A_821 : f32 to vector<16xf32>
    %swap3A_823 = arith.constant 17 : i32
    %swap3A_824 = arith.index_cast %swap3A_823 : i32 to index
    %swap3A_825 = arith.constant 16 : index
    %swap3A_826 = tpu.vector_load %arg12[%swap3A_824, %swap3A_825] {strides = array<i32>} : memref<20x128xf32, #tpu.memory_space<vmem>>, vector<16xf32>,
    tpu.vector_store %arg12[%swap3A_824, %swap3A_825], %broadcast_in_dim3A_822 {strides = array<i32>} : memref<20x128xf32, #tpu.memory_space<vmem>>, vector<16xf32>,
    %broadcast_in_dim3A_827 = arith.constant 0.000000e+00 : f32
    %broadcast_in_dim3A_828 = vector.broadcast %broadcast_in_dim3A_827 : f32 to vector<16xf32>
    %swap3A_829 = arith.constant 17 : i32
    %swap3A_830 = arith.index_cast %swap3A_829 : i32 to index
    %swap3A_831 = arith.constant 32 : index
    %swap3A_832 = tpu.vector_load %arg12[%swap3A_830, %swap3A_831] {strides = array<i32>} : memref<20x128xf32, #tpu.memory_space<vmem>>, vector<16xf32>,
    tpu.vector_store %arg12[%swap3A_830, %swap3A_831], %broadcast_in_dim3A_828 {strides = array<i32>} : memref<20x128xf32, #tpu.memory_space<vmem>>, vector<16xf32>,
    %broadcast_in_dim3A_833 = arith.constant 0.000000e+00 : f32
    %broadcast_in_dim3A_834 = vector.broadcast %broadcast_in_dim3A_833 : f32 to vector<16xf32>
    %swap3A_835 = arith.constant 17 : i32
    %swap3A_836 = arith.index_cast %swap3A_835 : i32 to index
    %swap3A_837 = arith.constant 48 : index
    %swap3A_838 = tpu.vector_load %arg12[%swap3A_836, %swap3A_837] {strides = array<i32>} : memref<20x128xf32, #tpu.memory_space<vmem>>, vector<16xf32>,
    tpu.vector_store %arg12[%swap3A_836, %swap3A_837], %broadcast_in_dim3A_834 {strides = array<i32>} : memref<20x128xf32, #tpu.memory_space<vmem>>, vector<16xf32>,
    %broadcast_in_dim3A_839 = arith.constant 0.000000e+00 : f32
    %broadcast_in_dim3A_840 = vector.broadcast %broadcast_in_dim3A_839 : f32 to vector<16xf32>
    %swap3A_841 = arith.constant 17 : i32
    %swap3A_842 = arith.index_cast %swap3A_841 : i32 to index
    %swap3A_843 = arith.constant 64 : index
    %swap3A_844 = tpu.vector_load %arg12[%swap3A_842, %swap3A_843] {strides = array<i32>} : memref<20x128xf32, #tpu.memory_space<vmem>>, vector<16xf32>,
    tpu.vector_store %arg12[%swap3A_842, %swap3A_843], %broadcast_in_dim3A_840 {strides = array<i32>} : memref<20x128xf32, #tpu.memory_space<vmem>>, vector<16xf32>,
    %broadcast_in_dim3A_845 = arith.constant 0.000000e+00 : f32
    %broadcast_in_dim3A_846 = vector.broadcast %broadcast_in_dim3A_845 : f32 to vector<16xf32>
    %swap3A_847 = arith.constant 17 : i32
    %swap3A_848 = arith.index_cast %swap3A_847 : i32 to index
    %swap3A_849 = arith.constant 80 : index
    %swap3A_850 = tpu.vector_load %arg12[%swap3A_848, %swap3A_849] {strides = array<i32>} : memref<20x128xf32, #tpu.memory_space<vmem>>, vector<16xf32>,
    tpu.vector_store %arg12[%swap3A_848, %swap3A_849], %broadcast_in_dim3A_846 {strides = array<i32>} : memref<20x128xf32, #tpu.memory_space<vmem>>, vector<16xf32>,
    %broadcast_in_dim3A_851 = arith.constant 0.000000e+00 : f32
    %broadcast_in_dim3A_852 = vector.broadcast %broadcast_in_dim3A_851 : f32 to vector<16xf32>
    %swap3A_853 = arith.constant 17 : i32
    %swap3A_854 = arith.index_cast %swap3A_853 : i32 to index
    %swap3A_855 = arith.constant 96 : index
    %swap3A_856 = tpu.vector_load %arg12[%swap3A_854, %swap3A_855] {strides = array<i32>} : memref<20x128xf32, #tpu.memory_space<vmem>>, vector<16xf32>,
    tpu.vector_store %arg12[%swap3A_854, %swap3A_855], %broadcast_in_dim3A_852 {strides = array<i32>} : memref<20x128xf32, #tpu.memory_space<vmem>>, vector<16xf32>,
    %broadcast_in_dim3A_857 = arith.constant 0.000000e+00 : f32
    %broadcast_in_dim3A_858 = vector.broadcast %broadcast_in_dim3A_857 : f32 to vector<16xf32>
    %swap3A_859 = arith.constant 17 : i32
    %swap3A_860 = arith.index_cast %swap3A_859 : i32 to index
    %swap3A_861 = arith.constant 112 : index
    %swap3A_862 = tpu.vector_load %arg12[%swap3A_860, %swap3A_861] {strides = array<i32>} : memref<20x128xf32, #tpu.memory_space<vmem>>, vector<16xf32>,
    tpu.vector_store %arg12[%swap3A_860, %swap3A_861], %broadcast_in_dim3A_858 {strides = array<i32>} : memref<20x128xf32, #tpu.memory_space<vmem>>, vector<16xf32>,
    %broadcast_in_dim3A_863 = arith.constant 0.000000e+00 : f32
    %broadcast_in_dim3A_864 = vector.broadcast %broadcast_in_dim3A_863 : f32 to vector<16xf32>
    %swap3A_865 = arith.constant 18 : i32
    %swap3A_866 = arith.index_cast %swap3A_865 : i32 to index
    %swap3A_867 = arith.constant 0 : index
    %swap3A_868 = tpu.vector_load %arg12[%swap3A_866, %swap3A_867] {strides = array<i32>} : memref<20x128xf32, #tpu.memory_space<vmem>>, vector<16xf32>,
    tpu.vector_store %arg12[%swap3A_866, %swap3A_867], %broadcast_in_dim3A_864 {strides = array<i32>} : memref<20x128xf32, #tpu.memory_space<vmem>>, vector<16xf32>,
    %broadcast_in_dim3A_869 = arith.constant 0.000000e+00 : f32
    %broadcast_in_dim3A_870 = vector.broadcast %broadcast_in_dim3A_869 : f32 to vector<16xf32>
    %swap3A_871 = arith.constant 18 : i32
    %swap3A_872 = arith.index_cast %swap3A_871 : i32 to index
    %swap3A_873 = arith.constant 16 : index
    %swap3A_874 = tpu.vector_load %arg12[%swap3A_872, %swap3A_873] {strides = array<i32>} : memref<20x128xf32, #tpu.memory_space<vmem>>, vector<16xf32>,
    tpu.vector_store %arg12[%swap3A_872, %swap3A_873], %broadcast_in_dim3A_870 {strides = array<i32>} : memref<20x128xf32, #tpu.memory_space<vmem>>, vector<16xf32>,
    %broadcast_in_dim3A_875 = arith.constant 0.000000e+00 : f32
    %broadcast_in_dim3A_876 = vector.broadcast %broadcast_in_dim3A_875 : f32 to vector<16xf32>
    %swap3A_877 = arith.constant 18 : i32
    %swap3A_878 = arith.index_cast %swap3A_877 : i32 to index
    %swap3A_879 = arith.constant 32 : index
    %swap3A_880 = tpu.vector_load %arg12[%swap3A_878, %swap3A_879] {strides = array<i32>} : memref<20x128xf32, #tpu.memory_space<vmem>>, vector<16xf32>,
    tpu.vector_store %arg12[%swap3A_878, %swap3A_879], %broadcast_in_dim3A_876 {strides = array<i32>} : memref<20x128xf32, #tpu.memory_space<vmem>>, vector<16xf32>,
    %broadcast_in_dim3A_881 = arith.constant 0.000000e+00 : f32
    %broadcast_in_dim3A_882 = vector.broadcast %broadcast_in_dim3A_881 : f32 to vector<16xf32>
    %swap3A_883 = arith.constant 18 : i32
    %swap3A_884 = arith.index_cast %swap3A_883 : i32 to index
    %swap3A_885 = arith.constant 48 : index
    %swap3A_886 = tpu.vector_load %arg12[%swap3A_884, %swap3A_885] {strides = array<i32>} : memref<20x128xf32, #tpu.memory_space<vmem>>, vector<16xf32>,
    tpu.vector_store %arg12[%swap3A_884, %swap3A_885], %broadcast_in_dim3A_882 {strides = array<i32>} : memref<20x128xf32, #tpu.memory_space<vmem>>, vector<16xf32>,
    %broadcast_in_dim3A_887 = arith.constant 0.000000e+00 : f32
    %broadcast_in_dim3A_888 = vector.broadcast %broadcast_in_dim3A_887 : f32 to vector<16xf32>
    %swap3A_889 = arith.constant 18 : i32
    %swap3A_890 = arith.index_cast %swap3A_889 : i32 to index
    %swap3A_891 = arith.constant 64 : index
    %swap3A_892 = tpu.vector_load %arg12[%swap3A_890, %swap3A_891] {strides = array<i32>} : memref<20x128xf32, #tpu.memory_space<vmem>>, vector<16xf32>,
    tpu.vector_store %arg12[%swap3A_890, %swap3A_891], %broadcast_in_dim3A_888 {strides = array<i32>} : memref<20x128xf32, #tpu.memory_space<vmem>>, vector<16xf32>,
    %broadcast_in_dim3A_893 = arith.constant 0.000000e+00 : f32
    %broadcast_in_dim3A_894 = vector.broadcast %broadcast_in_dim3A_893 : f32 to vector<16xf32>
    %swap3A_895 = arith.constant 18 : i32
    %swap3A_896 = arith.index_cast %swap3A_895 : i32 to index
    %swap3A_897 = arith.constant 80 : index
    %swap3A_898 = tpu.vector_load %arg12[%swap3A_896, %swap3A_897] {strides = array<i32>} : memref<20x128xf32, #tpu.memory_space<vmem>>, vector<16xf32>,
    tpu.vector_store %arg12[%swap3A_896, %swap3A_897], %broadcast_in_dim3A_894 {strides = array<i32>} : memref<20x128xf32, #tpu.memory_space<vmem>>, vector<16xf32>,
    %broadcast_in_dim3A_899 = arith.constant 0.000000e+00 : f32
    %broadcast_in_dim3A_900 = vector.broadcast %broadcast_in_dim3A_899 : f32 to vector<16xf32>
    %swap3A_901 = arith.constant 18 : i32
    %swap3A_902 = arith.index_cast %swap3A_901 : i32 to index
    %swap3A_903 = arith.constant 96 : index
    %swap3A_904 = tpu.vector_load %arg12[%swap3A_902, %swap3A_903] {strides = array<i32>} : memref<20x128xf32, #tpu.memory_space<vmem>>, vector<16xf32>,
    tpu.vector_store %arg12[%swap3A_902, %swap3A_903], %broadcast_in_dim3A_900 {strides = array<i32>} : memref<20x128xf32, #tpu.memory_space<vmem>>, vector<16xf32>,
    %broadcast_in_dim3A_905 = arith.constant 0.000000e+00 : f32
    %broadcast_in_dim3A_906 = vector.broadcast %broadcast_in_dim3A_905 : f32 to vector<16xf32>
    %swap3A_907 = arith.constant 18 : i32
    %swap3A_908 = arith.index_cast %swap3A_907 : i32 to index
    %swap3A_909 = arith.constant 112 : index
    %swap3A_910 = tpu.vector_load %arg12[%swap3A_908, %swap3A_909] {strides = array<i32>} : memref<20x128xf32, #tpu.memory_space<vmem>>, vector<16xf32>,
    tpu.vector_store %arg12[%swap3A_908, %swap3A_909], %broadcast_in_dim3A_906 {strides = array<i32>} : memref<20x128xf32, #tpu.memory_space<vmem>>, vector<16xf32>,
    %broadcast_in_dim3A_911 = arith.constant 0.000000e+00 : f32
    %broadcast_in_dim3A_912 = vector.broadcast %broadcast_in_dim3A_911 : f32 to vector<16xf32>
    %swap3A_913 = arith.constant 19 : i32
    %swap3A_914 = arith.index_cast %swap3A_913 : i32 to index
    %swap3A_915 = arith.constant 0 : index
    %swap3A_916 = tpu.vector_load %arg12[%swap3A_914, %swap3A_915] {strides = array<i32>} : memref<20x128xf32, #tpu.memory_space<vmem>>, vector<16xf32>,
    tpu.vector_store %arg12[%swap3A_914, %swap3A_915], %broadcast_in_dim3A_912 {strides = array<i32>} : memref<20x128xf32, #tpu.memory_space<vmem>>, vector<16xf32>,
    %broadcast_in_dim3A_917 = arith.constant 0.000000e+00 : f32
    %broadcast_in_dim3A_918 = vector.broadcast %broadcast_in_dim3A_917 : f32 to vector<16xf32>
    %swap3A_919 = arith.constant 19 : i32
    %swap3A_920 = arith.index_cast %swap3A_919 : i32 to index
    %swap3A_921 = arith.constant 16 : index
    %swap3A_922 = tpu.vector_load %arg12[%swap3A_920, %swap3A_921] {strides = array<i32>} : memref<20x128xf32, #tpu.memory_space<vmem>>, vector<16xf32>,
    tpu.vector_store %arg12[%swap3A_920, %swap3A_921], %broadcast_in_dim3A_918 {strides = array<i32>} : memref<20x128xf32, #tpu.memory_space<vmem>>, vector<16xf32>,
    %broadcast_in_dim3A_923 = arith.constant 0.000000e+00 : f32
    %broadcast_in_dim3A_924 = vector.broadcast %broadcast_in_dim3A_923 : f32 to vector<16xf32>
    %swap3A_925 = arith.constant 19 : i32
    %swap3A_926 = arith.index_cast %swap3A_925 : i32 to index
    %swap3A_927 = arith.constant 32 : index
    %swap3A_928 = tpu.vector_load %arg12[%swap3A_926, %swap3A_927] {strides = array<i32>} : memref<20x128xf32, #tpu.memory_space<vmem>>, vector<16xf32>,
    tpu.vector_store %arg12[%swap3A_926, %swap3A_927], %broadcast_in_dim3A_924 {strides = array<i32>} : memref<20x128xf32, #tpu.memory_space<vmem>>, vector<16xf32>,
    %broadcast_in_dim3A_929 = arith.constant 0.000000e+00 : f32
    %broadcast_in_dim3A_930 = vector.broadcast %broadcast_in_dim3A_929 : f32 to vector<16xf32>
    %swap3A_931 = arith.constant 19 : i32
    %swap3A_932 = arith.index_cast %swap3A_931 : i32 to index
    %swap3A_933 = arith.constant 48 : index
    %swap3A_934 = tpu.vector_load %arg12[%swap3A_932, %swap3A_933] {strides = array<i32>} : memref<20x128xf32, #tpu.memory_space<vmem>>, vector<16xf32>,
    tpu.vector_store %arg12[%swap3A_932, %swap3A_933], %broadcast_in_dim3A_930 {strides = array<i32>} : memref<20x128xf32, #tpu.memory_space<vmem>>, vector<16xf32>,
    %broadcast_in_dim3A_935 = arith.constant 0.000000e+00 : f32
    %broadcast_in_dim3A_936 = vector.broadcast %broadcast_in_dim3A_935 : f32 to vector<16xf32>
    %swap3A_937 = arith.constant 19 : i32
    %swap3A_938 = arith.index_cast %swap3A_937 : i32 to index
    %swap3A_939 = arith.constant 64 : index
    %swap3A_940 = tpu.vector_load %arg12[%swap3A_938, %swap3A_939] {strides = array<i32>} : memref<20x128xf32, #tpu.memory_space<vmem>>, vector<16xf32>,
    tpu.vector_store %arg12[%swap3A_938, %swap3A_939], %broadcast_in_dim3A_936 {strides = array<i32>} : memref<20x128xf32, #tpu.memory_space<vmem>>, vector<16xf32>,
    %broadcast_in_dim3A_941 = arith.constant 0.000000e+00 : f32
    %broadcast_in_dim3A_942 = vector.broadcast %broadcast_in_dim3A_941 : f32 to vector<16xf32>
    %swap3A_943 = arith.constant 19 : i32
    %swap3A_944 = arith.index_cast %swap3A_943 : i32 to index
    %swap3A_945 = arith.constant 80 : index
    %swap3A_946 = tpu.vector_load %arg12[%swap3A_944, %swap3A_945] {strides = array<i32>} : memref<20x128xf32, #tpu.memory_space<vmem>>, vector<16xf32>,
    tpu.vector_store %arg12[%swap3A_944, %swap3A_945], %broadcast_in_dim3A_942 {strides = array<i32>} : memref<20x128xf32, #tpu.memory_space<vmem>>, vector<16xf32>,
    %broadcast_in_dim3A_947 = arith.constant 0.000000e+00 : f32
    %broadcast_in_dim3A_948 = vector.broadcast %broadcast_in_dim3A_947 : f32 to vector<16xf32>
    %swap3A_949 = arith.constant 19 : i32
    %swap3A_950 = arith.index_cast %swap3A_949 : i32 to index
    %swap3A_951 = arith.constant 96 : index
    %swap3A_952 = tpu.vector_load %arg12[%swap3A_950, %swap3A_951] {strides = array<i32>} : memref<20x128xf32, #tpu.memory_space<vmem>>, vector<16xf32>,
    tpu.vector_store %arg12[%swap3A_950, %swap3A_951], %broadcast_in_dim3A_948 {strides = array<i32>} : memref<20x128xf32, #tpu.memory_space<vmem>>, vector<16xf32>,
    %broadcast_in_dim3A_953 = arith.constant 0.000000e+00 : f32
    %broadcast_in_dim3A_954 = vector.broadcast %broadcast_in_dim3A_953 : f32 to vector<16xf32>
    %swap3A_955 = arith.constant 19 : i32
    %swap3A_956 = arith.index_cast %swap3A_955 : i32 to index
    %swap3A_957 = arith.constant 112 : index
    %swap3A_958 = tpu.vector_load %arg12[%swap3A_956, %swap3A_957] {strides = array<i32>} : memref<20x128xf32, #tpu.memory_space<vmem>>, vector<16xf32>,
    tpu.vector_store %arg12[%swap3A_956, %swap3A_957], %broadcast_in_dim3A_954 {strides = array<i32>} : memref<20x128xf32, #tpu.memory_space<vmem>>, vector<16xf32>,
    %broadcast_in_dim3A_959 = arith.constant 0 : i32
    %broadcast_in_dim3A_960 = vector.broadcast %broadcast_in_dim3A_959 : i32 to vector<16xi32>
    %swap3A_961 = arith.constant 0 : index
    %swap3A_962 = tpu.vector_load %arg13[%swap3A_961] {strides = array<i32>} : memref<48xi32, #tpu.memory_space<vmem>>, vector<16xi32>,
    tpu.vector_store %arg13[%swap3A_961], %broadcast_in_dim3A_960 {strides = array<i32>} : memref<48xi32, #tpu.memory_space<vmem>>, vector<16xi32>,
    %broadcast_in_dim3A_963 = arith.constant 0 : i32
    %broadcast_in_dim3A_964 = vector.broadcast %broadcast_in_dim3A_963 : i32 to vector<16xi32>
    %swap3A_965 = arith.constant 16 : index
    %swap3A_966 = tpu.vector_load %arg13[%swap3A_965] {strides = array<i32>} : memref<48xi32, #tpu.memory_space<vmem>>, vector<16xi32>,
    tpu.vector_store %arg13[%swap3A_965], %broadcast_in_dim3A_964 {strides = array<i32>} : memref<48xi32, #tpu.memory_space<vmem>>, vector<16xi32>,
    %broadcast_in_dim3A_967 = arith.constant 0 : i32
    %broadcast_in_dim3A_968 = vector.broadcast %broadcast_in_dim3A_967 : i32 to vector<16xi32>
    %swap3A_969 = arith.constant 32 : index
    %swap3A_970 = tpu.vector_load %arg13[%swap3A_969] {strides = array<i32>} : memref<48xi32, #tpu.memory_space<vmem>>, vector<16xi32>,
    tpu.vector_store %arg13[%swap3A_969], %broadcast_in_dim3A_968 {strides = array<i32>} : memref<48xi32, #tpu.memory_space<vmem>>, vector<16xi32>,
    %scan3A = arith.constant 0 : i32
    %scan3A_971 = arith.constant 0 : i32
    %scan3A_972 = arith.constant 1288 : i32
    %scan3A_973 = arith.addi %scan3A_971, %scan3A_972 : i32
    %scan3A_974 = arith.constant 1 : i32
    scf.for %scan3A_1075 = %scan3A_971 to %scan3A_973 step %scan3A_974  : i32 {
      %broadcast_in_dim3A_1076 = arith.constant -2147483648 : i32
      %broadcast_in_dim3A_1077 = vector.broadcast %broadcast_in_dim3A_1076 : i32 to vector<16xi32>
      %mul3A_1078 = arith.constant 16 : i32
      %mul3A_1079 = arith.muli %scan3A_1075, %mul3A_1078 : i32
      %swap3A_1080 = arith.index_cast %mul3A_1079 : i32 to index
      %swap3A_1081 = tpu.vector_load %arg7[%swap3A_1080] {strides = array<i32>} : memref<20608xi32, #tpu.memory_space<vmem>>, vector<16xi32>,
      tpu.vector_store %arg7[%swap3A_1080], %broadcast_in_dim3A_1077 {strides = array<i32>} : memref<20608xi32, #tpu.memory_space<vmem>>, vector<16xi32>,
    }
    %scan3A_975 = arith.constant 1288 : i32
    %scan3A_976 = arith.constant 0 : i32
    %scan3A_977 = arith.constant 0 : i32
    %scan3A_978 = arith.constant 8 : i32
    %scan3A_979 = arith.addi %scan3A_977, %scan3A_978 : i32
    %scan3A_980 = arith.constant 1 : i32
    scf.for %scan3A_1075 = %scan3A_977 to %scan3A_979 step %scan3A_980  : i32 {
      %mul3A_1076 = arith.constant 2048 : i32
      %mul3A_1077 = arith.muli %scan3A_1075, %mul3A_1076 : i32
      %add3A_1078 = arith.addi %mul3A_0, %mul3A_1077 : i32
      "tpu.region"() ({
        %run_scoped3A = tpu.sem_alloc : memref<!tpu.dma_semaphore, #tpu.memory_space<semaphore_mem>>
        %dma_start3A = tpu.memref_slice %arg3[%add3A_1078] : memref<262144xi32, #tpu.memory_space<hbm>> -> memref<2048xi32, #tpu.memory_space<hbm>>
        %dma_start3A_1084 = tpu.memref_slice %arg3[%add3A_1078] : memref<262144xi32, #tpu.memory_space<hbm>> -> memref<2048xi32, #tpu.memory_space<hbm>>
        tpu.enqueue_dma source(%dma_start3A_1084 : memref<2048xi32, #tpu.memory_space<hbm>>) target(%arg6 : memref<2048xi32, #tpu.memory_space<vmem>>) target_semaphore(%run_scoped3A : memref<!tpu.dma_semaphore, #tpu.memory_space<semaphore_mem>>)
        %dma_wait3A = tpu.memref_slice %arg3[%add3A_1078] : memref<262144xi32, #tpu.memory_space<hbm>> -> memref<2048xi32, #tpu.memory_space<hbm>>
        %dma_wait3A_1085 = tpu.memref_slice %arg3[%add3A_1078] : memref<262144xi32, #tpu.memory_space<hbm>> -> memref<2048xi32, #tpu.memory_space<hbm>>
        tpu.wait_dma2 semaphore(%run_scoped3A : memref<!tpu.dma_semaphore, #tpu.memory_space<semaphore_mem>>) src(%dma_wait3A_1085 : memref<2048xi32, #tpu.memory_space<hbm>>) dst(%arg6 : memref<2048xi32, #tpu.memory_space<vmem>>)
        tpu.yield
      }) : () -> ()
      %scan3A_1079 = arith.constant 0 : i32
      %scan3A_1080 = arith.constant 128 : i32
      %scan3A_1081 = arith.addi %scan3A_1079, %scan3A_1080 : i32
      %scan3A_1082 = arith.constant 1 : i32
      scf.for %scan3A_1084 = %scan3A_1079 to %scan3A_1081 step %scan3A_1082  : i32 {
        %mul3A_1085 = arith.constant 16 : i32
        %mul3A_1086 = arith.muli %scan3A_1084, %mul3A_1085 : i32
        %get3A_1087 = arith.index_cast %mul3A_1086 : i32 to index
        %get3A_1088 = tpu.vector_load %arg6[%get3A_1087] {strides = array<i32>} : memref<2048xi32, #tpu.memory_space<vmem>>, vector<16xi32>,
        %shift_right_logical3A = arith.constant 13 : i32
        %shift_right_logical3A_1089 = vector.broadcast %shift_right_logical3A : i32 to vector<16xi32>
        %shift_right_logical3A_1090 = arith.shrui %get3A_1088, %shift_right_logical3A_1089 : vector<16xi32>
        %broadcast_in_dim3A_1091 = arith.constant true
        %broadcast_in_dim3A_1092 = vector.broadcast %broadcast_in_dim3A_1091 : i1 to vector<16xi1>
        %unique3A, %unique3A_1093 = tpu.scan_count mask(%broadcast_in_dim3A_1092 : vector<16xi1>) value(%shift_right_logical3A_1090 : vector<16xi32>) : vector<16xi1>, vector<16xi32>
        tpu.vector_store_idx %arg13[%shift_right_logical3A_1090], %unique3A_1093 masked %unique3A {add = true} : memref<48xi32, #tpu.memory_space<vmem>>[vector<16xi32>], vector<16xi32>, vector<16xi1>
      }
      %scan3A_1083 = arith.constant 128 : i32
    }
    %scan3A_981 = arith.constant 8 : i32
    %get3A = arith.constant 0 : index
    %get3A_982 = tpu.vector_load %arg13[%get3A] {strides = array<i32>} : memref<48xi32, #tpu.memory_space<vmem>>, vector<16xi32>,
    %add3A = arith.constant 127 : i32
    %add3A_983 = vector.broadcast %add3A : i32 to vector<16xi32>
    %add3A_984 = arith.addi %get3A_982, %add3A_983 : vector<16xi32>
    %and3A = arith.constant -128 : i32
    %and3A_985 = vector.broadcast %and3A : i32 to vector<16xi32>
    %and3A_986 = arith.andi %add3A_984, %and3A_985 : vector<16xi32>
    %cumsum3A = arith.constant true
    %cumsum3A_987 = vector.broadcast %cumsum3A : i1 to vector<16xi1>
    %cumsum3A_988 = tpu.scan <sum>, %and3A_986 masked %cumsum3A_987 : vector<16xi32>, vector<16xi1> -> vector<16xi32>
    %sub3A = arith.subi %cumsum3A_988, %and3A_986 : vector<16xi32>
    %add3A_989 = arith.constant 0 : i32
    %add3A_990 = vector.broadcast %add3A_989 : i32 to vector<16xi32>
    %add3A_991 = arith.addi %sub3A, %add3A_990 : vector<16xi32>
    %swap3A_992 = arith.constant 0 : index
    %swap3A_993 = tpu.vector_load %arg14[%swap3A_992] {strides = array<i32>} : memref<48xi32, #tpu.memory_space<vmem>>, vector<16xi32>,
    tpu.vector_store %arg14[%swap3A_992], %add3A_991 {strides = array<i32>} : memref<48xi32, #tpu.memory_space<vmem>>, vector<16xi32>,
    %sub3A_994 = arith.subi %cumsum3A_988, %and3A_986 : vector<16xi32>
    %add3A_995 = arith.constant 0 : i32
    %add3A_996 = vector.broadcast %add3A_995 : i32 to vector<16xi32>
    %add3A_997 = arith.addi %sub3A_994, %add3A_996 : vector<16xi32>
    %swap3A_998 = arith.constant 0 : index
    %swap3A_999 = tpu.vector_load %arg15[%swap3A_998] {strides = array<i32>} : memref<48xi32, #tpu.memory_space<vmem>>, vector<16xi32>,
    tpu.vector_store %arg15[%swap3A_998], %add3A_997 {strides = array<i32>} : memref<48xi32, #tpu.memory_space<vmem>>, vector<16xi32>,
    %reduce_sum3A = arith.constant true
    %reduce_sum3A_1000 = vector.broadcast %reduce_sum3A : i1 to vector<16xi1>
    %reduce_sum3A_1001 = tpu.scan <sum>, %and3A_986 masked %reduce_sum3A_1000 : vector<16xi32>, vector<16xi1> -> vector<16xi32>
    %reduce_sum3A_1002 = vector.extract %reduce_sum3A_1001[15] : i32 from vector<16xi32>
    %add3A_1003 = arith.constant 0 : i32
    %add3A_1004 = arith.addi %add3A_1003, %reduce_sum3A_1002 : i32
    %get3A_1005 = arith.constant 16 : index
    %get3A_1006 = tpu.vector_load %arg13[%get3A_1005] {strides = array<i32>} : memref<48xi32, #tpu.memory_space<vmem>>, vector<16xi32>,
    %add3A_1007 = arith.constant 127 : i32
    %add3A_1008 = vector.broadcast %add3A_1007 : i32 to vector<16xi32>
    %add3A_1009 = arith.addi %get3A_1006, %add3A_1008 : vector<16xi32>
    %and3A_1010 = arith.constant -128 : i32
    %and3A_1011 = vector.broadcast %and3A_1010 : i32 to vector<16xi32>
    %and3A_1012 = arith.andi %add3A_1009, %and3A_1011 : vector<16xi32>
    %cumsum3A_1013 = arith.constant true
    %cumsum3A_1014 = vector.broadcast %cumsum3A_1013 : i1 to vector<16xi1>
    %cumsum3A_1015 = tpu.scan <sum>, %and3A_1012 masked %cumsum3A_1014 : vector<16xi32>, vector<16xi1> -> vector<16xi32>
    %sub3A_1016 = arith.subi %cumsum3A_1015, %and3A_1012 : vector<16xi32>
    %add3A_1017 = vector.broadcast %add3A_1004 : i32 to vector<16xi32>
    %add3A_1018 = arith.addi %sub3A_1016, %add3A_1017 : vector<16xi32>
    %swap3A_1019 = arith.constant 16 : index
    %swap3A_1020 = tpu.vector_load %arg14[%swap3A_1019] {strides = array<i32>} : memref<48xi32, #tpu.memory_space<vmem>>, vector<16xi32>,
    tpu.vector_store %arg14[%swap3A_1019], %add3A_1018 {strides = array<i32>} : memref<48xi32, #tpu.memory_space<vmem>>, vector<16xi32>,
    %sub3A_1021 = arith.subi %cumsum3A_1015, %and3A_1012 : vector<16xi32>
    %add3A_1022 = vector.broadcast %add3A_1004 : i32 to vector<16xi32>
    %add3A_1023 = arith.addi %sub3A_1021, %add3A_1022 : vector<16xi32>
    %swap3A_1024 = arith.constant 16 : index
    %swap3A_1025 = tpu.vector_load %arg15[%swap3A_1024] {strides = array<i32>} : memref<48xi32, #tpu.memory_space<vmem>>, vector<16xi32>,
    tpu.vector_store %arg15[%swap3A_1024], %add3A_1023 {strides = array<i32>} : memref<48xi32, #tpu.memory_space<vmem>>, vector<16xi32>,
    %reduce_sum3A_1026 = arith.constant true
    %reduce_sum3A_1027 = vector.broadcast %reduce_sum3A_1026 : i1 to vector<16xi1>
    %reduce_sum3A_1028 = tpu.scan <sum>, %and3A_1012 masked %reduce_sum3A_1027 : vector<16xi32>, vector<16xi1> -> vector<16xi32>
    %reduce_sum3A_1029 = vector.extract %reduce_sum3A_1028[15] : i32 from vector<16xi32>
    %add3A_1030 = arith.addi %add3A_1004, %reduce_sum3A_1029 : i32
    %get3A_1031 = arith.constant 32 : index
    %get3A_1032 = tpu.vector_load %arg13[%get3A_1031] {strides = array<i32>} : memref<48xi32, #tpu.memory_space<vmem>>, vector<16xi32>,
    %add3A_1033 = arith.constant 127 : i32
    %add3A_1034 = vector.broadcast %add3A_1033 : i32 to vector<16xi32>
    %add3A_1035 = arith.addi %get3A_1032, %add3A_1034 : vector<16xi32>
    %and3A_1036 = arith.constant -128 : i32
    %and3A_1037 = vector.broadcast %and3A_1036 : i32 to vector<16xi32>
    %and3A_1038 = arith.andi %add3A_1035, %and3A_1037 : vector<16xi32>
    %cumsum3A_1039 = arith.constant true
    %cumsum3A_1040 = vector.broadcast %cumsum3A_1039 : i1 to vector<16xi1>
    %cumsum3A_1041 = tpu.scan <sum>, %and3A_1038 masked %cumsum3A_1040 : vector<16xi32>, vector<16xi1> -> vector<16xi32>
    %sub3A_1042 = arith.subi %cumsum3A_1041, %and3A_1038 : vector<16xi32>
    %add3A_1043 = vector.broadcast %add3A_1030 : i32 to vector<16xi32>
    %add3A_1044 = arith.addi %sub3A_1042, %add3A_1043 : vector<16xi32>
    %swap3A_1045 = arith.constant 32 : index
    %swap3A_1046 = tpu.vector_load %arg14[%swap3A_1045] {strides = array<i32>} : memref<48xi32, #tpu.memory_space<vmem>>, vector<16xi32>,
    tpu.vector_store %arg14[%swap3A_1045], %add3A_1044 {strides = array<i32>} : memref<48xi32, #tpu.memory_space<vmem>>, vector<16xi32>,
    %sub3A_1047 = arith.subi %cumsum3A_1041, %and3A_1038 : vector<16xi32>
    %add3A_1048 = vector.broadcast %add3A_1030 : i32 to vector<16xi32>
    %add3A_1049 = arith.addi %sub3A_1047, %add3A_1048 : vector<16xi32>
    %swap3A_1050 = arith.constant 32 : index
    %swap3A_1051 = tpu.vector_load %arg15[%swap3A_1050] {strides = array<i32>} : memref<48xi32, #tpu.memory_space<vmem>>, vector<16xi32>,
    tpu.vector_store %arg15[%swap3A_1050], %add3A_1049 {strides = array<i32>} : memref<48xi32, #tpu.memory_space<vmem>>, vector<16xi32>,
    %reduce_sum3A_1052 = arith.constant true
    %reduce_sum3A_1053 = vector.broadcast %reduce_sum3A_1052 : i1 to vector<16xi1>
    %reduce_sum3A_1054 = tpu.scan <sum>, %and3A_1038 masked %reduce_sum3A_1053 : vector<16xi32>, vector<16xi1> -> vector<16xi32>
    %reduce_sum3A_1055 = vector.extract %reduce_sum3A_1054[15] : i32 from vector<16xi32>
    %add3A_1056 = arith.addi %add3A_1030, %reduce_sum3A_1055 : i32
    %scan3A_1057 = arith.constant 0 : i32
    %scan3A_1058 = arith.constant 0 : i32
    %scan3A_1059 = arith.constant 8 : i32
    %scan3A_1060 = arith.addi %scan3A_1058, %scan3A_1059 : i32
    %scan3A_1061 = arith.constant 1 : i32
    scf.for %scan3A_1075 = %scan3A_1058 to %scan3A_1060 step %scan3A_1061  : i32 {
      %mul3A_1076 = arith.constant 2048 : i32
      %mul3A_1077 = arith.muli %scan3A_1075, %mul3A_1076 : i32
      %add3A_1078 = arith.addi %mul3A_0, %mul3A_1077 : i32
      "tpu.region"() ({
        %run_scoped3A = tpu.sem_alloc : memref<!tpu.dma_semaphore, #tpu.memory_space<semaphore_mem>>
        %dma_start3A = tpu.memref_slice %arg3[%add3A_1078] : memref<262144xi32, #tpu.memory_space<hbm>> -> memref<2048xi32, #tpu.memory_space<hbm>>
        %dma_start3A_1084 = tpu.memref_slice %arg3[%add3A_1078] : memref<262144xi32, #tpu.memory_space<hbm>> -> memref<2048xi32, #tpu.memory_space<hbm>>
        tpu.enqueue_dma source(%dma_start3A_1084 : memref<2048xi32, #tpu.memory_space<hbm>>) target(%arg6 : memref<2048xi32, #tpu.memory_space<vmem>>) target_semaphore(%run_scoped3A : memref<!tpu.dma_semaphore, #tpu.memory_space<semaphore_mem>>)
        %dma_wait3A = tpu.memref_slice %arg3[%add3A_1078] : memref<262144xi32, #tpu.memory_space<hbm>> -> memref<2048xi32, #tpu.memory_space<hbm>>
        %dma_wait3A_1085 = tpu.memref_slice %arg3[%add3A_1078] : memref<262144xi32, #tpu.memory_space<hbm>> -> memref<2048xi32, #tpu.memory_space<hbm>>
        tpu.wait_dma2 semaphore(%run_scoped3A : memref<!tpu.dma_semaphore, #tpu.memory_space<semaphore_mem>>) src(%dma_wait3A_1085 : memref<2048xi32, #tpu.memory_space<hbm>>) dst(%arg6 : memref<2048xi32, #tpu.memory_space<vmem>>)
        tpu.yield
      }) : () -> ()
      %scan3A_1079 = arith.constant 0 : i32
      %scan3A_1080 = arith.constant 128 : i32
      %scan3A_1081 = arith.addi %scan3A_1079, %scan3A_1080 : i32
      %scan3A_1082 = arith.constant 1 : i32
      scf.for %scan3A_1084 = %scan3A_1079 to %scan3A_1081 step %scan3A_1082  : i32 {
        %mul3A_1085 = arith.constant 16 : i32
        %mul3A_1086 = arith.muli %scan3A_1084, %mul3A_1085 : i32
        %get3A_1087 = arith.index_cast %mul3A_1086 : i32 to index
        %get3A_1088 = tpu.vector_load %arg6[%get3A_1087] {strides = array<i32>} : memref<2048xi32, #tpu.memory_space<vmem>>, vector<16xi32>,
        %shift_right_logical3A = arith.constant 13 : i32
        %shift_right_logical3A_1089 = vector.broadcast %shift_right_logical3A : i32 to vector<16xi32>
        %shift_right_logical3A_1090 = arith.shrui %get3A_1088, %shift_right_logical3A_1089 : vector<16xi32>
        %gather3A = tpu.vector_load_idx %arg15[%shift_right_logical3A_1090] : memref<48xi32, #tpu.memory_space<vmem>>[vector<16xi32>], vector<16xi32>,
        %broadcast_in_dim3A_1091 = arith.constant true
        %broadcast_in_dim3A_1092 = vector.broadcast %broadcast_in_dim3A_1091 : i1 to vector<16xi1>
        %unique3A, %unique3A_1093 = tpu.scan_count mask(%broadcast_in_dim3A_1092 : vector<16xi1>) value(%shift_right_logical3A_1090 : vector<16xi32>) : vector<16xi1>, vector<16xi32>
        %add3A_1094 = arith.addi %gather3A, %unique3A_1093 : vector<16xi32>
        %sub3A_1095 = arith.constant 1 : i32
        %sub3A_1096 = vector.broadcast %sub3A_1095 : i32 to vector<16xi32>
        %sub3A_1097 = arith.subi %add3A_1094, %sub3A_1096 : vector<16xi32>
        %add3A_1098 = arith.addi %gather3A, %unique3A_1093 : vector<16xi32>
        tpu.vector_store_idx %arg15[%shift_right_logical3A_1090], %add3A_1098 masked %unique3A : memref<48xi32, #tpu.memory_space<vmem>>[vector<16xi32>], vector<16xi32>, vector<16xi1>
        %and3A_1099 = arith.constant 8191 : i32
        %and3A_1100 = vector.broadcast %and3A_1099 : i32 to vector<16xi32>
        %and3A_1101 = arith.andi %get3A_1088, %and3A_1100 : vector<16xi32>
        %shift_left3A = arith.constant 18 : i32
        %shift_left3A_1102 = vector.broadcast %shift_left3A : i32 to vector<16xi32>
        %shift_left3A_1103 = arith.shli %and3A_1101, %shift_left3A_1102 : vector<16xi32>
        %mul3A_1104 = arith.constant 2048 : i32
        %mul3A_1105 = arith.muli %scan3A_1075, %mul3A_1104 : i32
        %add3A_1106 = arith.addi %mul3A_0, %mul3A_1105 : i32
        %mul3A_1107 = arith.constant 16 : i32
        %mul3A_1108 = arith.muli %scan3A_1084, %mul3A_1107 : i32
        %add3A_1109 = arith.addi %add3A_1106, %mul3A_1108 : i32
        %add3A_1110 = vector.broadcast %add3A_1109 : i32 to vector<16xi32>
        %add3A_1111 = arith.addi %add3A_1110, %iota3A : vector<16xi32>
        %or3A = arith.ori %shift_left3A_1103, %add3A_1111 : vector<16xi32>
        tpu.vector_store_idx %arg7[%sub3A_1097], %or3A : memref<20608xi32, #tpu.memory_space<vmem>>[vector<16xi32>], vector<16xi32>,
      }
      %scan3A_1083 = arith.constant 128 : i32
    }
    %scan3A_1062 = arith.constant 8 : i32
    %scan3A_1063 = arith.constant 0 : i32
    %scan3A_1064 = arith.constant 0 : i32
    %scan3A_1065 = arith.constant 16 : i32
    %scan3A_1066 = arith.addi %scan3A_1064, %scan3A_1065 : i32
    %scan3A_1067 = arith.constant 1 : i32
    scf.for %scan3A_1075 = %scan3A_1064 to %scan3A_1066 step %scan3A_1067  : i32 {
      %mul3A_1076 = arith.constant 520 : i32
      %mul3A_1077 = arith.muli %arg1, %mul3A_1076 : i32
      %scan3A_1078 = arith.constant 0 : i32
      %scan3A_1079 = arith.constant 0 : i32
      %scan3A_1080 = arith.constant 26 : i32
      %scan3A_1081 = arith.addi %scan3A_1079, %scan3A_1080 : i32
      %scan3A_1082 = arith.constant 1 : i32
      scf.for %scan3A_1271 = %scan3A_1079 to %scan3A_1081 step %scan3A_1082  : i32 {
        %mul3A_1272 = arith.constant 20 : i32
        %mul3A_1273 = arith.muli %scan3A_1271, %mul3A_1272 : i32
        %add3A_1274 = arith.addi %mul3A_1077, %mul3A_1273 : i32
        %dma_start3A_1275 = arith.constant 0 : i32
        %dma_start3A_1276 = tpu.memref_slice %arg16[%add3A_1274, %dma_start3A_1275] : memref<8320x128xf32, #tpu.memory_space<vmem_shared>> -> memref<20x128xf32, #tpu.memory_space<vmem_shared>>
        %dma_start3A_1277 = arith.constant 0 : i32
        %dma_start3A_1278 = tpu.memref_slice %arg16[%add3A_1274, %dma_start3A_1277] : memref<8320x128xf32, #tpu.memory_space<vmem_shared>> -> memref<20x128xf32, #tpu.memory_space<vmem_shared>>
        tpu.enqueue_dma source(%arg12 : memref<20x128xf32, #tpu.memory_space<vmem>>) target(%dma_start3A_1278 : memref<20x128xf32, #tpu.memory_space<vmem_shared>>) target_semaphore(%arg19 : memref<!tpu.dma_semaphore, #tpu.memory_space<semaphore_mem>>)
      }
      %scan3A_1083 = arith.constant 26 : i32
      %scan3A_1084 = arith.constant 0 : i32
      %scan3A_1085 = arith.constant 0 : i32
      %scan3A_1086 = arith.constant 26 : i32
      %scan3A_1087 = arith.addi %scan3A_1085, %scan3A_1086 : i32
      %scan3A_1088 = arith.constant 1 : i32
      scf.for %scan3A_1271 = %scan3A_1085 to %scan3A_1087 step %scan3A_1088  : i32 {
        %mul3A_1272 = arith.constant 20 : i32
        %mul3A_1273 = arith.muli %scan3A_1271, %mul3A_1272 : i32
        %add3A_1274 = arith.addi %mul3A_1077, %mul3A_1273 : i32
        %dma_wait3A_1275 = arith.constant 0 : i32
        %dma_wait3A_1276 = tpu.memref_slice %arg16[%add3A_1274, %dma_wait3A_1275] : memref<8320x128xf32, #tpu.memory_space<vmem_shared>> -> memref<20x128xf32, #tpu.memory_space<vmem_shared>>
        %dma_wait3A_1277 = arith.constant 0 : i32
        %dma_wait3A_1278 = tpu.memref_slice %arg16[%add3A_1274, %dma_wait3A_1277] : memref<8320x128xf32, #tpu.memory_space<vmem_shared>> -> memref<20x128xf32, #tpu.memory_space<vmem_shared>>
        tpu.wait_dma2 semaphore(%arg19 : memref<!tpu.dma_semaphore, #tpu.memory_space<semaphore_mem>>) src(%arg12 : memref<20x128xf32, #tpu.memory_space<vmem>>) dst(%dma_wait3A_1278 : memref<20x128xf32, #tpu.memory_space<vmem_shared>>)
      }
      %scan3A_1089 = arith.constant 26 : i32
      %barrier3A = arith.constant 0 : index
      tpu.barrier barrier_id(%barrier3A)
      %mul3A_1090 = arith.constant 2 : i32
      %mul3A_1091 = arith.muli %mul3A_1090, %scan3A_1075 : i32
      %add3A_1092 = arith.addi %mul3A_1091, %arg0 : i32
      %get3A_1093 = arith.constant 0 : index
      %get3A_1094 = tpu.vector_load %arg14[%get3A_1093] {strides = array<i32>} : memref<48xi32, #tpu.memory_space<vmem>>, vector<16xi32>,
      %iota3A_1095 = tpu.iota {dimensions = array<i32: 0>} : vector<16xi32>
      %add3A_1096 = arith.constant 0 : i32
      %add3A_1097 = vector.broadcast %add3A_1096 : i32 to vector<16xi32>
      %add3A_1098 = arith.addi %iota3A_1095, %add3A_1097 : vector<16xi32>
      %eq3A = vector.broadcast %add3A_1092 : i32 to vector<16xi32>
      %eq3A_1099 = arith.cmpi eq, %add3A_1098, %eq3A : vector<16xi32>
      %jit3A = arith.constant 0 : i32
      %broadcast_in_dim3A_1100 = vector.broadcast %jit3A : i32 to vector<16xi32>
      %select_n3A = arith.select %eq3A_1099, %get3A_1094, %broadcast_in_dim3A_1100 : vector<16xi1>, vector<16xi32>
      %reduce_sum3A_1101 = arith.constant true
      %reduce_sum3A_1102 = vector.broadcast %reduce_sum3A_1101 : i1 to vector<16xi1>
      %reduce_sum3A_1103 = tpu.scan <sum>, %select_n3A masked %reduce_sum3A_1102 : vector<16xi32>, vector<16xi1> -> vector<16xi32>
      %reduce_sum3A_1104 = vector.extract %reduce_sum3A_1103[15] : i32 from vector<16xi32>
      %add3A_1105 = arith.constant 0 : i32
      %add3A_1106 = arith.addi %add3A_1105, %reduce_sum3A_1104 : i32
      %get3A_1107 = arith.constant 16 : index
      %get3A_1108 = tpu.vector_load %arg14[%get3A_1107] {strides = array<i32>} : memref<48xi32, #tpu.memory_space<vmem>>, vector<16xi32>,
      %iota3A_1109 = tpu.iota {dimensions = array<i32: 0>} : vector<16xi32>
      %add3A_1110 = arith.constant 16 : i32
      %add3A_1111 = vector.broadcast %add3A_1110 : i32 to vector<16xi32>
      %add3A_1112 = arith.addi %iota3A_1109, %add3A_1111 : vector<16xi32>
      %eq3A_1113 = vector.broadcast %add3A_1092 : i32 to vector<16xi32>
      %eq3A_1114 = arith.cmpi eq, %add3A_1112, %eq3A_1113 : vector<16xi32>
      %jit3A_1115 = arith.constant 0 : i32
      %broadcast_in_dim3A_1116 = vector.broadcast %jit3A_1115 : i32 to vector<16xi32>
      %select_n3A_1117 = arith.select %eq3A_1114, %get3A_1108, %broadcast_in_dim3A_1116 : vector<16xi1>, vector<16xi32>
      %reduce_sum3A_1118 = arith.constant true
      %reduce_sum3A_1119 = vector.broadcast %reduce_sum3A_1118 : i1 to vector<16xi1>
      %reduce_sum3A_1120 = tpu.scan <sum>, %select_n3A_1117 masked %reduce_sum3A_1119 : vector<16xi32>, vector<16xi1> -> vector<16xi32>
      %reduce_sum3A_1121 = vector.extract %reduce_sum3A_1120[15] : i32 from vector<16xi32>
      %add3A_1122 = arith.addi %add3A_1106, %reduce_sum3A_1121 : i32
      %get3A_1123 = arith.constant 32 : index
      %get3A_1124 = tpu.vector_load %arg14[%get3A_1123] {strides = array<i32>} : memref<48xi32, #tpu.memory_space<vmem>>, vector<16xi32>,
      %iota3A_1125 = tpu.iota {dimensions = array<i32: 0>} : vector<16xi32>
      %add3A_1126 = arith.constant 32 : i32
      %add3A_1127 = vector.broadcast %add3A_1126 : i32 to vector<16xi32>
      %add3A_1128 = arith.addi %iota3A_1125, %add3A_1127 : vector<16xi32>
      %eq3A_1129 = vector.broadcast %add3A_1092 : i32 to vector<16xi32>
      %eq3A_1130 = arith.cmpi eq, %add3A_1128, %eq3A_1129 : vector<16xi32>
      %jit3A_1131 = arith.constant 0 : i32
      %broadcast_in_dim3A_1132 = vector.broadcast %jit3A_1131 : i32 to vector<16xi32>
      %select_n3A_1133 = arith.select %eq3A_1130, %get3A_1124, %broadcast_in_dim3A_1132 : vector<16xi1>, vector<16xi32>
      %reduce_sum3A_1134 = arith.constant true
      %reduce_sum3A_1135 = vector.broadcast %reduce_sum3A_1134 : i1 to vector<16xi1>
      %reduce_sum3A_1136 = tpu.scan <sum>, %select_n3A_1133 masked %reduce_sum3A_1135 : vector<16xi32>, vector<16xi1> -> vector<16xi32>
      %reduce_sum3A_1137 = vector.extract %reduce_sum3A_1136[15] : i32 from vector<16xi32>
      %add3A_1138 = arith.addi %add3A_1122, %reduce_sum3A_1137 : i32
      %get3A_1139 = arith.constant 0 : index
      %get3A_1140 = tpu.vector_load %arg13[%get3A_1139] {strides = array<i32>} : memref<48xi32, #tpu.memory_space<vmem>>, vector<16xi32>,
      %iota3A_1141 = tpu.iota {dimensions = array<i32: 0>} : vector<16xi32>
      %add3A_1142 = arith.constant 0 : i32
      %add3A_1143 = vector.broadcast %add3A_1142 : i32 to vector<16xi32>
      %add3A_1144 = arith.addi %iota3A_1141, %add3A_1143 : vector<16xi32>
      %eq3A_1145 = vector.broadcast %add3A_1092 : i32 to vector<16xi32>
      %eq3A_1146 = arith.cmpi eq, %add3A_1144, %eq3A_1145 : vector<16xi32>
      %jit3A_1147 = arith.constant 0 : i32
      %broadcast_in_dim3A_1148 = vector.broadcast %jit3A_1147 : i32 to vector<16xi32>
      %select_n3A_1149 = arith.select %eq3A_1146, %get3A_1140, %broadcast_in_dim3A_1148 : vector<16xi1>, vector<16xi32>
      %reduce_sum3A_1150 = arith.constant true
      %reduce_sum3A_1151 = vector.broadcast %reduce_sum3A_1150 : i1 to vector<16xi1>
      %reduce_sum3A_1152 = tpu.scan <sum>, %select_n3A_1149 masked %reduce_sum3A_1151 : vector<16xi32>, vector<16xi1> -> vector<16xi32>
      %reduce_sum3A_1153 = vector.extract %reduce_sum3A_1152[15] : i32 from vector<16xi32>
      %add3A_1154 = arith.constant 0 : i32
      %add3A_1155 = arith.addi %add3A_1154, %reduce_sum3A_1153 : i32
      %get3A_1156 = arith.constant 16 : index
      %get3A_1157 = tpu.vector_load %arg13[%get3A_1156] {strides = array<i32>} : memref<48xi32, #tpu.memory_space<vmem>>, vector<16xi32>,
      %iota3A_1158 = tpu.iota {dimensions = array<i32: 0>} : vector<16xi32>
      %add3A_1159 = arith.constant 16 : i32
      %add3A_1160 = vector.broadcast %add3A_1159 : i32 to vector<16xi32>
      %add3A_1161 = arith.addi %iota3A_1158, %add3A_1160 : vector<16xi32>
      %eq3A_1162 = vector.broadcast %add3A_1092 : i32 to vector<16xi32>
      %eq3A_1163 = arith.cmpi eq, %add3A_1161, %eq3A_1162 : vector<16xi32>
      %jit3A_1164 = arith.constant 0 : i32
      %broadcast_in_dim3A_1165 = vector.broadcast %jit3A_1164 : i32 to vector<16xi32>
      %select_n3A_1166 = arith.select %eq3A_1163, %get3A_1157, %broadcast_in_dim3A_1165 : vector<16xi1>, vector<16xi32>
      %reduce_sum3A_1167 = arith.constant true
      %reduce_sum3A_1168 = vector.broadcast %reduce_sum3A_1167 : i1 to vector<16xi1>
      %reduce_sum3A_1169 = tpu.scan <sum>, %select_n3A_1166 masked %reduce_sum3A_1168 : vector<16xi32>, vector<16xi1> -> vector<16xi32>
      %reduce_sum3A_1170 = vector.extract %reduce_sum3A_1169[15] : i32 from vector<16xi32>
      %add3A_1171 = arith.addi %add3A_1155, %reduce_sum3A_1170 : i32
      %get3A_1172 = arith.constant 32 : index
      %get3A_1173 = tpu.vector_load %arg13[%get3A_1172] {strides = array<i32>} : memref<48xi32, #tpu.memory_space<vmem>>, vector<16xi32>,
      %iota3A_1174 = tpu.iota {dimensions = array<i32: 0>} : vector<16xi32>
      %add3A_1175 = arith.constant 32 : i32
      %add3A_1176 = vector.broadcast %add3A_1175 : i32 to vector<16xi32>
      %add3A_1177 = arith.addi %iota3A_1174, %add3A_1176 : vector<16xi32>
      %eq3A_1178 = vector.broadcast %add3A_1092 : i32 to vector<16xi32>
      %eq3A_1179 = arith.cmpi eq, %add3A_1177, %eq3A_1178 : vector<16xi32>
      %jit3A_1180 = arith.constant 0 : i32
      %broadcast_in_dim3A_1181 = vector.broadcast %jit3A_1180 : i32 to vector<16xi32>
      %select_n3A_1182 = arith.select %eq3A_1179, %get3A_1173, %broadcast_in_dim3A_1181 : vector<16xi1>, vector<16xi32>
      %reduce_sum3A_1183 = arith.constant true
      %reduce_sum3A_1184 = vector.broadcast %reduce_sum3A_1183 : i1 to vector<16xi1>
      %reduce_sum3A_1185 = tpu.scan <sum>, %select_n3A_1182 masked %reduce_sum3A_1184 : vector<16xi32>, vector<16xi1> -> vector<16xi32>
      %reduce_sum3A_1186 = vector.extract %reduce_sum3A_1185[15] : i32 from vector<16xi32>
      %add3A_1187 = arith.addi %add3A_1171, %reduce_sum3A_1186 : i32
      %add3A_1188 = arith.constant 128 : i32
      %add3A_1189 = arith.addi %add3A_1187, %add3A_1188 : i32
      %sub3A_1190 = arith.constant 1 : i32
      %sub3A_1191 = arith.subi %add3A_1189, %sub3A_1190 : i32
      %jit3A_1192 = arith.constant 128 : i32
      %div3A = arith.divsi %sub3A_1191, %jit3A_1192 : i32
      %sign3A = arith.constant 0 : i32
      %sign3A_1193 = arith.cmpi sgt, %sub3A_1191, %sign3A : i32
      %sign3A_1194 = arith.extui %sign3A_1193 : i1 to i32
      %sign3A_1195 = arith.constant 0 : i32
      %sign3A_1196 = arith.cmpi slt, %sub3A_1191, %sign3A_1195 : i32
      %sign3A_1197 = arith.extui %sign3A_1196 : i1 to i32
      %sign3A_1198 = arith.subi %sign3A_1194, %sign3A_1197 : i32
      %sign3A_1199 = arith.constant 0 : i32
      %sign3A_1200 = arith.cmpi sgt, %jit3A_1192, %sign3A_1199 : i32
      %sign3A_1201 = arith.extui %sign3A_1200 : i1 to i32
      %sign3A_1202 = arith.constant 0 : i32
      %sign3A_1203 = arith.cmpi slt, %jit3A_1192, %sign3A_1202 : i32
      %sign3A_1204 = arith.extui %sign3A_1203 : i1 to i32
      %sign3A_1205 = arith.subi %sign3A_1201, %sign3A_1204 : i32
      %ne3A = arith.cmpi ne, %sign3A_1198, %sign3A_1205 : i32
      %rem3A = arith.remsi %sub3A_1191, %jit3A_1192 : i32
      %ne3A_1206 = arith.constant 0 : i32
      %ne3A_1207 = arith.cmpi ne, %rem3A, %ne3A_1206 : i32
      %and3A_1208 = arith.andi %ne3A, %ne3A_1207 : i1
      %sub3A_1209 = arith.constant 1 : i32
      %sub3A_1210 = arith.subi %div3A, %sub3A_1209 : i32
      %select_n3A_1211 = arith.select %and3A_1208, %sub3A_1210, %div3A : i32
      %jit3A_1212 = arith.constant 2 : i32
      %div3A_1213 = arith.divsi %select_n3A_1211, %jit3A_1212 : i32
      %sign3A_1214 = arith.constant 0 : i32
      %sign3A_1215 = arith.cmpi sgt, %select_n3A_1211, %sign3A_1214 : i32
      %sign3A_1216 = arith.extui %sign3A_1215 : i1 to i32
      %sign3A_1217 = arith.constant 0 : i32
      %sign3A_1218 = arith.cmpi slt, %select_n3A_1211, %sign3A_1217 : i32
      %sign3A_1219 = arith.extui %sign3A_1218 : i1 to i32
      %sign3A_1220 = arith.subi %sign3A_1216, %sign3A_1219 : i32
      %sign3A_1221 = arith.constant 0 : i32
      %sign3A_1222 = arith.cmpi sgt, %jit3A_1212, %sign3A_1221 : i32
      %sign3A_1223 = arith.extui %sign3A_1222 : i1 to i32
      %sign3A_1224 = arith.constant 0 : i32
      %sign3A_1225 = arith.cmpi slt, %jit3A_1212, %sign3A_1224 : i32
      %sign3A_1226 = arith.extui %sign3A_1225 : i1 to i32
      %sign3A_1227 = arith.subi %sign3A_1223, %sign3A_1226 : i32
      %ne3A_1228 = arith.cmpi ne, %sign3A_1220, %sign3A_1227 : i32
      %rem3A_1229 = arith.remsi %select_n3A_1211, %jit3A_1212 : i32
      %ne3A_1230 = arith.constant 0 : i32
      %ne3A_1231 = arith.cmpi ne, %rem3A_1229, %ne3A_1230 : i32
      %and3A_1232 = arith.andi %ne3A_1228, %ne3A_1231 : i1
      %sub3A_1233 = arith.constant 1 : i32
      %sub3A_1234 = arith.subi %div3A_1213, %sub3A_1233 : i32
      %select_n3A_1235 = arith.select %and3A_1232, %sub3A_1234, %div3A_1213 : i32
      %while3A = arith.constant 0 : i32
      %while3A_1236 = arith.constant 0 : i32
      %while3A_1237 = arith.subi %select_n3A_1235, %while3A_1236 : i32
      %while3A_1238 = arith.addi %while3A_1236, %while3A_1237 : i32
      %while3A_1239 = arith.constant 1 : i32
      %while3A_1240 = arith.divsi %while3A_1237, %while3A_1239 : i32
      %while3A_1241 = arith.muli %while3A_1240, %while3A_1239 : i32
      %while3A_1242 = arith.addi %while3A_1236, %while3A_1241 : i32
      %while3A_1243 = arith.constant 1 : i32
      scf.for %while3A_1271 = %while3A_1236 to %while3A_1242 step %while3A_1243  : i32 {
        %mul3A_1272 = arith.constant 2 : i32
        %mul3A_1273 = arith.muli %mul3A_1272, %while3A_1271 : i32
        %mul3A_1274 = arith.constant 128 : i32
        %mul3A_1275 = arith.muli %mul3A_1273, %mul3A_1274 : i32
        %add3A_1276 = arith.addi %add3A_1138, %mul3A_1275 : i32
        %add3A_1277 = arith.constant 0 : i32
        %add3A_1278 = arith.addi %add3A_1276, %add3A_1277 : i32
        %get3A_1279 = arith.index_cast %add3A_1278 : i32 to index
        %get3A_1280 = tpu.vector_load %arg7[%get3A_1279] {strides = array<i32>} : memref<20608xi32, #tpu.memory_space<vmem>>, vector<16xi32>,
        %and3A_1281 = arith.constant 262143 : i32
        %and3A_1282 = vector.broadcast %and3A_1281 : i32 to vector<16xi32>
        %and3A_1283 = arith.andi %get3A_1280, %and3A_1282 : vector<16xi32>
        %shift_right_logical3A = arith.constant 18 : i32
        %shift_right_logical3A_1284 = vector.broadcast %shift_right_logical3A : i32 to vector<16xi32>
        %shift_right_logical3A_1285 = arith.shrui %get3A_1280, %shift_right_logical3A_1284 : vector<16xi32>
        %swap3A_1286 = arith.constant 0 : i32
        %swap3A_1287 = arith.index_cast %swap3A_1286 : i32 to index
        %swap3A_1288 = arith.constant 0 : index
        %swap3A_1289 = tpu.vector_load %arg8[%swap3A_1287, %swap3A_1288] {strides = array<i32>} : memref<2x128xi32, #tpu.memory_space<vmem>>, vector<16xi32>,
        tpu.vector_store %arg8[%swap3A_1287, %swap3A_1288], %and3A_1283 {strides = array<i32>} : memref<2x128xi32, #tpu.memory_space<vmem>>, vector<16xi32>,
        %swap3A_1290 = arith.constant 0 : i32
        %swap3A_1291 = arith.index_cast %swap3A_1290 : i32 to index
        %swap3A_1292 = arith.constant 0 : index
        %swap3A_1293 = tpu.vector_load %arg9[%swap3A_1291, %swap3A_1292] {strides = array<i32>} : memref<2x128xi32, #tpu.memory_space<vmem>>, vector<16xi32>,
        tpu.vector_store %arg9[%swap3A_1291, %swap3A_1292], %shift_right_logical3A_1285 {strides = array<i32>} : memref<2x128xi32, #tpu.memory_space<vmem>>, vector<16xi32>,
        %mul3A_1294 = arith.constant 128 : i32
        %mul3A_1295 = arith.muli %mul3A_1273, %mul3A_1294 : i32
        %add3A_1296 = arith.addi %add3A_1138, %mul3A_1295 : i32
        %add3A_1297 = arith.constant 16 : i32
        %add3A_1298 = arith.addi %add3A_1296, %add3A_1297 : i32
        %get3A_1299 = arith.index_cast %add3A_1298 : i32 to index
        %get3A_1300 = tpu.vector_load %arg7[%get3A_1299] {strides = array<i32>} : memref<20608xi32, #tpu.memory_space<vmem>>, vector<16xi32>,
        %and3A_1301 = arith.constant 262143 : i32
        %and3A_1302 = vector.broadcast %and3A_1301 : i32 to vector<16xi32>
        %and3A_1303 = arith.andi %get3A_1300, %and3A_1302 : vector<16xi32>
        %shift_right_logical3A_1304 = arith.constant 18 : i32
        %shift_right_logical3A_1305 = vector.broadcast %shift_right_logical3A_1304 : i32 to vector<16xi32>
        %shift_right_logical3A_1306 = arith.shrui %get3A_1300, %shift_right_logical3A_1305 : vector<16xi32>
        %swap3A_1307 = arith.constant 0 : i32
        %swap3A_1308 = arith.index_cast %swap3A_1307 : i32 to index
        %swap3A_1309 = arith.constant 16 : index
        %swap3A_1310 = tpu.vector_load %arg8[%swap3A_1308, %swap3A_1309] {strides = array<i32>} : memref<2x128xi32, #tpu.memory_space<vmem>>, vector<16xi32>,
        tpu.vector_store %arg8[%swap3A_1308, %swap3A_1309], %and3A_1303 {strides = array<i32>} : memref<2x128xi32, #tpu.memory_space<vmem>>, vector<16xi32>,
        %swap3A_1311 = arith.constant 0 : i32
        %swap3A_1312 = arith.index_cast %swap3A_1311 : i32 to index
        %swap3A_1313 = arith.constant 16 : index
        %swap3A_1314 = tpu.vector_load %arg9[%swap3A_1312, %swap3A_1313] {strides = array<i32>} : memref<2x128xi32, #tpu.memory_space<vmem>>, vector<16xi32>,
        tpu.vector_store %arg9[%swap3A_1312, %swap3A_1313], %shift_right_logical3A_1306 {strides = array<i32>} : memref<2x128xi32, #tpu.memory_space<vmem>>, vector<16xi32>,
        %mul3A_1315 = arith.constant 128 : i32
        %mul3A_1316 = arith.muli %mul3A_1273, %mul3A_1315 : i32
        %add3A_1317 = arith.addi %add3A_1138, %mul3A_1316 : i32
        %add3A_1318 = arith.constant 32 : i32
        %add3A_1319 = arith.addi %add3A_1317, %add3A_1318 : i32
        %get3A_1320 = arith.index_cast %add3A_1319 : i32 to index
        %get3A_1321 = tpu.vector_load %arg7[%get3A_1320] {strides = array<i32>} : memref<20608xi32, #tpu.memory_space<vmem>>, vector<16xi32>,
        %and3A_1322 = arith.constant 262143 : i32
        %and3A_1323 = vector.broadcast %and3A_1322 : i32 to vector<16xi32>
        %and3A_1324 = arith.andi %get3A_1321, %and3A_1323 : vector<16xi32>
        %shift_right_logical3A_1325 = arith.constant 18 : i32
        %shift_right_logical3A_1326 = vector.broadcast %shift_right_logical3A_1325 : i32 to vector<16xi32>
        %shift_right_logical3A_1327 = arith.shrui %get3A_1321, %shift_right_logical3A_1326 : vector<16xi32>
        %swap3A_1328 = arith.constant 0 : i32
        %swap3A_1329 = arith.index_cast %swap3A_1328 : i32 to index
        %swap3A_1330 = arith.constant 32 : index
        %swap3A_1331 = tpu.vector_load %arg8[%swap3A_1329, %swap3A_1330] {strides = array<i32>} : memref<2x128xi32, #tpu.memory_space<vmem>>, vector<16xi32>,
        tpu.vector_store %arg8[%swap3A_1329, %swap3A_1330], %and3A_1324 {strides = array<i32>} : memref<2x128xi32, #tpu.memory_space<vmem>>, vector<16xi32>,
        %swap3A_1332 = arith.constant 0 : i32
        %swap3A_1333 = arith.index_cast %swap3A_1332 : i32 to index
        %swap3A_1334 = arith.constant 32 : index
        %swap3A_1335 = tpu.vector_load %arg9[%swap3A_1333, %swap3A_1334] {strides = array<i32>} : memref<2x128xi32, #tpu.memory_space<vmem>>, vector<16xi32>,
        tpu.vector_store %arg9[%swap3A_1333, %swap3A_1334], %shift_right_logical3A_1327 {strides = array<i32>} : memref<2x128xi32, #tpu.memory_space<vmem>>, vector<16xi32>,
        %mul3A_1336 = arith.constant 128 : i32
        %mul3A_1337 = arith.muli %mul3A_1273, %mul3A_1336 : i32
        %add3A_1338 = arith.addi %add3A_1138, %mul3A_1337 : i32
        %add3A_1339 = arith.constant 48 : i32
        %add3A_1340 = arith.addi %add3A_1338, %add3A_1339 : i32
        %get3A_1341 = arith.index_cast %add3A_1340 : i32 to index
        %get3A_1342 = tpu.vector_load %arg7[%get3A_1341] {strides = array<i32>} : memref<20608xi32, #tpu.memory_space<vmem>>, vector<16xi32>,
        %and3A_1343 = arith.constant 262143 : i32
        %and3A_1344 = vector.broadcast %and3A_1343 : i32 to vector<16xi32>
        %and3A_1345 = arith.andi %get3A_1342, %and3A_1344 : vector<16xi32>
        %shift_right_logical3A_1346 = arith.constant 18 : i32
        %shift_right_logical3A_1347 = vector.broadcast %shift_right_logical3A_1346 : i32 to vector<16xi32>
        %shift_right_logical3A_1348 = arith.shrui %get3A_1342, %shift_right_logical3A_1347 : vector<16xi32>
        %swap3A_1349 = arith.constant 0 : i32
        %swap3A_1350 = arith.index_cast %swap3A_1349 : i32 to index
        %swap3A_1351 = arith.constant 48 : index
        %swap3A_1352 = tpu.vector_load %arg8[%swap3A_1350, %swap3A_1351] {strides = array<i32>} : memref<2x128xi32, #tpu.memory_space<vmem>>, vector<16xi32>,
        tpu.vector_store %arg8[%swap3A_1350, %swap3A_1351], %and3A_1345 {strides = array<i32>} : memref<2x128xi32, #tpu.memory_space<vmem>>, vector<16xi32>,
        %swap3A_1353 = arith.constant 0 : i32
        %swap3A_1354 = arith.index_cast %swap3A_1353 : i32 to index
        %swap3A_1355 = arith.constant 48 : index
        %swap3A_1356 = tpu.vector_load %arg9[%swap3A_1354, %swap3A_1355] {strides = array<i32>} : memref<2x128xi32, #tpu.memory_space<vmem>>, vector<16xi32>,
        tpu.vector_store %arg9[%swap3A_1354, %swap3A_1355], %shift_right_logical3A_1348 {strides = array<i32>} : memref<2x128xi32, #tpu.memory_space<vmem>>, vector<16xi32>,
        %mul3A_1357 = arith.constant 128 : i32
        %mul3A_1358 = arith.muli %mul3A_1273, %mul3A_1357 : i32
        %add3A_1359 = arith.addi %add3A_1138, %mul3A_1358 : i32
        %add3A_1360 = arith.constant 64 : i32
        %add3A_1361 = arith.addi %add3A_1359, %add3A_1360 : i32
        %get3A_1362 = arith.index_cast %add3A_1361 : i32 to index
        %get3A_1363 = tpu.vector_load %arg7[%get3A_1362] {strides = array<i32>} : memref<20608xi32, #tpu.memory_space<vmem>>, vector<16xi32>,
        %and3A_1364 = arith.constant 262143 : i32
        %and3A_1365 = vector.broadcast %and3A_1364 : i32 to vector<16xi32>
        %and3A_1366 = arith.andi %get3A_1363, %and3A_1365 : vector<16xi32>
        %shift_right_logical3A_1367 = arith.constant 18 : i32
        %shift_right_logical3A_1368 = vector.broadcast %shift_right_logical3A_1367 : i32 to vector<16xi32>
        %shift_right_logical3A_1369 = arith.shrui %get3A_1363, %shift_right_logical3A_1368 : vector<16xi32>
        %swap3A_1370 = arith.constant 0 : i32
        %swap3A_1371 = arith.index_cast %swap3A_1370 : i32 to index
        %swap3A_1372 = arith.constant 64 : index
        %swap3A_1373 = tpu.vector_load %arg8[%swap3A_1371, %swap3A_1372] {strides = array<i32>} : memref<2x128xi32, #tpu.memory_space<vmem>>, vector<16xi32>,
        tpu.vector_store %arg8[%swap3A_1371, %swap3A_1372], %and3A_1366 {strides = array<i32>} : memref<2x128xi32, #tpu.memory_space<vmem>>, vector<16xi32>,
        %swap3A_1374 = arith.constant 0 : i32
        %swap3A_1375 = arith.index_cast %swap3A_1374 : i32 to index
        %swap3A_1376 = arith.constant 64 : index
        %swap3A_1377 = tpu.vector_load %arg9[%swap3A_1375, %swap3A_1376] {strides = array<i32>} : memref<2x128xi32, #tpu.memory_space<vmem>>, vector<16xi32>,
        tpu.vector_store %arg9[%swap3A_1375, %swap3A_1376], %shift_right_logical3A_1369 {strides = array<i32>} : memref<2x128xi32, #tpu.memory_space<vmem>>, vector<16xi32>,
        %mul3A_1378 = arith.constant 128 : i32
        %mul3A_1379 = arith.muli %mul3A_1273, %mul3A_1378 : i32
        %add3A_1380 = arith.addi %add3A_1138, %mul3A_1379 : i32
        %add3A_1381 = arith.constant 80 : i32
        %add3A_1382 = arith.addi %add3A_1380, %add3A_1381 : i32
        %get3A_1383 = arith.index_cast %add3A_1382 : i32 to index
        %get3A_1384 = tpu.vector_load %arg7[%get3A_1383] {strides = array<i32>} : memref<20608xi32, #tpu.memory_space<vmem>>, vector<16xi32>,
        %and3A_1385 = arith.constant 262143 : i32
        %and3A_1386 = vector.broadcast %and3A_1385 : i32 to vector<16xi32>
        %and3A_1387 = arith.andi %get3A_1384, %and3A_1386 : vector<16xi32>
        %shift_right_logical3A_1388 = arith.constant 18 : i32
        %shift_right_logical3A_1389 = vector.broadcast %shift_right_logical3A_1388 : i32 to vector<16xi32>
        %shift_right_logical3A_1390 = arith.shrui %get3A_1384, %shift_right_logical3A_1389 : vector<16xi32>
        %swap3A_1391 = arith.constant 0 : i32
        %swap3A_1392 = arith.index_cast %swap3A_1391 : i32 to index
        %swap3A_1393 = arith.constant 80 : index
        %swap3A_1394 = tpu.vector_load %arg8[%swap3A_1392, %swap3A_1393] {strides = array<i32>} : memref<2x128xi32, #tpu.memory_space<vmem>>, vector<16xi32>,
        tpu.vector_store %arg8[%swap3A_1392, %swap3A_1393], %and3A_1387 {strides = array<i32>} : memref<2x128xi32, #tpu.memory_space<vmem>>, vector<16xi32>,
        %swap3A_1395 = arith.constant 0 : i32
        %swap3A_1396 = arith.index_cast %swap3A_1395 : i32 to index
        %swap3A_1397 = arith.constant 80 : index
        %swap3A_1398 = tpu.vector_load %arg9[%swap3A_1396, %swap3A_1397] {strides = array<i32>} : memref<2x128xi32, #tpu.memory_space<vmem>>, vector<16xi32>,
        tpu.vector_store %arg9[%swap3A_1396, %swap3A_1397], %shift_right_logical3A_1390 {strides = array<i32>} : memref<2x128xi32, #tpu.memory_space<vmem>>, vector<16xi32>,
        %mul3A_1399 = arith.constant 128 : i32
        %mul3A_1400 = arith.muli %mul3A_1273, %mul3A_1399 : i32
        %add3A_1401 = arith.addi %add3A_1138, %mul3A_1400 : i32
        %add3A_1402 = arith.constant 96 : i32
        %add3A_1403 = arith.addi %add3A_1401, %add3A_1402 : i32
        %get3A_1404 = arith.index_cast %add3A_1403 : i32 to index
        %get3A_1405 = tpu.vector_load %arg7[%get3A_1404] {strides = array<i32>} : memref<20608xi32, #tpu.memory_space<vmem>>, vector<16xi32>,
        %and3A_1406 = arith.constant 262143 : i32
        %and3A_1407 = vector.broadcast %and3A_1406 : i32 to vector<16xi32>
        %and3A_1408 = arith.andi %get3A_1405, %and3A_1407 : vector<16xi32>
        %shift_right_logical3A_1409 = arith.constant 18 : i32
        %shift_right_logical3A_1410 = vector.broadcast %shift_right_logical3A_1409 : i32 to vector<16xi32>
        %shift_right_logical3A_1411 = arith.shrui %get3A_1405, %shift_right_logical3A_1410 : vector<16xi32>
        %swap3A_1412 = arith.constant 0 : i32
        %swap3A_1413 = arith.index_cast %swap3A_1412 : i32 to index
        %swap3A_1414 = arith.constant 96 : index
        %swap3A_1415 = tpu.vector_load %arg8[%swap3A_1413, %swap3A_1414] {strides = array<i32>} : memref<2x128xi32, #tpu.memory_space<vmem>>, vector<16xi32>,
        tpu.vector_store %arg8[%swap3A_1413, %swap3A_1414], %and3A_1408 {strides = array<i32>} : memref<2x128xi32, #tpu.memory_space<vmem>>, vector<16xi32>,
        %swap3A_1416 = arith.constant 0 : i32
        %swap3A_1417 = arith.index_cast %swap3A_1416 : i32 to index
        %swap3A_1418 = arith.constant 96 : index
        %swap3A_1419 = tpu.vector_load %arg9[%swap3A_1417, %swap3A_1418] {strides = array<i32>} : memref<2x128xi32, #tpu.memory_space<vmem>>, vector<16xi32>,
        tpu.vector_store %arg9[%swap3A_1417, %swap3A_1418], %shift_right_logical3A_1411 {strides = array<i32>} : memref<2x128xi32, #tpu.memory_space<vmem>>, vector<16xi32>,
        %mul3A_1420 = arith.constant 128 : i32
        %mul3A_1421 = arith.muli %mul3A_1273, %mul3A_1420 : i32
        %add3A_1422 = arith.addi %add3A_1138, %mul3A_1421 : i32
        %add3A_1423 = arith.constant 112 : i32
        %add3A_1424 = arith.addi %add3A_1422, %add3A_1423 : i32
        %get3A_1425 = arith.index_cast %add3A_1424 : i32 to index
        %get3A_1426 = tpu.vector_load %arg7[%get3A_1425] {strides = array<i32>} : memref<20608xi32, #tpu.memory_space<vmem>>, vector<16xi32>,
        %and3A_1427 = arith.constant 262143 : i32
        %and3A_1428 = vector.broadcast %and3A_1427 : i32 to vector<16xi32>
        %and3A_1429 = arith.andi %get3A_1426, %and3A_1428 : vector<16xi32>
        %shift_right_logical3A_1430 = arith.constant 18 : i32
        %shift_right_logical3A_1431 = vector.broadcast %shift_right_logical3A_1430 : i32 to vector<16xi32>
        %shift_right_logical3A_1432 = arith.shrui %get3A_1426, %shift_right_logical3A_1431 : vector<16xi32>
        %swap3A_1433 = arith.constant 0 : i32
        %swap3A_1434 = arith.index_cast %swap3A_1433 : i32 to index
        %swap3A_1435 = arith.constant 112 : index
        %swap3A_1436 = tpu.vector_load %arg8[%swap3A_1434, %swap3A_1435] {strides = array<i32>} : memref<2x128xi32, #tpu.memory_space<vmem>>, vector<16xi32>,
        tpu.vector_store %arg8[%swap3A_1434, %swap3A_1435], %and3A_1429 {strides = array<i32>} : memref<2x128xi32, #tpu.memory_space<vmem>>, vector<16xi32>,
        %swap3A_1437 = arith.constant 0 : i32
        %swap3A_1438 = arith.index_cast %swap3A_1437 : i32 to index
        %swap3A_1439 = arith.constant 112 : index
        %swap3A_1440 = tpu.vector_load %arg9[%swap3A_1438, %swap3A_1439] {strides = array<i32>} : memref<2x128xi32, #tpu.memory_space<vmem>>, vector<16xi32>,
        tpu.vector_store %arg9[%swap3A_1438, %swap3A_1439], %shift_right_logical3A_1432 {strides = array<i32>} : memref<2x128xi32, #tpu.memory_space<vmem>>, vector<16xi32>,
        %dma_start3A_1441 = arith.constant 0 : i32
        %dma_start3A_1442 = arith.constant 0 : i32
        %dma_start3A_1443 = tpu.memref_slice %arg8[%dma_start3A_1441, %dma_start3A_1442] : memref<2x128xi32, #tpu.memory_space<vmem>> -> memref<1x128xi32, #tpu.memory_space<vmem>>
        %dma_start3A_1444 = tpu.memref_squeeze %dma_start3A_1443 : memref<1x128xi32, #tpu.memory_space<vmem>> -> memref<128xi32, #tpu.memory_space<vmem>>
        %dma_start3A_1445 = arith.constant 0 : i32
        %dma_start3A_1446 = arith.constant 0 : i32
        %dma_start3A_1447 = tpu.memref_slice %arg2[%dma_start3A_1445, %dma_start3A_1446] : memref<264192x128xf32, #tpu.memory_space<hbm>> -> memref<264192x128xf32, #tpu.memory_space<hbm>>
        tpu.enqueue_indirect_dma source(%dma_start3A_1447 : memref<264192x128xf32, #tpu.memory_space<hbm>>) target(%arg10 : memref<128x128xf32, #tpu.memory_space<vmem>>) offsets(%dma_start3A_1444 : memref<128xi32, #tpu.memory_space<vmem>>) semaphore(%arg17 : memref<!tpu.dma_semaphore, #tpu.memory_space<semaphore_mem>>)
        %add3A_1448 = arith.constant 1 : i32
        %add3A_1449 = arith.addi %mul3A_1273, %add3A_1448 : i32
        %mul3A_1450 = arith.constant 128 : i32
        %mul3A_1451 = arith.muli %add3A_1449, %mul3A_1450 : i32
        %add3A_1452 = arith.addi %add3A_1138, %mul3A_1451 : i32
        %add3A_1453 = arith.constant 0 : i32
        %add3A_1454 = arith.addi %add3A_1452, %add3A_1453 : i32
        %get3A_1455 = arith.index_cast %add3A_1454 : i32 to index
        %get3A_1456 = tpu.vector_load %arg7[%get3A_1455] {strides = array<i32>} : memref<20608xi32, #tpu.memory_space<vmem>>, vector<16xi32>,
        %and3A_1457 = arith.constant 262143 : i32
        %and3A_1458 = vector.broadcast %and3A_1457 : i32 to vector<16xi32>
        %and3A_1459 = arith.andi %get3A_1456, %and3A_1458 : vector<16xi32>
        %shift_right_logical3A_1460 = arith.constant 18 : i32
        %shift_right_logical3A_1461 = vector.broadcast %shift_right_logical3A_1460 : i32 to vector<16xi32>
        %shift_right_logical3A_1462 = arith.shrui %get3A_1456, %shift_right_logical3A_1461 : vector<16xi32>
        %swap3A_1463 = arith.constant 1 : i32
        %swap3A_1464 = arith.index_cast %swap3A_1463 : i32 to index
        %swap3A_1465 = arith.constant 0 : index
        %swap3A_1466 = tpu.vector_load %arg8[%swap3A_1464, %swap3A_1465] {strides = array<i32>} : memref<2x128xi32, #tpu.memory_space<vmem>>, vector<16xi32>,
        tpu.vector_store %arg8[%swap3A_1464, %swap3A_1465], %and3A_1459 {strides = array<i32>} : memref<2x128xi32, #tpu.memory_space<vmem>>, vector<16xi32>,
        %swap3A_1467 = arith.constant 1 : i32
        %swap3A_1468 = arith.index_cast %swap3A_1467 : i32 to index
        %swap3A_1469 = arith.constant 0 : index
        %swap3A_1470 = tpu.vector_load %arg9[%swap3A_1468, %swap3A_1469] {strides = array<i32>} : memref<2x128xi32, #tpu.memory_space<vmem>>, vector<16xi32>,
        tpu.vector_store %arg9[%swap3A_1468, %swap3A_1469], %shift_right_logical3A_1462 {strides = array<i32>} : memref<2x128xi32, #tpu.memory_space<vmem>>, vector<16xi32>,
        %mul3A_1471 = arith.constant 128 : i32
        %mul3A_1472 = arith.muli %add3A_1449, %mul3A_1471 : i32
        %add3A_1473 = arith.addi %add3A_1138, %mul3A_1472 : i32
        %add3A_1474 = arith.constant 16 : i32
        %add3A_1475 = arith.addi %add3A_1473, %add3A_1474 : i32
        %get3A_1476 = arith.index_cast %add3A_1475 : i32 to index
        %get3A_1477 = tpu.vector_load %arg7[%get3A_1476] {strides = array<i32>} : memref<20608xi32, #tpu.memory_space<vmem>>, vector<16xi32>,
        %and3A_1478 = arith.constant 262143 : i32
        %and3A_1479 = vector.broadcast %and3A_1478 : i32 to vector<16xi32>
        %and3A_1480 = arith.andi %get3A_1477, %and3A_1479 : vector<16xi32>
        %shift_right_logical3A_1481 = arith.constant 18 : i32
        %shift_right_logical3A_1482 = vector.broadcast %shift_right_logical3A_1481 : i32 to vector<16xi32>
        %shift_right_logical3A_1483 = arith.shrui %get3A_1477, %shift_right_logical3A_1482 : vector<16xi32>
        %swap3A_1484 = arith.constant 1 : i32
        %swap3A_1485 = arith.index_cast %swap3A_1484 : i32 to index
        %swap3A_1486 = arith.constant 16 : index
        %swap3A_1487 = tpu.vector_load %arg8[%swap3A_1485, %swap3A_1486] {strides = array<i32>} : memref<2x128xi32, #tpu.memory_space<vmem>>, vector<16xi32>,
        tpu.vector_store %arg8[%swap3A_1485, %swap3A_1486], %and3A_1480 {strides = array<i32>} : memref<2x128xi32, #tpu.memory_space<vmem>>, vector<16xi32>,
        %swap3A_1488 = arith.constant 1 : i32
        %swap3A_1489 = arith.index_cast %swap3A_1488 : i32 to index
        %swap3A_1490 = arith.constant 16 : index
        %swap3A_1491 = tpu.vector_load %arg9[%swap3A_1489, %swap3A_1490] {strides = array<i32>} : memref<2x128xi32, #tpu.memory_space<vmem>>, vector<16xi32>,
        tpu.vector_store %arg9[%swap3A_1489, %swap3A_1490], %shift_right_logical3A_1483 {strides = array<i32>} : memref<2x128xi32, #tpu.memory_space<vmem>>, vector<16xi32>,
        %mul3A_1492 = arith.constant 128 : i32
        %mul3A_1493 = arith.muli %add3A_1449, %mul3A_1492 : i32
        %add3A_1494 = arith.addi %add3A_1138, %mul3A_1493 : i32
        %add3A_1495 = arith.constant 32 : i32
        %add3A_1496 = arith.addi %add3A_1494, %add3A_1495 : i32
        %get3A_1497 = arith.index_cast %add3A_1496 : i32 to index
        %get3A_1498 = tpu.vector_load %arg7[%get3A_1497] {strides = array<i32>} : memref<20608xi32, #tpu.memory_space<vmem>>, vector<16xi32>,
        %and3A_1499 = arith.constant 262143 : i32
        %and3A_1500 = vector.broadcast %and3A_1499 : i32 to vector<16xi32>
        %and3A_1501 = arith.andi %get3A_1498, %and3A_1500 : vector<16xi32>
        %shift_right_logical3A_1502 = arith.constant 18 : i32
        %shift_right_logical3A_1503 = vector.broadcast %shift_right_logical3A_1502 : i32 to vector<16xi32>
        %shift_right_logical3A_1504 = arith.shrui %get3A_1498, %shift_right_logical3A_1503 : vector<16xi32>
        %swap3A_1505 = arith.constant 1 : i32
        %swap3A_1506 = arith.index_cast %swap3A_1505 : i32 to index
        %swap3A_1507 = arith.constant 32 : index
        %swap3A_1508 = tpu.vector_load %arg8[%swap3A_1506, %swap3A_1507] {strides = array<i32>} : memref<2x128xi32, #tpu.memory_space<vmem>>, vector<16xi32>,
        tpu.vector_store %arg8[%swap3A_1506, %swap3A_1507], %and3A_1501 {strides = array<i32>} : memref<2x128xi32, #tpu.memory_space<vmem>>, vector<16xi32>,
        %swap3A_1509 = arith.constant 1 : i32
        %swap3A_1510 = arith.index_cast %swap3A_1509 : i32 to index
        %swap3A_1511 = arith.constant 32 : index
        %swap3A_1512 = tpu.vector_load %arg9[%swap3A_1510, %swap3A_1511] {strides = array<i32>} : memref<2x128xi32, #tpu.memory_space<vmem>>, vector<16xi32>,
        tpu.vector_store %arg9[%swap3A_1510, %swap3A_1511], %shift_right_logical3A_1504 {strides = array<i32>} : memref<2x128xi32, #tpu.memory_space<vmem>>, vector<16xi32>,
        %mul3A_1513 = arith.constant 128 : i32
        %mul3A_1514 = arith.muli %add3A_1449, %mul3A_1513 : i32
        %add3A_1515 = arith.addi %add3A_1138, %mul3A_1514 : i32
        %add3A_1516 = arith.constant 48 : i32
        %add3A_1517 = arith.addi %add3A_1515, %add3A_1516 : i32
        %get3A_1518 = arith.index_cast %add3A_1517 : i32 to index
        %get3A_1519 = tpu.vector_load %arg7[%get3A_1518] {strides = array<i32>} : memref<20608xi32, #tpu.memory_space<vmem>>, vector<16xi32>,
        %and3A_1520 = arith.constant 262143 : i32
        %and3A_1521 = vector.broadcast %and3A_1520 : i32 to vector<16xi32>
        %and3A_1522 = arith.andi %get3A_1519, %and3A_1521 : vector<16xi32>
        %shift_right_logical3A_1523 = arith.constant 18 : i32
        %shift_right_logical3A_1524 = vector.broadcast %shift_right_logical3A_1523 : i32 to vector<16xi32>
        %shift_right_logical3A_1525 = arith.shrui %get3A_1519, %shift_right_logical3A_1524 : vector<16xi32>
        %swap3A_1526 = arith.constant 1 : i32
        %swap3A_1527 = arith.index_cast %swap3A_1526 : i32 to index
        %swap3A_1528 = arith.constant 48 : index
        %swap3A_1529 = tpu.vector_load %arg8[%swap3A_1527, %swap3A_1528] {strides = array<i32>} : memref<2x128xi32, #tpu.memory_space<vmem>>, vector<16xi32>,
        tpu.vector_store %arg8[%swap3A_1527, %swap3A_1528], %and3A_1522 {strides = array<i32>} : memref<2x128xi32, #tpu.memory_space<vmem>>, vector<16xi32>,
        %swap3A_1530 = arith.constant 1 : i32
        %swap3A_1531 = arith.index_cast %swap3A_1530 : i32 to index
        %swap3A_1532 = arith.constant 48 : index
        %swap3A_1533 = tpu.vector_load %arg9[%swap3A_1531, %swap3A_1532] {strides = array<i32>} : memref<2x128xi32, #tpu.memory_space<vmem>>, vector<16xi32>,
        tpu.vector_store %arg9[%swap3A_1531, %swap3A_1532], %shift_right_logical3A_1525 {strides = array<i32>} : memref<2x128xi32, #tpu.memory_space<vmem>>, vector<16xi32>,
        %mul3A_1534 = arith.constant 128 : i32
        %mul3A_1535 = arith.muli %add3A_1449, %mul3A_1534 : i32
        %add3A_1536 = arith.addi %add3A_1138, %mul3A_1535 : i32
        %add3A_1537 = arith.constant 64 : i32
        %add3A_1538 = arith.addi %add3A_1536, %add3A_1537 : i32
        %get3A_1539 = arith.index_cast %add3A_1538 : i32 to index
        %get3A_1540 = tpu.vector_load %arg7[%get3A_1539] {strides = array<i32>} : memref<20608xi32, #tpu.memory_space<vmem>>, vector<16xi32>,
        %and3A_1541 = arith.constant 262143 : i32
        %and3A_1542 = vector.broadcast %and3A_1541 : i32 to vector<16xi32>
        %and3A_1543 = arith.andi %get3A_1540, %and3A_1542 : vector<16xi32>
        %shift_right_logical3A_1544 = arith.constant 18 : i32
        %shift_right_logical3A_1545 = vector.broadcast %shift_right_logical3A_1544 : i32 to vector<16xi32>
        %shift_right_logical3A_1546 = arith.shrui %get3A_1540, %shift_right_logical3A_1545 : vector<16xi32>
        %swap3A_1547 = arith.constant 1 : i32
        %swap3A_1548 = arith.index_cast %swap3A_1547 : i32 to index
        %swap3A_1549 = arith.constant 64 : index
        %swap3A_1550 = tpu.vector_load %arg8[%swap3A_1548, %swap3A_1549] {strides = array<i32>} : memref<2x128xi32, #tpu.memory_space<vmem>>, vector<16xi32>,
        tpu.vector_store %arg8[%swap3A_1548, %swap3A_1549], %and3A_1543 {strides = array<i32>} : memref<2x128xi32, #tpu.memory_space<vmem>>, vector<16xi32>,
        %swap3A_1551 = arith.constant 1 : i32
        %swap3A_1552 = arith.index_cast %swap3A_1551 : i32 to index
        %swap3A_1553 = arith.constant 64 : index
        %swap3A_1554 = tpu.vector_load %arg9[%swap3A_1552, %swap3A_1553] {strides = array<i32>} : memref<2x128xi32, #tpu.memory_space<vmem>>, vector<16xi32>,
        tpu.vector_store %arg9[%swap3A_1552, %swap3A_1553], %shift_right_logical3A_1546 {strides = array<i32>} : memref<2x128xi32, #tpu.memory_space<vmem>>, vector<16xi32>,
        %mul3A_1555 = arith.constant 128 : i32
        %mul3A_1556 = arith.muli %add3A_1449, %mul3A_1555 : i32
        %add3A_1557 = arith.addi %add3A_1138, %mul3A_1556 : i32
        %add3A_1558 = arith.constant 80 : i32
        %add3A_1559 = arith.addi %add3A_1557, %add3A_1558 : i32
        %get3A_1560 = arith.index_cast %add3A_1559 : i32 to index
        %get3A_1561 = tpu.vector_load %arg7[%get3A_1560] {strides = array<i32>} : memref<20608xi32, #tpu.memory_space<vmem>>, vector<16xi32>,
        %and3A_1562 = arith.constant 262143 : i32
        %and3A_1563 = vector.broadcast %and3A_1562 : i32 to vector<16xi32>
        %and3A_1564 = arith.andi %get3A_1561, %and3A_1563 : vector<16xi32>
        %shift_right_logical3A_1565 = arith.constant 18 : i32
        %shift_right_logical3A_1566 = vector.broadcast %shift_right_logical3A_1565 : i32 to vector<16xi32>
        %shift_right_logical3A_1567 = arith.shrui %get3A_1561, %shift_right_logical3A_1566 : vector<16xi32>
        %swap3A_1568 = arith.constant 1 : i32
        %swap3A_1569 = arith.index_cast %swap3A_1568 : i32 to index
        %swap3A_1570 = arith.constant 80 : index
        %swap3A_1571 = tpu.vector_load %arg8[%swap3A_1569, %swap3A_1570] {strides = array<i32>} : memref<2x128xi32, #tpu.memory_space<vmem>>, vector<16xi32>,
        tpu.vector_store %arg8[%swap3A_1569, %swap3A_1570], %and3A_1564 {strides = array<i32>} : memref<2x128xi32, #tpu.memory_space<vmem>>, vector<16xi32>,
        %swap3A_1572 = arith.constant 1 : i32
        %swap3A_1573 = arith.index_cast %swap3A_1572 : i32 to index
        %swap3A_1574 = arith.constant 80 : index
        %swap3A_1575 = tpu.vector_load %arg9[%swap3A_1573, %swap3A_1574] {strides = array<i32>} : memref<2x128xi32, #tpu.memory_space<vmem>>, vector<16xi32>,
        tpu.vector_store %arg9[%swap3A_1573, %swap3A_1574], %shift_right_logical3A_1567 {strides = array<i32>} : memref<2x128xi32, #tpu.memory_space<vmem>>, vector<16xi32>,
        %mul3A_1576 = arith.constant 128 : i32
        %mul3A_1577 = arith.muli %add3A_1449, %mul3A_1576 : i32
        %add3A_1578 = arith.addi %add3A_1138, %mul3A_1577 : i32
        %add3A_1579 = arith.constant 96 : i32
        %add3A_1580 = arith.addi %add3A_1578, %add3A_1579 : i32
        %get3A_1581 = arith.index_cast %add3A_1580 : i32 to index
        %get3A_1582 = tpu.vector_load %arg7[%get3A_1581] {strides = array<i32>} : memref<20608xi32, #tpu.memory_space<vmem>>, vector<16xi32>,
        %and3A_1583 = arith.constant 262143 : i32
        %and3A_1584 = vector.broadcast %and3A_1583 : i32 to vector<16xi32>
        %and3A_1585 = arith.andi %get3A_1582, %and3A_1584 : vector<16xi32>
        %shift_right_logical3A_1586 = arith.constant 18 : i32
        %shift_right_logical3A_1587 = vector.broadcast %shift_right_logical3A_1586 : i32 to vector<16xi32>
        %shift_right_logical3A_1588 = arith.shrui %get3A_1582, %shift_right_logical3A_1587 : vector<16xi32>
        %swap3A_1589 = arith.constant 1 : i32
        %swap3A_1590 = arith.index_cast %swap3A_1589 : i32 to index
        %swap3A_1591 = arith.constant 96 : index
        %swap3A_1592 = tpu.vector_load %arg8[%swap3A_1590, %swap3A_1591] {strides = array<i32>} : memref<2x128xi32, #tpu.memory_space<vmem>>, vector<16xi32>,
        tpu.vector_store %arg8[%swap3A_1590, %swap3A_1591], %and3A_1585 {strides = array<i32>} : memref<2x128xi32, #tpu.memory_space<vmem>>, vector<16xi32>,
        %swap3A_1593 = arith.constant 1 : i32
        %swap3A_1594 = arith.index_cast %swap3A_1593 : i32 to index
        %swap3A_1595 = arith.constant 96 : index
        %swap3A_1596 = tpu.vector_load %arg9[%swap3A_1594, %swap3A_1595] {strides = array<i32>} : memref<2x128xi32, #tpu.memory_space<vmem>>, vector<16xi32>,
        tpu.vector_store %arg9[%swap3A_1594, %swap3A_1595], %shift_right_logical3A_1588 {strides = array<i32>} : memref<2x128xi32, #tpu.memory_space<vmem>>, vector<16xi32>,
        %mul3A_1597 = arith.constant 128 : i32
        %mul3A_1598 = arith.muli %add3A_1449, %mul3A_1597 : i32
        %add3A_1599 = arith.addi %add3A_1138, %mul3A_1598 : i32
        %add3A_1600 = arith.constant 112 : i32
        %add3A_1601 = arith.addi %add3A_1599, %add3A_1600 : i32
        %get3A_1602 = arith.index_cast %add3A_1601 : i32 to index
        %get3A_1603 = tpu.vector_load %arg7[%get3A_1602] {strides = array<i32>} : memref<20608xi32, #tpu.memory_space<vmem>>, vector<16xi32>,
        %and3A_1604 = arith.constant 262143 : i32
        %and3A_1605 = vector.broadcast %and3A_1604 : i32 to vector<16xi32>
        %and3A_1606 = arith.andi %get3A_1603, %and3A_1605 : vector<16xi32>
        %shift_right_logical3A_1607 = arith.constant 18 : i32
        %shift_right_logical3A_1608 = vector.broadcast %shift_right_logical3A_1607 : i32 to vector<16xi32>
        %shift_right_logical3A_1609 = arith.shrui %get3A_1603, %shift_right_logical3A_1608 : vector<16xi32>
        %swap3A_1610 = arith.constant 1 : i32
        %swap3A_1611 = arith.index_cast %swap3A_1610 : i32 to index
        %swap3A_1612 = arith.constant 112 : index
        %swap3A_1613 = tpu.vector_load %arg8[%swap3A_1611, %swap3A_1612] {strides = array<i32>} : memref<2x128xi32, #tpu.memory_space<vmem>>, vector<16xi32>,
        tpu.vector_store %arg8[%swap3A_1611, %swap3A_1612], %and3A_1606 {strides = array<i32>} : memref<2x128xi32, #tpu.memory_space<vmem>>, vector<16xi32>,
        %swap3A_1614 = arith.constant 1 : i32
        %swap3A_1615 = arith.index_cast %swap3A_1614 : i32 to index
        %swap3A_1616 = arith.constant 112 : index
        %swap3A_1617 = tpu.vector_load %arg9[%swap3A_1615, %swap3A_1616] {strides = array<i32>} : memref<2x128xi32, #tpu.memory_space<vmem>>, vector<16xi32>,
        tpu.vector_store %arg9[%swap3A_1615, %swap3A_1616], %shift_right_logical3A_1609 {strides = array<i32>} : memref<2x128xi32, #tpu.memory_space<vmem>>, vector<16xi32>,
        %dma_start3A_1618 = arith.constant 1 : i32
        %dma_start3A_1619 = arith.constant 0 : i32
        %dma_start3A_1620 = tpu.memref_slice %arg8[%dma_start3A_1618, %dma_start3A_1619] : memref<2x128xi32, #tpu.memory_space<vmem>> -> memref<1x128xi32, #tpu.memory_space<vmem>>
        %dma_start3A_1621 = tpu.memref_squeeze %dma_start3A_1620 : memref<1x128xi32, #tpu.memory_space<vmem>> -> memref<128xi32, #tpu.memory_space<vmem>>
        %dma_start3A_1622 = arith.constant 0 : i32
        %dma_start3A_1623 = arith.constant 0 : i32
        %dma_start3A_1624 = tpu.memref_slice %arg2[%dma_start3A_1622, %dma_start3A_1623] : memref<264192x128xf32, #tpu.memory_space<hbm>> -> memref<264192x128xf32, #tpu.memory_space<hbm>>
        tpu.enqueue_indirect_dma source(%dma_start3A_1624 : memref<264192x128xf32, #tpu.memory_space<hbm>>) target(%arg11 : memref<128x128xf32, #tpu.memory_space<vmem>>) offsets(%dma_start3A_1621 : memref<128xi32, #tpu.memory_space<vmem>>) semaphore(%arg18 : memref<!tpu.dma_semaphore, #tpu.memory_space<semaphore_mem>>)
        %dma_wait3A_1625 = arith.constant 0 : i32
        %dma_wait3A_1626 = arith.constant 0 : i32
        %dma_wait3A_1627 = tpu.memref_slice %arg8[%dma_wait3A_1625, %dma_wait3A_1626] : memref<2x128xi32, #tpu.memory_space<vmem>> -> memref<1x128xi32, #tpu.memory_space<vmem>>
        %dma_wait3A_1628 = tpu.memref_squeeze %dma_wait3A_1627 : memref<1x128xi32, #tpu.memory_space<vmem>> -> memref<128xi32, #tpu.memory_space<vmem>>
        %dma_wait3A_1629 = arith.constant 0 : i32
        %dma_wait3A_1630 = arith.constant 0 : i32
        %dma_wait3A_1631 = tpu.memref_slice %arg2[%dma_wait3A_1629, %dma_wait3A_1630] : memref<264192x128xf32, #tpu.memory_space<hbm>> -> memref<264192x128xf32, #tpu.memory_space<hbm>>
        tpu.wait_indirect_dma semaphore(%arg17 : memref<!tpu.dma_semaphore, #tpu.memory_space<semaphore_mem>>) src(%dma_wait3A_1631 : memref<264192x128xf32, #tpu.memory_space<hbm>>) dst(%arg10 : memref<128x128xf32, #tpu.memory_space<vmem>>)
        %run_scoped3A = arith.constant 0 : i32
        "tpu.region"() ({
          %run_scoped3A_1640 = tpu.sem_alloc : memref<!tpu.dma_semaphore, #tpu.memory_space<semaphore_mem>>
          %dma_start3A_1641 = arith.constant 0 : i32
          %dma_start3A_1642 = tpu.memref_slice %arg9[%run_scoped3A, %dma_start3A_1641] : memref<2x128xi32, #tpu.memory_space<vmem>> -> memref<1x128xi32, #tpu.memory_space<vmem>>
          %dma_start3A_1643 = tpu.memref_squeeze %dma_start3A_1642 : memref<1x128xi32, #tpu.memory_space<vmem>> -> memref<128xi32, #tpu.memory_space<vmem>>
          %dma_start3A_1644 = arith.constant 0 : i32
          %dma_start3A_1645 = arith.constant 0 : i32
          %dma_start3A_1646 = tpu.memref_slice %arg16[%dma_start3A_1644, %dma_start3A_1645] : memref<8320x128xf32, #tpu.memory_space<vmem_shared>> -> memref<8320x128xf32, #tpu.memory_space<vmem_shared>>
          tpu.enqueue_indirect_dma source(%arg10 : memref<128x128xf32, #tpu.memory_space<vmem>>) target(%dma_start3A_1646 : memref<8320x128xf32, #tpu.memory_space<vmem_shared>>) offsets(%dma_start3A_1643 : memref<128xi32, #tpu.memory_space<vmem>>) semaphore(%run_scoped3A_1640 : memref<!tpu.dma_semaphore, #tpu.memory_space<semaphore_mem>>) {add = true}
          %dma_wait3A_1647 = arith.constant 0 : i32
          %dma_wait3A_1648 = tpu.memref_slice %arg9[%run_scoped3A, %dma_wait3A_1647] : memref<2x128xi32, #tpu.memory_space<vmem>> -> memref<1x128xi32, #tpu.memory_space<vmem>>
          %dma_wait3A_1649 = tpu.memref_squeeze %dma_wait3A_1648 : memref<1x128xi32, #tpu.memory_space<vmem>> -> memref<128xi32, #tpu.memory_space<vmem>>
          %dma_wait3A_1650 = arith.constant 0 : i32
          %dma_wait3A_1651 = arith.constant 0 : i32
          %dma_wait3A_1652 = tpu.memref_slice %arg16[%dma_wait3A_1650, %dma_wait3A_1651] : memref<8320x128xf32, #tpu.memory_space<vmem_shared>> -> memref<8320x128xf32, #tpu.memory_space<vmem_shared>>
          tpu.wait_indirect_dma semaphore(%run_scoped3A_1640 : memref<!tpu.dma_semaphore, #tpu.memory_space<semaphore_mem>>) src(%arg10 : memref<128x128xf32, #tpu.memory_space<vmem>>) dst(%dma_wait3A_1652 : memref<8320x128xf32, #tpu.memory_space<vmem_shared>>)
          tpu.yield
        }) : () -> ()
        %dma_wait3A_1632 = arith.constant 1 : i32
        %dma_wait3A_1633 = arith.constant 0 : i32
        %dma_wait3A_1634 = tpu.memref_slice %arg8[%dma_wait3A_1632, %dma_wait3A_1633] : memref<2x128xi32, #tpu.memory_space<vmem>> -> memref<1x128xi32, #tpu.memory_space<vmem>>
        %dma_wait3A_1635 = tpu.memref_squeeze %dma_wait3A_1634 : memref<1x128xi32, #tpu.memory_space<vmem>> -> memref<128xi32, #tpu.memory_space<vmem>>
        %dma_wait3A_1636 = arith.constant 0 : i32
        %dma_wait3A_1637 = arith.constant 0 : i32
        %dma_wait3A_1638 = tpu.memref_slice %arg2[%dma_wait3A_1636, %dma_wait3A_1637] : memref<264192x128xf32, #tpu.memory_space<hbm>> -> memref<264192x128xf32, #tpu.memory_space<hbm>>
        tpu.wait_indirect_dma semaphore(%arg18 : memref<!tpu.dma_semaphore, #tpu.memory_space<semaphore_mem>>) src(%dma_wait3A_1638 : memref<264192x128xf32, #tpu.memory_space<hbm>>) dst(%arg11 : memref<128x128xf32, #tpu.memory_space<vmem>>)
        %run_scoped3A_1639 = arith.constant 1 : i32
        "tpu.region"() ({
          %run_scoped3A_1640 = tpu.sem_alloc : memref<!tpu.dma_semaphore, #tpu.memory_space<semaphore_mem>>
          %dma_start3A_1641 = arith.constant 0 : i32
          %dma_start3A_1642 = tpu.memref_slice %arg9[%run_scoped3A_1639, %dma_start3A_1641] : memref<2x128xi32, #tpu.memory_space<vmem>> -> memref<1x128xi32, #tpu.memory_space<vmem>>
          %dma_start3A_1643 = tpu.memref_squeeze %dma_start3A_1642 : memref<1x128xi32, #tpu.memory_space<vmem>> -> memref<128xi32, #tpu.memory_space<vmem>>
          %dma_start3A_1644 = arith.constant 0 : i32
          %dma_start3A_1645 = arith.constant 0 : i32
          %dma_start3A_1646 = tpu.memref_slice %arg16[%dma_start3A_1644, %dma_start3A_1645] : memref<8320x128xf32, #tpu.memory_space<vmem_shared>> -> memref<8320x128xf32, #tpu.memory_space<vmem_shared>>
          tpu.enqueue_indirect_dma source(%arg11 : memref<128x128xf32, #tpu.memory_space<vmem>>) target(%dma_start3A_1646 : memref<8320x128xf32, #tpu.memory_space<vmem_shared>>) offsets(%dma_start3A_1643 : memref<128xi32, #tpu.memory_space<vmem>>) semaphore(%run_scoped3A_1640 : memref<!tpu.dma_semaphore, #tpu.memory_space<semaphore_mem>>) {add = true}
          %dma_wait3A_1647 = arith.constant 0 : i32
          %dma_wait3A_1648 = tpu.memref_slice %arg9[%run_scoped3A_1639, %dma_wait3A_1647] : memref<2x128xi32, #tpu.memory_space<vmem>> -> memref<1x128xi32, #tpu.memory_space<vmem>>
          %dma_wait3A_1649 = tpu.memref_squeeze %dma_wait3A_1648 : memref<1x128xi32, #tpu.memory_space<vmem>> -> memref<128xi32, #tpu.memory_space<vmem>>
          %dma_wait3A_1650 = arith.constant 0 : i32
          %dma_wait3A_1651 = arith.constant 0 : i32
          %dma_wait3A_1652 = tpu.memref_slice %arg16[%dma_wait3A_1650, %dma_wait3A_1651] : memref<8320x128xf32, #tpu.memory_space<vmem_shared>> -> memref<8320x128xf32, #tpu.memory_space<vmem_shared>>
          tpu.wait_indirect_dma semaphore(%run_scoped3A_1640 : memref<!tpu.dma_semaphore, #tpu.memory_space<semaphore_mem>>) src(%arg11 : memref<128x128xf32, #tpu.memory_space<vmem>>) dst(%dma_wait3A_1652 : memref<8320x128xf32, #tpu.memory_space<vmem_shared>>)
          tpu.yield
        }) : () -> ()
      }
      %while3A_1244 = arith.constant 1 : i32
      scf.for %while3A_1271 = %while3A_1242 to %while3A_1238 step %while3A_1244  : i32 {
        %mul3A_1272 = arith.constant 2 : i32
        %mul3A_1273 = arith.muli %mul3A_1272, %while3A_1271 : i32
        %mul3A_1274 = arith.constant 128 : i32
        %mul3A_1275 = arith.muli %mul3A_1273, %mul3A_1274 : i32
        %add3A_1276 = arith.addi %add3A_1138, %mul3A_1275 : i32
        %add3A_1277 = arith.constant 0 : i32
        %add3A_1278 = arith.addi %add3A_1276, %add3A_1277 : i32
        %get3A_1279 = arith.index_cast %add3A_1278 : i32 to index
        %get3A_1280 = tpu.vector_load %arg7[%get3A_1279] {strides = array<i32>} : memref<20608xi32, #tpu.memory_space<vmem>>, vector<16xi32>,
        %and3A_1281 = arith.constant 262143 : i32
        %and3A_1282 = vector.broadcast %and3A_1281 : i32 to vector<16xi32>
        %and3A_1283 = arith.andi %get3A_1280, %and3A_1282 : vector<16xi32>
        %shift_right_logical3A = arith.constant 18 : i32
        %shift_right_logical3A_1284 = vector.broadcast %shift_right_logical3A : i32 to vector<16xi32>
        %shift_right_logical3A_1285 = arith.shrui %get3A_1280, %shift_right_logical3A_1284 : vector<16xi32>
        %swap3A_1286 = arith.constant 0 : i32
        %swap3A_1287 = arith.index_cast %swap3A_1286 : i32 to index
        %swap3A_1288 = arith.constant 0 : index
        %swap3A_1289 = tpu.vector_load %arg8[%swap3A_1287, %swap3A_1288] {strides = array<i32>} : memref<2x128xi32, #tpu.memory_space<vmem>>, vector<16xi32>,
        tpu.vector_store %arg8[%swap3A_1287, %swap3A_1288], %and3A_1283 {strides = array<i32>} : memref<2x128xi32, #tpu.memory_space<vmem>>, vector<16xi32>,
        %swap3A_1290 = arith.constant 0 : i32
        %swap3A_1291 = arith.index_cast %swap3A_1290 : i32 to index
        %swap3A_1292 = arith.constant 0 : index
        %swap3A_1293 = tpu.vector_load %arg9[%swap3A_1291, %swap3A_1292] {strides = array<i32>} : memref<2x128xi32, #tpu.memory_space<vmem>>, vector<16xi32>,
        tpu.vector_store %arg9[%swap3A_1291, %swap3A_1292], %shift_right_logical3A_1285 {strides = array<i32>} : memref<2x128xi32, #tpu.memory_space<vmem>>, vector<16xi32>,
        %mul3A_1294 = arith.constant 128 : i32
        %mul3A_1295 = arith.muli %mul3A_1273, %mul3A_1294 : i32
        %add3A_1296 = arith.addi %add3A_1138, %mul3A_1295 : i32
        %add3A_1297 = arith.constant 16 : i32
        %add3A_1298 = arith.addi %add3A_1296, %add3A_1297 : i32
        %get3A_1299 = arith.index_cast %add3A_1298 : i32 to index
        %get3A_1300 = tpu.vector_load %arg7[%get3A_1299] {strides = array<i32>} : memref<20608xi32, #tpu.memory_space<vmem>>, vector<16xi32>,
        %and3A_1301 = arith.constant 262143 : i32
        %and3A_1302 = vector.broadcast %and3A_1301 : i32 to vector<16xi32>
        %and3A_1303 = arith.andi %get3A_1300, %and3A_1302 : vector<16xi32>
        %shift_right_logical3A_1304 = arith.constant 18 : i32
        %shift_right_logical3A_1305 = vector.broadcast %shift_right_logical3A_1304 : i32 to vector<16xi32>
        %shift_right_logical3A_1306 = arith.shrui %get3A_1300, %shift_right_logical3A_1305 : vector<16xi32>
        %swap3A_1307 = arith.constant 0 : i32
        %swap3A_1308 = arith.index_cast %swap3A_1307 : i32 to index
        %swap3A_1309 = arith.constant 16 : index
        %swap3A_1310 = tpu.vector_load %arg8[%swap3A_1308, %swap3A_1309] {strides = array<i32>} : memref<2x128xi32, #tpu.memory_space<vmem>>, vector<16xi32>,
        tpu.vector_store %arg8[%swap3A_1308, %swap3A_1309], %and3A_1303 {strides = array<i32>} : memref<2x128xi32, #tpu.memory_space<vmem>>, vector<16xi32>,
        %swap3A_1311 = arith.constant 0 : i32
        %swap3A_1312 = arith.index_cast %swap3A_1311 : i32 to index
        %swap3A_1313 = arith.constant 16 : index
        %swap3A_1314 = tpu.vector_load %arg9[%swap3A_1312, %swap3A_1313] {strides = array<i32>} : memref<2x128xi32, #tpu.memory_space<vmem>>, vector<16xi32>,
        tpu.vector_store %arg9[%swap3A_1312, %swap3A_1313], %shift_right_logical3A_1306 {strides = array<i32>} : memref<2x128xi32, #tpu.memory_space<vmem>>, vector<16xi32>,
        %mul3A_1315 = arith.constant 128 : i32
        %mul3A_1316 = arith.muli %mul3A_1273, %mul3A_1315 : i32
        %add3A_1317 = arith.addi %add3A_1138, %mul3A_1316 : i32
        %add3A_1318 = arith.constant 32 : i32
        %add3A_1319 = arith.addi %add3A_1317, %add3A_1318 : i32
        %get3A_1320 = arith.index_cast %add3A_1319 : i32 to index
        %get3A_1321 = tpu.vector_load %arg7[%get3A_1320] {strides = array<i32>} : memref<20608xi32, #tpu.memory_space<vmem>>, vector<16xi32>,
        %and3A_1322 = arith.constant 262143 : i32
        %and3A_1323 = vector.broadcast %and3A_1322 : i32 to vector<16xi32>
        %and3A_1324 = arith.andi %get3A_1321, %and3A_1323 : vector<16xi32>
        %shift_right_logical3A_1325 = arith.constant 18 : i32
        %shift_right_logical3A_1326 = vector.broadcast %shift_right_logical3A_1325 : i32 to vector<16xi32>
        %shift_right_logical3A_1327 = arith.shrui %get3A_1321, %shift_right_logical3A_1326 : vector<16xi32>
        %swap3A_1328 = arith.constant 0 : i32
        %swap3A_1329 = arith.index_cast %swap3A_1328 : i32 to index
        %swap3A_1330 = arith.constant 32 : index
        %swap3A_1331 = tpu.vector_load %arg8[%swap3A_1329, %swap3A_1330] {strides = array<i32>} : memref<2x128xi32, #tpu.memory_space<vmem>>, vector<16xi32>,
        tpu.vector_store %arg8[%swap3A_1329, %swap3A_1330], %and3A_1324 {strides = array<i32>} : memref<2x128xi32, #tpu.memory_space<vmem>>, vector<16xi32>,
        %swap3A_1332 = arith.constant 0 : i32
        %swap3A_1333 = arith.index_cast %swap3A_1332 : i32 to index
        %swap3A_1334 = arith.constant 32 : index
        %swap3A_1335 = tpu.vector_load %arg9[%swap3A_1333, %swap3A_1334] {strides = array<i32>} : memref<2x128xi32, #tpu.memory_space<vmem>>, vector<16xi32>,
        tpu.vector_store %arg9[%swap3A_1333, %swap3A_1334], %shift_right_logical3A_1327 {strides = array<i32>} : memref<2x128xi32, #tpu.memory_space<vmem>>, vector<16xi32>,
        %mul3A_1336 = arith.constant 128 : i32
        %mul3A_1337 = arith.muli %mul3A_1273, %mul3A_1336 : i32
        %add3A_1338 = arith.addi %add3A_1138, %mul3A_1337 : i32
        %add3A_1339 = arith.constant 48 : i32
        %add3A_1340 = arith.addi %add3A_1338, %add3A_1339 : i32
        %get3A_1341 = arith.index_cast %add3A_1340 : i32 to index
        %get3A_1342 = tpu.vector_load %arg7[%get3A_1341] {strides = array<i32>} : memref<20608xi32, #tpu.memory_space<vmem>>, vector<16xi32>,
        %and3A_1343 = arith.constant 262143 : i32
        %and3A_1344 = vector.broadcast %and3A_1343 : i32 to vector<16xi32>
        %and3A_1345 = arith.andi %get3A_1342, %and3A_1344 : vector<16xi32>
        %shift_right_logical3A_1346 = arith.constant 18 : i32
        %shift_right_logical3A_1347 = vector.broadcast %shift_right_logical3A_1346 : i32 to vector<16xi32>
        %shift_right_logical3A_1348 = arith.shrui %get3A_1342, %shift_right_logical3A_1347 : vector<16xi32>
        %swap3A_1349 = arith.constant 0 : i32
        %swap3A_1350 = arith.index_cast %swap3A_1349 : i32 to index
        %swap3A_1351 = arith.constant 48 : index
        %swap3A_1352 = tpu.vector_load %arg8[%swap3A_1350, %swap3A_1351] {strides = array<i32>} : memref<2x128xi32, #tpu.memory_space<vmem>>, vector<16xi32>,
        tpu.vector_store %arg8[%swap3A_1350, %swap3A_1351], %and3A_1345 {strides = array<i32>} : memref<2x128xi32, #tpu.memory_space<vmem>>, vector<16xi32>,
        %swap3A_1353 = arith.constant 0 : i32
        %swap3A_1354 = arith.index_cast %swap3A_1353 : i32 to index
        %swap3A_1355 = arith.constant 48 : index
        %swap3A_1356 = tpu.vector_load %arg9[%swap3A_1354, %swap3A_1355] {strides = array<i32>} : memref<2x128xi32, #tpu.memory_space<vmem>>, vector<16xi32>,
        tpu.vector_store %arg9[%swap3A_1354, %swap3A_1355], %shift_right_logical3A_1348 {strides = array<i32>} : memref<2x128xi32, #tpu.memory_space<vmem>>, vector<16xi32>,
        %mul3A_1357 = arith.constant 128 : i32
        %mul3A_1358 = arith.muli %mul3A_1273, %mul3A_1357 : i32
        %add3A_1359 = arith.addi %add3A_1138, %mul3A_1358 : i32
        %add3A_1360 = arith.constant 64 : i32
        %add3A_1361 = arith.addi %add3A_1359, %add3A_1360 : i32
        %get3A_1362 = arith.index_cast %add3A_1361 : i32 to index
        %get3A_1363 = tpu.vector_load %arg7[%get3A_1362] {strides = array<i32>} : memref<20608xi32, #tpu.memory_space<vmem>>, vector<16xi32>,
        %and3A_1364 = arith.constant 262143 : i32
        %and3A_1365 = vector.broadcast %and3A_1364 : i32 to vector<16xi32>
        %and3A_1366 = arith.andi %get3A_1363, %and3A_1365 : vector<16xi32>
        %shift_right_logical3A_1367 = arith.constant 18 : i32
        %shift_right_logical3A_1368 = vector.broadcast %shift_right_logical3A_1367 : i32 to vector<16xi32>
        %shift_right_logical3A_1369 = arith.shrui %get3A_1363, %shift_right_logical3A_1368 : vector<16xi32>
        %swap3A_1370 = arith.constant 0 : i32
        %swap3A_1371 = arith.index_cast %swap3A_1370 : i32 to index
        %swap3A_1372 = arith.constant 64 : index
        %swap3A_1373 = tpu.vector_load %arg8[%swap3A_1371, %swap3A_1372] {strides = array<i32>} : memref<2x128xi32, #tpu.memory_space<vmem>>, vector<16xi32>,
        tpu.vector_store %arg8[%swap3A_1371, %swap3A_1372], %and3A_1366 {strides = array<i32>} : memref<2x128xi32, #tpu.memory_space<vmem>>, vector<16xi32>,
        %swap3A_1374 = arith.constant 0 : i32
        %swap3A_1375 = arith.index_cast %swap3A_1374 : i32 to index
        %swap3A_1376 = arith.constant 64 : index
        %swap3A_1377 = tpu.vector_load %arg9[%swap3A_1375, %swap3A_1376] {strides = array<i32>} : memref<2x128xi32, #tpu.memory_space<vmem>>, vector<16xi32>,
        tpu.vector_store %arg9[%swap3A_1375, %swap3A_1376], %shift_right_logical3A_1369 {strides = array<i32>} : memref<2x128xi32, #tpu.memory_space<vmem>>, vector<16xi32>,
        %mul3A_1378 = arith.constant 128 : i32
        %mul3A_1379 = arith.muli %mul3A_1273, %mul3A_1378 : i32
        %add3A_1380 = arith.addi %add3A_1138, %mul3A_1379 : i32
        %add3A_1381 = arith.constant 80 : i32
        %add3A_1382 = arith.addi %add3A_1380, %add3A_1381 : i32
        %get3A_1383 = arith.index_cast %add3A_1382 : i32 to index
        %get3A_1384 = tpu.vector_load %arg7[%get3A_1383] {strides = array<i32>} : memref<20608xi32, #tpu.memory_space<vmem>>, vector<16xi32>,
        %and3A_1385 = arith.constant 262143 : i32
        %and3A_1386 = vector.broadcast %and3A_1385 : i32 to vector<16xi32>
        %and3A_1387 = arith.andi %get3A_1384, %and3A_1386 : vector<16xi32>
        %shift_right_logical3A_1388 = arith.constant 18 : i32
        %shift_right_logical3A_1389 = vector.broadcast %shift_right_logical3A_1388 : i32 to vector<16xi32>
        %shift_right_logical3A_1390 = arith.shrui %get3A_1384, %shift_right_logical3A_1389 : vector<16xi32>
        %swap3A_1391 = arith.constant 0 : i32
        %swap3A_1392 = arith.index_cast %swap3A_1391 : i32 to index
        %swap3A_1393 = arith.constant 80 : index
        %swap3A_1394 = tpu.vector_load %arg8[%swap3A_1392, %swap3A_1393] {strides = array<i32>} : memref<2x128xi32, #tpu.memory_space<vmem>>, vector<16xi32>,
        tpu.vector_store %arg8[%swap3A_1392, %swap3A_1393], %and3A_1387 {strides = array<i32>} : memref<2x128xi32, #tpu.memory_space<vmem>>, vector<16xi32>,
        %swap3A_1395 = arith.constant 0 : i32
        %swap3A_1396 = arith.index_cast %swap3A_1395 : i32 to index
        %swap3A_1397 = arith.constant 80 : index
        %swap3A_1398 = tpu.vector_load %arg9[%swap3A_1396, %swap3A_1397] {strides = array<i32>} : memref<2x128xi32, #tpu.memory_space<vmem>>, vector<16xi32>,
        tpu.vector_store %arg9[%swap3A_1396, %swap3A_1397], %shift_right_logical3A_1390 {strides = array<i32>} : memref<2x128xi32, #tpu.memory_space<vmem>>, vector<16xi32>,
        %mul3A_1399 = arith.constant 128 : i32
        %mul3A_1400 = arith.muli %mul3A_1273, %mul3A_1399 : i32
        %add3A_1401 = arith.addi %add3A_1138, %mul3A_1400 : i32
        %add3A_1402 = arith.constant 96 : i32
        %add3A_1403 = arith.addi %add3A_1401, %add3A_1402 : i32
        %get3A_1404 = arith.index_cast %add3A_1403 : i32 to index
        %get3A_1405 = tpu.vector_load %arg7[%get3A_1404] {strides = array<i32>} : memref<20608xi32, #tpu.memory_space<vmem>>, vector<16xi32>,
        %and3A_1406 = arith.constant 262143 : i32
        %and3A_1407 = vector.broadcast %and3A_1406 : i32 to vector<16xi32>
        %and3A_1408 = arith.andi %get3A_1405, %and3A_1407 : vector<16xi32>
        %shift_right_logical3A_1409 = arith.constant 18 : i32
        %shift_right_logical3A_1410 = vector.broadcast %shift_right_logical3A_1409 : i32 to vector<16xi32>
        %shift_right_logical3A_1411 = arith.shrui %get3A_1405, %shift_right_logical3A_1410 : vector<16xi32>
        %swap3A_1412 = arith.constant 0 : i32
        %swap3A_1413 = arith.index_cast %swap3A_1412 : i32 to index
        %swap3A_1414 = arith.constant 96 : index
        %swap3A_1415 = tpu.vector_load %arg8[%swap3A_1413, %swap3A_1414] {strides = array<i32>} : memref<2x128xi32, #tpu.memory_space<vmem>>, vector<16xi32>,
        tpu.vector_store %arg8[%swap3A_1413, %swap3A_1414], %and3A_1408 {strides = array<i32>} : memref<2x128xi32, #tpu.memory_space<vmem>>, vector<16xi32>,
        %swap3A_1416 = arith.constant 0 : i32
        %swap3A_1417 = arith.index_cast %swap3A_1416 : i32 to index
        %swap3A_1418 = arith.constant 96 : index
        %swap3A_1419 = tpu.vector_load %arg9[%swap3A_1417, %swap3A_1418] {strides = array<i32>} : memref<2x128xi32, #tpu.memory_space<vmem>>, vector<16xi32>,
        tpu.vector_store %arg9[%swap3A_1417, %swap3A_1418], %shift_right_logical3A_1411 {strides = array<i32>} : memref<2x128xi32, #tpu.memory_space<vmem>>, vector<16xi32>,
        %mul3A_1420 = arith.constant 128 : i32
        %mul3A_1421 = arith.muli %mul3A_1273, %mul3A_1420 : i32
        %add3A_1422 = arith.addi %add3A_1138, %mul3A_1421 : i32
        %add3A_1423 = arith.constant 112 : i32
        %add3A_1424 = arith.addi %add3A_1422, %add3A_1423 : i32
        %get3A_1425 = arith.index_cast %add3A_1424 : i32 to index
        %get3A_1426 = tpu.vector_load %arg7[%get3A_1425] {strides = array<i32>} : memref<20608xi32, #tpu.memory_space<vmem>>, vector<16xi32>,
        %and3A_1427 = arith.constant 262143 : i32
        %and3A_1428 = vector.broadcast %and3A_1427 : i32 to vector<16xi32>
        %and3A_1429 = arith.andi %get3A_1426, %and3A_1428 : vector<16xi32>
        %shift_right_logical3A_1430 = arith.constant 18 : i32
        %shift_right_logical3A_1431 = vector.broadcast %shift_right_logical3A_1430 : i32 to vector<16xi32>
        %shift_right_logical3A_1432 = arith.shrui %get3A_1426, %shift_right_logical3A_1431 : vector<16xi32>
        %swap3A_1433 = arith.constant 0 : i32
        %swap3A_1434 = arith.index_cast %swap3A_1433 : i32 to index
        %swap3A_1435 = arith.constant 112 : index
        %swap3A_1436 = tpu.vector_load %arg8[%swap3A_1434, %swap3A_1435] {strides = array<i32>} : memref<2x128xi32, #tpu.memory_space<vmem>>, vector<16xi32>,
        tpu.vector_store %arg8[%swap3A_1434, %swap3A_1435], %and3A_1429 {strides = array<i32>} : memref<2x128xi32, #tpu.memory_space<vmem>>, vector<16xi32>,
        %swap3A_1437 = arith.constant 0 : i32
        %swap3A_1438 = arith.index_cast %swap3A_1437 : i32 to index
        %swap3A_1439 = arith.constant 112 : index
        %swap3A_1440 = tpu.vector_load %arg9[%swap3A_1438, %swap3A_1439] {strides = array<i32>} : memref<2x128xi32, #tpu.memory_space<vmem>>, vector<16xi32>,
        tpu.vector_store %arg9[%swap3A_1438, %swap3A_1439], %shift_right_logical3A_1432 {strides = array<i32>} : memref<2x128xi32, #tpu.memory_space<vmem>>, vector<16xi32>,
        %dma_start3A_1441 = arith.constant 0 : i32
        %dma_start3A_1442 = arith.constant 0 : i32
        %dma_start3A_1443 = tpu.memref_slice %arg8[%dma_start3A_1441, %dma_start3A_1442] : memref<2x128xi32, #tpu.memory_space<vmem>> -> memref<1x128xi32, #tpu.memory_space<vmem>>
        %dma_start3A_1444 = tpu.memref_squeeze %dma_start3A_1443 : memref<1x128xi32, #tpu.memory_space<vmem>> -> memref<128xi32, #tpu.memory_space<vmem>>
        %dma_start3A_1445 = arith.constant 0 : i32
        %dma_start3A_1446 = arith.constant 0 : i32
        %dma_start3A_1447 = tpu.memref_slice %arg2[%dma_start3A_1445, %dma_start3A_1446] : memref<264192x128xf32, #tpu.memory_space<hbm>> -> memref<264192x128xf32, #tpu.memory_space<hbm>>
        tpu.enqueue_indirect_dma source(%dma_start3A_1447 : memref<264192x128xf32, #tpu.memory_space<hbm>>) target(%arg10 : memref<128x128xf32, #tpu.memory_space<vmem>>) offsets(%dma_start3A_1444 : memref<128xi32, #tpu.memory_space<vmem>>) semaphore(%arg17 : memref<!tpu.dma_semaphore, #tpu.memory_space<semaphore_mem>>)
        %add3A_1448 = arith.constant 1 : i32
        %add3A_1449 = arith.addi %mul3A_1273, %add3A_1448 : i32
        %mul3A_1450 = arith.constant 128 : i32
        %mul3A_1451 = arith.muli %add3A_1449, %mul3A_1450 : i32
        %add3A_1452 = arith.addi %add3A_1138, %mul3A_1451 : i32
        %add3A_1453 = arith.constant 0 : i32
        %add3A_1454 = arith.addi %add3A_1452, %add3A_1453 : i32
        %get3A_1455 = arith.index_cast %add3A_1454 : i32 to index
        %get3A_1456 = tpu.vector_load %arg7[%get3A_1455] {strides = array<i32>} : memref<20608xi32, #tpu.memory_space<vmem>>, vector<16xi32>,
        %and3A_1457 = arith.constant 262143 : i32
        %and3A_1458 = vector.broadcast %and3A_1457 : i32 to vector<16xi32>
        %and3A_1459 = arith.andi %get3A_1456, %and3A_1458 : vector<16xi32>
        %shift_right_logical3A_1460 = arith.constant 18 : i32
        %shift_right_logical3A_1461 = vector.broadcast %shift_right_logical3A_1460 : i32 to vector<16xi32>
        %shift_right_logical3A_1462 = arith.shrui %get3A_1456, %shift_right_logical3A_1461 : vector<16xi32>
        %swap3A_1463 = arith.constant 1 : i32
        %swap3A_1464 = arith.index_cast %swap3A_1463 : i32 to index
        %swap3A_1465 = arith.constant 0 : index
        %swap3A_1466 = tpu.vector_load %arg8[%swap3A_1464, %swap3A_1465] {strides = array<i32>} : memref<2x128xi32, #tpu.memory_space<vmem>>, vector<16xi32>,
        tpu.vector_store %arg8[%swap3A_1464, %swap3A_1465], %and3A_1459 {strides = array<i32>} : memref<2x128xi32, #tpu.memory_space<vmem>>, vector<16xi32>,
        %swap3A_1467 = arith.constant 1 : i32
        %swap3A_1468 = arith.index_cast %swap3A_1467 : i32 to index
        %swap3A_1469 = arith.constant 0 : index
        %swap3A_1470 = tpu.vector_load %arg9[%swap3A_1468, %swap3A_1469] {strides = array<i32>} : memref<2x128xi32, #tpu.memory_space<vmem>>, vector<16xi32>,
        tpu.vector_store %arg9[%swap3A_1468, %swap3A_1469], %shift_right_logical3A_1462 {strides = array<i32>} : memref<2x128xi32, #tpu.memory_space<vmem>>, vector<16xi32>,
        %mul3A_1471 = arith.constant 128 : i32
        %mul3A_1472 = arith.muli %add3A_1449, %mul3A_1471 : i32
        %add3A_1473 = arith.addi %add3A_1138, %mul3A_1472 : i32
        %add3A_1474 = arith.constant 16 : i32
        %add3A_1475 = arith.addi %add3A_1473, %add3A_1474 : i32
        %get3A_1476 = arith.index_cast %add3A_1475 : i32 to index
        %get3A_1477 = tpu.vector_load %arg7[%get3A_1476] {strides = array<i32>} : memref<20608xi32, #tpu.memory_space<vmem>>, vector<16xi32>,
        %and3A_1478 = arith.constant 262143 : i32
        %and3A_1479 = vector.broadcast %and3A_1478 : i32 to vector<16xi32>
        %and3A_1480 = arith.andi %get3A_1477, %and3A_1479 : vector<16xi32>
        %shift_right_logical3A_1481 = arith.constant 18 : i32
        %shift_right_logical3A_1482 = vector.broadcast %shift_right_logical3A_1481 : i32 to vector<16xi32>
        %shift_right_logical3A_1483 = arith.shrui %get3A_1477, %shift_right_logical3A_1482 : vector<16xi32>
        %swap3A_1484 = arith.constant 1 : i32
        %swap3A_1485 = arith.index_cast %swap3A_1484 : i32 to index
        %swap3A_1486 = arith.constant 16 : index
        %swap3A_1487 = tpu.vector_load %arg8[%swap3A_1485, %swap3A_1486] {strides = array<i32>} : memref<2x128xi32, #tpu.memory_space<vmem>>, vector<16xi32>,
        tpu.vector_store %arg8[%swap3A_1485, %swap3A_1486], %and3A_1480 {strides = array<i32>} : memref<2x128xi32, #tpu.memory_space<vmem>>, vector<16xi32>,
        %swap3A_1488 = arith.constant 1 : i32
        %swap3A_1489 = arith.index_cast %swap3A_1488 : i32 to index
        %swap3A_1490 = arith.constant 16 : index
        %swap3A_1491 = tpu.vector_load %arg9[%swap3A_1489, %swap3A_1490] {strides = array<i32>} : memref<2x128xi32, #tpu.memory_space<vmem>>, vector<16xi32>,
        tpu.vector_store %arg9[%swap3A_1489, %swap3A_1490], %shift_right_logical3A_1483 {strides = array<i32>} : memref<2x128xi32, #tpu.memory_space<vmem>>, vector<16xi32>,
        %mul3A_1492 = arith.constant 128 : i32
        %mul3A_1493 = arith.muli %add3A_1449, %mul3A_1492 : i32
        %add3A_1494 = arith.addi %add3A_1138, %mul3A_1493 : i32
        %add3A_1495 = arith.constant 32 : i32
        %add3A_1496 = arith.addi %add3A_1494, %add3A_1495 : i32
        %get3A_1497 = arith.index_cast %add3A_1496 : i32 to index
        %get3A_1498 = tpu.vector_load %arg7[%get3A_1497] {strides = array<i32>} : memref<20608xi32, #tpu.memory_space<vmem>>, vector<16xi32>,
        %and3A_1499 = arith.constant 262143 : i32
        %and3A_1500 = vector.broadcast %and3A_1499 : i32 to vector<16xi32>
        %and3A_1501 = arith.andi %get3A_1498, %and3A_1500 : vector<16xi32>
        %shift_right_logical3A_1502 = arith.constant 18 : i32
        %shift_right_logical3A_1503 = vector.broadcast %shift_right_logical3A_1502 : i32 to vector<16xi32>
        %shift_right_logical3A_1504 = arith.shrui %get3A_1498, %shift_right_logical3A_1503 : vector<16xi32>
        %swap3A_1505 = arith.constant 1 : i32
        %swap3A_1506 = arith.index_cast %swap3A_1505 : i32 to index
        %swap3A_1507 = arith.constant 32 : index
        %swap3A_1508 = tpu.vector_load %arg8[%swap3A_1506, %swap3A_1507] {strides = array<i32>} : memref<2x128xi32, #tpu.memory_space<vmem>>, vector<16xi32>,
        tpu.vector_store %arg8[%swap3A_1506, %swap3A_1507], %and3A_1501 {strides = array<i32>} : memref<2x128xi32, #tpu.memory_space<vmem>>, vector<16xi32>,
        %swap3A_1509 = arith.constant 1 : i32
        %swap3A_1510 = arith.index_cast %swap3A_1509 : i32 to index
        %swap3A_1511 = arith.constant 32 : index
        %swap3A_1512 = tpu.vector_load %arg9[%swap3A_1510, %swap3A_1511] {strides = array<i32>} : memref<2x128xi32, #tpu.memory_space<vmem>>, vector<16xi32>,
        tpu.vector_store %arg9[%swap3A_1510, %swap3A_1511], %shift_right_logical3A_1504 {strides = array<i32>} : memref<2x128xi32, #tpu.memory_space<vmem>>, vector<16xi32>,
        %mul3A_1513 = arith.constant 128 : i32
        %mul3A_1514 = arith.muli %add3A_1449, %mul3A_1513 : i32
        %add3A_1515 = arith.addi %add3A_1138, %mul3A_1514 : i32
        %add3A_1516 = arith.constant 48 : i32
        %add3A_1517 = arith.addi %add3A_1515, %add3A_1516 : i32
        %get3A_1518 = arith.index_cast %add3A_1517 : i32 to index
        %get3A_1519 = tpu.vector_load %arg7[%get3A_1518] {strides = array<i32>} : memref<20608xi32, #tpu.memory_space<vmem>>, vector<16xi32>,
        %and3A_1520 = arith.constant 262143 : i32
        %and3A_1521 = vector.broadcast %and3A_1520 : i32 to vector<16xi32>
        %and3A_1522 = arith.andi %get3A_1519, %and3A_1521 : vector<16xi32>
        %shift_right_logical3A_1523 = arith.constant 18 : i32
        %shift_right_logical3A_1524 = vector.broadcast %shift_right_logical3A_1523 : i32 to vector<16xi32>
        %shift_right_logical3A_1525 = arith.shrui %get3A_1519, %shift_right_logical3A_1524 : vector<16xi32>
        %swap3A_1526 = arith.constant 1 : i32
        %swap3A_1527 = arith.index_cast %swap3A_1526 : i32 to index
        %swap3A_1528 = arith.constant 48 : index
        %swap3A_1529 = tpu.vector_load %arg8[%swap3A_1527, %swap3A_1528] {strides = array<i32>} : memref<2x128xi32, #tpu.memory_space<vmem>>, vector<16xi32>,
        tpu.vector_store %arg8[%swap3A_1527, %swap3A_1528], %and3A_1522 {strides = array<i32>} : memref<2x128xi32, #tpu.memory_space<vmem>>, vector<16xi32>,
        %swap3A_1530 = arith.constant 1 : i32
        %swap3A_1531 = arith.index_cast %swap3A_1530 : i32 to index
        %swap3A_1532 = arith.constant 48 : index
        %swap3A_1533 = tpu.vector_load %arg9[%swap3A_1531, %swap3A_1532] {strides = array<i32>} : memref<2x128xi32, #tpu.memory_space<vmem>>, vector<16xi32>,
        tpu.vector_store %arg9[%swap3A_1531, %swap3A_1532], %shift_right_logical3A_1525 {strides = array<i32>} : memref<2x128xi32, #tpu.memory_space<vmem>>, vector<16xi32>,
        %mul3A_1534 = arith.constant 128 : i32
        %mul3A_1535 = arith.muli %add3A_1449, %mul3A_1534 : i32
        %add3A_1536 = arith.addi %add3A_1138, %mul3A_1535 : i32
        %add3A_1537 = arith.constant 64 : i32
        %add3A_1538 = arith.addi %add3A_1536, %add3A_1537 : i32
        %get3A_1539 = arith.index_cast %add3A_1538 : i32 to index
        %get3A_1540 = tpu.vector_load %arg7[%get3A_1539] {strides = array<i32>} : memref<20608xi32, #tpu.memory_space<vmem>>, vector<16xi32>,
        %and3A_1541 = arith.constant 262143 : i32
        %and3A_1542 = vector.broadcast %and3A_1541 : i32 to vector<16xi32>
        %and3A_1543 = arith.andi %get3A_1540, %and3A_1542 : vector<16xi32>
        %shift_right_logical3A_1544 = arith.constant 18 : i32
        %shift_right_logical3A_1545 = vector.broadcast %shift_right_logical3A_1544 : i32 to vector<16xi32>
        %shift_right_logical3A_1546 = arith.shrui %get3A_1540, %shift_right_logical3A_1545 : vector<16xi32>
        %swap3A_1547 = arith.constant 1 : i32
        %swap3A_1548 = arith.index_cast %swap3A_1547 : i32 to index
        %swap3A_1549 = arith.constant 64 : index
        %swap3A_1550 = tpu.vector_load %arg8[%swap3A_1548, %swap3A_1549] {strides = array<i32>} : memref<2x128xi32, #tpu.memory_space<vmem>>, vector<16xi32>,
        tpu.vector_store %arg8[%swap3A_1548, %swap3A_1549], %and3A_1543 {strides = array<i32>} : memref<2x128xi32, #tpu.memory_space<vmem>>, vector<16xi32>,
        %swap3A_1551 = arith.constant 1 : i32
        %swap3A_1552 = arith.index_cast %swap3A_1551 : i32 to index
        %swap3A_1553 = arith.constant 64 : index
        %swap3A_1554 = tpu.vector_load %arg9[%swap3A_1552, %swap3A_1553] {strides = array<i32>} : memref<2x128xi32, #tpu.memory_space<vmem>>, vector<16xi32>,
        tpu.vector_store %arg9[%swap3A_1552, %swap3A_1553], %shift_right_logical3A_1546 {strides = array<i32>} : memref<2x128xi32, #tpu.memory_space<vmem>>, vector<16xi32>,
        %mul3A_1555 = arith.constant 128 : i32
        %mul3A_1556 = arith.muli %add3A_1449, %mul3A_1555 : i32
        %add3A_1557 = arith.addi %add3A_1138, %mul3A_1556 : i32
        %add3A_1558 = arith.constant 80 : i32
        %add3A_1559 = arith.addi %add3A_1557, %add3A_1558 : i32
        %get3A_1560 = arith.index_cast %add3A_1559 : i32 to index
        %get3A_1561 = tpu.vector_load %arg7[%get3A_1560] {strides = array<i32>} : memref<20608xi32, #tpu.memory_space<vmem>>, vector<16xi32>,
        %and3A_1562 = arith.constant 262143 : i32
        %and3A_1563 = vector.broadcast %and3A_1562 : i32 to vector<16xi32>
        %and3A_1564 = arith.andi %get3A_1561, %and3A_1563 : vector<16xi32>
        %shift_right_logical3A_1565 = arith.constant 18 : i32
        %shift_right_logical3A_1566 = vector.broadcast %shift_right_logical3A_1565 : i32 to vector<16xi32>
        %shift_right_logical3A_1567 = arith.shrui %get3A_1561, %shift_right_logical3A_1566 : vector<16xi32>
        %swap3A_1568 = arith.constant 1 : i32
        %swap3A_1569 = arith.index_cast %swap3A_1568 : i32 to index
        %swap3A_1570 = arith.constant 80 : index
        %swap3A_1571 = tpu.vector_load %arg8[%swap3A_1569, %swap3A_1570] {strides = array<i32>} : memref<2x128xi32, #tpu.memory_space<vmem>>, vector<16xi32>,
        tpu.vector_store %arg8[%swap3A_1569, %swap3A_1570], %and3A_1564 {strides = array<i32>} : memref<2x128xi32, #tpu.memory_space<vmem>>, vector<16xi32>,
        %swap3A_1572 = arith.constant 1 : i32
        %swap3A_1573 = arith.index_cast %swap3A_1572 : i32 to index
        %swap3A_1574 = arith.constant 80 : index
        %swap3A_1575 = tpu.vector_load %arg9[%swap3A_1573, %swap3A_1574] {strides = array<i32>} : memref<2x128xi32, #tpu.memory_space<vmem>>, vector<16xi32>,
        tpu.vector_store %arg9[%swap3A_1573, %swap3A_1574], %shift_right_logical3A_1567 {strides = array<i32>} : memref<2x128xi32, #tpu.memory_space<vmem>>, vector<16xi32>,
        %mul3A_1576 = arith.constant 128 : i32
        %mul3A_1577 = arith.muli %add3A_1449, %mul3A_1576 : i32
        %add3A_1578 = arith.addi %add3A_1138, %mul3A_1577 : i32
        %add3A_1579 = arith.constant 96 : i32
        %add3A_1580 = arith.addi %add3A_1578, %add3A_1579 : i32
        %get3A_1581 = arith.index_cast %add3A_1580 : i32 to index
        %get3A_1582 = tpu.vector_load %arg7[%get3A_1581] {strides = array<i32>} : memref<20608xi32, #tpu.memory_space<vmem>>, vector<16xi32>,
        %and3A_1583 = arith.constant 262143 : i32
        %and3A_1584 = vector.broadcast %and3A_1583 : i32 to vector<16xi32>
        %and3A_1585 = arith.andi %get3A_1582, %and3A_1584 : vector<16xi32>
        %shift_right_logical3A_1586 = arith.constant 18 : i32
        %shift_right_logical3A_1587 = vector.broadcast %shift_right_logical3A_1586 : i32 to vector<16xi32>
        %shift_right_logical3A_1588 = arith.shrui %get3A_1582, %shift_right_logical3A_1587 : vector<16xi32>
        %swap3A_1589 = arith.constant 1 : i32
        %swap3A_1590 = arith.index_cast %swap3A_1589 : i32 to index
        %swap3A_1591 = arith.constant 96 : index
        %swap3A_1592 = tpu.vector_load %arg8[%swap3A_1590, %swap3A_1591] {strides = array<i32>} : memref<2x128xi32, #tpu.memory_space<vmem>>, vector<16xi32>,
        tpu.vector_store %arg8[%swap3A_1590, %swap3A_1591], %and3A_1585 {strides = array<i32>} : memref<2x128xi32, #tpu.memory_space<vmem>>, vector<16xi32>,
        %swap3A_1593 = arith.constant 1 : i32
        %swap3A_1594 = arith.index_cast %swap3A_1593 : i32 to index
        %swap3A_1595 = arith.constant 96 : index
        %swap3A_1596 = tpu.vector_load %arg9[%swap3A_1594, %swap3A_1595] {strides = array<i32>} : memref<2x128xi32, #tpu.memory_space<vmem>>, vector<16xi32>,
        tpu.vector_store %arg9[%swap3A_1594, %swap3A_1595], %shift_right_logical3A_1588 {strides = array<i32>} : memref<2x128xi32, #tpu.memory_space<vmem>>, vector<16xi32>,
        %mul3A_1597 = arith.constant 128 : i32
        %mul3A_1598 = arith.muli %add3A_1449, %mul3A_1597 : i32
        %add3A_1599 = arith.addi %add3A_1138, %mul3A_1598 : i32
        %add3A_1600 = arith.constant 112 : i32
        %add3A_1601 = arith.addi %add3A_1599, %add3A_1600 : i32
        %get3A_1602 = arith.index_cast %add3A_1601 : i32 to index
        %get3A_1603 = tpu.vector_load %arg7[%get3A_1602] {strides = array<i32>} : memref<20608xi32, #tpu.memory_space<vmem>>, vector<16xi32>,
        %and3A_1604 = arith.constant 262143 : i32
        %and3A_1605 = vector.broadcast %and3A_1604 : i32 to vector<16xi32>
        %and3A_1606 = arith.andi %get3A_1603, %and3A_1605 : vector<16xi32>
        %shift_right_logical3A_1607 = arith.constant 18 : i32
        %shift_right_logical3A_1608 = vector.broadcast %shift_right_logical3A_1607 : i32 to vector<16xi32>
        %shift_right_logical3A_1609 = arith.shrui %get3A_1603, %shift_right_logical3A_1608 : vector<16xi32>
        %swap3A_1610 = arith.constant 1 : i32
        %swap3A_1611 = arith.index_cast %swap3A_1610 : i32 to index
        %swap3A_1612 = arith.constant 112 : index
        %swap3A_1613 = tpu.vector_load %arg8[%swap3A_1611, %swap3A_1612] {strides = array<i32>} : memref<2x128xi32, #tpu.memory_space<vmem>>, vector<16xi32>,
        tpu.vector_store %arg8[%swap3A_1611, %swap3A_1612], %and3A_1606 {strides = array<i32>} : memref<2x128xi32, #tpu.memory_space<vmem>>, vector<16xi32>,
        %swap3A_1614 = arith.constant 1 : i32
        %swap3A_1615 = arith.index_cast %swap3A_1614 : i32 to index
        %swap3A_1616 = arith.constant 112 : index
        %swap3A_1617 = tpu.vector_load %arg9[%swap3A_1615, %swap3A_1616] {strides = array<i32>} : memref<2x128xi32, #tpu.memory_space<vmem>>, vector<16xi32>,
        tpu.vector_store %arg9[%swap3A_1615, %swap3A_1616], %shift_right_logical3A_1609 {strides = array<i32>} : memref<2x128xi32, #tpu.memory_space<vmem>>, vector<16xi32>,
        %dma_start3A_1618 = arith.constant 1 : i32
        %dma_start3A_1619 = arith.constant 0 : i32
        %dma_start3A_1620 = tpu.memref_slice %arg8[%dma_start3A_1618, %dma_start3A_1619] : memref<2x128xi32, #tpu.memory_space<vmem>> -> memref<1x128xi32, #tpu.memory_space<vmem>>
        %dma_start3A_1621 = tpu.memref_squeeze %dma_start3A_1620 : memref<1x128xi32, #tpu.memory_space<vmem>> -> memref<128xi32, #tpu.memory_space<vmem>>
        %dma_start3A_1622 = arith.constant 0 : i32
        %dma_start3A_1623 = arith.constant 0 : i32
        %dma_start3A_1624 = tpu.memref_slice %arg2[%dma_start3A_1622, %dma_start3A_1623] : memref<264192x128xf32, #tpu.memory_space<hbm>> -> memref<264192x128xf32, #tpu.memory_space<hbm>>
        tpu.enqueue_indirect_dma source(%dma_start3A_1624 : memref<264192x128xf32, #tpu.memory_space<hbm>>) target(%arg11 : memref<128x128xf32, #tpu.memory_space<vmem>>) offsets(%dma_start3A_1621 : memref<128xi32, #tpu.memory_space<vmem>>) semaphore(%arg18 : memref<!tpu.dma_semaphore, #tpu.memory_space<semaphore_mem>>)
        %dma_wait3A_1625 = arith.constant 0 : i32
        %dma_wait3A_1626 = arith.constant 0 : i32
        %dma_wait3A_1627 = tpu.memref_slice %arg8[%dma_wait3A_1625, %dma_wait3A_1626] : memref<2x128xi32, #tpu.memory_space<vmem>> -> memref<1x128xi32, #tpu.memory_space<vmem>>
        %dma_wait3A_1628 = tpu.memref_squeeze %dma_wait3A_1627 : memref<1x128xi32, #tpu.memory_space<vmem>> -> memref<128xi32, #tpu.memory_space<vmem>>
        %dma_wait3A_1629 = arith.constant 0 : i32
        %dma_wait3A_1630 = arith.constant 0 : i32
        %dma_wait3A_1631 = tpu.memref_slice %arg2[%dma_wait3A_1629, %dma_wait3A_1630] : memref<264192x128xf32, #tpu.memory_space<hbm>> -> memref<264192x128xf32, #tpu.memory_space<hbm>>
        tpu.wait_indirect_dma semaphore(%arg17 : memref<!tpu.dma_semaphore, #tpu.memory_space<semaphore_mem>>) src(%dma_wait3A_1631 : memref<264192x128xf32, #tpu.memory_space<hbm>>) dst(%arg10 : memref<128x128xf32, #tpu.memory_space<vmem>>)
        %run_scoped3A = arith.constant 0 : i32
        "tpu.region"() ({
          %run_scoped3A_1640 = tpu.sem_alloc : memref<!tpu.dma_semaphore, #tpu.memory_space<semaphore_mem>>
          %dma_start3A_1641 = arith.constant 0 : i32
          %dma_start3A_1642 = tpu.memref_slice %arg9[%run_scoped3A, %dma_start3A_1641] : memref<2x128xi32, #tpu.memory_space<vmem>> -> memref<1x128xi32, #tpu.memory_space<vmem>>
          %dma_start3A_1643 = tpu.memref_squeeze %dma_start3A_1642 : memref<1x128xi32, #tpu.memory_space<vmem>> -> memref<128xi32, #tpu.memory_space<vmem>>
          %dma_start3A_1644 = arith.constant 0 : i32
          %dma_start3A_1645 = arith.constant 0 : i32
          %dma_start3A_1646 = tpu.memref_slice %arg16[%dma_start3A_1644, %dma_start3A_1645] : memref<8320x128xf32, #tpu.memory_space<vmem_shared>> -> memref<8320x128xf32, #tpu.memory_space<vmem_shared>>
          tpu.enqueue_indirect_dma source(%arg10 : memref<128x128xf32, #tpu.memory_space<vmem>>) target(%dma_start3A_1646 : memref<8320x128xf32, #tpu.memory_space<vmem_shared>>) offsets(%dma_start3A_1643 : memref<128xi32, #tpu.memory_space<vmem>>) semaphore(%run_scoped3A_1640 : memref<!tpu.dma_semaphore, #tpu.memory_space<semaphore_mem>>) {add = true}
          %dma_wait3A_1647 = arith.constant 0 : i32
          %dma_wait3A_1648 = tpu.memref_slice %arg9[%run_scoped3A, %dma_wait3A_1647] : memref<2x128xi32, #tpu.memory_space<vmem>> -> memref<1x128xi32, #tpu.memory_space<vmem>>
          %dma_wait3A_1649 = tpu.memref_squeeze %dma_wait3A_1648 : memref<1x128xi32, #tpu.memory_space<vmem>> -> memref<128xi32, #tpu.memory_space<vmem>>
          %dma_wait3A_1650 = arith.constant 0 : i32
          %dma_wait3A_1651 = arith.constant 0 : i32
          %dma_wait3A_1652 = tpu.memref_slice %arg16[%dma_wait3A_1650, %dma_wait3A_1651] : memref<8320x128xf32, #tpu.memory_space<vmem_shared>> -> memref<8320x128xf32, #tpu.memory_space<vmem_shared>>
          tpu.wait_indirect_dma semaphore(%run_scoped3A_1640 : memref<!tpu.dma_semaphore, #tpu.memory_space<semaphore_mem>>) src(%arg10 : memref<128x128xf32, #tpu.memory_space<vmem>>) dst(%dma_wait3A_1652 : memref<8320x128xf32, #tpu.memory_space<vmem_shared>>)
          tpu.yield
        }) : () -> ()
        %dma_wait3A_1632 = arith.constant 1 : i32
        %dma_wait3A_1633 = arith.constant 0 : i32
        %dma_wait3A_1634 = tpu.memref_slice %arg8[%dma_wait3A_1632, %dma_wait3A_1633] : memref<2x128xi32, #tpu.memory_space<vmem>> -> memref<1x128xi32, #tpu.memory_space<vmem>>
        %dma_wait3A_1635 = tpu.memref_squeeze %dma_wait3A_1634 : memref<1x128xi32, #tpu.memory_space<vmem>> -> memref<128xi32, #tpu.memory_space<vmem>>
        %dma_wait3A_1636 = arith.constant 0 : i32
        %dma_wait3A_1637 = arith.constant 0 : i32
        %dma_wait3A_1638 = tpu.memref_slice %arg2[%dma_wait3A_1636, %dma_wait3A_1637] : memref<264192x128xf32, #tpu.memory_space<hbm>> -> memref<264192x128xf32, #tpu.memory_space<hbm>>
        tpu.wait_indirect_dma semaphore(%arg18 : memref<!tpu.dma_semaphore, #tpu.memory_space<semaphore_mem>>) src(%dma_wait3A_1638 : memref<264192x128xf32, #tpu.memory_space<hbm>>) dst(%arg11 : memref<128x128xf32, #tpu.memory_space<vmem>>)
        %run_scoped3A_1639 = arith.constant 1 : i32
        "tpu.region"() ({
          %run_scoped3A_1640 = tpu.sem_alloc : memref<!tpu.dma_semaphore, #tpu.memory_space<semaphore_mem>>
          %dma_start3A_1641 = arith.constant 0 : i32
          %dma_start3A_1642 = tpu.memref_slice %arg9[%run_scoped3A_1639, %dma_start3A_1641] : memref<2x128xi32, #tpu.memory_space<vmem>> -> memref<1x128xi32, #tpu.memory_space<vmem>>
          %dma_start3A_1643 = tpu.memref_squeeze %dma_start3A_1642 : memref<1x128xi32, #tpu.memory_space<vmem>> -> memref<128xi32, #tpu.memory_space<vmem>>
          %dma_start3A_1644 = arith.constant 0 : i32
          %dma_start3A_1645 = arith.constant 0 : i32
          %dma_start3A_1646 = tpu.memref_slice %arg16[%dma_start3A_1644, %dma_start3A_1645] : memref<8320x128xf32, #tpu.memory_space<vmem_shared>> -> memref<8320x128xf32, #tpu.memory_space<vmem_shared>>
          tpu.enqueue_indirect_dma source(%arg11 : memref<128x128xf32, #tpu.memory_space<vmem>>) target(%dma_start3A_1646 : memref<8320x128xf32, #tpu.memory_space<vmem_shared>>) offsets(%dma_start3A_1643 : memref<128xi32, #tpu.memory_space<vmem>>) semaphore(%run_scoped3A_1640 : memref<!tpu.dma_semaphore, #tpu.memory_space<semaphore_mem>>) {add = true}
          %dma_wait3A_1647 = arith.constant 0 : i32
          %dma_wait3A_1648 = tpu.memref_slice %arg9[%run_scoped3A_1639, %dma_wait3A_1647] : memref<2x128xi32, #tpu.memory_space<vmem>> -> memref<1x128xi32, #tpu.memory_space<vmem>>
          %dma_wait3A_1649 = tpu.memref_squeeze %dma_wait3A_1648 : memref<1x128xi32, #tpu.memory_space<vmem>> -> memref<128xi32, #tpu.memory_space<vmem>>
          %dma_wait3A_1650 = arith.constant 0 : i32
          %dma_wait3A_1651 = arith.constant 0 : i32
          %dma_wait3A_1652 = tpu.memref_slice %arg16[%dma_wait3A_1650, %dma_wait3A_1651] : memref<8320x128xf32, #tpu.memory_space<vmem_shared>> -> memref<8320x128xf32, #tpu.memory_space<vmem_shared>>
          tpu.wait_indirect_dma semaphore(%run_scoped3A_1640 : memref<!tpu.dma_semaphore, #tpu.memory_space<semaphore_mem>>) src(%arg11 : memref<128x128xf32, #tpu.memory_space<vmem>>) dst(%dma_wait3A_1652 : memref<8320x128xf32, #tpu.memory_space<vmem_shared>>)
          tpu.yield
        }) : () -> ()
      }
      %mul3A_1245 = arith.constant 2 : i32
      %mul3A_1246 = arith.muli %mul3A_1245, %select_n3A_1235 : i32
      %gt3A = arith.cmpi sgt, %select_n3A_1211, %mul3A_1246 : i32
      %convert_element_type3A = arith.extui %gt3A : i1 to i32
      %cond3A = arith.constant 0 : i32
      %cond3A_1247 = arith.cmpi ne, %convert_element_type3A, %cond3A : i32
      scf.if %cond3A_1247 {
        %mul3A_1271 = arith.constant 2 : i32
        %mul3A_1272 = arith.muli %mul3A_1271, %select_n3A_1235 : i32
        %mul3A_1273 = arith.constant 128 : i32
        %mul3A_1274 = arith.muli %mul3A_1272, %mul3A_1273 : i32
        %add3A_1275 = arith.addi %add3A_1138, %mul3A_1274 : i32
        %add3A_1276 = arith.constant 0 : i32
        %add3A_1277 = arith.addi %add3A_1275, %add3A_1276 : i32
        %get3A_1278 = arith.index_cast %add3A_1277 : i32 to index
        %get3A_1279 = tpu.vector_load %arg7[%get3A_1278] {strides = array<i32>} : memref<20608xi32, #tpu.memory_space<vmem>>, vector<16xi32>,
        %and3A_1280 = arith.constant 262143 : i32
        %and3A_1281 = vector.broadcast %and3A_1280 : i32 to vector<16xi32>
        %and3A_1282 = arith.andi %get3A_1279, %and3A_1281 : vector<16xi32>
        %shift_right_logical3A = arith.constant 18 : i32
        %shift_right_logical3A_1283 = vector.broadcast %shift_right_logical3A : i32 to vector<16xi32>
        %shift_right_logical3A_1284 = arith.shrui %get3A_1279, %shift_right_logical3A_1283 : vector<16xi32>
        %swap3A_1285 = arith.constant 0 : i32
        %swap3A_1286 = arith.index_cast %swap3A_1285 : i32 to index
        %swap3A_1287 = arith.constant 0 : index
        %swap3A_1288 = tpu.vector_load %arg8[%swap3A_1286, %swap3A_1287] {strides = array<i32>} : memref<2x128xi32, #tpu.memory_space<vmem>>, vector<16xi32>,
        tpu.vector_store %arg8[%swap3A_1286, %swap3A_1287], %and3A_1282 {strides = array<i32>} : memref<2x128xi32, #tpu.memory_space<vmem>>, vector<16xi32>,
        %swap3A_1289 = arith.constant 0 : i32
        %swap3A_1290 = arith.index_cast %swap3A_1289 : i32 to index
        %swap3A_1291 = arith.constant 0 : index
        %swap3A_1292 = tpu.vector_load %arg9[%swap3A_1290, %swap3A_1291] {strides = array<i32>} : memref<2x128xi32, #tpu.memory_space<vmem>>, vector<16xi32>,
        tpu.vector_store %arg9[%swap3A_1290, %swap3A_1291], %shift_right_logical3A_1284 {strides = array<i32>} : memref<2x128xi32, #tpu.memory_space<vmem>>, vector<16xi32>,
        %mul3A_1293 = arith.constant 128 : i32
        %mul3A_1294 = arith.muli %mul3A_1272, %mul3A_1293 : i32
        %add3A_1295 = arith.addi %add3A_1138, %mul3A_1294 : i32
        %add3A_1296 = arith.constant 16 : i32
        %add3A_1297 = arith.addi %add3A_1295, %add3A_1296 : i32
        %get3A_1298 = arith.index_cast %add3A_1297 : i32 to index
        %get3A_1299 = tpu.vector_load %arg7[%get3A_1298] {strides = array<i32>} : memref<20608xi32, #tpu.memory_space<vmem>>, vector<16xi32>,
        %and3A_1300 = arith.constant 262143 : i32
        %and3A_1301 = vector.broadcast %and3A_1300 : i32 to vector<16xi32>
        %and3A_1302 = arith.andi %get3A_1299, %and3A_1301 : vector<16xi32>
        %shift_right_logical3A_1303 = arith.constant 18 : i32
        %shift_right_logical3A_1304 = vector.broadcast %shift_right_logical3A_1303 : i32 to vector<16xi32>
        %shift_right_logical3A_1305 = arith.shrui %get3A_1299, %shift_right_logical3A_1304 : vector<16xi32>
        %swap3A_1306 = arith.constant 0 : i32
        %swap3A_1307 = arith.index_cast %swap3A_1306 : i32 to index
        %swap3A_1308 = arith.constant 16 : index
        %swap3A_1309 = tpu.vector_load %arg8[%swap3A_1307, %swap3A_1308] {strides = array<i32>} : memref<2x128xi32, #tpu.memory_space<vmem>>, vector<16xi32>,
        tpu.vector_store %arg8[%swap3A_1307, %swap3A_1308], %and3A_1302 {strides = array<i32>} : memref<2x128xi32, #tpu.memory_space<vmem>>, vector<16xi32>,
        %swap3A_1310 = arith.constant 0 : i32
        %swap3A_1311 = arith.index_cast %swap3A_1310 : i32 to index
        %swap3A_1312 = arith.constant 16 : index
        %swap3A_1313 = tpu.vector_load %arg9[%swap3A_1311, %swap3A_1312] {strides = array<i32>} : memref<2x128xi32, #tpu.memory_space<vmem>>, vector<16xi32>,
        tpu.vector_store %arg9[%swap3A_1311, %swap3A_1312], %shift_right_logical3A_1305 {strides = array<i32>} : memref<2x128xi32, #tpu.memory_space<vmem>>, vector<16xi32>,
        %mul3A_1314 = arith.constant 128 : i32
        %mul3A_1315 = arith.muli %mul3A_1272, %mul3A_1314 : i32
        %add3A_1316 = arith.addi %add3A_1138, %mul3A_1315 : i32
        %add3A_1317 = arith.constant 32 : i32
        %add3A_1318 = arith.addi %add3A_1316, %add3A_1317 : i32
        %get3A_1319 = arith.index_cast %add3A_1318 : i32 to index
        %get3A_1320 = tpu.vector_load %arg7[%get3A_1319] {strides = array<i32>} : memref<20608xi32, #tpu.memory_space<vmem>>, vector<16xi32>,
        %and3A_1321 = arith.constant 262143 : i32
        %and3A_1322 = vector.broadcast %and3A_1321 : i32 to vector<16xi32>
        %and3A_1323 = arith.andi %get3A_1320, %and3A_1322 : vector<16xi32>
        %shift_right_logical3A_1324 = arith.constant 18 : i32
        %shift_right_logical3A_1325 = vector.broadcast %shift_right_logical3A_1324 : i32 to vector<16xi32>
        %shift_right_logical3A_1326 = arith.shrui %get3A_1320, %shift_right_logical3A_1325 : vector<16xi32>
        %swap3A_1327 = arith.constant 0 : i32
        %swap3A_1328 = arith.index_cast %swap3A_1327 : i32 to index
        %swap3A_1329 = arith.constant 32 : index
        %swap3A_1330 = tpu.vector_load %arg8[%swap3A_1328, %swap3A_1329] {strides = array<i32>} : memref<2x128xi32, #tpu.memory_space<vmem>>, vector<16xi32>,
        tpu.vector_store %arg8[%swap3A_1328, %swap3A_1329], %and3A_1323 {strides = array<i32>} : memref<2x128xi32, #tpu.memory_space<vmem>>, vector<16xi32>,
        %swap3A_1331 = arith.constant 0 : i32
        %swap3A_1332 = arith.index_cast %swap3A_1331 : i32 to index
        %swap3A_1333 = arith.constant 32 : index
        %swap3A_1334 = tpu.vector_load %arg9[%swap3A_1332, %swap3A_1333] {strides = array<i32>} : memref<2x128xi32, #tpu.memory_space<vmem>>, vector<16xi32>,
        tpu.vector_store %arg9[%swap3A_1332, %swap3A_1333], %shift_right_logical3A_1326 {strides = array<i32>} : memref<2x128xi32, #tpu.memory_space<vmem>>, vector<16xi32>,
        %mul3A_1335 = arith.constant 128 : i32
        %mul3A_1336 = arith.muli %mul3A_1272, %mul3A_1335 : i32
        %add3A_1337 = arith.addi %add3A_1138, %mul3A_1336 : i32
        %add3A_1338 = arith.constant 48 : i32
        %add3A_1339 = arith.addi %add3A_1337, %add3A_1338 : i32
        %get3A_1340 = arith.index_cast %add3A_1339 : i32 to index
        %get3A_1341 = tpu.vector_load %arg7[%get3A_1340] {strides = array<i32>} : memref<20608xi32, #tpu.memory_space<vmem>>, vector<16xi32>,
        %and3A_1342 = arith.constant 262143 : i32
        %and3A_1343 = vector.broadcast %and3A_1342 : i32 to vector<16xi32>
        %and3A_1344 = arith.andi %get3A_1341, %and3A_1343 : vector<16xi32>
        %shift_right_logical3A_1345 = arith.constant 18 : i32
        %shift_right_logical3A_1346 = vector.broadcast %shift_right_logical3A_1345 : i32 to vector<16xi32>
        %shift_right_logical3A_1347 = arith.shrui %get3A_1341, %shift_right_logical3A_1346 : vector<16xi32>
        %swap3A_1348 = arith.constant 0 : i32
        %swap3A_1349 = arith.index_cast %swap3A_1348 : i32 to index
        %swap3A_1350 = arith.constant 48 : index
        %swap3A_1351 = tpu.vector_load %arg8[%swap3A_1349, %swap3A_1350] {strides = array<i32>} : memref<2x128xi32, #tpu.memory_space<vmem>>, vector<16xi32>,
        tpu.vector_store %arg8[%swap3A_1349, %swap3A_1350], %and3A_1344 {strides = array<i32>} : memref<2x128xi32, #tpu.memory_space<vmem>>, vector<16xi32>,
        %swap3A_1352 = arith.constant 0 : i32
        %swap3A_1353 = arith.index_cast %swap3A_1352 : i32 to index
        %swap3A_1354 = arith.constant 48 : index
        %swap3A_1355 = tpu.vector_load %arg9[%swap3A_1353, %swap3A_1354] {strides = array<i32>} : memref<2x128xi32, #tpu.memory_space<vmem>>, vector<16xi32>,
        tpu.vector_store %arg9[%swap3A_1353, %swap3A_1354], %shift_right_logical3A_1347 {strides = array<i32>} : memref<2x128xi32, #tpu.memory_space<vmem>>, vector<16xi32>,
        %mul3A_1356 = arith.constant 128 : i32
        %mul3A_1357 = arith.muli %mul3A_1272, %mul3A_1356 : i32
        %add3A_1358 = arith.addi %add3A_1138, %mul3A_1357 : i32
        %add3A_1359 = arith.constant 64 : i32
        %add3A_1360 = arith.addi %add3A_1358, %add3A_1359 : i32
        %get3A_1361 = arith.index_cast %add3A_1360 : i32 to index
        %get3A_1362 = tpu.vector_load %arg7[%get3A_1361] {strides = array<i32>} : memref<20608xi32, #tpu.memory_space<vmem>>, vector<16xi32>,
        %and3A_1363 = arith.constant 262143 : i32
        %and3A_1364 = vector.broadcast %and3A_1363 : i32 to vector<16xi32>
        %and3A_1365 = arith.andi %get3A_1362, %and3A_1364 : vector<16xi32>
        %shift_right_logical3A_1366 = arith.constant 18 : i32
        %shift_right_logical3A_1367 = vector.broadcast %shift_right_logical3A_1366 : i32 to vector<16xi32>
        %shift_right_logical3A_1368 = arith.shrui %get3A_1362, %shift_right_logical3A_1367 : vector<16xi32>
        %swap3A_1369 = arith.constant 0 : i32
        %swap3A_1370 = arith.index_cast %swap3A_1369 : i32 to index
        %swap3A_1371 = arith.constant 64 : index
        %swap3A_1372 = tpu.vector_load %arg8[%swap3A_1370, %swap3A_1371] {strides = array<i32>} : memref<2x128xi32, #tpu.memory_space<vmem>>, vector<16xi32>,
        tpu.vector_store %arg8[%swap3A_1370, %swap3A_1371], %and3A_1365 {strides = array<i32>} : memref<2x128xi32, #tpu.memory_space<vmem>>, vector<16xi32>,
        %swap3A_1373 = arith.constant 0 : i32
        %swap3A_1374 = arith.index_cast %swap3A_1373 : i32 to index
        %swap3A_1375 = arith.constant 64 : index
        %swap3A_1376 = tpu.vector_load %arg9[%swap3A_1374, %swap3A_1375] {strides = array<i32>} : memref<2x128xi32, #tpu.memory_space<vmem>>, vector<16xi32>,
        tpu.vector_store %arg9[%swap3A_1374, %swap3A_1375], %shift_right_logical3A_1368 {strides = array<i32>} : memref<2x128xi32, #tpu.memory_space<vmem>>, vector<16xi32>,
        %mul3A_1377 = arith.constant 128 : i32
        %mul3A_1378 = arith.muli %mul3A_1272, %mul3A_1377 : i32
        %add3A_1379 = arith.addi %add3A_1138, %mul3A_1378 : i32
        %add3A_1380 = arith.constant 80 : i32
        %add3A_1381 = arith.addi %add3A_1379, %add3A_1380 : i32
        %get3A_1382 = arith.index_cast %add3A_1381 : i32 to index
        %get3A_1383 = tpu.vector_load %arg7[%get3A_1382] {strides = array<i32>} : memref<20608xi32, #tpu.memory_space<vmem>>, vector<16xi32>,
        %and3A_1384 = arith.constant 262143 : i32
        %and3A_1385 = vector.broadcast %and3A_1384 : i32 to vector<16xi32>
        %and3A_1386 = arith.andi %get3A_1383, %and3A_1385 : vector<16xi32>
        %shift_right_logical3A_1387 = arith.constant 18 : i32
        %shift_right_logical3A_1388 = vector.broadcast %shift_right_logical3A_1387 : i32 to vector<16xi32>
        %shift_right_logical3A_1389 = arith.shrui %get3A_1383, %shift_right_logical3A_1388 : vector<16xi32>
        %swap3A_1390 = arith.constant 0 : i32
        %swap3A_1391 = arith.index_cast %swap3A_1390 : i32 to index
        %swap3A_1392 = arith.constant 80 : index
        %swap3A_1393 = tpu.vector_load %arg8[%swap3A_1391, %swap3A_1392] {strides = array<i32>} : memref<2x128xi32, #tpu.memory_space<vmem>>, vector<16xi32>,
        tpu.vector_store %arg8[%swap3A_1391, %swap3A_1392], %and3A_1386 {strides = array<i32>} : memref<2x128xi32, #tpu.memory_space<vmem>>, vector<16xi32>,
        %swap3A_1394 = arith.constant 0 : i32
        %swap3A_1395 = arith.index_cast %swap3A_1394 : i32 to index
        %swap3A_1396 = arith.constant 80 : index
        %swap3A_1397 = tpu.vector_load %arg9[%swap3A_1395, %swap3A_1396] {strides = array<i32>} : memref<2x128xi32, #tpu.memory_space<vmem>>, vector<16xi32>,
        tpu.vector_store %arg9[%swap3A_1395, %swap3A_1396], %shift_right_logical3A_1389 {strides = array<i32>} : memref<2x128xi32, #tpu.memory_space<vmem>>, vector<16xi32>,
        %mul3A_1398 = arith.constant 128 : i32
        %mul3A_1399 = arith.muli %mul3A_1272, %mul3A_1398 : i32
        %add3A_1400 = arith.addi %add3A_1138, %mul3A_1399 : i32
        %add3A_1401 = arith.constant 96 : i32
        %add3A_1402 = arith.addi %add3A_1400, %add3A_1401 : i32
        %get3A_1403 = arith.index_cast %add3A_1402 : i32 to index
        %get3A_1404 = tpu.vector_load %arg7[%get3A_1403] {strides = array<i32>} : memref<20608xi32, #tpu.memory_space<vmem>>, vector<16xi32>,
        %and3A_1405 = arith.constant 262143 : i32
        %and3A_1406 = vector.broadcast %and3A_1405 : i32 to vector<16xi32>
        %and3A_1407 = arith.andi %get3A_1404, %and3A_1406 : vector<16xi32>
        %shift_right_logical3A_1408 = arith.constant 18 : i32
        %shift_right_logical3A_1409 = vector.broadcast %shift_right_logical3A_1408 : i32 to vector<16xi32>
        %shift_right_logical3A_1410 = arith.shrui %get3A_1404, %shift_right_logical3A_1409 : vector<16xi32>
        %swap3A_1411 = arith.constant 0 : i32
        %swap3A_1412 = arith.index_cast %swap3A_1411 : i32 to index
        %swap3A_1413 = arith.constant 96 : index
        %swap3A_1414 = tpu.vector_load %arg8[%swap3A_1412, %swap3A_1413] {strides = array<i32>} : memref<2x128xi32, #tpu.memory_space<vmem>>, vector<16xi32>,
        tpu.vector_store %arg8[%swap3A_1412, %swap3A_1413], %and3A_1407 {strides = array<i32>} : memref<2x128xi32, #tpu.memory_space<vmem>>, vector<16xi32>,
        %swap3A_1415 = arith.constant 0 : i32
        %swap3A_1416 = arith.index_cast %swap3A_1415 : i32 to index
        %swap3A_1417 = arith.constant 96 : index
        %swap3A_1418 = tpu.vector_load %arg9[%swap3A_1416, %swap3A_1417] {strides = array<i32>} : memref<2x128xi32, #tpu.memory_space<vmem>>, vector<16xi32>,
        tpu.vector_store %arg9[%swap3A_1416, %swap3A_1417], %shift_right_logical3A_1410 {strides = array<i32>} : memref<2x128xi32, #tpu.memory_space<vmem>>, vector<16xi32>,
        %mul3A_1419 = arith.constant 128 : i32
        %mul3A_1420 = arith.muli %mul3A_1272, %mul3A_1419 : i32
        %add3A_1421 = arith.addi %add3A_1138, %mul3A_1420 : i32
        %add3A_1422 = arith.constant 112 : i32
        %add3A_1423 = arith.addi %add3A_1421, %add3A_1422 : i32
        %get3A_1424 = arith.index_cast %add3A_1423 : i32 to index
        %get3A_1425 = tpu.vector_load %arg7[%get3A_1424] {strides = array<i32>} : memref<20608xi32, #tpu.memory_space<vmem>>, vector<16xi32>,
        %and3A_1426 = arith.constant 262143 : i32
        %and3A_1427 = vector.broadcast %and3A_1426 : i32 to vector<16xi32>
        %and3A_1428 = arith.andi %get3A_1425, %and3A_1427 : vector<16xi32>
        %shift_right_logical3A_1429 = arith.constant 18 : i32
        %shift_right_logical3A_1430 = vector.broadcast %shift_right_logical3A_1429 : i32 to vector<16xi32>
        %shift_right_logical3A_1431 = arith.shrui %get3A_1425, %shift_right_logical3A_1430 : vector<16xi32>
        %swap3A_1432 = arith.constant 0 : i32
        %swap3A_1433 = arith.index_cast %swap3A_1432 : i32 to index
        %swap3A_1434 = arith.constant 112 : index
        %swap3A_1435 = tpu.vector_load %arg8[%swap3A_1433, %swap3A_1434] {strides = array<i32>} : memref<2x128xi32, #tpu.memory_space<vmem>>, vector<16xi32>,
        tpu.vector_store %arg8[%swap3A_1433, %swap3A_1434], %and3A_1428 {strides = array<i32>} : memref<2x128xi32, #tpu.memory_space<vmem>>, vector<16xi32>,
        %swap3A_1436 = arith.constant 0 : i32
        %swap3A_1437 = arith.index_cast %swap3A_1436 : i32 to index
        %swap3A_1438 = arith.constant 112 : index
        %swap3A_1439 = tpu.vector_load %arg9[%swap3A_1437, %swap3A_1438] {strides = array<i32>} : memref<2x128xi32, #tpu.memory_space<vmem>>, vector<16xi32>,
        tpu.vector_store %arg9[%swap3A_1437, %swap3A_1438], %shift_right_logical3A_1431 {strides = array<i32>} : memref<2x128xi32, #tpu.memory_space<vmem>>, vector<16xi32>,
        %dma_start3A_1440 = arith.constant 0 : i32
        %dma_start3A_1441 = arith.constant 0 : i32
        %dma_start3A_1442 = tpu.memref_slice %arg8[%dma_start3A_1440, %dma_start3A_1441] : memref<2x128xi32, #tpu.memory_space<vmem>> -> memref<1x128xi32, #tpu.memory_space<vmem>>
        %dma_start3A_1443 = tpu.memref_squeeze %dma_start3A_1442 : memref<1x128xi32, #tpu.memory_space<vmem>> -> memref<128xi32, #tpu.memory_space<vmem>>
        %dma_start3A_1444 = arith.constant 0 : i32
        %dma_start3A_1445 = arith.constant 0 : i32
        %dma_start3A_1446 = tpu.memref_slice %arg2[%dma_start3A_1444, %dma_start3A_1445] : memref<264192x128xf32, #tpu.memory_space<hbm>> -> memref<264192x128xf32, #tpu.memory_space<hbm>>
        tpu.enqueue_indirect_dma source(%dma_start3A_1446 : memref<264192x128xf32, #tpu.memory_space<hbm>>) target(%arg10 : memref<128x128xf32, #tpu.memory_space<vmem>>) offsets(%dma_start3A_1443 : memref<128xi32, #tpu.memory_space<vmem>>) semaphore(%arg17 : memref<!tpu.dma_semaphore, #tpu.memory_space<semaphore_mem>>)
        %dma_wait3A_1447 = arith.constant 0 : i32
        %dma_wait3A_1448 = arith.constant 0 : i32
        %dma_wait3A_1449 = tpu.memref_slice %arg8[%dma_wait3A_1447, %dma_wait3A_1448] : memref<2x128xi32, #tpu.memory_space<vmem>> -> memref<1x128xi32, #tpu.memory_space<vmem>>
        %dma_wait3A_1450 = tpu.memref_squeeze %dma_wait3A_1449 : memref<1x128xi32, #tpu.memory_space<vmem>> -> memref<128xi32, #tpu.memory_space<vmem>>
        %dma_wait3A_1451 = arith.constant 0 : i32
        %dma_wait3A_1452 = arith.constant 0 : i32
        %dma_wait3A_1453 = tpu.memref_slice %arg2[%dma_wait3A_1451, %dma_wait3A_1452] : memref<264192x128xf32, #tpu.memory_space<hbm>> -> memref<264192x128xf32, #tpu.memory_space<hbm>>
        tpu.wait_indirect_dma semaphore(%arg17 : memref<!tpu.dma_semaphore, #tpu.memory_space<semaphore_mem>>) src(%dma_wait3A_1453 : memref<264192x128xf32, #tpu.memory_space<hbm>>) dst(%arg10 : memref<128x128xf32, #tpu.memory_space<vmem>>)
        %run_scoped3A = arith.constant 0 : i32
        "tpu.region"() ({
          %run_scoped3A_1454 = tpu.sem_alloc : memref<!tpu.dma_semaphore, #tpu.memory_space<semaphore_mem>>
          %dma_start3A_1455 = arith.constant 0 : i32
          %dma_start3A_1456 = tpu.memref_slice %arg9[%run_scoped3A, %dma_start3A_1455] : memref<2x128xi32, #tpu.memory_space<vmem>> -> memref<1x128xi32, #tpu.memory_space<vmem>>
          %dma_start3A_1457 = tpu.memref_squeeze %dma_start3A_1456 : memref<1x128xi32, #tpu.memory_space<vmem>> -> memref<128xi32, #tpu.memory_space<vmem>>
          %dma_start3A_1458 = arith.constant 0 : i32
          %dma_start3A_1459 = arith.constant 0 : i32
          %dma_start3A_1460 = tpu.memref_slice %arg16[%dma_start3A_1458, %dma_start3A_1459] : memref<8320x128xf32, #tpu.memory_space<vmem_shared>> -> memref<8320x128xf32, #tpu.memory_space<vmem_shared>>
          tpu.enqueue_indirect_dma source(%arg10 : memref<128x128xf32, #tpu.memory_space<vmem>>) target(%dma_start3A_1460 : memref<8320x128xf32, #tpu.memory_space<vmem_shared>>) offsets(%dma_start3A_1457 : memref<128xi32, #tpu.memory_space<vmem>>) semaphore(%run_scoped3A_1454 : memref<!tpu.dma_semaphore, #tpu.memory_space<semaphore_mem>>) {add = true}
          %dma_wait3A_1461 = arith.constant 0 : i32
          %dma_wait3A_1462 = tpu.memref_slice %arg9[%run_scoped3A, %dma_wait3A_1461] : memref<2x128xi32, #tpu.memory_space<vmem>> -> memref<1x128xi32, #tpu.memory_space<vmem>>
          %dma_wait3A_1463 = tpu.memref_squeeze %dma_wait3A_1462 : memref<1x128xi32, #tpu.memory_space<vmem>> -> memref<128xi32, #tpu.memory_space<vmem>>
          %dma_wait3A_1464 = arith.constant 0 : i32
          %dma_wait3A_1465 = arith.constant 0 : i32
          %dma_wait3A_1466 = tpu.memref_slice %arg16[%dma_wait3A_1464, %dma_wait3A_1465] : memref<8320x128xf32, #tpu.memory_space<vmem_shared>> -> memref<8320x128xf32, #tpu.memory_space<vmem_shared>>
          tpu.wait_indirect_dma semaphore(%run_scoped3A_1454 : memref<!tpu.dma_semaphore, #tpu.memory_space<semaphore_mem>>) src(%arg10 : memref<128x128xf32, #tpu.memory_space<vmem>>) dst(%dma_wait3A_1466 : memref<8320x128xf32, #tpu.memory_space<vmem_shared>>)
          tpu.yield
        }) : () -> ()
      } else {
      }
      %barrier3A_1248 = arith.constant 0 : index
      tpu.barrier barrier_id(%barrier3A_1248)
      %mul3A_1249 = arith.constant 16384 : i32
      %mul3A_1250 = arith.muli %scan3A_1075, %mul3A_1249 : i32
      %mul3A_1251 = arith.constant 8192 : i32
      %mul3A_1252 = arith.muli %arg0, %mul3A_1251 : i32
      %add3A_1253 = arith.addi %mul3A_1250, %mul3A_1252 : i32
      %add3A_1254 = arith.addi %add3A_1253, %mul3A_1077 : i32
      %dma_start3A = arith.constant 0 : i32
      %dma_start3A_1255 = tpu.memref_slice %arg5[%add3A_1254, %dma_start3A] : memref<262272x128xf32, #tpu.memory_space<hbm>> -> memref<392x128xf32, #tpu.memory_space<hbm>>
      %dma_start3A_1256 = arith.constant 0 : i32
      %dma_start3A_1257 = tpu.memref_slice %arg16[%mul3A_1077, %dma_start3A_1256] : memref<8320x128xf32, #tpu.memory_space<vmem_shared>> -> memref<392x128xf32, #tpu.memory_space<vmem_shared>>
      tpu.enqueue_dma source(%dma_start3A_1257 : memref<392x128xf32, #tpu.memory_space<vmem_shared>>) target(%dma_start3A_1255 : memref<392x128xf32, #tpu.memory_space<hbm>>) target_semaphore(%arg17 : memref<!tpu.dma_semaphore, #tpu.memory_space<semaphore_mem>>)
      %lt3A = arith.constant 15 : i32
      %lt3A_1258 = arith.cmpi slt, %arg1, %lt3A : i32
      %convert_element_type3A_1259 = arith.extui %lt3A_1258 : i1 to i32
      %cond3A_1260 = arith.constant 0 : i32
      %cond3A_1261 = arith.cmpi ne, %convert_element_type3A_1259, %cond3A_1260 : i32
      scf.if %cond3A_1261 {
        %add3A_1271 = arith.constant 392 : i32
        %add3A_1272 = arith.addi %mul3A_1077, %add3A_1271 : i32
        %add3A_1273 = arith.addi %add3A_1253, %mul3A_1077 : i32
        %add3A_1274 = arith.constant 392 : i32
        %add3A_1275 = arith.addi %add3A_1273, %add3A_1274 : i32
        %dma_start3A_1276 = arith.constant 0 : i32
        %dma_start3A_1277 = tpu.memref_slice %arg5[%add3A_1275, %dma_start3A_1276] : memref<262272x128xf32, #tpu.memory_space<hbm>> -> memref<128x128xf32, #tpu.memory_space<hbm>>
        %dma_start3A_1278 = arith.constant 0 : i32
        %dma_start3A_1279 = tpu.memref_slice %arg16[%add3A_1272, %dma_start3A_1278] : memref<8320x128xf32, #tpu.memory_space<vmem_shared>> -> memref<128x128xf32, #tpu.memory_space<vmem_shared>>
        tpu.enqueue_dma source(%dma_start3A_1279 : memref<128x128xf32, #tpu.memory_space<vmem_shared>>) target(%dma_start3A_1277 : memref<128x128xf32, #tpu.memory_space<hbm>>) target_semaphore(%arg18 : memref<!tpu.dma_semaphore, #tpu.memory_space<semaphore_mem>>)
      } else {
      }
      %dma_wait3A = arith.constant 0 : i32
      %dma_wait3A_1262 = tpu.memref_slice %arg5[%add3A_1254, %dma_wait3A] : memref<262272x128xf32, #tpu.memory_space<hbm>> -> memref<392x128xf32, #tpu.memory_space<hbm>>
      %dma_wait3A_1263 = arith.constant 0 : i32
      %dma_wait3A_1264 = tpu.memref_slice %arg16[%mul3A_1077, %dma_wait3A_1263] : memref<8320x128xf32, #tpu.memory_space<vmem_shared>> -> memref<392x128xf32, #tpu.memory_space<vmem_shared>>
      tpu.wait_dma2 semaphore(%arg17 : memref<!tpu.dma_semaphore, #tpu.memory_space<semaphore_mem>>) src(%dma_wait3A_1264 : memref<392x128xf32, #tpu.memory_space<vmem_shared>>) dst(%dma_wait3A_1262 : memref<392x128xf32, #tpu.memory_space<hbm>>)
      %lt3A_1265 = arith.constant 15 : i32
      %lt3A_1266 = arith.cmpi slt, %arg1, %lt3A_1265 : i32
      %convert_element_type3A_1267 = arith.extui %lt3A_1266 : i1 to i32
      %cond3A_1268 = arith.constant 0 : i32
      %cond3A_1269 = arith.cmpi ne, %convert_element_type3A_1267, %cond3A_1268 : i32
      scf.if %cond3A_1269 {
        %add3A_1271 = arith.constant 392 : i32
        %add3A_1272 = arith.addi %mul3A_1077, %add3A_1271 : i32
        %add3A_1273 = arith.addi %add3A_1253, %mul3A_1077 : i32
        %add3A_1274 = arith.constant 392 : i32
        %add3A_1275 = arith.addi %add3A_1273, %add3A_1274 : i32
        %dma_wait3A_1276 = arith.constant 0 : i32
        %dma_wait3A_1277 = tpu.memref_slice %arg5[%add3A_1275, %dma_wait3A_1276] : memref<262272x128xf32, #tpu.memory_space<hbm>> -> memref<128x128xf32, #tpu.memory_space<hbm>>
        %dma_wait3A_1278 = arith.constant 0 : i32
        %dma_wait3A_1279 = tpu.memref_slice %arg16[%add3A_1272, %dma_wait3A_1278] : memref<8320x128xf32, #tpu.memory_space<vmem_shared>> -> memref<128x128xf32, #tpu.memory_space<vmem_shared>>
        tpu.wait_dma2 semaphore(%arg18 : memref<!tpu.dma_semaphore, #tpu.memory_space<semaphore_mem>>) src(%dma_wait3A_1279 : memref<128x128xf32, #tpu.memory_space<vmem_shared>>) dst(%dma_wait3A_1277 : memref<128x128xf32, #tpu.memory_space<hbm>>)
      } else {
      }
      %barrier3A_1270 = arith.constant 0 : index
      tpu.barrier barrier_id(%barrier3A_1270)
    }
    %scan3A_1068 = arith.constant 16 : i32
    %scan3A_1069 = arith.constant 0 : i32
    %scan3A_1070 = arith.constant 0 : i32
    %scan3A_1071 = arith.constant 16 : i32
    %scan3A_1072 = arith.addi %scan3A_1070, %scan3A_1071 : i32
    %scan3A_1073 = arith.constant 1 : i32
    scf.for %scan3A_1075 = %scan3A_1070 to %scan3A_1072 step %scan3A_1073  : i32 {
      %mul3A_1076 = arith.constant 2 : i32
      %mul3A_1077 = arith.muli %mul3A_1076, %scan3A_1075 : i32
      %add3A_1078 = arith.addi %mul3A_1077, %arg0 : i32
      %get3A_1079 = arith.constant 0 : index
      %get3A_1080 = tpu.vector_load %arg14[%get3A_1079] {strides = array<i32>} : memref<48xi32, #tpu.memory_space<vmem>>, vector<16xi32>,
      %iota3A_1081 = tpu.iota {dimensions = array<i32: 0>} : vector<16xi32>
      %add3A_1082 = arith.constant 0 : i32
      %add3A_1083 = vector.broadcast %add3A_1082 : i32 to vector<16xi32>
      %add3A_1084 = arith.addi %iota3A_1081, %add3A_1083 : vector<16xi32>
      %eq3A = vector.broadcast %add3A_1078 : i32 to vector<16xi32>
      %eq3A_1085 = arith.cmpi eq, %add3A_1084, %eq3A : vector<16xi32>
      %jit3A = arith.constant 0 : i32
      %broadcast_in_dim3A_1086 = vector.broadcast %jit3A : i32 to vector<16xi32>
      %select_n3A = arith.select %eq3A_1085, %get3A_1080, %broadcast_in_dim3A_1086 : vector<16xi1>, vector<16xi32>
      %reduce_sum3A_1087 = arith.constant true
      %reduce_sum3A_1088 = vector.broadcast %reduce_sum3A_1087 : i1 to vector<16xi1>
      %reduce_sum3A_1089 = tpu.scan <sum>, %select_n3A masked %reduce_sum3A_1088 : vector<16xi32>, vector<16xi1> -> vector<16xi32>
      %reduce_sum3A_1090 = vector.extract %reduce_sum3A_1089[15] : i32 from vector<16xi32>
      %add3A_1091 = arith.constant 0 : i32
      %add3A_1092 = arith.addi %add3A_1091, %reduce_sum3A_1090 : i32
      %get3A_1093 = arith.constant 16 : index
      %get3A_1094 = tpu.vector_load %arg14[%get3A_1093] {strides = array<i32>} : memref<48xi32, #tpu.memory_space<vmem>>, vector<16xi32>,
      %iota3A_1095 = tpu.iota {dimensions = array<i32: 0>} : vector<16xi32>
      %add3A_1096 = arith.constant 16 : i32
      %add3A_1097 = vector.broadcast %add3A_1096 : i32 to vector<16xi32>
      %add3A_1098 = arith.addi %iota3A_1095, %add3A_1097 : vector<16xi32>
      %eq3A_1099 = vector.broadcast %add3A_1078 : i32 to vector<16xi32>
      %eq3A_1100 = arith.cmpi eq, %add3A_1098, %eq3A_1099 : vector<16xi32>
      %jit3A_1101 = arith.constant 0 : i32
      %broadcast_in_dim3A_1102 = vector.broadcast %jit3A_1101 : i32 to vector<16xi32>
      %select_n3A_1103 = arith.select %eq3A_1100, %get3A_1094, %broadcast_in_dim3A_1102 : vector<16xi1>, vector<16xi32>
      %reduce_sum3A_1104 = arith.constant true
      %reduce_sum3A_1105 = vector.broadcast %reduce_sum3A_1104 : i1 to vector<16xi1>
      %reduce_sum3A_1106 = tpu.scan <sum>, %select_n3A_1103 masked %reduce_sum3A_1105 : vector<16xi32>, vector<16xi1> -> vector<16xi32>
      %reduce_sum3A_1107 = vector.extract %reduce_sum3A_1106[15] : i32 from vector<16xi32>
      %add3A_1108 = arith.addi %add3A_1092, %reduce_sum3A_1107 : i32
      %get3A_1109 = arith.constant 32 : index
      %get3A_1110 = tpu.vector_load %arg14[%get3A_1109] {strides = array<i32>} : memref<48xi32, #tpu.memory_space<vmem>>, vector<16xi32>,
      %iota3A_1111 = tpu.iota {dimensions = array<i32: 0>} : vector<16xi32>
      %add3A_1112 = arith.constant 32 : i32
      %add3A_1113 = vector.broadcast %add3A_1112 : i32 to vector<16xi32>
      %add3A_1114 = arith.addi %iota3A_1111, %add3A_1113 : vector<16xi32>
      %eq3A_1115 = vector.broadcast %add3A_1078 : i32 to vector<16xi32>
      %eq3A_1116 = arith.cmpi eq, %add3A_1114, %eq3A_1115 : vector<16xi32>
      %jit3A_1117 = arith.constant 0 : i32
      %broadcast_in_dim3A_1118 = vector.broadcast %jit3A_1117 : i32 to vector<16xi32>
      %select_n3A_1119 = arith.select %eq3A_1116, %get3A_1110, %broadcast_in_dim3A_1118 : vector<16xi1>, vector<16xi32>
      %reduce_sum3A_1120 = arith.constant true
      %reduce_sum3A_1121 = vector.broadcast %reduce_sum3A_1120 : i1 to vector<16xi1>
      %reduce_sum3A_1122 = tpu.scan <sum>, %select_n3A_1119 masked %reduce_sum3A_1121 : vector<16xi32>, vector<16xi1> -> vector<16xi32>
      %reduce_sum3A_1123 = vector.extract %reduce_sum3A_1122[15] : i32 from vector<16xi32>
      %add3A_1124 = arith.addi %add3A_1108, %reduce_sum3A_1123 : i32
      %get3A_1125 = arith.constant 0 : index
      %get3A_1126 = tpu.vector_load %arg13[%get3A_1125] {strides = array<i32>} : memref<48xi32, #tpu.memory_space<vmem>>, vector<16xi32>,
      %iota3A_1127 = tpu.iota {dimensions = array<i32: 0>} : vector<16xi32>
      %add3A_1128 = arith.constant 0 : i32
      %add3A_1129 = vector.broadcast %add3A_1128 : i32 to vector<16xi32>
      %add3A_1130 = arith.addi %iota3A_1127, %add3A_1129 : vector<16xi32>
      %eq3A_1131 = vector.broadcast %add3A_1078 : i32 to vector<16xi32>
      %eq3A_1132 = arith.cmpi eq, %add3A_1130, %eq3A_1131 : vector<16xi32>
      %jit3A_1133 = arith.constant 0 : i32
      %broadcast_in_dim3A_1134 = vector.broadcast %jit3A_1133 : i32 to vector<16xi32>
      %select_n3A_1135 = arith.select %eq3A_1132, %get3A_1126, %broadcast_in_dim3A_1134 : vector<16xi1>, vector<16xi32>
      %reduce_sum3A_1136 = arith.constant true
      %reduce_sum3A_1137 = vector.broadcast %reduce_sum3A_1136 : i1 to vector<16xi1>
      %reduce_sum3A_1138 = tpu.scan <sum>, %select_n3A_1135 masked %reduce_sum3A_1137 : vector<16xi32>, vector<16xi1> -> vector<16xi32>
      %reduce_sum3A_1139 = vector.extract %reduce_sum3A_1138[15] : i32 from vector<16xi32>
      %add3A_1140 = arith.constant 0 : i32
      %add3A_1141 = arith.addi %add3A_1140, %reduce_sum3A_1139 : i32
      %get3A_1142 = arith.constant 16 : index
      %get3A_1143 = tpu.vector_load %arg13[%get3A_1142] {strides = array<i32>} : memref<48xi32, #tpu.memory_space<vmem>>, vector<16xi32>,
      %iota3A_1144 = tpu.iota {dimensions = array<i32: 0>} : vector<16xi32>
      %add3A_1145 = arith.constant 16 : i32
      %add3A_1146 = vector.broadcast %add3A_1145 : i32 to vector<16xi32>
      %add3A_1147 = arith.addi %iota3A_1144, %add3A_1146 : vector<16xi32>
      %eq3A_1148 = vector.broadcast %add3A_1078 : i32 to vector<16xi32>
      %eq3A_1149 = arith.cmpi eq, %add3A_1147, %eq3A_1148 : vector<16xi32>
      %jit3A_1150 = arith.constant 0 : i32
      %broadcast_in_dim3A_1151 = vector.broadcast %jit3A_1150 : i32 to vector<16xi32>
      %select_n3A_1152 = arith.select %eq3A_1149, %get3A_1143, %broadcast_in_dim3A_1151 : vector<16xi1>, vector<16xi32>
      %reduce_sum3A_1153 = arith.constant true
      %reduce_sum3A_1154 = vector.broadcast %reduce_sum3A_1153 : i1 to vector<16xi1>
      %reduce_sum3A_1155 = tpu.scan <sum>, %select_n3A_1152 masked %reduce_sum3A_1154 : vector<16xi32>, vector<16xi1> -> vector<16xi32>
      %reduce_sum3A_1156 = vector.extract %reduce_sum3A_1155[15] : i32 from vector<16xi32>
      %add3A_1157 = arith.addi %add3A_1141, %reduce_sum3A_1156 : i32
      %get3A_1158 = arith.constant 32 : index
      %get3A_1159 = tpu.vector_load %arg13[%get3A_1158] {strides = array<i32>} : memref<48xi32, #tpu.memory_space<vmem>>, vector<16xi32>,
      %iota3A_1160 = tpu.iota {dimensions = array<i32: 0>} : vector<16xi32>
      %add3A_1161 = arith.constant 32 : i32
      %add3A_1162 = vector.broadcast %add3A_1161 : i32 to vector<16xi32>
      %add3A_1163 = arith.addi %iota3A_1160, %add3A_1162 : vector<16xi32>
      %eq3A_1164 = vector.broadcast %add3A_1078 : i32 to vector<16xi32>
      %eq3A_1165 = arith.cmpi eq, %add3A_1163, %eq3A_1164 : vector<16xi32>
      %jit3A_1166 = arith.constant 0 : i32
      %broadcast_in_dim3A_1167 = vector.broadcast %jit3A_1166 : i32 to vector<16xi32>
      %select_n3A_1168 = arith.select %eq3A_1165, %get3A_1159, %broadcast_in_dim3A_1167 : vector<16xi1>, vector<16xi32>
      %reduce_sum3A_1169 = arith.constant true
      %reduce_sum3A_1170 = vector.broadcast %reduce_sum3A_1169 : i1 to vector<16xi1>
      %reduce_sum3A_1171 = tpu.scan <sum>, %select_n3A_1168 masked %reduce_sum3A_1170 : vector<16xi32>, vector<16xi1> -> vector<16xi32>
      %reduce_sum3A_1172 = vector.extract %reduce_sum3A_1171[15] : i32 from vector<16xi32>
      %add3A_1173 = arith.addi %add3A_1157, %reduce_sum3A_1172 : i32
      %add3A_1174 = arith.constant 128 : i32
      %add3A_1175 = arith.addi %add3A_1173, %add3A_1174 : i32
      %sub3A_1176 = arith.constant 1 : i32
      %sub3A_1177 = arith.subi %add3A_1175, %sub3A_1176 : i32
      %jit3A_1178 = arith.constant 128 : i32
      %div3A = arith.divsi %sub3A_1177, %jit3A_1178 : i32
      %sign3A = arith.constant 0 : i32
      %sign3A_1179 = arith.cmpi sgt, %sub3A_1177, %sign3A : i32
      %sign3A_1180 = arith.extui %sign3A_1179 : i1 to i32
      %sign3A_1181 = arith.constant 0 : i32
      %sign3A_1182 = arith.cmpi slt, %sub3A_1177, %sign3A_1181 : i32
      %sign3A_1183 = arith.extui %sign3A_1182 : i1 to i32
      %sign3A_1184 = arith.subi %sign3A_1180, %sign3A_1183 : i32
      %sign3A_1185 = arith.constant 0 : i32
      %sign3A_1186 = arith.cmpi sgt, %jit3A_1178, %sign3A_1185 : i32
      %sign3A_1187 = arith.extui %sign3A_1186 : i1 to i32
      %sign3A_1188 = arith.constant 0 : i32
      %sign3A_1189 = arith.cmpi slt, %jit3A_1178, %sign3A_1188 : i32
      %sign3A_1190 = arith.extui %sign3A_1189 : i1 to i32
      %sign3A_1191 = arith.subi %sign3A_1187, %sign3A_1190 : i32
      %ne3A = arith.cmpi ne, %sign3A_1184, %sign3A_1191 : i32
      %rem3A = arith.remsi %sub3A_1177, %jit3A_1178 : i32
      %ne3A_1192 = arith.constant 0 : i32
      %ne3A_1193 = arith.cmpi ne, %rem3A, %ne3A_1192 : i32
      %and3A_1194 = arith.andi %ne3A, %ne3A_1193 : i1
      %sub3A_1195 = arith.constant 1 : i32
      %sub3A_1196 = arith.subi %div3A, %sub3A_1195 : i32
      %select_n3A_1197 = arith.select %and3A_1194, %sub3A_1196, %div3A : i32
      %jit3A_1198 = arith.constant 2 : i32
      %div3A_1199 = arith.divsi %select_n3A_1197, %jit3A_1198 : i32
      %sign3A_1200 = arith.constant 0 : i32
      %sign3A_1201 = arith.cmpi sgt, %select_n3A_1197, %sign3A_1200 : i32
      %sign3A_1202 = arith.extui %sign3A_1201 : i1 to i32
      %sign3A_1203 = arith.constant 0 : i32
      %sign3A_1204 = arith.cmpi slt, %select_n3A_1197, %sign3A_1203 : i32
      %sign3A_1205 = arith.extui %sign3A_1204 : i1 to i32
      %sign3A_1206 = arith.subi %sign3A_1202, %sign3A_1205 : i32
      %sign3A_1207 = arith.constant 0 : i32
      %sign3A_1208 = arith.cmpi sgt, %jit3A_1198, %sign3A_1207 : i32
      %sign3A_1209 = arith.extui %sign3A_1208 : i1 to i32
      %sign3A_1210 = arith.constant 0 : i32
      %sign3A_1211 = arith.cmpi slt, %jit3A_1198, %sign3A_1210 : i32
      %sign3A_1212 = arith.extui %sign3A_1211 : i1 to i32
      %sign3A_1213 = arith.subi %sign3A_1209, %sign3A_1212 : i32
      %ne3A_1214 = arith.cmpi ne, %sign3A_1206, %sign3A_1213 : i32
      %rem3A_1215 = arith.remsi %select_n3A_1197, %jit3A_1198 : i32
      %ne3A_1216 = arith.constant 0 : i32
      %ne3A_1217 = arith.cmpi ne, %rem3A_1215, %ne3A_1216 : i32
      %and3A_1218 = arith.andi %ne3A_1214, %ne3A_1217 : i1
      %sub3A_1219 = arith.constant 1 : i32
      %sub3A_1220 = arith.subi %div3A_1199, %sub3A_1219 : i32
      %select_n3A_1221 = arith.select %and3A_1218, %sub3A_1220, %div3A_1199 : i32
      %mul3A_1222 = arith.constant 16384 : i32
      %mul3A_1223 = arith.muli %scan3A_1075, %mul3A_1222 : i32
      %mul3A_1224 = arith.constant 8192 : i32
      %mul3A_1225 = arith.muli %arg0, %mul3A_1224 : i32
      %add3A_1226 = arith.addi %mul3A_1223, %mul3A_1225 : i32
      %while3A = arith.constant 0 : i32
      %while3A_1227 = arith.constant 0 : i32
      %while3A_1228 = arith.subi %select_n3A_1221, %while3A_1227 : i32
      %while3A_1229 = arith.addi %while3A_1227, %while3A_1228 : i32
      %while3A_1230 = arith.constant 1 : i32
      %while3A_1231 = arith.divsi %while3A_1228, %while3A_1230 : i32
      %while3A_1232 = arith.muli %while3A_1231, %while3A_1230 : i32
      %while3A_1233 = arith.addi %while3A_1227, %while3A_1232 : i32
      %while3A_1234 = arith.constant 1 : i32
      scf.for %while3A_1239 = %while3A_1227 to %while3A_1233 step %while3A_1234  : i32 {
        %mul3A_1240 = arith.constant 2 : i32
        %mul3A_1241 = arith.muli %mul3A_1240, %while3A_1239 : i32
        %mul3A_1242 = arith.constant 128 : i32
        %mul3A_1243 = arith.muli %mul3A_1241, %mul3A_1242 : i32
        %add3A_1244 = arith.addi %add3A_1124, %mul3A_1243 : i32
        %add3A_1245 = arith.constant 0 : i32
        %add3A_1246 = arith.addi %add3A_1244, %add3A_1245 : i32
        %get3A_1247 = arith.index_cast %add3A_1246 : i32 to index
        %get3A_1248 = tpu.vector_load %arg7[%get3A_1247] {strides = array<i32>} : memref<20608xi32, #tpu.memory_space<vmem>>, vector<16xi32>,
        %and3A_1249 = arith.constant 262143 : i32
        %and3A_1250 = vector.broadcast %and3A_1249 : i32 to vector<16xi32>
        %and3A_1251 = arith.andi %get3A_1248, %and3A_1250 : vector<16xi32>
        %shift_right_logical3A = arith.constant 18 : i32
        %shift_right_logical3A_1252 = vector.broadcast %shift_right_logical3A : i32 to vector<16xi32>
        %shift_right_logical3A_1253 = arith.shrui %get3A_1248, %shift_right_logical3A_1252 : vector<16xi32>
        %eq3A_1254 = arith.constant 8192 : i32
        %eq3A_1255 = vector.broadcast %eq3A_1254 : i32 to vector<16xi32>
        %eq3A_1256 = arith.cmpi eq, %shift_right_logical3A_1253, %eq3A_1255 : vector<16xi32>
        %jit3A_1257 = arith.constant 262144 : i32
        %broadcast_in_dim3A_1258 = vector.broadcast %jit3A_1257 : i32 to vector<16xi32>
        %select_n3A_1259 = arith.select %eq3A_1256, %broadcast_in_dim3A_1258, %and3A_1251 : vector<16xi1>, vector<16xi32>
        %swap3A_1260 = arith.constant 0 : i32
        %swap3A_1261 = arith.index_cast %swap3A_1260 : i32 to index
        %swap3A_1262 = arith.constant 0 : index
        %swap3A_1263 = tpu.vector_load %arg8[%swap3A_1261, %swap3A_1262] {strides = array<i32>} : memref<2x128xi32, #tpu.memory_space<vmem>>, vector<16xi32>,
        tpu.vector_store %arg8[%swap3A_1261, %swap3A_1262], %select_n3A_1259 {strides = array<i32>} : memref<2x128xi32, #tpu.memory_space<vmem>>, vector<16xi32>,
        %add3A_1264 = vector.broadcast %add3A_1226 : i32 to vector<16xi32>
        %add3A_1265 = arith.addi %add3A_1264, %shift_right_logical3A_1253 : vector<16xi32>
        %swap3A_1266 = arith.constant 0 : i32
        %swap3A_1267 = arith.index_cast %swap3A_1266 : i32 to index
        %swap3A_1268 = arith.constant 0 : index
        %swap3A_1269 = tpu.vector_load %arg9[%swap3A_1267, %swap3A_1268] {strides = array<i32>} : memref<2x128xi32, #tpu.memory_space<vmem>>, vector<16xi32>,
        tpu.vector_store %arg9[%swap3A_1267, %swap3A_1268], %add3A_1265 {strides = array<i32>} : memref<2x128xi32, #tpu.memory_space<vmem>>, vector<16xi32>,
        %mul3A_1270 = arith.constant 128 : i32
        %mul3A_1271 = arith.muli %mul3A_1241, %mul3A_1270 : i32
        %add3A_1272 = arith.addi %add3A_1124, %mul3A_1271 : i32
        %add3A_1273 = arith.constant 16 : i32
        %add3A_1274 = arith.addi %add3A_1272, %add3A_1273 : i32
        %get3A_1275 = arith.index_cast %add3A_1274 : i32 to index
        %get3A_1276 = tpu.vector_load %arg7[%get3A_1275] {strides = array<i32>} : memref<20608xi32, #tpu.memory_space<vmem>>, vector<16xi32>,
        %and3A_1277 = arith.constant 262143 : i32
        %and3A_1278 = vector.broadcast %and3A_1277 : i32 to vector<16xi32>
        %and3A_1279 = arith.andi %get3A_1276, %and3A_1278 : vector<16xi32>
        %shift_right_logical3A_1280 = arith.constant 18 : i32
        %shift_right_logical3A_1281 = vector.broadcast %shift_right_logical3A_1280 : i32 to vector<16xi32>
        %shift_right_logical3A_1282 = arith.shrui %get3A_1276, %shift_right_logical3A_1281 : vector<16xi32>
        %eq3A_1283 = arith.constant 8192 : i32
        %eq3A_1284 = vector.broadcast %eq3A_1283 : i32 to vector<16xi32>
        %eq3A_1285 = arith.cmpi eq, %shift_right_logical3A_1282, %eq3A_1284 : vector<16xi32>
        %jit3A_1286 = arith.constant 262144 : i32
        %broadcast_in_dim3A_1287 = vector.broadcast %jit3A_1286 : i32 to vector<16xi32>
        %select_n3A_1288 = arith.select %eq3A_1285, %broadcast_in_dim3A_1287, %and3A_1279 : vector<16xi1>, vector<16xi32>
        %swap3A_1289 = arith.constant 0 : i32
        %swap3A_1290 = arith.index_cast %swap3A_1289 : i32 to index
        %swap3A_1291 = arith.constant 16 : index
        %swap3A_1292 = tpu.vector_load %arg8[%swap3A_1290, %swap3A_1291] {strides = array<i32>} : memref<2x128xi32, #tpu.memory_space<vmem>>, vector<16xi32>,
        tpu.vector_store %arg8[%swap3A_1290, %swap3A_1291], %select_n3A_1288 {strides = array<i32>} : memref<2x128xi32, #tpu.memory_space<vmem>>, vector<16xi32>,
        %add3A_1293 = vector.broadcast %add3A_1226 : i32 to vector<16xi32>
        %add3A_1294 = arith.addi %add3A_1293, %shift_right_logical3A_1282 : vector<16xi32>
        %swap3A_1295 = arith.constant 0 : i32
        %swap3A_1296 = arith.index_cast %swap3A_1295 : i32 to index
        %swap3A_1297 = arith.constant 16 : index
        %swap3A_1298 = tpu.vector_load %arg9[%swap3A_1296, %swap3A_1297] {strides = array<i32>} : memref<2x128xi32, #tpu.memory_space<vmem>>, vector<16xi32>,
        tpu.vector_store %arg9[%swap3A_1296, %swap3A_1297], %add3A_1294 {strides = array<i32>} : memref<2x128xi32, #tpu.memory_space<vmem>>, vector<16xi32>,
        %mul3A_1299 = arith.constant 128 : i32
        %mul3A_1300 = arith.muli %mul3A_1241, %mul3A_1299 : i32
        %add3A_1301 = arith.addi %add3A_1124, %mul3A_1300 : i32
        %add3A_1302 = arith.constant 32 : i32
        %add3A_1303 = arith.addi %add3A_1301, %add3A_1302 : i32
        %get3A_1304 = arith.index_cast %add3A_1303 : i32 to index
        %get3A_1305 = tpu.vector_load %arg7[%get3A_1304] {strides = array<i32>} : memref<20608xi32, #tpu.memory_space<vmem>>, vector<16xi32>,
        %and3A_1306 = arith.constant 262143 : i32
        %and3A_1307 = vector.broadcast %and3A_1306 : i32 to vector<16xi32>
        %and3A_1308 = arith.andi %get3A_1305, %and3A_1307 : vector<16xi32>
        %shift_right_logical3A_1309 = arith.constant 18 : i32
        %shift_right_logical3A_1310 = vector.broadcast %shift_right_logical3A_1309 : i32 to vector<16xi32>
        %shift_right_logical3A_1311 = arith.shrui %get3A_1305, %shift_right_logical3A_1310 : vector<16xi32>
        %eq3A_1312 = arith.constant 8192 : i32
        %eq3A_1313 = vector.broadcast %eq3A_1312 : i32 to vector<16xi32>
        %eq3A_1314 = arith.cmpi eq, %shift_right_logical3A_1311, %eq3A_1313 : vector<16xi32>
        %jit3A_1315 = arith.constant 262144 : i32
        %broadcast_in_dim3A_1316 = vector.broadcast %jit3A_1315 : i32 to vector<16xi32>
        %select_n3A_1317 = arith.select %eq3A_1314, %broadcast_in_dim3A_1316, %and3A_1308 : vector<16xi1>, vector<16xi32>
        %swap3A_1318 = arith.constant 0 : i32
        %swap3A_1319 = arith.index_cast %swap3A_1318 : i32 to index
        %swap3A_1320 = arith.constant 32 : index
        %swap3A_1321 = tpu.vector_load %arg8[%swap3A_1319, %swap3A_1320] {strides = array<i32>} : memref<2x128xi32, #tpu.memory_space<vmem>>, vector<16xi32>,
        tpu.vector_store %arg8[%swap3A_1319, %swap3A_1320], %select_n3A_1317 {strides = array<i32>} : memref<2x128xi32, #tpu.memory_space<vmem>>, vector<16xi32>,
        %add3A_1322 = vector.broadcast %add3A_1226 : i32 to vector<16xi32>
        %add3A_1323 = arith.addi %add3A_1322, %shift_right_logical3A_1311 : vector<16xi32>
        %swap3A_1324 = arith.constant 0 : i32
        %swap3A_1325 = arith.index_cast %swap3A_1324 : i32 to index
        %swap3A_1326 = arith.constant 32 : index
        %swap3A_1327 = tpu.vector_load %arg9[%swap3A_1325, %swap3A_1326] {strides = array<i32>} : memref<2x128xi32, #tpu.memory_space<vmem>>, vector<16xi32>,
        tpu.vector_store %arg9[%swap3A_1325, %swap3A_1326], %add3A_1323 {strides = array<i32>} : memref<2x128xi32, #tpu.memory_space<vmem>>, vector<16xi32>,
        %mul3A_1328 = arith.constant 128 : i32
        %mul3A_1329 = arith.muli %mul3A_1241, %mul3A_1328 : i32
        %add3A_1330 = arith.addi %add3A_1124, %mul3A_1329 : i32
        %add3A_1331 = arith.constant 48 : i32
        %add3A_1332 = arith.addi %add3A_1330, %add3A_1331 : i32
        %get3A_1333 = arith.index_cast %add3A_1332 : i32 to index
        %get3A_1334 = tpu.vector_load %arg7[%get3A_1333] {strides = array<i32>} : memref<20608xi32, #tpu.memory_space<vmem>>, vector<16xi32>,
        %and3A_1335 = arith.constant 262143 : i32
        %and3A_1336 = vector.broadcast %and3A_1335 : i32 to vector<16xi32>
        %and3A_1337 = arith.andi %get3A_1334, %and3A_1336 : vector<16xi32>
        %shift_right_logical3A_1338 = arith.constant 18 : i32
        %shift_right_logical3A_1339 = vector.broadcast %shift_right_logical3A_1338 : i32 to vector<16xi32>
        %shift_right_logical3A_1340 = arith.shrui %get3A_1334, %shift_right_logical3A_1339 : vector<16xi32>
        %eq3A_1341 = arith.constant 8192 : i32
        %eq3A_1342 = vector.broadcast %eq3A_1341 : i32 to vector<16xi32>
        %eq3A_1343 = arith.cmpi eq, %shift_right_logical3A_1340, %eq3A_1342 : vector<16xi32>
        %jit3A_1344 = arith.constant 262144 : i32
        %broadcast_in_dim3A_1345 = vector.broadcast %jit3A_1344 : i32 to vector<16xi32>
        %select_n3A_1346 = arith.select %eq3A_1343, %broadcast_in_dim3A_1345, %and3A_1337 : vector<16xi1>, vector<16xi32>
        %swap3A_1347 = arith.constant 0 : i32
        %swap3A_1348 = arith.index_cast %swap3A_1347 : i32 to index
        %swap3A_1349 = arith.constant 48 : index
        %swap3A_1350 = tpu.vector_load %arg8[%swap3A_1348, %swap3A_1349] {strides = array<i32>} : memref<2x128xi32, #tpu.memory_space<vmem>>, vector<16xi32>,
        tpu.vector_store %arg8[%swap3A_1348, %swap3A_1349], %select_n3A_1346 {strides = array<i32>} : memref<2x128xi32, #tpu.memory_space<vmem>>, vector<16xi32>,
        %add3A_1351 = vector.broadcast %add3A_1226 : i32 to vector<16xi32>
        %add3A_1352 = arith.addi %add3A_1351, %shift_right_logical3A_1340 : vector<16xi32>
        %swap3A_1353 = arith.constant 0 : i32
        %swap3A_1354 = arith.index_cast %swap3A_1353 : i32 to index
        %swap3A_1355 = arith.constant 48 : index
        %swap3A_1356 = tpu.vector_load %arg9[%swap3A_1354, %swap3A_1355] {strides = array<i32>} : memref<2x128xi32, #tpu.memory_space<vmem>>, vector<16xi32>,
        tpu.vector_store %arg9[%swap3A_1354, %swap3A_1355], %add3A_1352 {strides = array<i32>} : memref<2x128xi32, #tpu.memory_space<vmem>>, vector<16xi32>,
        %mul3A_1357 = arith.constant 128 : i32
        %mul3A_1358 = arith.muli %mul3A_1241, %mul3A_1357 : i32
        %add3A_1359 = arith.addi %add3A_1124, %mul3A_1358 : i32
        %add3A_1360 = arith.constant 64 : i32
        %add3A_1361 = arith.addi %add3A_1359, %add3A_1360 : i32
        %get3A_1362 = arith.index_cast %add3A_1361 : i32 to index
        %get3A_1363 = tpu.vector_load %arg7[%get3A_1362] {strides = array<i32>} : memref<20608xi32, #tpu.memory_space<vmem>>, vector<16xi32>,
        %and3A_1364 = arith.constant 262143 : i32
        %and3A_1365 = vector.broadcast %and3A_1364 : i32 to vector<16xi32>
        %and3A_1366 = arith.andi %get3A_1363, %and3A_1365 : vector<16xi32>
        %shift_right_logical3A_1367 = arith.constant 18 : i32
        %shift_right_logical3A_1368 = vector.broadcast %shift_right_logical3A_1367 : i32 to vector<16xi32>
        %shift_right_logical3A_1369 = arith.shrui %get3A_1363, %shift_right_logical3A_1368 : vector<16xi32>
        %eq3A_1370 = arith.constant 8192 : i32
        %eq3A_1371 = vector.broadcast %eq3A_1370 : i32 to vector<16xi32>
        %eq3A_1372 = arith.cmpi eq, %shift_right_logical3A_1369, %eq3A_1371 : vector<16xi32>
        %jit3A_1373 = arith.constant 262144 : i32
        %broadcast_in_dim3A_1374 = vector.broadcast %jit3A_1373 : i32 to vector<16xi32>
        %select_n3A_1375 = arith.select %eq3A_1372, %broadcast_in_dim3A_1374, %and3A_1366 : vector<16xi1>, vector<16xi32>
        %swap3A_1376 = arith.constant 0 : i32
        %swap3A_1377 = arith.index_cast %swap3A_1376 : i32 to index
        %swap3A_1378 = arith.constant 64 : index
        %swap3A_1379 = tpu.vector_load %arg8[%swap3A_1377, %swap3A_1378] {strides = array<i32>} : memref<2x128xi32, #tpu.memory_space<vmem>>, vector<16xi32>,
        tpu.vector_store %arg8[%swap3A_1377, %swap3A_1378], %select_n3A_1375 {strides = array<i32>} : memref<2x128xi32, #tpu.memory_space<vmem>>, vector<16xi32>,
        %add3A_1380 = vector.broadcast %add3A_1226 : i32 to vector<16xi32>
        %add3A_1381 = arith.addi %add3A_1380, %shift_right_logical3A_1369 : vector<16xi32>
        %swap3A_1382 = arith.constant 0 : i32
        %swap3A_1383 = arith.index_cast %swap3A_1382 : i32 to index
        %swap3A_1384 = arith.constant 64 : index
        %swap3A_1385 = tpu.vector_load %arg9[%swap3A_1383, %swap3A_1384] {strides = array<i32>} : memref<2x128xi32, #tpu.memory_space<vmem>>, vector<16xi32>,
        tpu.vector_store %arg9[%swap3A_1383, %swap3A_1384], %add3A_1381 {strides = array<i32>} : memref<2x128xi32, #tpu.memory_space<vmem>>, vector<16xi32>,
        %mul3A_1386 = arith.constant 128 : i32
        %mul3A_1387 = arith.muli %mul3A_1241, %mul3A_1386 : i32
        %add3A_1388 = arith.addi %add3A_1124, %mul3A_1387 : i32
        %add3A_1389 = arith.constant 80 : i32
        %add3A_1390 = arith.addi %add3A_1388, %add3A_1389 : i32
        %get3A_1391 = arith.index_cast %add3A_1390 : i32 to index
        %get3A_1392 = tpu.vector_load %arg7[%get3A_1391] {strides = array<i32>} : memref<20608xi32, #tpu.memory_space<vmem>>, vector<16xi32>,
        %and3A_1393 = arith.constant 262143 : i32
        %and3A_1394 = vector.broadcast %and3A_1393 : i32 to vector<16xi32>
        %and3A_1395 = arith.andi %get3A_1392, %and3A_1394 : vector<16xi32>
        %shift_right_logical3A_1396 = arith.constant 18 : i32
        %shift_right_logical3A_1397 = vector.broadcast %shift_right_logical3A_1396 : i32 to vector<16xi32>
        %shift_right_logical3A_1398 = arith.shrui %get3A_1392, %shift_right_logical3A_1397 : vector<16xi32>
        %eq3A_1399 = arith.constant 8192 : i32
        %eq3A_1400 = vector.broadcast %eq3A_1399 : i32 to vector<16xi32>
        %eq3A_1401 = arith.cmpi eq, %shift_right_logical3A_1398, %eq3A_1400 : vector<16xi32>
        %jit3A_1402 = arith.constant 262144 : i32
        %broadcast_in_dim3A_1403 = vector.broadcast %jit3A_1402 : i32 to vector<16xi32>
        %select_n3A_1404 = arith.select %eq3A_1401, %broadcast_in_dim3A_1403, %and3A_1395 : vector<16xi1>, vector<16xi32>
        %swap3A_1405 = arith.constant 0 : i32
        %swap3A_1406 = arith.index_cast %swap3A_1405 : i32 to index
        %swap3A_1407 = arith.constant 80 : index
        %swap3A_1408 = tpu.vector_load %arg8[%swap3A_1406, %swap3A_1407] {strides = array<i32>} : memref<2x128xi32, #tpu.memory_space<vmem>>, vector<16xi32>,
        tpu.vector_store %arg8[%swap3A_1406, %swap3A_1407], %select_n3A_1404 {strides = array<i32>} : memref<2x128xi32, #tpu.memory_space<vmem>>, vector<16xi32>,
        %add3A_1409 = vector.broadcast %add3A_1226 : i32 to vector<16xi32>
        %add3A_1410 = arith.addi %add3A_1409, %shift_right_logical3A_1398 : vector<16xi32>
        %swap3A_1411 = arith.constant 0 : i32
        %swap3A_1412 = arith.index_cast %swap3A_1411 : i32 to index
        %swap3A_1413 = arith.constant 80 : index
        %swap3A_1414 = tpu.vector_load %arg9[%swap3A_1412, %swap3A_1413] {strides = array<i32>} : memref<2x128xi32, #tpu.memory_space<vmem>>, vector<16xi32>,
        tpu.vector_store %arg9[%swap3A_1412, %swap3A_1413], %add3A_1410 {strides = array<i32>} : memref<2x128xi32, #tpu.memory_space<vmem>>, vector<16xi32>,
        %mul3A_1415 = arith.constant 128 : i32
        %mul3A_1416 = arith.muli %mul3A_1241, %mul3A_1415 : i32
        %add3A_1417 = arith.addi %add3A_1124, %mul3A_1416 : i32
        %add3A_1418 = arith.constant 96 : i32
        %add3A_1419 = arith.addi %add3A_1417, %add3A_1418 : i32
        %get3A_1420 = arith.index_cast %add3A_1419 : i32 to index
        %get3A_1421 = tpu.vector_load %arg7[%get3A_1420] {strides = array<i32>} : memref<20608xi32, #tpu.memory_space<vmem>>, vector<16xi32>,
        %and3A_1422 = arith.constant 262143 : i32
        %and3A_1423 = vector.broadcast %and3A_1422 : i32 to vector<16xi32>
        %and3A_1424 = arith.andi %get3A_1421, %and3A_1423 : vector<16xi32>
        %shift_right_logical3A_1425 = arith.constant 18 : i32
        %shift_right_logical3A_1426 = vector.broadcast %shift_right_logical3A_1425 : i32 to vector<16xi32>
        %shift_right_logical3A_1427 = arith.shrui %get3A_1421, %shift_right_logical3A_1426 : vector<16xi32>
        %eq3A_1428 = arith.constant 8192 : i32
        %eq3A_1429 = vector.broadcast %eq3A_1428 : i32 to vector<16xi32>
        %eq3A_1430 = arith.cmpi eq, %shift_right_logical3A_1427, %eq3A_1429 : vector<16xi32>
        %jit3A_1431 = arith.constant 262144 : i32
        %broadcast_in_dim3A_1432 = vector.broadcast %jit3A_1431 : i32 to vector<16xi32>
        %select_n3A_1433 = arith.select %eq3A_1430, %broadcast_in_dim3A_1432, %and3A_1424 : vector<16xi1>, vector<16xi32>
        %swap3A_1434 = arith.constant 0 : i32
        %swap3A_1435 = arith.index_cast %swap3A_1434 : i32 to index
        %swap3A_1436 = arith.constant 96 : index
        %swap3A_1437 = tpu.vector_load %arg8[%swap3A_1435, %swap3A_1436] {strides = array<i32>} : memref<2x128xi32, #tpu.memory_space<vmem>>, vector<16xi32>,
        tpu.vector_store %arg8[%swap3A_1435, %swap3A_1436], %select_n3A_1433 {strides = array<i32>} : memref<2x128xi32, #tpu.memory_space<vmem>>, vector<16xi32>,
        %add3A_1438 = vector.broadcast %add3A_1226 : i32 to vector<16xi32>
        %add3A_1439 = arith.addi %add3A_1438, %shift_right_logical3A_1427 : vector<16xi32>
        %swap3A_1440 = arith.constant 0 : i32
        %swap3A_1441 = arith.index_cast %swap3A_1440 : i32 to index
        %swap3A_1442 = arith.constant 96 : index
        %swap3A_1443 = tpu.vector_load %arg9[%swap3A_1441, %swap3A_1442] {strides = array<i32>} : memref<2x128xi32, #tpu.memory_space<vmem>>, vector<16xi32>,
        tpu.vector_store %arg9[%swap3A_1441, %swap3A_1442], %add3A_1439 {strides = array<i32>} : memref<2x128xi32, #tpu.memory_space<vmem>>, vector<16xi32>,
        %mul3A_1444 = arith.constant 128 : i32
        %mul3A_1445 = arith.muli %mul3A_1241, %mul3A_1444 : i32
        %add3A_1446 = arith.addi %add3A_1124, %mul3A_1445 : i32
        %add3A_1447 = arith.constant 112 : i32
        %add3A_1448 = arith.addi %add3A_1446, %add3A_1447 : i32
        %get3A_1449 = arith.index_cast %add3A_1448 : i32 to index
        %get3A_1450 = tpu.vector_load %arg7[%get3A_1449] {strides = array<i32>} : memref<20608xi32, #tpu.memory_space<vmem>>, vector<16xi32>,
        %and3A_1451 = arith.constant 262143 : i32
        %and3A_1452 = vector.broadcast %and3A_1451 : i32 to vector<16xi32>
        %and3A_1453 = arith.andi %get3A_1450, %and3A_1452 : vector<16xi32>
        %shift_right_logical3A_1454 = arith.constant 18 : i32
        %shift_right_logical3A_1455 = vector.broadcast %shift_right_logical3A_1454 : i32 to vector<16xi32>
        %shift_right_logical3A_1456 = arith.shrui %get3A_1450, %shift_right_logical3A_1455 : vector<16xi32>
        %eq3A_1457 = arith.constant 8192 : i32
        %eq3A_1458 = vector.broadcast %eq3A_1457 : i32 to vector<16xi32>
        %eq3A_1459 = arith.cmpi eq, %shift_right_logical3A_1456, %eq3A_1458 : vector<16xi32>
        %jit3A_1460 = arith.constant 262144 : i32
        %broadcast_in_dim3A_1461 = vector.broadcast %jit3A_1460 : i32 to vector<16xi32>
        %select_n3A_1462 = arith.select %eq3A_1459, %broadcast_in_dim3A_1461, %and3A_1453 : vector<16xi1>, vector<16xi32>
        %swap3A_1463 = arith.constant 0 : i32
        %swap3A_1464 = arith.index_cast %swap3A_1463 : i32 to index
        %swap3A_1465 = arith.constant 112 : index
        %swap3A_1466 = tpu.vector_load %arg8[%swap3A_1464, %swap3A_1465] {strides = array<i32>} : memref<2x128xi32, #tpu.memory_space<vmem>>, vector<16xi32>,
        tpu.vector_store %arg8[%swap3A_1464, %swap3A_1465], %select_n3A_1462 {strides = array<i32>} : memref<2x128xi32, #tpu.memory_space<vmem>>, vector<16xi32>,
        %add3A_1467 = vector.broadcast %add3A_1226 : i32 to vector<16xi32>
        %add3A_1468 = arith.addi %add3A_1467, %shift_right_logical3A_1456 : vector<16xi32>
        %swap3A_1469 = arith.constant 0 : i32
        %swap3A_1470 = arith.index_cast %swap3A_1469 : i32 to index
        %swap3A_1471 = arith.constant 112 : index
        %swap3A_1472 = tpu.vector_load %arg9[%swap3A_1470, %swap3A_1471] {strides = array<i32>} : memref<2x128xi32, #tpu.memory_space<vmem>>, vector<16xi32>,
        tpu.vector_store %arg9[%swap3A_1470, %swap3A_1471], %add3A_1468 {strides = array<i32>} : memref<2x128xi32, #tpu.memory_space<vmem>>, vector<16xi32>,
        %dma_start3A = arith.constant 0 : i32
        %dma_start3A_1473 = arith.constant 0 : i32
        %dma_start3A_1474 = tpu.memref_slice %arg9[%dma_start3A, %dma_start3A_1473] : memref<2x128xi32, #tpu.memory_space<vmem>> -> memref<1x128xi32, #tpu.memory_space<vmem>>
        %dma_start3A_1475 = tpu.memref_squeeze %dma_start3A_1474 : memref<1x128xi32, #tpu.memory_space<vmem>> -> memref<128xi32, #tpu.memory_space<vmem>>
        %dma_start3A_1476 = arith.constant 0 : i32
        %dma_start3A_1477 = arith.constant 0 : i32
        %dma_start3A_1478 = tpu.memref_slice %arg5[%dma_start3A_1476, %dma_start3A_1477] : memref<262272x128xf32, #tpu.memory_space<hbm>> -> memref<262272x128xf32, #tpu.memory_space<hbm>>
        tpu.enqueue_indirect_dma source(%dma_start3A_1478 : memref<262272x128xf32, #tpu.memory_space<hbm>>) target(%arg10 : memref<128x128xf32, #tpu.memory_space<vmem>>) offsets(%dma_start3A_1475 : memref<128xi32, #tpu.memory_space<vmem>>) semaphore(%arg17 : memref<!tpu.dma_semaphore, #tpu.memory_space<semaphore_mem>>)
        %add3A_1479 = arith.constant 1 : i32
        %add3A_1480 = arith.addi %mul3A_1241, %add3A_1479 : i32
        %mul3A_1481 = arith.constant 128 : i32
        %mul3A_1482 = arith.muli %add3A_1480, %mul3A_1481 : i32
        %add3A_1483 = arith.addi %add3A_1124, %mul3A_1482 : i32
        %add3A_1484 = arith.constant 0 : i32
        %add3A_1485 = arith.addi %add3A_1483, %add3A_1484 : i32
        %get3A_1486 = arith.index_cast %add3A_1485 : i32 to index
        %get3A_1487 = tpu.vector_load %arg7[%get3A_1486] {strides = array<i32>} : memref<20608xi32, #tpu.memory_space<vmem>>, vector<16xi32>,
        %and3A_1488 = arith.constant 262143 : i32
        %and3A_1489 = vector.broadcast %and3A_1488 : i32 to vector<16xi32>
        %and3A_1490 = arith.andi %get3A_1487, %and3A_1489 : vector<16xi32>
        %shift_right_logical3A_1491 = arith.constant 18 : i32
        %shift_right_logical3A_1492 = vector.broadcast %shift_right_logical3A_1491 : i32 to vector<16xi32>
        %shift_right_logical3A_1493 = arith.shrui %get3A_1487, %shift_right_logical3A_1492 : vector<16xi32>
        %eq3A_1494 = arith.constant 8192 : i32
        %eq3A_1495 = vector.broadcast %eq3A_1494 : i32 to vector<16xi32>
        %eq3A_1496 = arith.cmpi eq, %shift_right_logical3A_1493, %eq3A_1495 : vector<16xi32>
        %jit3A_1497 = arith.constant 262144 : i32
        %broadcast_in_dim3A_1498 = vector.broadcast %jit3A_1497 : i32 to vector<16xi32>
        %select_n3A_1499 = arith.select %eq3A_1496, %broadcast_in_dim3A_1498, %and3A_1490 : vector<16xi1>, vector<16xi32>
        %swap3A_1500 = arith.constant 1 : i32
        %swap3A_1501 = arith.index_cast %swap3A_1500 : i32 to index
        %swap3A_1502 = arith.constant 0 : index
        %swap3A_1503 = tpu.vector_load %arg8[%swap3A_1501, %swap3A_1502] {strides = array<i32>} : memref<2x128xi32, #tpu.memory_space<vmem>>, vector<16xi32>,
        tpu.vector_store %arg8[%swap3A_1501, %swap3A_1502], %select_n3A_1499 {strides = array<i32>} : memref<2x128xi32, #tpu.memory_space<vmem>>, vector<16xi32>,
        %add3A_1504 = vector.broadcast %add3A_1226 : i32 to vector<16xi32>
        %add3A_1505 = arith.addi %add3A_1504, %shift_right_logical3A_1493 : vector<16xi32>
        %swap3A_1506 = arith.constant 1 : i32
        %swap3A_1507 = arith.index_cast %swap3A_1506 : i32 to index
        %swap3A_1508 = arith.constant 0 : index
        %swap3A_1509 = tpu.vector_load %arg9[%swap3A_1507, %swap3A_1508] {strides = array<i32>} : memref<2x128xi32, #tpu.memory_space<vmem>>, vector<16xi32>,
        tpu.vector_store %arg9[%swap3A_1507, %swap3A_1508], %add3A_1505 {strides = array<i32>} : memref<2x128xi32, #tpu.memory_space<vmem>>, vector<16xi32>,
        %mul3A_1510 = arith.constant 128 : i32
        %mul3A_1511 = arith.muli %add3A_1480, %mul3A_1510 : i32
        %add3A_1512 = arith.addi %add3A_1124, %mul3A_1511 : i32
        %add3A_1513 = arith.constant 16 : i32
        %add3A_1514 = arith.addi %add3A_1512, %add3A_1513 : i32
        %get3A_1515 = arith.index_cast %add3A_1514 : i32 to index
        %get3A_1516 = tpu.vector_load %arg7[%get3A_1515] {strides = array<i32>} : memref<20608xi32, #tpu.memory_space<vmem>>, vector<16xi32>,
        %and3A_1517 = arith.constant 262143 : i32
        %and3A_1518 = vector.broadcast %and3A_1517 : i32 to vector<16xi32>
        %and3A_1519 = arith.andi %get3A_1516, %and3A_1518 : vector<16xi32>
        %shift_right_logical3A_1520 = arith.constant 18 : i32
        %shift_right_logical3A_1521 = vector.broadcast %shift_right_logical3A_1520 : i32 to vector<16xi32>
        %shift_right_logical3A_1522 = arith.shrui %get3A_1516, %shift_right_logical3A_1521 : vector<16xi32>
        %eq3A_1523 = arith.constant 8192 : i32
        %eq3A_1524 = vector.broadcast %eq3A_1523 : i32 to vector<16xi32>
        %eq3A_1525 = arith.cmpi eq, %shift_right_logical3A_1522, %eq3A_1524 : vector<16xi32>
        %jit3A_1526 = arith.constant 262144 : i32
        %broadcast_in_dim3A_1527 = vector.broadcast %jit3A_1526 : i32 to vector<16xi32>
        %select_n3A_1528 = arith.select %eq3A_1525, %broadcast_in_dim3A_1527, %and3A_1519 : vector<16xi1>, vector<16xi32>
        %swap3A_1529 = arith.constant 1 : i32
        %swap3A_1530 = arith.index_cast %swap3A_1529 : i32 to index
        %swap3A_1531 = arith.constant 16 : index
        %swap3A_1532 = tpu.vector_load %arg8[%swap3A_1530, %swap3A_1531] {strides = array<i32>} : memref<2x128xi32, #tpu.memory_space<vmem>>, vector<16xi32>,
        tpu.vector_store %arg8[%swap3A_1530, %swap3A_1531], %select_n3A_1528 {strides = array<i32>} : memref<2x128xi32, #tpu.memory_space<vmem>>, vector<16xi32>,
        %add3A_1533 = vector.broadcast %add3A_1226 : i32 to vector<16xi32>
        %add3A_1534 = arith.addi %add3A_1533, %shift_right_logical3A_1522 : vector<16xi32>
        %swap3A_1535 = arith.constant 1 : i32
        %swap3A_1536 = arith.index_cast %swap3A_1535 : i32 to index
        %swap3A_1537 = arith.constant 16 : index
        %swap3A_1538 = tpu.vector_load %arg9[%swap3A_1536, %swap3A_1537] {strides = array<i32>} : memref<2x128xi32, #tpu.memory_space<vmem>>, vector<16xi32>,
        tpu.vector_store %arg9[%swap3A_1536, %swap3A_1537], %add3A_1534 {strides = array<i32>} : memref<2x128xi32, #tpu.memory_space<vmem>>, vector<16xi32>,
        %mul3A_1539 = arith.constant 128 : i32
        %mul3A_1540 = arith.muli %add3A_1480, %mul3A_1539 : i32
        %add3A_1541 = arith.addi %add3A_1124, %mul3A_1540 : i32
        %add3A_1542 = arith.constant 32 : i32
        %add3A_1543 = arith.addi %add3A_1541, %add3A_1542 : i32
        %get3A_1544 = arith.index_cast %add3A_1543 : i32 to index
        %get3A_1545 = tpu.vector_load %arg7[%get3A_1544] {strides = array<i32>} : memref<20608xi32, #tpu.memory_space<vmem>>, vector<16xi32>,
        %and3A_1546 = arith.constant 262143 : i32
        %and3A_1547 = vector.broadcast %and3A_1546 : i32 to vector<16xi32>
        %and3A_1548 = arith.andi %get3A_1545, %and3A_1547 : vector<16xi32>
        %shift_right_logical3A_1549 = arith.constant 18 : i32
        %shift_right_logical3A_1550 = vector.broadcast %shift_right_logical3A_1549 : i32 to vector<16xi32>
        %shift_right_logical3A_1551 = arith.shrui %get3A_1545, %shift_right_logical3A_1550 : vector<16xi32>
        %eq3A_1552 = arith.constant 8192 : i32
        %eq3A_1553 = vector.broadcast %eq3A_1552 : i32 to vector<16xi32>
        %eq3A_1554 = arith.cmpi eq, %shift_right_logical3A_1551, %eq3A_1553 : vector<16xi32>
        %jit3A_1555 = arith.constant 262144 : i32
        %broadcast_in_dim3A_1556 = vector.broadcast %jit3A_1555 : i32 to vector<16xi32>
        %select_n3A_1557 = arith.select %eq3A_1554, %broadcast_in_dim3A_1556, %and3A_1548 : vector<16xi1>, vector<16xi32>
        %swap3A_1558 = arith.constant 1 : i32
        %swap3A_1559 = arith.index_cast %swap3A_1558 : i32 to index
        %swap3A_1560 = arith.constant 32 : index
        %swap3A_1561 = tpu.vector_load %arg8[%swap3A_1559, %swap3A_1560] {strides = array<i32>} : memref<2x128xi32, #tpu.memory_space<vmem>>, vector<16xi32>,
        tpu.vector_store %arg8[%swap3A_1559, %swap3A_1560], %select_n3A_1557 {strides = array<i32>} : memref<2x128xi32, #tpu.memory_space<vmem>>, vector<16xi32>,
        %add3A_1562 = vector.broadcast %add3A_1226 : i32 to vector<16xi32>
        %add3A_1563 = arith.addi %add3A_1562, %shift_right_logical3A_1551 : vector<16xi32>
        %swap3A_1564 = arith.constant 1 : i32
        %swap3A_1565 = arith.index_cast %swap3A_1564 : i32 to index
        %swap3A_1566 = arith.constant 32 : index
        %swap3A_1567 = tpu.vector_load %arg9[%swap3A_1565, %swap3A_1566] {strides = array<i32>} : memref<2x128xi32, #tpu.memory_space<vmem>>, vector<16xi32>,
        tpu.vector_store %arg9[%swap3A_1565, %swap3A_1566], %add3A_1563 {strides = array<i32>} : memref<2x128xi32, #tpu.memory_space<vmem>>, vector<16xi32>,
        %mul3A_1568 = arith.constant 128 : i32
        %mul3A_1569 = arith.muli %add3A_1480, %mul3A_1568 : i32
        %add3A_1570 = arith.addi %add3A_1124, %mul3A_1569 : i32
        %add3A_1571 = arith.constant 48 : i32
        %add3A_1572 = arith.addi %add3A_1570, %add3A_1571 : i32
        %get3A_1573 = arith.index_cast %add3A_1572 : i32 to index
        %get3A_1574 = tpu.vector_load %arg7[%get3A_1573] {strides = array<i32>} : memref<20608xi32, #tpu.memory_space<vmem>>, vector<16xi32>,
        %and3A_1575 = arith.constant 262143 : i32
        %and3A_1576 = vector.broadcast %and3A_1575 : i32 to vector<16xi32>
        %and3A_1577 = arith.andi %get3A_1574, %and3A_1576 : vector<16xi32>
        %shift_right_logical3A_1578 = arith.constant 18 : i32
        %shift_right_logical3A_1579 = vector.broadcast %shift_right_logical3A_1578 : i32 to vector<16xi32>
        %shift_right_logical3A_1580 = arith.shrui %get3A_1574, %shift_right_logical3A_1579 : vector<16xi32>
        %eq3A_1581 = arith.constant 8192 : i32
        %eq3A_1582 = vector.broadcast %eq3A_1581 : i32 to vector<16xi32>
        %eq3A_1583 = arith.cmpi eq, %shift_right_logical3A_1580, %eq3A_1582 : vector<16xi32>
        %jit3A_1584 = arith.constant 262144 : i32
        %broadcast_in_dim3A_1585 = vector.broadcast %jit3A_1584 : i32 to vector<16xi32>
        %select_n3A_1586 = arith.select %eq3A_1583, %broadcast_in_dim3A_1585, %and3A_1577 : vector<16xi1>, vector<16xi32>
        %swap3A_1587 = arith.constant 1 : i32
        %swap3A_1588 = arith.index_cast %swap3A_1587 : i32 to index
        %swap3A_1589 = arith.constant 48 : index
        %swap3A_1590 = tpu.vector_load %arg8[%swap3A_1588, %swap3A_1589] {strides = array<i32>} : memref<2x128xi32, #tpu.memory_space<vmem>>, vector<16xi32>,
        tpu.vector_store %arg8[%swap3A_1588, %swap3A_1589], %select_n3A_1586 {strides = array<i32>} : memref<2x128xi32, #tpu.memory_space<vmem>>, vector<16xi32>,
        %add3A_1591 = vector.broadcast %add3A_1226 : i32 to vector<16xi32>
        %add3A_1592 = arith.addi %add3A_1591, %shift_right_logical3A_1580 : vector<16xi32>
        %swap3A_1593 = arith.constant 1 : i32
        %swap3A_1594 = arith.index_cast %swap3A_1593 : i32 to index
        %swap3A_1595 = arith.constant 48 : index
        %swap3A_1596 = tpu.vector_load %arg9[%swap3A_1594, %swap3A_1595] {strides = array<i32>} : memref<2x128xi32, #tpu.memory_space<vmem>>, vector<16xi32>,
        tpu.vector_store %arg9[%swap3A_1594, %swap3A_1595], %add3A_1592 {strides = array<i32>} : memref<2x128xi32, #tpu.memory_space<vmem>>, vector<16xi32>,
        %mul3A_1597 = arith.constant 128 : i32
        %mul3A_1598 = arith.muli %add3A_1480, %mul3A_1597 : i32
        %add3A_1599 = arith.addi %add3A_1124, %mul3A_1598 : i32
        %add3A_1600 = arith.constant 64 : i32
        %add3A_1601 = arith.addi %add3A_1599, %add3A_1600 : i32
        %get3A_1602 = arith.index_cast %add3A_1601 : i32 to index
        %get3A_1603 = tpu.vector_load %arg7[%get3A_1602] {strides = array<i32>} : memref<20608xi32, #tpu.memory_space<vmem>>, vector<16xi32>,
        %and3A_1604 = arith.constant 262143 : i32
        %and3A_1605 = vector.broadcast %and3A_1604 : i32 to vector<16xi32>
        %and3A_1606 = arith.andi %get3A_1603, %and3A_1605 : vector<16xi32>
        %shift_right_logical3A_1607 = arith.constant 18 : i32
        %shift_right_logical3A_1608 = vector.broadcast %shift_right_logical3A_1607 : i32 to vector<16xi32>
        %shift_right_logical3A_1609 = arith.shrui %get3A_1603, %shift_right_logical3A_1608 : vector<16xi32>
        %eq3A_1610 = arith.constant 8192 : i32
        %eq3A_1611 = vector.broadcast %eq3A_1610 : i32 to vector<16xi32>
        %eq3A_1612 = arith.cmpi eq, %shift_right_logical3A_1609, %eq3A_1611 : vector<16xi32>
        %jit3A_1613 = arith.constant 262144 : i32
        %broadcast_in_dim3A_1614 = vector.broadcast %jit3A_1613 : i32 to vector<16xi32>
        %select_n3A_1615 = arith.select %eq3A_1612, %broadcast_in_dim3A_1614, %and3A_1606 : vector<16xi1>, vector<16xi32>
        %swap3A_1616 = arith.constant 1 : i32
        %swap3A_1617 = arith.index_cast %swap3A_1616 : i32 to index
        %swap3A_1618 = arith.constant 64 : index
        %swap3A_1619 = tpu.vector_load %arg8[%swap3A_1617, %swap3A_1618] {strides = array<i32>} : memref<2x128xi32, #tpu.memory_space<vmem>>, vector<16xi32>,
        tpu.vector_store %arg8[%swap3A_1617, %swap3A_1618], %select_n3A_1615 {strides = array<i32>} : memref<2x128xi32, #tpu.memory_space<vmem>>, vector<16xi32>,
        %add3A_1620 = vector.broadcast %add3A_1226 : i32 to vector<16xi32>
        %add3A_1621 = arith.addi %add3A_1620, %shift_right_logical3A_1609 : vector<16xi32>
        %swap3A_1622 = arith.constant 1 : i32
        %swap3A_1623 = arith.index_cast %swap3A_1622 : i32 to index
        %swap3A_1624 = arith.constant 64 : index
        %swap3A_1625 = tpu.vector_load %arg9[%swap3A_1623, %swap3A_1624] {strides = array<i32>} : memref<2x128xi32, #tpu.memory_space<vmem>>, vector<16xi32>,
        tpu.vector_store %arg9[%swap3A_1623, %swap3A_1624], %add3A_1621 {strides = array<i32>} : memref<2x128xi32, #tpu.memory_space<vmem>>, vector<16xi32>,
        %mul3A_1626 = arith.constant 128 : i32
        %mul3A_1627 = arith.muli %add3A_1480, %mul3A_1626 : i32
        %add3A_1628 = arith.addi %add3A_1124, %mul3A_1627 : i32
        %add3A_1629 = arith.constant 80 : i32
        %add3A_1630 = arith.addi %add3A_1628, %add3A_1629 : i32
        %get3A_1631 = arith.index_cast %add3A_1630 : i32 to index
        %get3A_1632 = tpu.vector_load %arg7[%get3A_1631] {strides = array<i32>} : memref<20608xi32, #tpu.memory_space<vmem>>, vector<16xi32>,
        %and3A_1633 = arith.constant 262143 : i32
        %and3A_1634 = vector.broadcast %and3A_1633 : i32 to vector<16xi32>
        %and3A_1635 = arith.andi %get3A_1632, %and3A_1634 : vector<16xi32>
        %shift_right_logical3A_1636 = arith.constant 18 : i32
        %shift_right_logical3A_1637 = vector.broadcast %shift_right_logical3A_1636 : i32 to vector<16xi32>
        %shift_right_logical3A_1638 = arith.shrui %get3A_1632, %shift_right_logical3A_1637 : vector<16xi32>
        %eq3A_1639 = arith.constant 8192 : i32
        %eq3A_1640 = vector.broadcast %eq3A_1639 : i32 to vector<16xi32>
        %eq3A_1641 = arith.cmpi eq, %shift_right_logical3A_1638, %eq3A_1640 : vector<16xi32>
        %jit3A_1642 = arith.constant 262144 : i32
        %broadcast_in_dim3A_1643 = vector.broadcast %jit3A_1642 : i32 to vector<16xi32>
        %select_n3A_1644 = arith.select %eq3A_1641, %broadcast_in_dim3A_1643, %and3A_1635 : vector<16xi1>, vector<16xi32>
        %swap3A_1645 = arith.constant 1 : i32
        %swap3A_1646 = arith.index_cast %swap3A_1645 : i32 to index
        %swap3A_1647 = arith.constant 80 : index
        %swap3A_1648 = tpu.vector_load %arg8[%swap3A_1646, %swap3A_1647] {strides = array<i32>} : memref<2x128xi32, #tpu.memory_space<vmem>>, vector<16xi32>,
        tpu.vector_store %arg8[%swap3A_1646, %swap3A_1647], %select_n3A_1644 {strides = array<i32>} : memref<2x128xi32, #tpu.memory_space<vmem>>, vector<16xi32>,
        %add3A_1649 = vector.broadcast %add3A_1226 : i32 to vector<16xi32>
        %add3A_1650 = arith.addi %add3A_1649, %shift_right_logical3A_1638 : vector<16xi32>
        %swap3A_1651 = arith.constant 1 : i32
        %swap3A_1652 = arith.index_cast %swap3A_1651 : i32 to index
        %swap3A_1653 = arith.constant 80 : index
        %swap3A_1654 = tpu.vector_load %arg9[%swap3A_1652, %swap3A_1653] {strides = array<i32>} : memref<2x128xi32, #tpu.memory_space<vmem>>, vector<16xi32>,
        tpu.vector_store %arg9[%swap3A_1652, %swap3A_1653], %add3A_1650 {strides = array<i32>} : memref<2x128xi32, #tpu.memory_space<vmem>>, vector<16xi32>,
        %mul3A_1655 = arith.constant 128 : i32
        %mul3A_1656 = arith.muli %add3A_1480, %mul3A_1655 : i32
        %add3A_1657 = arith.addi %add3A_1124, %mul3A_1656 : i32
        %add3A_1658 = arith.constant 96 : i32
        %add3A_1659 = arith.addi %add3A_1657, %add3A_1658 : i32
        %get3A_1660 = arith.index_cast %add3A_1659 : i32 to index
        %get3A_1661 = tpu.vector_load %arg7[%get3A_1660] {strides = array<i32>} : memref<20608xi32, #tpu.memory_space<vmem>>, vector<16xi32>,
        %and3A_1662 = arith.constant 262143 : i32
        %and3A_1663 = vector.broadcast %and3A_1662 : i32 to vector<16xi32>
        %and3A_1664 = arith.andi %get3A_1661, %and3A_1663 : vector<16xi32>
        %shift_right_logical3A_1665 = arith.constant 18 : i32
        %shift_right_logical3A_1666 = vector.broadcast %shift_right_logical3A_1665 : i32 to vector<16xi32>
        %shift_right_logical3A_1667 = arith.shrui %get3A_1661, %shift_right_logical3A_1666 : vector<16xi32>
        %eq3A_1668 = arith.constant 8192 : i32
        %eq3A_1669 = vector.broadcast %eq3A_1668 : i32 to vector<16xi32>
        %eq3A_1670 = arith.cmpi eq, %shift_right_logical3A_1667, %eq3A_1669 : vector<16xi32>
        %jit3A_1671 = arith.constant 262144 : i32
        %broadcast_in_dim3A_1672 = vector.broadcast %jit3A_1671 : i32 to vector<16xi32>
        %select_n3A_1673 = arith.select %eq3A_1670, %broadcast_in_dim3A_1672, %and3A_1664 : vector<16xi1>, vector<16xi32>
        %swap3A_1674 = arith.constant 1 : i32
        %swap3A_1675 = arith.index_cast %swap3A_1674 : i32 to index
        %swap3A_1676 = arith.constant 96 : index
        %swap3A_1677 = tpu.vector_load %arg8[%swap3A_1675, %swap3A_1676] {strides = array<i32>} : memref<2x128xi32, #tpu.memory_space<vmem>>, vector<16xi32>,
        tpu.vector_store %arg8[%swap3A_1675, %swap3A_1676], %select_n3A_1673 {strides = array<i32>} : memref<2x128xi32, #tpu.memory_space<vmem>>, vector<16xi32>,
        %add3A_1678 = vector.broadcast %add3A_1226 : i32 to vector<16xi32>
        %add3A_1679 = arith.addi %add3A_1678, %shift_right_logical3A_1667 : vector<16xi32>
        %swap3A_1680 = arith.constant 1 : i32
        %swap3A_1681 = arith.index_cast %swap3A_1680 : i32 to index
        %swap3A_1682 = arith.constant 96 : index
        %swap3A_1683 = tpu.vector_load %arg9[%swap3A_1681, %swap3A_1682] {strides = array<i32>} : memref<2x128xi32, #tpu.memory_space<vmem>>, vector<16xi32>,
        tpu.vector_store %arg9[%swap3A_1681, %swap3A_1682], %add3A_1679 {strides = array<i32>} : memref<2x128xi32, #tpu.memory_space<vmem>>, vector<16xi32>,
        %mul3A_1684 = arith.constant 128 : i32
        %mul3A_1685 = arith.muli %add3A_1480, %mul3A_1684 : i32
        %add3A_1686 = arith.addi %add3A_1124, %mul3A_1685 : i32
        %add3A_1687 = arith.constant 112 : i32
        %add3A_1688 = arith.addi %add3A_1686, %add3A_1687 : i32
        %get3A_1689 = arith.index_cast %add3A_1688 : i32 to index
        %get3A_1690 = tpu.vector_load %arg7[%get3A_1689] {strides = array<i32>} : memref<20608xi32, #tpu.memory_space<vmem>>, vector<16xi32>,
        %and3A_1691 = arith.constant 262143 : i32
        %and3A_1692 = vector.broadcast %and3A_1691 : i32 to vector<16xi32>
        %and3A_1693 = arith.andi %get3A_1690, %and3A_1692 : vector<16xi32>
        %shift_right_logical3A_1694 = arith.constant 18 : i32
        %shift_right_logical3A_1695 = vector.broadcast %shift_right_logical3A_1694 : i32 to vector<16xi32>
        %shift_right_logical3A_1696 = arith.shrui %get3A_1690, %shift_right_logical3A_1695 : vector<16xi32>
        %eq3A_1697 = arith.constant 8192 : i32
        %eq3A_1698 = vector.broadcast %eq3A_1697 : i32 to vector<16xi32>
        %eq3A_1699 = arith.cmpi eq, %shift_right_logical3A_1696, %eq3A_1698 : vector<16xi32>
        %jit3A_1700 = arith.constant 262144 : i32
        %broadcast_in_dim3A_1701 = vector.broadcast %jit3A_1700 : i32 to vector<16xi32>
        %select_n3A_1702 = arith.select %eq3A_1699, %broadcast_in_dim3A_1701, %and3A_1693 : vector<16xi1>, vector<16xi32>
        %swap3A_1703 = arith.constant 1 : i32
        %swap3A_1704 = arith.index_cast %swap3A_1703 : i32 to index
        %swap3A_1705 = arith.constant 112 : index
        %swap3A_1706 = tpu.vector_load %arg8[%swap3A_1704, %swap3A_1705] {strides = array<i32>} : memref<2x128xi32, #tpu.memory_space<vmem>>, vector<16xi32>,
        tpu.vector_store %arg8[%swap3A_1704, %swap3A_1705], %select_n3A_1702 {strides = array<i32>} : memref<2x128xi32, #tpu.memory_space<vmem>>, vector<16xi32>,
        %add3A_1707 = vector.broadcast %add3A_1226 : i32 to vector<16xi32>
        %add3A_1708 = arith.addi %add3A_1707, %shift_right_logical3A_1696 : vector<16xi32>
        %swap3A_1709 = arith.constant 1 : i32
        %swap3A_1710 = arith.index_cast %swap3A_1709 : i32 to index
        %swap3A_1711 = arith.constant 112 : index
        %swap3A_1712 = tpu.vector_load %arg9[%swap3A_1710, %swap3A_1711] {strides = array<i32>} : memref<2x128xi32, #tpu.memory_space<vmem>>, vector<16xi32>,
        tpu.vector_store %arg9[%swap3A_1710, %swap3A_1711], %add3A_1708 {strides = array<i32>} : memref<2x128xi32, #tpu.memory_space<vmem>>, vector<16xi32>,
        %dma_start3A_1713 = arith.constant 1 : i32
        %dma_start3A_1714 = arith.constant 0 : i32
        %dma_start3A_1715 = tpu.memref_slice %arg9[%dma_start3A_1713, %dma_start3A_1714] : memref<2x128xi32, #tpu.memory_space<vmem>> -> memref<1x128xi32, #tpu.memory_space<vmem>>
        %dma_start3A_1716 = tpu.memref_squeeze %dma_start3A_1715 : memref<1x128xi32, #tpu.memory_space<vmem>> -> memref<128xi32, #tpu.memory_space<vmem>>
        %dma_start3A_1717 = arith.constant 0 : i32
        %dma_start3A_1718 = arith.constant 0 : i32
        %dma_start3A_1719 = tpu.memref_slice %arg5[%dma_start3A_1717, %dma_start3A_1718] : memref<262272x128xf32, #tpu.memory_space<hbm>> -> memref<262272x128xf32, #tpu.memory_space<hbm>>
        tpu.enqueue_indirect_dma source(%dma_start3A_1719 : memref<262272x128xf32, #tpu.memory_space<hbm>>) target(%arg11 : memref<128x128xf32, #tpu.memory_space<vmem>>) offsets(%dma_start3A_1716 : memref<128xi32, #tpu.memory_space<vmem>>) semaphore(%arg18 : memref<!tpu.dma_semaphore, #tpu.memory_space<semaphore_mem>>)
        %dma_wait3A = arith.constant 0 : i32
        %dma_wait3A_1720 = arith.constant 0 : i32
        %dma_wait3A_1721 = tpu.memref_slice %arg9[%dma_wait3A, %dma_wait3A_1720] : memref<2x128xi32, #tpu.memory_space<vmem>> -> memref<1x128xi32, #tpu.memory_space<vmem>>
        %dma_wait3A_1722 = tpu.memref_squeeze %dma_wait3A_1721 : memref<1x128xi32, #tpu.memory_space<vmem>> -> memref<128xi32, #tpu.memory_space<vmem>>
        %dma_wait3A_1723 = arith.constant 0 : i32
        %dma_wait3A_1724 = arith.constant 0 : i32
        %dma_wait3A_1725 = tpu.memref_slice %arg5[%dma_wait3A_1723, %dma_wait3A_1724] : memref<262272x128xf32, #tpu.memory_space<hbm>> -> memref<262272x128xf32, #tpu.memory_space<hbm>>
        tpu.wait_indirect_dma semaphore(%arg17 : memref<!tpu.dma_semaphore, #tpu.memory_space<semaphore_mem>>) src(%dma_wait3A_1725 : memref<262272x128xf32, #tpu.memory_space<hbm>>) dst(%arg10 : memref<128x128xf32, #tpu.memory_space<vmem>>)
        %dma_start3A_1726 = arith.constant 0 : i32
        %dma_start3A_1727 = arith.constant 0 : i32
        %dma_start3A_1728 = tpu.memref_slice %arg8[%dma_start3A_1726, %dma_start3A_1727] : memref<2x128xi32, #tpu.memory_space<vmem>> -> memref<1x128xi32, #tpu.memory_space<vmem>>
        %dma_start3A_1729 = tpu.memref_squeeze %dma_start3A_1728 : memref<1x128xi32, #tpu.memory_space<vmem>> -> memref<128xi32, #tpu.memory_space<vmem>>
        %dma_start3A_1730 = arith.constant 0 : i32
        %dma_start3A_1731 = arith.constant 0 : i32
        %dma_start3A_1732 = tpu.memref_slice %arg4[%dma_start3A_1730, %dma_start3A_1731] : memref<264192x128xf32, #tpu.memory_space<hbm>> -> memref<264192x128xf32, #tpu.memory_space<hbm>>
        tpu.enqueue_indirect_dma source(%arg10 : memref<128x128xf32, #tpu.memory_space<vmem>>) target(%dma_start3A_1732 : memref<264192x128xf32, #tpu.memory_space<hbm>>) offsets(%dma_start3A_1729 : memref<128xi32, #tpu.memory_space<vmem>>) semaphore(%arg19 : memref<!tpu.dma_semaphore, #tpu.memory_space<semaphore_mem>>)
        %dma_wait3A_1733 = arith.constant 1 : i32
        %dma_wait3A_1734 = arith.constant 0 : i32
        %dma_wait3A_1735 = tpu.memref_slice %arg9[%dma_wait3A_1733, %dma_wait3A_1734] : memref<2x128xi32, #tpu.memory_space<vmem>> -> memref<1x128xi32, #tpu.memory_space<vmem>>
        %dma_wait3A_1736 = tpu.memref_squeeze %dma_wait3A_1735 : memref<1x128xi32, #tpu.memory_space<vmem>> -> memref<128xi32, #tpu.memory_space<vmem>>
        %dma_wait3A_1737 = arith.constant 0 : i32
        %dma_wait3A_1738 = arith.constant 0 : i32
        %dma_wait3A_1739 = tpu.memref_slice %arg5[%dma_wait3A_1737, %dma_wait3A_1738] : memref<262272x128xf32, #tpu.memory_space<hbm>> -> memref<262272x128xf32, #tpu.memory_space<hbm>>
        tpu.wait_indirect_dma semaphore(%arg18 : memref<!tpu.dma_semaphore, #tpu.memory_space<semaphore_mem>>) src(%dma_wait3A_1739 : memref<262272x128xf32, #tpu.memory_space<hbm>>) dst(%arg11 : memref<128x128xf32, #tpu.memory_space<vmem>>)
        %dma_start3A_1740 = arith.constant 1 : i32
        %dma_start3A_1741 = arith.constant 0 : i32
        %dma_start3A_1742 = tpu.memref_slice %arg8[%dma_start3A_1740, %dma_start3A_1741] : memref<2x128xi32, #tpu.memory_space<vmem>> -> memref<1x128xi32, #tpu.memory_space<vmem>>
        %dma_start3A_1743 = tpu.memref_squeeze %dma_start3A_1742 : memref<1x128xi32, #tpu.memory_space<vmem>> -> memref<128xi32, #tpu.memory_space<vmem>>
        %dma_start3A_1744 = arith.constant 0 : i32
        %dma_start3A_1745 = arith.constant 0 : i32
        %dma_start3A_1746 = tpu.memref_slice %arg4[%dma_start3A_1744, %dma_start3A_1745] : memref<264192x128xf32, #tpu.memory_space<hbm>> -> memref<264192x128xf32, #tpu.memory_space<hbm>>
        tpu.enqueue_indirect_dma source(%arg11 : memref<128x128xf32, #tpu.memory_space<vmem>>) target(%dma_start3A_1746 : memref<264192x128xf32, #tpu.memory_space<hbm>>) offsets(%dma_start3A_1743 : memref<128xi32, #tpu.memory_space<vmem>>) semaphore(%arg19 : memref<!tpu.dma_semaphore, #tpu.memory_space<semaphore_mem>>)
        %dma_wait3A_1747 = arith.constant 0 : i32
        %dma_wait3A_1748 = arith.constant 0 : i32
        %dma_wait3A_1749 = tpu.memref_slice %arg8[%dma_wait3A_1747, %dma_wait3A_1748] : memref<2x128xi32, #tpu.memory_space<vmem>> -> memref<1x128xi32, #tpu.memory_space<vmem>>
        %dma_wait3A_1750 = tpu.memref_squeeze %dma_wait3A_1749 : memref<1x128xi32, #tpu.memory_space<vmem>> -> memref<128xi32, #tpu.memory_space<vmem>>
        %dma_wait3A_1751 = arith.constant 0 : i32
        %dma_wait3A_1752 = arith.constant 0 : i32
        %dma_wait3A_1753 = tpu.memref_slice %arg4[%dma_wait3A_1751, %dma_wait3A_1752] : memref<264192x128xf32, #tpu.memory_space<hbm>> -> memref<264192x128xf32, #tpu.memory_space<hbm>>
        tpu.wait_indirect_dma semaphore(%arg19 : memref<!tpu.dma_semaphore, #tpu.memory_space<semaphore_mem>>) src(%arg10 : memref<128x128xf32, #tpu.memory_space<vmem>>) dst(%dma_wait3A_1753 : memref<264192x128xf32, #tpu.memory_space<hbm>>)
        %dma_wait3A_1754 = arith.constant 1 : i32
        %dma_wait3A_1755 = arith.constant 0 : i32
        %dma_wait3A_1756 = tpu.memref_slice %arg8[%dma_wait3A_1754, %dma_wait3A_1755] : memref<2x128xi32, #tpu.memory_space<vmem>> -> memref<1x128xi32, #tpu.memory_space<vmem>>
        %dma_wait3A_1757 = tpu.memref_squeeze %dma_wait3A_1756 : memref<1x128xi32, #tpu.memory_space<vmem>> -> memref<128xi32, #tpu.memory_space<vmem>>
        %dma_wait3A_1758 = arith.constant 0 : i32
        %dma_wait3A_1759 = arith.constant 0 : i32
        %dma_wait3A_1760 = tpu.memref_slice %arg4[%dma_wait3A_1758, %dma_wait3A_1759] : memref<264192x128xf32, #tpu.memory_space<hbm>> -> memref<264192x128xf32, #tpu.memory_space<hbm>>
        tpu.wait_indirect_dma semaphore(%arg19 : memref<!tpu.dma_semaphore, #tpu.memory_space<semaphore_mem>>) src(%arg11 : memref<128x128xf32, #tpu.memory_space<vmem>>) dst(%dma_wait3A_1760 : memref<264192x128xf32, #tpu.memory_space<hbm>>)
      }
      %while3A_1235 = arith.constant 1 : i32
      scf.for %while3A_1239 = %while3A_1233 to %while3A_1229 step %while3A_1235  : i32 {
        %mul3A_1240 = arith.constant 2 : i32
        %mul3A_1241 = arith.muli %mul3A_1240, %while3A_1239 : i32
        %mul3A_1242 = arith.constant 128 : i32
        %mul3A_1243 = arith.muli %mul3A_1241, %mul3A_1242 : i32
        %add3A_1244 = arith.addi %add3A_1124, %mul3A_1243 : i32
        %add3A_1245 = arith.constant 0 : i32
        %add3A_1246 = arith.addi %add3A_1244, %add3A_1245 : i32
        %get3A_1247 = arith.index_cast %add3A_1246 : i32 to index
        %get3A_1248 = tpu.vector_load %arg7[%get3A_1247] {strides = array<i32>} : memref<20608xi32, #tpu.memory_space<vmem>>, vector<16xi32>,
        %and3A_1249 = arith.constant 262143 : i32
        %and3A_1250 = vector.broadcast %and3A_1249 : i32 to vector<16xi32>
        %and3A_1251 = arith.andi %get3A_1248, %and3A_1250 : vector<16xi32>
        %shift_right_logical3A = arith.constant 18 : i32
        %shift_right_logical3A_1252 = vector.broadcast %shift_right_logical3A : i32 to vector<16xi32>
        %shift_right_logical3A_1253 = arith.shrui %get3A_1248, %shift_right_logical3A_1252 : vector<16xi32>
        %eq3A_1254 = arith.constant 8192 : i32
        %eq3A_1255 = vector.broadcast %eq3A_1254 : i32 to vector<16xi32>
        %eq3A_1256 = arith.cmpi eq, %shift_right_logical3A_1253, %eq3A_1255 : vector<16xi32>
        %jit3A_1257 = arith.constant 262144 : i32
        %broadcast_in_dim3A_1258 = vector.broadcast %jit3A_1257 : i32 to vector<16xi32>
        %select_n3A_1259 = arith.select %eq3A_1256, %broadcast_in_dim3A_1258, %and3A_1251 : vector<16xi1>, vector<16xi32>
        %swap3A_1260 = arith.constant 0 : i32
        %swap3A_1261 = arith.index_cast %swap3A_1260 : i32 to index
        %swap3A_1262 = arith.constant 0 : index
        %swap3A_1263 = tpu.vector_load %arg8[%swap3A_1261, %swap3A_1262] {strides = array<i32>} : memref<2x128xi32, #tpu.memory_space<vmem>>, vector<16xi32>,
        tpu.vector_store %arg8[%swap3A_1261, %swap3A_1262], %select_n3A_1259 {strides = array<i32>} : memref<2x128xi32, #tpu.memory_space<vmem>>, vector<16xi32>,
        %add3A_1264 = vector.broadcast %add3A_1226 : i32 to vector<16xi32>
        %add3A_1265 = arith.addi %add3A_1264, %shift_right_logical3A_1253 : vector<16xi32>
        %swap3A_1266 = arith.constant 0 : i32
        %swap3A_1267 = arith.index_cast %swap3A_1266 : i32 to index
        %swap3A_1268 = arith.constant 0 : index
        %swap3A_1269 = tpu.vector_load %arg9[%swap3A_1267, %swap3A_1268] {strides = array<i32>} : memref<2x128xi32, #tpu.memory_space<vmem>>, vector<16xi32>,
        tpu.vector_store %arg9[%swap3A_1267, %swap3A_1268], %add3A_1265 {strides = array<i32>} : memref<2x128xi32, #tpu.memory_space<vmem>>, vector<16xi32>,
        %mul3A_1270 = arith.constant 128 : i32
        %mul3A_1271 = arith.muli %mul3A_1241, %mul3A_1270 : i32
        %add3A_1272 = arith.addi %add3A_1124, %mul3A_1271 : i32
        %add3A_1273 = arith.constant 16 : i32
        %add3A_1274 = arith.addi %add3A_1272, %add3A_1273 : i32
        %get3A_1275 = arith.index_cast %add3A_1274 : i32 to index
        %get3A_1276 = tpu.vector_load %arg7[%get3A_1275] {strides = array<i32>} : memref<20608xi32, #tpu.memory_space<vmem>>, vector<16xi32>,
        %and3A_1277 = arith.constant 262143 : i32
        %and3A_1278 = vector.broadcast %and3A_1277 : i32 to vector<16xi32>
        %and3A_1279 = arith.andi %get3A_1276, %and3A_1278 : vector<16xi32>
        %shift_right_logical3A_1280 = arith.constant 18 : i32
        %shift_right_logical3A_1281 = vector.broadcast %shift_right_logical3A_1280 : i32 to vector<16xi32>
        %shift_right_logical3A_1282 = arith.shrui %get3A_1276, %shift_right_logical3A_1281 : vector<16xi32>
        %eq3A_1283 = arith.constant 8192 : i32
        %eq3A_1284 = vector.broadcast %eq3A_1283 : i32 to vector<16xi32>
        %eq3A_1285 = arith.cmpi eq, %shift_right_logical3A_1282, %eq3A_1284 : vector<16xi32>
        %jit3A_1286 = arith.constant 262144 : i32
        %broadcast_in_dim3A_1287 = vector.broadcast %jit3A_1286 : i32 to vector<16xi32>
        %select_n3A_1288 = arith.select %eq3A_1285, %broadcast_in_dim3A_1287, %and3A_1279 : vector<16xi1>, vector<16xi32>
        %swap3A_1289 = arith.constant 0 : i32
        %swap3A_1290 = arith.index_cast %swap3A_1289 : i32 to index
        %swap3A_1291 = arith.constant 16 : index
        %swap3A_1292 = tpu.vector_load %arg8[%swap3A_1290, %swap3A_1291] {strides = array<i32>} : memref<2x128xi32, #tpu.memory_space<vmem>>, vector<16xi32>,
        tpu.vector_store %arg8[%swap3A_1290, %swap3A_1291], %select_n3A_1288 {strides = array<i32>} : memref<2x128xi32, #tpu.memory_space<vmem>>, vector<16xi32>,
        %add3A_1293 = vector.broadcast %add3A_1226 : i32 to vector<16xi32>
        %add3A_1294 = arith.addi %add3A_1293, %shift_right_logical3A_1282 : vector<16xi32>
        %swap3A_1295 = arith.constant 0 : i32
        %swap3A_1296 = arith.index_cast %swap3A_1295 : i32 to index
        %swap3A_1297 = arith.constant 16 : index
        %swap3A_1298 = tpu.vector_load %arg9[%swap3A_1296, %swap3A_1297] {strides = array<i32>} : memref<2x128xi32, #tpu.memory_space<vmem>>, vector<16xi32>,
        tpu.vector_store %arg9[%swap3A_1296, %swap3A_1297], %add3A_1294 {strides = array<i32>} : memref<2x128xi32, #tpu.memory_space<vmem>>, vector<16xi32>,
        %mul3A_1299 = arith.constant 128 : i32
        %mul3A_1300 = arith.muli %mul3A_1241, %mul3A_1299 : i32
        %add3A_1301 = arith.addi %add3A_1124, %mul3A_1300 : i32
        %add3A_1302 = arith.constant 32 : i32
        %add3A_1303 = arith.addi %add3A_1301, %add3A_1302 : i32
        %get3A_1304 = arith.index_cast %add3A_1303 : i32 to index
        %get3A_1305 = tpu.vector_load %arg7[%get3A_1304] {strides = array<i32>} : memref<20608xi32, #tpu.memory_space<vmem>>, vector<16xi32>,
        %and3A_1306 = arith.constant 262143 : i32
        %and3A_1307 = vector.broadcast %and3A_1306 : i32 to vector<16xi32>
        %and3A_1308 = arith.andi %get3A_1305, %and3A_1307 : vector<16xi32>
        %shift_right_logical3A_1309 = arith.constant 18 : i32
        %shift_right_logical3A_1310 = vector.broadcast %shift_right_logical3A_1309 : i32 to vector<16xi32>
        %shift_right_logical3A_1311 = arith.shrui %get3A_1305, %shift_right_logical3A_1310 : vector<16xi32>
        %eq3A_1312 = arith.constant 8192 : i32
        %eq3A_1313 = vector.broadcast %eq3A_1312 : i32 to vector<16xi32>
        %eq3A_1314 = arith.cmpi eq, %shift_right_logical3A_1311, %eq3A_1313 : vector<16xi32>
        %jit3A_1315 = arith.constant 262144 : i32
        %broadcast_in_dim3A_1316 = vector.broadcast %jit3A_1315 : i32 to vector<16xi32>
        %select_n3A_1317 = arith.select %eq3A_1314, %broadcast_in_dim3A_1316, %and3A_1308 : vector<16xi1>, vector<16xi32>
        %swap3A_1318 = arith.constant 0 : i32
        %swap3A_1319 = arith.index_cast %swap3A_1318 : i32 to index
        %swap3A_1320 = arith.constant 32 : index
        %swap3A_1321 = tpu.vector_load %arg8[%swap3A_1319, %swap3A_1320] {strides = array<i32>} : memref<2x128xi32, #tpu.memory_space<vmem>>, vector<16xi32>,
        tpu.vector_store %arg8[%swap3A_1319, %swap3A_1320], %select_n3A_1317 {strides = array<i32>} : memref<2x128xi32, #tpu.memory_space<vmem>>, vector<16xi32>,
        %add3A_1322 = vector.broadcast %add3A_1226 : i32 to vector<16xi32>
        %add3A_1323 = arith.addi %add3A_1322, %shift_right_logical3A_1311 : vector<16xi32>
        %swap3A_1324 = arith.constant 0 : i32
        %swap3A_1325 = arith.index_cast %swap3A_1324 : i32 to index
        %swap3A_1326 = arith.constant 32 : index
        %swap3A_1327 = tpu.vector_load %arg9[%swap3A_1325, %swap3A_1326] {strides = array<i32>} : memref<2x128xi32, #tpu.memory_space<vmem>>, vector<16xi32>,
        tpu.vector_store %arg9[%swap3A_1325, %swap3A_1326], %add3A_1323 {strides = array<i32>} : memref<2x128xi32, #tpu.memory_space<vmem>>, vector<16xi32>,
        %mul3A_1328 = arith.constant 128 : i32
        %mul3A_1329 = arith.muli %mul3A_1241, %mul3A_1328 : i32
        %add3A_1330 = arith.addi %add3A_1124, %mul3A_1329 : i32
        %add3A_1331 = arith.constant 48 : i32
        %add3A_1332 = arith.addi %add3A_1330, %add3A_1331 : i32
        %get3A_1333 = arith.index_cast %add3A_1332 : i32 to index
        %get3A_1334 = tpu.vector_load %arg7[%get3A_1333] {strides = array<i32>} : memref<20608xi32, #tpu.memory_space<vmem>>, vector<16xi32>,
        %and3A_1335 = arith.constant 262143 : i32
        %and3A_1336 = vector.broadcast %and3A_1335 : i32 to vector<16xi32>
        %and3A_1337 = arith.andi %get3A_1334, %and3A_1336 : vector<16xi32>
        %shift_right_logical3A_1338 = arith.constant 18 : i32
        %shift_right_logical3A_1339 = vector.broadcast %shift_right_logical3A_1338 : i32 to vector<16xi32>
        %shift_right_logical3A_1340 = arith.shrui %get3A_1334, %shift_right_logical3A_1339 : vector<16xi32>
        %eq3A_1341 = arith.constant 8192 : i32
        %eq3A_1342 = vector.broadcast %eq3A_1341 : i32 to vector<16xi32>
        %eq3A_1343 = arith.cmpi eq, %shift_right_logical3A_1340, %eq3A_1342 : vector<16xi32>
        %jit3A_1344 = arith.constant 262144 : i32
        %broadcast_in_dim3A_1345 = vector.broadcast %jit3A_1344 : i32 to vector<16xi32>
        %select_n3A_1346 = arith.select %eq3A_1343, %broadcast_in_dim3A_1345, %and3A_1337 : vector<16xi1>, vector<16xi32>
        %swap3A_1347 = arith.constant 0 : i32
        %swap3A_1348 = arith.index_cast %swap3A_1347 : i32 to index
        %swap3A_1349 = arith.constant 48 : index
        %swap3A_1350 = tpu.vector_load %arg8[%swap3A_1348, %swap3A_1349] {strides = array<i32>} : memref<2x128xi32, #tpu.memory_space<vmem>>, vector<16xi32>,
        tpu.vector_store %arg8[%swap3A_1348, %swap3A_1349], %select_n3A_1346 {strides = array<i32>} : memref<2x128xi32, #tpu.memory_space<vmem>>, vector<16xi32>,
        %add3A_1351 = vector.broadcast %add3A_1226 : i32 to vector<16xi32>
        %add3A_1352 = arith.addi %add3A_1351, %shift_right_logical3A_1340 : vector<16xi32>
        %swap3A_1353 = arith.constant 0 : i32
        %swap3A_1354 = arith.index_cast %swap3A_1353 : i32 to index
        %swap3A_1355 = arith.constant 48 : index
        %swap3A_1356 = tpu.vector_load %arg9[%swap3A_1354, %swap3A_1355] {strides = array<i32>} : memref<2x128xi32, #tpu.memory_space<vmem>>, vector<16xi32>,
        tpu.vector_store %arg9[%swap3A_1354, %swap3A_1355], %add3A_1352 {strides = array<i32>} : memref<2x128xi32, #tpu.memory_space<vmem>>, vector<16xi32>,
        %mul3A_1357 = arith.constant 128 : i32
        %mul3A_1358 = arith.muli %mul3A_1241, %mul3A_1357 : i32
        %add3A_1359 = arith.addi %add3A_1124, %mul3A_1358 : i32
        %add3A_1360 = arith.constant 64 : i32
        %add3A_1361 = arith.addi %add3A_1359, %add3A_1360 : i32
        %get3A_1362 = arith.index_cast %add3A_1361 : i32 to index
        %get3A_1363 = tpu.vector_load %arg7[%get3A_1362] {strides = array<i32>} : memref<20608xi32, #tpu.memory_space<vmem>>, vector<16xi32>,
        %and3A_1364 = arith.constant 262143 : i32
        %and3A_1365 = vector.broadcast %and3A_1364 : i32 to vector<16xi32>
        %and3A_1366 = arith.andi %get3A_1363, %and3A_1365 : vector<16xi32>
        %shift_right_logical3A_1367 = arith.constant 18 : i32
        %shift_right_logical3A_1368 = vector.broadcast %shift_right_logical3A_1367 : i32 to vector<16xi32>
        %shift_right_logical3A_1369 = arith.shrui %get3A_1363, %shift_right_logical3A_1368 : vector<16xi32>
        %eq3A_1370 = arith.constant 8192 : i32
        %eq3A_1371 = vector.broadcast %eq3A_1370 : i32 to vector<16xi32>
        %eq3A_1372 = arith.cmpi eq, %shift_right_logical3A_1369, %eq3A_1371 : vector<16xi32>
        %jit3A_1373 = arith.constant 262144 : i32
        %broadcast_in_dim3A_1374 = vector.broadcast %jit3A_1373 : i32 to vector<16xi32>
        %select_n3A_1375 = arith.select %eq3A_1372, %broadcast_in_dim3A_1374, %and3A_1366 : vector<16xi1>, vector<16xi32>
        %swap3A_1376 = arith.constant 0 : i32
        %swap3A_1377 = arith.index_cast %swap3A_1376 : i32 to index
        %swap3A_1378 = arith.constant 64 : index
        %swap3A_1379 = tpu.vector_load %arg8[%swap3A_1377, %swap3A_1378] {strides = array<i32>} : memref<2x128xi32, #tpu.memory_space<vmem>>, vector<16xi32>,
        tpu.vector_store %arg8[%swap3A_1377, %swap3A_1378], %select_n3A_1375 {strides = array<i32>} : memref<2x128xi32, #tpu.memory_space<vmem>>, vector<16xi32>,
        %add3A_1380 = vector.broadcast %add3A_1226 : i32 to vector<16xi32>
        %add3A_1381 = arith.addi %add3A_1380, %shift_right_logical3A_1369 : vector<16xi32>
        %swap3A_1382 = arith.constant 0 : i32
        %swap3A_1383 = arith.index_cast %swap3A_1382 : i32 to index
        %swap3A_1384 = arith.constant 64 : index
        %swap3A_1385 = tpu.vector_load %arg9[%swap3A_1383, %swap3A_1384] {strides = array<i32>} : memref<2x128xi32, #tpu.memory_space<vmem>>, vector<16xi32>,
        tpu.vector_store %arg9[%swap3A_1383, %swap3A_1384], %add3A_1381 {strides = array<i32>} : memref<2x128xi32, #tpu.memory_space<vmem>>, vector<16xi32>,
        %mul3A_1386 = arith.constant 128 : i32
        %mul3A_1387 = arith.muli %mul3A_1241, %mul3A_1386 : i32
        %add3A_1388 = arith.addi %add3A_1124, %mul3A_1387 : i32
        %add3A_1389 = arith.constant 80 : i32
        %add3A_1390 = arith.addi %add3A_1388, %add3A_1389 : i32
        %get3A_1391 = arith.index_cast %add3A_1390 : i32 to index
        %get3A_1392 = tpu.vector_load %arg7[%get3A_1391] {strides = array<i32>} : memref<20608xi32, #tpu.memory_space<vmem>>, vector<16xi32>,
        %and3A_1393 = arith.constant 262143 : i32
        %and3A_1394 = vector.broadcast %and3A_1393 : i32 to vector<16xi32>
        %and3A_1395 = arith.andi %get3A_1392, %and3A_1394 : vector<16xi32>
        %shift_right_logical3A_1396 = arith.constant 18 : i32
        %shift_right_logical3A_1397 = vector.broadcast %shift_right_logical3A_1396 : i32 to vector<16xi32>
        %shift_right_logical3A_1398 = arith.shrui %get3A_1392, %shift_right_logical3A_1397 : vector<16xi32>
        %eq3A_1399 = arith.constant 8192 : i32
        %eq3A_1400 = vector.broadcast %eq3A_1399 : i32 to vector<16xi32>
        %eq3A_1401 = arith.cmpi eq, %shift_right_logical3A_1398, %eq3A_1400 : vector<16xi32>
        %jit3A_1402 = arith.constant 262144 : i32
        %broadcast_in_dim3A_1403 = vector.broadcast %jit3A_1402 : i32 to vector<16xi32>
        %select_n3A_1404 = arith.select %eq3A_1401, %broadcast_in_dim3A_1403, %and3A_1395 : vector<16xi1>, vector<16xi32>
        %swap3A_1405 = arith.constant 0 : i32
        %swap3A_1406 = arith.index_cast %swap3A_1405 : i32 to index
        %swap3A_1407 = arith.constant 80 : index
        %swap3A_1408 = tpu.vector_load %arg8[%swap3A_1406, %swap3A_1407] {strides = array<i32>} : memref<2x128xi32, #tpu.memory_space<vmem>>, vector<16xi32>,
        tpu.vector_store %arg8[%swap3A_1406, %swap3A_1407], %select_n3A_1404 {strides = array<i32>} : memref<2x128xi32, #tpu.memory_space<vmem>>, vector<16xi32>,
        %add3A_1409 = vector.broadcast %add3A_1226 : i32 to vector<16xi32>
        %add3A_1410 = arith.addi %add3A_1409, %shift_right_logical3A_1398 : vector<16xi32>
        %swap3A_1411 = arith.constant 0 : i32
        %swap3A_1412 = arith.index_cast %swap3A_1411 : i32 to index
        %swap3A_1413 = arith.constant 80 : index
        %swap3A_1414 = tpu.vector_load %arg9[%swap3A_1412, %swap3A_1413] {strides = array<i32>} : memref<2x128xi32, #tpu.memory_space<vmem>>, vector<16xi32>,
        tpu.vector_store %arg9[%swap3A_1412, %swap3A_1413], %add3A_1410 {strides = array<i32>} : memref<2x128xi32, #tpu.memory_space<vmem>>, vector<16xi32>,
        %mul3A_1415 = arith.constant 128 : i32
        %mul3A_1416 = arith.muli %mul3A_1241, %mul3A_1415 : i32
        %add3A_1417 = arith.addi %add3A_1124, %mul3A_1416 : i32
        %add3A_1418 = arith.constant 96 : i32
        %add3A_1419 = arith.addi %add3A_1417, %add3A_1418 : i32
        %get3A_1420 = arith.index_cast %add3A_1419 : i32 to index
        %get3A_1421 = tpu.vector_load %arg7[%get3A_1420] {strides = array<i32>} : memref<20608xi32, #tpu.memory_space<vmem>>, vector<16xi32>,
        %and3A_1422 = arith.constant 262143 : i32
        %and3A_1423 = vector.broadcast %and3A_1422 : i32 to vector<16xi32>
        %and3A_1424 = arith.andi %get3A_1421, %and3A_1423 : vector<16xi32>
        %shift_right_logical3A_1425 = arith.constant 18 : i32
        %shift_right_logical3A_1426 = vector.broadcast %shift_right_logical3A_1425 : i32 to vector<16xi32>
        %shift_right_logical3A_1427 = arith.shrui %get3A_1421, %shift_right_logical3A_1426 : vector<16xi32>
        %eq3A_1428 = arith.constant 8192 : i32
        %eq3A_1429 = vector.broadcast %eq3A_1428 : i32 to vector<16xi32>
        %eq3A_1430 = arith.cmpi eq, %shift_right_logical3A_1427, %eq3A_1429 : vector<16xi32>
        %jit3A_1431 = arith.constant 262144 : i32
        %broadcast_in_dim3A_1432 = vector.broadcast %jit3A_1431 : i32 to vector<16xi32>
        %select_n3A_1433 = arith.select %eq3A_1430, %broadcast_in_dim3A_1432, %and3A_1424 : vector<16xi1>, vector<16xi32>
        %swap3A_1434 = arith.constant 0 : i32
        %swap3A_1435 = arith.index_cast %swap3A_1434 : i32 to index
        %swap3A_1436 = arith.constant 96 : index
        %swap3A_1437 = tpu.vector_load %arg8[%swap3A_1435, %swap3A_1436] {strides = array<i32>} : memref<2x128xi32, #tpu.memory_space<vmem>>, vector<16xi32>,
        tpu.vector_store %arg8[%swap3A_1435, %swap3A_1436], %select_n3A_1433 {strides = array<i32>} : memref<2x128xi32, #tpu.memory_space<vmem>>, vector<16xi32>,
        %add3A_1438 = vector.broadcast %add3A_1226 : i32 to vector<16xi32>
        %add3A_1439 = arith.addi %add3A_1438, %shift_right_logical3A_1427 : vector<16xi32>
        %swap3A_1440 = arith.constant 0 : i32
        %swap3A_1441 = arith.index_cast %swap3A_1440 : i32 to index
        %swap3A_1442 = arith.constant 96 : index
        %swap3A_1443 = tpu.vector_load %arg9[%swap3A_1441, %swap3A_1442] {strides = array<i32>} : memref<2x128xi32, #tpu.memory_space<vmem>>, vector<16xi32>,
        tpu.vector_store %arg9[%swap3A_1441, %swap3A_1442], %add3A_1439 {strides = array<i32>} : memref<2x128xi32, #tpu.memory_space<vmem>>, vector<16xi32>,
        %mul3A_1444 = arith.constant 128 : i32
        %mul3A_1445 = arith.muli %mul3A_1241, %mul3A_1444 : i32
        %add3A_1446 = arith.addi %add3A_1124, %mul3A_1445 : i32
        %add3A_1447 = arith.constant 112 : i32
        %add3A_1448 = arith.addi %add3A_1446, %add3A_1447 : i32
        %get3A_1449 = arith.index_cast %add3A_1448 : i32 to index
        %get3A_1450 = tpu.vector_load %arg7[%get3A_1449] {strides = array<i32>} : memref<20608xi32, #tpu.memory_space<vmem>>, vector<16xi32>,
        %and3A_1451 = arith.constant 262143 : i32
        %and3A_1452 = vector.broadcast %and3A_1451 : i32 to vector<16xi32>
        %and3A_1453 = arith.andi %get3A_1450, %and3A_1452 : vector<16xi32>
        %shift_right_logical3A_1454 = arith.constant 18 : i32
        %shift_right_logical3A_1455 = vector.broadcast %shift_right_logical3A_1454 : i32 to vector<16xi32>
        %shift_right_logical3A_1456 = arith.shrui %get3A_1450, %shift_right_logical3A_1455 : vector<16xi32>
        %eq3A_1457 = arith.constant 8192 : i32
        %eq3A_1458 = vector.broadcast %eq3A_1457 : i32 to vector<16xi32>
        %eq3A_1459 = arith.cmpi eq, %shift_right_logical3A_1456, %eq3A_1458 : vector<16xi32>
        %jit3A_1460 = arith.constant 262144 : i32
        %broadcast_in_dim3A_1461 = vector.broadcast %jit3A_1460 : i32 to vector<16xi32>
        %select_n3A_1462 = arith.select %eq3A_1459, %broadcast_in_dim3A_1461, %and3A_1453 : vector<16xi1>, vector<16xi32>
        %swap3A_1463 = arith.constant 0 : i32
        %swap3A_1464 = arith.index_cast %swap3A_1463 : i32 to index
        %swap3A_1465 = arith.constant 112 : index
        %swap3A_1466 = tpu.vector_load %arg8[%swap3A_1464, %swap3A_1465] {strides = array<i32>} : memref<2x128xi32, #tpu.memory_space<vmem>>, vector<16xi32>,
        tpu.vector_store %arg8[%swap3A_1464, %swap3A_1465], %select_n3A_1462 {strides = array<i32>} : memref<2x128xi32, #tpu.memory_space<vmem>>, vector<16xi32>,
        %add3A_1467 = vector.broadcast %add3A_1226 : i32 to vector<16xi32>
        %add3A_1468 = arith.addi %add3A_1467, %shift_right_logical3A_1456 : vector<16xi32>
        %swap3A_1469 = arith.constant 0 : i32
        %swap3A_1470 = arith.index_cast %swap3A_1469 : i32 to index
        %swap3A_1471 = arith.constant 112 : index
        %swap3A_1472 = tpu.vector_load %arg9[%swap3A_1470, %swap3A_1471] {strides = array<i32>} : memref<2x128xi32, #tpu.memory_space<vmem>>, vector<16xi32>,
        tpu.vector_store %arg9[%swap3A_1470, %swap3A_1471], %add3A_1468 {strides = array<i32>} : memref<2x128xi32, #tpu.memory_space<vmem>>, vector<16xi32>,
        %dma_start3A = arith.constant 0 : i32
        %dma_start3A_1473 = arith.constant 0 : i32
        %dma_start3A_1474 = tpu.memref_slice %arg9[%dma_start3A, %dma_start3A_1473] : memref<2x128xi32, #tpu.memory_space<vmem>> -> memref<1x128xi32, #tpu.memory_space<vmem>>
        %dma_start3A_1475 = tpu.memref_squeeze %dma_start3A_1474 : memref<1x128xi32, #tpu.memory_space<vmem>> -> memref<128xi32, #tpu.memory_space<vmem>>
        %dma_start3A_1476 = arith.constant 0 : i32
        %dma_start3A_1477 = arith.constant 0 : i32
        %dma_start3A_1478 = tpu.memref_slice %arg5[%dma_start3A_1476, %dma_start3A_1477] : memref<262272x128xf32, #tpu.memory_space<hbm>> -> memref<262272x128xf32, #tpu.memory_space<hbm>>
        tpu.enqueue_indirect_dma source(%dma_start3A_1478 : memref<262272x128xf32, #tpu.memory_space<hbm>>) target(%arg10 : memref<128x128xf32, #tpu.memory_space<vmem>>) offsets(%dma_start3A_1475 : memref<128xi32, #tpu.memory_space<vmem>>) semaphore(%arg17 : memref<!tpu.dma_semaphore, #tpu.memory_space<semaphore_mem>>)
        %add3A_1479 = arith.constant 1 : i32
        %add3A_1480 = arith.addi %mul3A_1241, %add3A_1479 : i32
        %mul3A_1481 = arith.constant 128 : i32
        %mul3A_1482 = arith.muli %add3A_1480, %mul3A_1481 : i32
        %add3A_1483 = arith.addi %add3A_1124, %mul3A_1482 : i32
        %add3A_1484 = arith.constant 0 : i32
        %add3A_1485 = arith.addi %add3A_1483, %add3A_1484 : i32
        %get3A_1486 = arith.index_cast %add3A_1485 : i32 to index
        %get3A_1487 = tpu.vector_load %arg7[%get3A_1486] {strides = array<i32>} : memref<20608xi32, #tpu.memory_space<vmem>>, vector<16xi32>,
        %and3A_1488 = arith.constant 262143 : i32
        %and3A_1489 = vector.broadcast %and3A_1488 : i32 to vector<16xi32>
        %and3A_1490 = arith.andi %get3A_1487, %and3A_1489 : vector<16xi32>
        %shift_right_logical3A_1491 = arith.constant 18 : i32
        %shift_right_logical3A_1492 = vector.broadcast %shift_right_logical3A_1491 : i32 to vector<16xi32>
        %shift_right_logical3A_1493 = arith.shrui %get3A_1487, %shift_right_logical3A_1492 : vector<16xi32>
        %eq3A_1494 = arith.constant 8192 : i32
        %eq3A_1495 = vector.broadcast %eq3A_1494 : i32 to vector<16xi32>
        %eq3A_1496 = arith.cmpi eq, %shift_right_logical3A_1493, %eq3A_1495 : vector<16xi32>
        %jit3A_1497 = arith.constant 262144 : i32
        %broadcast_in_dim3A_1498 = vector.broadcast %jit3A_1497 : i32 to vector<16xi32>
        %select_n3A_1499 = arith.select %eq3A_1496, %broadcast_in_dim3A_1498, %and3A_1490 : vector<16xi1>, vector<16xi32>
        %swap3A_1500 = arith.constant 1 : i32
        %swap3A_1501 = arith.index_cast %swap3A_1500 : i32 to index
        %swap3A_1502 = arith.constant 0 : index
        %swap3A_1503 = tpu.vector_load %arg8[%swap3A_1501, %swap3A_1502] {strides = array<i32>} : memref<2x128xi32, #tpu.memory_space<vmem>>, vector<16xi32>,
        tpu.vector_store %arg8[%swap3A_1501, %swap3A_1502], %select_n3A_1499 {strides = array<i32>} : memref<2x128xi32, #tpu.memory_space<vmem>>, vector<16xi32>,
        %add3A_1504 = vector.broadcast %add3A_1226 : i32 to vector<16xi32>
        %add3A_1505 = arith.addi %add3A_1504, %shift_right_logical3A_1493 : vector<16xi32>
        %swap3A_1506 = arith.constant 1 : i32
        %swap3A_1507 = arith.index_cast %swap3A_1506 : i32 to index
        %swap3A_1508 = arith.constant 0 : index
        %swap3A_1509 = tpu.vector_load %arg9[%swap3A_1507, %swap3A_1508] {strides = array<i32>} : memref<2x128xi32, #tpu.memory_space<vmem>>, vector<16xi32>,
        tpu.vector_store %arg9[%swap3A_1507, %swap3A_1508], %add3A_1505 {strides = array<i32>} : memref<2x128xi32, #tpu.memory_space<vmem>>, vector<16xi32>,
        %mul3A_1510 = arith.constant 128 : i32
        %mul3A_1511 = arith.muli %add3A_1480, %mul3A_1510 : i32
        %add3A_1512 = arith.addi %add3A_1124, %mul3A_1511 : i32
        %add3A_1513 = arith.constant 16 : i32
        %add3A_1514 = arith.addi %add3A_1512, %add3A_1513 : i32
        %get3A_1515 = arith.index_cast %add3A_1514 : i32 to index
        %get3A_1516 = tpu.vector_load %arg7[%get3A_1515] {strides = array<i32>} : memref<20608xi32, #tpu.memory_space<vmem>>, vector<16xi32>,
        %and3A_1517 = arith.constant 262143 : i32
        %and3A_1518 = vector.broadcast %and3A_1517 : i32 to vector<16xi32>
        %and3A_1519 = arith.andi %get3A_1516, %and3A_1518 : vector<16xi32>
        %shift_right_logical3A_1520 = arith.constant 18 : i32
        %shift_right_logical3A_1521 = vector.broadcast %shift_right_logical3A_1520 : i32 to vector<16xi32>
        %shift_right_logical3A_1522 = arith.shrui %get3A_1516, %shift_right_logical3A_1521 : vector<16xi32>
        %eq3A_1523 = arith.constant 8192 : i32
        %eq3A_1524 = vector.broadcast %eq3A_1523 : i32 to vector<16xi32>
        %eq3A_1525 = arith.cmpi eq, %shift_right_logical3A_1522, %eq3A_1524 : vector<16xi32>
        %jit3A_1526 = arith.constant 262144 : i32
        %broadcast_in_dim3A_1527 = vector.broadcast %jit3A_1526 : i32 to vector<16xi32>
        %select_n3A_1528 = arith.select %eq3A_1525, %broadcast_in_dim3A_1527, %and3A_1519 : vector<16xi1>, vector<16xi32>
        %swap3A_1529 = arith.constant 1 : i32
        %swap3A_1530 = arith.index_cast %swap3A_1529 : i32 to index
        %swap3A_1531 = arith.constant 16 : index
        %swap3A_1532 = tpu.vector_load %arg8[%swap3A_1530, %swap3A_1531] {strides = array<i32>} : memref<2x128xi32, #tpu.memory_space<vmem>>, vector<16xi32>,
        tpu.vector_store %arg8[%swap3A_1530, %swap3A_1531], %select_n3A_1528 {strides = array<i32>} : memref<2x128xi32, #tpu.memory_space<vmem>>, vector<16xi32>,
        %add3A_1533 = vector.broadcast %add3A_1226 : i32 to vector<16xi32>
        %add3A_1534 = arith.addi %add3A_1533, %shift_right_logical3A_1522 : vector<16xi32>
        %swap3A_1535 = arith.constant 1 : i32
        %swap3A_1536 = arith.index_cast %swap3A_1535 : i32 to index
        %swap3A_1537 = arith.constant 16 : index
        %swap3A_1538 = tpu.vector_load %arg9[%swap3A_1536, %swap3A_1537] {strides = array<i32>} : memref<2x128xi32, #tpu.memory_space<vmem>>, vector<16xi32>,
        tpu.vector_store %arg9[%swap3A_1536, %swap3A_1537], %add3A_1534 {strides = array<i32>} : memref<2x128xi32, #tpu.memory_space<vmem>>, vector<16xi32>,
        %mul3A_1539 = arith.constant 128 : i32
        %mul3A_1540 = arith.muli %add3A_1480, %mul3A_1539 : i32
        %add3A_1541 = arith.addi %add3A_1124, %mul3A_1540 : i32
        %add3A_1542 = arith.constant 32 : i32
        %add3A_1543 = arith.addi %add3A_1541, %add3A_1542 : i32
        %get3A_1544 = arith.index_cast %add3A_1543 : i32 to index
        %get3A_1545 = tpu.vector_load %arg7[%get3A_1544] {strides = array<i32>} : memref<20608xi32, #tpu.memory_space<vmem>>, vector<16xi32>,
        %and3A_1546 = arith.constant 262143 : i32
        %and3A_1547 = vector.broadcast %and3A_1546 : i32 to vector<16xi32>
        %and3A_1548 = arith.andi %get3A_1545, %and3A_1547 : vector<16xi32>
        %shift_right_logical3A_1549 = arith.constant 18 : i32
        %shift_right_logical3A_1550 = vector.broadcast %shift_right_logical3A_1549 : i32 to vector<16xi32>
        %shift_right_logical3A_1551 = arith.shrui %get3A_1545, %shift_right_logical3A_1550 : vector<16xi32>
        %eq3A_1552 = arith.constant 8192 : i32
        %eq3A_1553 = vector.broadcast %eq3A_1552 : i32 to vector<16xi32>
        %eq3A_1554 = arith.cmpi eq, %shift_right_logical3A_1551, %eq3A_1553 : vector<16xi32>
        %jit3A_1555 = arith.constant 262144 : i32
        %broadcast_in_dim3A_1556 = vector.broadcast %jit3A_1555 : i32 to vector<16xi32>
        %select_n3A_1557 = arith.select %eq3A_1554, %broadcast_in_dim3A_1556, %and3A_1548 : vector<16xi1>, vector<16xi32>
        %swap3A_1558 = arith.constant 1 : i32
        %swap3A_1559 = arith.index_cast %swap3A_1558 : i32 to index
        %swap3A_1560 = arith.constant 32 : index
        %swap3A_1561 = tpu.vector_load %arg8[%swap3A_1559, %swap3A_1560] {strides = array<i32>} : memref<2x128xi32, #tpu.memory_space<vmem>>, vector<16xi32>,
        tpu.vector_store %arg8[%swap3A_1559, %swap3A_1560], %select_n3A_1557 {strides = array<i32>} : memref<2x128xi32, #tpu.memory_space<vmem>>, vector<16xi32>,
        %add3A_1562 = vector.broadcast %add3A_1226 : i32 to vector<16xi32>
        %add3A_1563 = arith.addi %add3A_1562, %shift_right_logical3A_1551 : vector<16xi32>
        %swap3A_1564 = arith.constant 1 : i32
        %swap3A_1565 = arith.index_cast %swap3A_1564 : i32 to index
        %swap3A_1566 = arith.constant 32 : index
        %swap3A_1567 = tpu.vector_load %arg9[%swap3A_1565, %swap3A_1566] {strides = array<i32>} : memref<2x128xi32, #tpu.memory_space<vmem>>, vector<16xi32>,
        tpu.vector_store %arg9[%swap3A_1565, %swap3A_1566], %add3A_1563 {strides = array<i32>} : memref<2x128xi32, #tpu.memory_space<vmem>>, vector<16xi32>,
        %mul3A_1568 = arith.constant 128 : i32
        %mul3A_1569 = arith.muli %add3A_1480, %mul3A_1568 : i32
        %add3A_1570 = arith.addi %add3A_1124, %mul3A_1569 : i32
        %add3A_1571 = arith.constant 48 : i32
        %add3A_1572 = arith.addi %add3A_1570, %add3A_1571 : i32
        %get3A_1573 = arith.index_cast %add3A_1572 : i32 to index
        %get3A_1574 = tpu.vector_load %arg7[%get3A_1573] {strides = array<i32>} : memref<20608xi32, #tpu.memory_space<vmem>>, vector<16xi32>,
        %and3A_1575 = arith.constant 262143 : i32
        %and3A_1576 = vector.broadcast %and3A_1575 : i32 to vector<16xi32>
        %and3A_1577 = arith.andi %get3A_1574, %and3A_1576 : vector<16xi32>
        %shift_right_logical3A_1578 = arith.constant 18 : i32
        %shift_right_logical3A_1579 = vector.broadcast %shift_right_logical3A_1578 : i32 to vector<16xi32>
        %shift_right_logical3A_1580 = arith.shrui %get3A_1574, %shift_right_logical3A_1579 : vector<16xi32>
        %eq3A_1581 = arith.constant 8192 : i32
        %eq3A_1582 = vector.broadcast %eq3A_1581 : i32 to vector<16xi32>
        %eq3A_1583 = arith.cmpi eq, %shift_right_logical3A_1580, %eq3A_1582 : vector<16xi32>
        %jit3A_1584 = arith.constant 262144 : i32
        %broadcast_in_dim3A_1585 = vector.broadcast %jit3A_1584 : i32 to vector<16xi32>
        %select_n3A_1586 = arith.select %eq3A_1583, %broadcast_in_dim3A_1585, %and3A_1577 : vector<16xi1>, vector<16xi32>
        %swap3A_1587 = arith.constant 1 : i32
        %swap3A_1588 = arith.index_cast %swap3A_1587 : i32 to index
        %swap3A_1589 = arith.constant 48 : index
        %swap3A_1590 = tpu.vector_load %arg8[%swap3A_1588, %swap3A_1589] {strides = array<i32>} : memref<2x128xi32, #tpu.memory_space<vmem>>, vector<16xi32>,
        tpu.vector_store %arg8[%swap3A_1588, %swap3A_1589], %select_n3A_1586 {strides = array<i32>} : memref<2x128xi32, #tpu.memory_space<vmem>>, vector<16xi32>,
        %add3A_1591 = vector.broadcast %add3A_1226 : i32 to vector<16xi32>
        %add3A_1592 = arith.addi %add3A_1591, %shift_right_logical3A_1580 : vector<16xi32>
        %swap3A_1593 = arith.constant 1 : i32
        %swap3A_1594 = arith.index_cast %swap3A_1593 : i32 to index
        %swap3A_1595 = arith.constant 48 : index
        %swap3A_1596 = tpu.vector_load %arg9[%swap3A_1594, %swap3A_1595] {strides = array<i32>} : memref<2x128xi32, #tpu.memory_space<vmem>>, vector<16xi32>,
        tpu.vector_store %arg9[%swap3A_1594, %swap3A_1595], %add3A_1592 {strides = array<i32>} : memref<2x128xi32, #tpu.memory_space<vmem>>, vector<16xi32>,
        %mul3A_1597 = arith.constant 128 : i32
        %mul3A_1598 = arith.muli %add3A_1480, %mul3A_1597 : i32
        %add3A_1599 = arith.addi %add3A_1124, %mul3A_1598 : i32
        %add3A_1600 = arith.constant 64 : i32
        %add3A_1601 = arith.addi %add3A_1599, %add3A_1600 : i32
        %get3A_1602 = arith.index_cast %add3A_1601 : i32 to index
        %get3A_1603 = tpu.vector_load %arg7[%get3A_1602] {strides = array<i32>} : memref<20608xi32, #tpu.memory_space<vmem>>, vector<16xi32>,
        %and3A_1604 = arith.constant 262143 : i32
        %and3A_1605 = vector.broadcast %and3A_1604 : i32 to vector<16xi32>
        %and3A_1606 = arith.andi %get3A_1603, %and3A_1605 : vector<16xi32>
        %shift_right_logical3A_1607 = arith.constant 18 : i32
        %shift_right_logical3A_1608 = vector.broadcast %shift_right_logical3A_1607 : i32 to vector<16xi32>
        %shift_right_logical3A_1609 = arith.shrui %get3A_1603, %shift_right_logical3A_1608 : vector<16xi32>
        %eq3A_1610 = arith.constant 8192 : i32
        %eq3A_1611 = vector.broadcast %eq3A_1610 : i32 to vector<16xi32>
        %eq3A_1612 = arith.cmpi eq, %shift_right_logical3A_1609, %eq3A_1611 : vector<16xi32>
        %jit3A_1613 = arith.constant 262144 : i32
        %broadcast_in_dim3A_1614 = vector.broadcast %jit3A_1613 : i32 to vector<16xi32>
        %select_n3A_1615 = arith.select %eq3A_1612, %broadcast_in_dim3A_1614, %and3A_1606 : vector<16xi1>, vector<16xi32>
        %swap3A_1616 = arith.constant 1 : i32
        %swap3A_1617 = arith.index_cast %swap3A_1616 : i32 to index
        %swap3A_1618 = arith.constant 64 : index
        %swap3A_1619 = tpu.vector_load %arg8[%swap3A_1617, %swap3A_1618] {strides = array<i32>} : memref<2x128xi32, #tpu.memory_space<vmem>>, vector<16xi32>,
        tpu.vector_store %arg8[%swap3A_1617, %swap3A_1618], %select_n3A_1615 {strides = array<i32>} : memref<2x128xi32, #tpu.memory_space<vmem>>, vector<16xi32>,
        %add3A_1620 = vector.broadcast %add3A_1226 : i32 to vector<16xi32>
        %add3A_1621 = arith.addi %add3A_1620, %shift_right_logical3A_1609 : vector<16xi32>
        %swap3A_1622 = arith.constant 1 : i32
        %swap3A_1623 = arith.index_cast %swap3A_1622 : i32 to index
        %swap3A_1624 = arith.constant 64 : index
        %swap3A_1625 = tpu.vector_load %arg9[%swap3A_1623, %swap3A_1624] {strides = array<i32>} : memref<2x128xi32, #tpu.memory_space<vmem>>, vector<16xi32>,
        tpu.vector_store %arg9[%swap3A_1623, %swap3A_1624], %add3A_1621 {strides = array<i32>} : memref<2x128xi32, #tpu.memory_space<vmem>>, vector<16xi32>,
        %mul3A_1626 = arith.constant 128 : i32
        %mul3A_1627 = arith.muli %add3A_1480, %mul3A_1626 : i32
        %add3A_1628 = arith.addi %add3A_1124, %mul3A_1627 : i32
        %add3A_1629 = arith.constant 80 : i32
        %add3A_1630 = arith.addi %add3A_1628, %add3A_1629 : i32
        %get3A_1631 = arith.index_cast %add3A_1630 : i32 to index
        %get3A_1632 = tpu.vector_load %arg7[%get3A_1631] {strides = array<i32>} : memref<20608xi32, #tpu.memory_space<vmem>>, vector<16xi32>,
        %and3A_1633 = arith.constant 262143 : i32
        %and3A_1634 = vector.broadcast %and3A_1633 : i32 to vector<16xi32>
        %and3A_1635 = arith.andi %get3A_1632, %and3A_1634 : vector<16xi32>
        %shift_right_logical3A_1636 = arith.constant 18 : i32
        %shift_right_logical3A_1637 = vector.broadcast %shift_right_logical3A_1636 : i32 to vector<16xi32>
        %shift_right_logical3A_1638 = arith.shrui %get3A_1632, %shift_right_logical3A_1637 : vector<16xi32>
        %eq3A_1639 = arith.constant 8192 : i32
        %eq3A_1640 = vector.broadcast %eq3A_1639 : i32 to vector<16xi32>
        %eq3A_1641 = arith.cmpi eq, %shift_right_logical3A_1638, %eq3A_1640 : vector<16xi32>
        %jit3A_1642 = arith.constant 262144 : i32
        %broadcast_in_dim3A_1643 = vector.broadcast %jit3A_1642 : i32 to vector<16xi32>
        %select_n3A_1644 = arith.select %eq3A_1641, %broadcast_in_dim3A_1643, %and3A_1635 : vector<16xi1>, vector<16xi32>
        %swap3A_1645 = arith.constant 1 : i32
        %swap3A_1646 = arith.index_cast %swap3A_1645 : i32 to index
        %swap3A_1647 = arith.constant 80 : index
        %swap3A_1648 = tpu.vector_load %arg8[%swap3A_1646, %swap3A_1647] {strides = array<i32>} : memref<2x128xi32, #tpu.memory_space<vmem>>, vector<16xi32>,
        tpu.vector_store %arg8[%swap3A_1646, %swap3A_1647], %select_n3A_1644 {strides = array<i32>} : memref<2x128xi32, #tpu.memory_space<vmem>>, vector<16xi32>,
        %add3A_1649 = vector.broadcast %add3A_1226 : i32 to vector<16xi32>
        %add3A_1650 = arith.addi %add3A_1649, %shift_right_logical3A_1638 : vector<16xi32>
        %swap3A_1651 = arith.constant 1 : i32
        %swap3A_1652 = arith.index_cast %swap3A_1651 : i32 to index
        %swap3A_1653 = arith.constant 80 : index
        %swap3A_1654 = tpu.vector_load %arg9[%swap3A_1652, %swap3A_1653] {strides = array<i32>} : memref<2x128xi32, #tpu.memory_space<vmem>>, vector<16xi32>,
        tpu.vector_store %arg9[%swap3A_1652, %swap3A_1653], %add3A_1650 {strides = array<i32>} : memref<2x128xi32, #tpu.memory_space<vmem>>, vector<16xi32>,
        %mul3A_1655 = arith.constant 128 : i32
        %mul3A_1656 = arith.muli %add3A_1480, %mul3A_1655 : i32
        %add3A_1657 = arith.addi %add3A_1124, %mul3A_1656 : i32
        %add3A_1658 = arith.constant 96 : i32
        %add3A_1659 = arith.addi %add3A_1657, %add3A_1658 : i32
        %get3A_1660 = arith.index_cast %add3A_1659 : i32 to index
        %get3A_1661 = tpu.vector_load %arg7[%get3A_1660] {strides = array<i32>} : memref<20608xi32, #tpu.memory_space<vmem>>, vector<16xi32>,
        %and3A_1662 = arith.constant 262143 : i32
        %and3A_1663 = vector.broadcast %and3A_1662 : i32 to vector<16xi32>
        %and3A_1664 = arith.andi %get3A_1661, %and3A_1663 : vector<16xi32>
        %shift_right_logical3A_1665 = arith.constant 18 : i32
        %shift_right_logical3A_1666 = vector.broadcast %shift_right_logical3A_1665 : i32 to vector<16xi32>
        %shift_right_logical3A_1667 = arith.shrui %get3A_1661, %shift_right_logical3A_1666 : vector<16xi32>
        %eq3A_1668 = arith.constant 8192 : i32
        %eq3A_1669 = vector.broadcast %eq3A_1668 : i32 to vector<16xi32>
        %eq3A_1670 = arith.cmpi eq, %shift_right_logical3A_1667, %eq3A_1669 : vector<16xi32>
        %jit3A_1671 = arith.constant 262144 : i32
        %broadcast_in_dim3A_1672 = vector.broadcast %jit3A_1671 : i32 to vector<16xi32>
        %select_n3A_1673 = arith.select %eq3A_1670, %broadcast_in_dim3A_1672, %and3A_1664 : vector<16xi1>, vector<16xi32>
        %swap3A_1674 = arith.constant 1 : i32
        %swap3A_1675 = arith.index_cast %swap3A_1674 : i32 to index
        %swap3A_1676 = arith.constant 96 : index
        %swap3A_1677 = tpu.vector_load %arg8[%swap3A_1675, %swap3A_1676] {strides = array<i32>} : memref<2x128xi32, #tpu.memory_space<vmem>>, vector<16xi32>,
        tpu.vector_store %arg8[%swap3A_1675, %swap3A_1676], %select_n3A_1673 {strides = array<i32>} : memref<2x128xi32, #tpu.memory_space<vmem>>, vector<16xi32>,
        %add3A_1678 = vector.broadcast %add3A_1226 : i32 to vector<16xi32>
        %add3A_1679 = arith.addi %add3A_1678, %shift_right_logical3A_1667 : vector<16xi32>
        %swap3A_1680 = arith.constant 1 : i32
        %swap3A_1681 = arith.index_cast %swap3A_1680 : i32 to index
        %swap3A_1682 = arith.constant 96 : index
        %swap3A_1683 = tpu.vector_load %arg9[%swap3A_1681, %swap3A_1682] {strides = array<i32>} : memref<2x128xi32, #tpu.memory_space<vmem>>, vector<16xi32>,
        tpu.vector_store %arg9[%swap3A_1681, %swap3A_1682], %add3A_1679 {strides = array<i32>} : memref<2x128xi32, #tpu.memory_space<vmem>>, vector<16xi32>,
        %mul3A_1684 = arith.constant 128 : i32
        %mul3A_1685 = arith.muli %add3A_1480, %mul3A_1684 : i32
        %add3A_1686 = arith.addi %add3A_1124, %mul3A_1685 : i32
        %add3A_1687 = arith.constant 112 : i32
        %add3A_1688 = arith.addi %add3A_1686, %add3A_1687 : i32
        %get3A_1689 = arith.index_cast %add3A_1688 : i32 to index
        %get3A_1690 = tpu.vector_load %arg7[%get3A_1689] {strides = array<i32>} : memref<20608xi32, #tpu.memory_space<vmem>>, vector<16xi32>,
        %and3A_1691 = arith.constant 262143 : i32
        %and3A_1692 = vector.broadcast %and3A_1691 : i32 to vector<16xi32>
        %and3A_1693 = arith.andi %get3A_1690, %and3A_1692 : vector<16xi32>
        %shift_right_logical3A_1694 = arith.constant 18 : i32
        %shift_right_logical3A_1695 = vector.broadcast %shift_right_logical3A_1694 : i32 to vector<16xi32>
        %shift_right_logical3A_1696 = arith.shrui %get3A_1690, %shift_right_logical3A_1695 : vector<16xi32>
        %eq3A_1697 = arith.constant 8192 : i32
        %eq3A_1698 = vector.broadcast %eq3A_1697 : i32 to vector<16xi32>
        %eq3A_1699 = arith.cmpi eq, %shift_right_logical3A_1696, %eq3A_1698 : vector<16xi32>
        %jit3A_1700 = arith.constant 262144 : i32
        %broadcast_in_dim3A_1701 = vector.broadcast %jit3A_1700 : i32 to vector<16xi32>
        %select_n3A_1702 = arith.select %eq3A_1699, %broadcast_in_dim3A_1701, %and3A_1693 : vector<16xi1>, vector<16xi32>
        %swap3A_1703 = arith.constant 1 : i32
        %swap3A_1704 = arith.index_cast %swap3A_1703 : i32 to index
        %swap3A_1705 = arith.constant 112 : index
        %swap3A_1706 = tpu.vector_load %arg8[%swap3A_1704, %swap3A_1705] {strides = array<i32>} : memref<2x128xi32, #tpu.memory_space<vmem>>, vector<16xi32>,
        tpu.vector_store %arg8[%swap3A_1704, %swap3A_1705], %select_n3A_1702 {strides = array<i32>} : memref<2x128xi32, #tpu.memory_space<vmem>>, vector<16xi32>,
        %add3A_1707 = vector.broadcast %add3A_1226 : i32 to vector<16xi32>
        %add3A_1708 = arith.addi %add3A_1707, %shift_right_logical3A_1696 : vector<16xi32>
        %swap3A_1709 = arith.constant 1 : i32
        %swap3A_1710 = arith.index_cast %swap3A_1709 : i32 to index
        %swap3A_1711 = arith.constant 112 : index
        %swap3A_1712 = tpu.vector_load %arg9[%swap3A_1710, %swap3A_1711] {strides = array<i32>} : memref<2x128xi32, #tpu.memory_space<vmem>>, vector<16xi32>,
        tpu.vector_store %arg9[%swap3A_1710, %swap3A_1711], %add3A_1708 {strides = array<i32>} : memref<2x128xi32, #tpu.memory_space<vmem>>, vector<16xi32>,
        %dma_start3A_1713 = arith.constant 1 : i32
        %dma_start3A_1714 = arith.constant 0 : i32
        %dma_start3A_1715 = tpu.memref_slice %arg9[%dma_start3A_1713, %dma_start3A_1714] : memref<2x128xi32, #tpu.memory_space<vmem>> -> memref<1x128xi32, #tpu.memory_space<vmem>>
        %dma_start3A_1716 = tpu.memref_squeeze %dma_start3A_1715 : memref<1x128xi32, #tpu.memory_space<vmem>> -> memref<128xi32, #tpu.memory_space<vmem>>
        %dma_start3A_1717 = arith.constant 0 : i32
        %dma_start3A_1718 = arith.constant 0 : i32
        %dma_start3A_1719 = tpu.memref_slice %arg5[%dma_start3A_1717, %dma_start3A_1718] : memref<262272x128xf32, #tpu.memory_space<hbm>> -> memref<262272x128xf32, #tpu.memory_space<hbm>>
        tpu.enqueue_indirect_dma source(%dma_start3A_1719 : memref<262272x128xf32, #tpu.memory_space<hbm>>) target(%arg11 : memref<128x128xf32, #tpu.memory_space<vmem>>) offsets(%dma_start3A_1716 : memref<128xi32, #tpu.memory_space<vmem>>) semaphore(%arg18 : memref<!tpu.dma_semaphore, #tpu.memory_space<semaphore_mem>>)
        %dma_wait3A = arith.constant 0 : i32
        %dma_wait3A_1720 = arith.constant 0 : i32
        %dma_wait3A_1721 = tpu.memref_slice %arg9[%dma_wait3A, %dma_wait3A_1720] : memref<2x128xi32, #tpu.memory_space<vmem>> -> memref<1x128xi32, #tpu.memory_space<vmem>>
        %dma_wait3A_1722 = tpu.memref_squeeze %dma_wait3A_1721 : memref<1x128xi32, #tpu.memory_space<vmem>> -> memref<128xi32, #tpu.memory_space<vmem>>
        %dma_wait3A_1723 = arith.constant 0 : i32
        %dma_wait3A_1724 = arith.constant 0 : i32
        %dma_wait3A_1725 = tpu.memref_slice %arg5[%dma_wait3A_1723, %dma_wait3A_1724] : memref<262272x128xf32, #tpu.memory_space<hbm>> -> memref<262272x128xf32, #tpu.memory_space<hbm>>
        tpu.wait_indirect_dma semaphore(%arg17 : memref<!tpu.dma_semaphore, #tpu.memory_space<semaphore_mem>>) src(%dma_wait3A_1725 : memref<262272x128xf32, #tpu.memory_space<hbm>>) dst(%arg10 : memref<128x128xf32, #tpu.memory_space<vmem>>)
        %dma_start3A_1726 = arith.constant 0 : i32
        %dma_start3A_1727 = arith.constant 0 : i32
        %dma_start3A_1728 = tpu.memref_slice %arg8[%dma_start3A_1726, %dma_start3A_1727] : memref<2x128xi32, #tpu.memory_space<vmem>> -> memref<1x128xi32, #tpu.memory_space<vmem>>
        %dma_start3A_1729 = tpu.memref_squeeze %dma_start3A_1728 : memref<1x128xi32, #tpu.memory_space<vmem>> -> memref<128xi32, #tpu.memory_space<vmem>>
        %dma_start3A_1730 = arith.constant 0 : i32
        %dma_start3A_1731 = arith.constant 0 : i32
        %dma_start3A_1732 = tpu.memref_slice %arg4[%dma_start3A_1730, %dma_start3A_1731] : memref<264192x128xf32, #tpu.memory_space<hbm>> -> memref<264192x128xf32, #tpu.memory_space<hbm>>
        tpu.enqueue_indirect_dma source(%arg10 : memref<128x128xf32, #tpu.memory_space<vmem>>) target(%dma_start3A_1732 : memref<264192x128xf32, #tpu.memory_space<hbm>>) offsets(%dma_start3A_1729 : memref<128xi32, #tpu.memory_space<vmem>>) semaphore(%arg19 : memref<!tpu.dma_semaphore, #tpu.memory_space<semaphore_mem>>)
        %dma_wait3A_1733 = arith.constant 1 : i32
        %dma_wait3A_1734 = arith.constant 0 : i32
        %dma_wait3A_1735 = tpu.memref_slice %arg9[%dma_wait3A_1733, %dma_wait3A_1734] : memref<2x128xi32, #tpu.memory_space<vmem>> -> memref<1x128xi32, #tpu.memory_space<vmem>>
        %dma_wait3A_1736 = tpu.memref_squeeze %dma_wait3A_1735 : memref<1x128xi32, #tpu.memory_space<vmem>> -> memref<128xi32, #tpu.memory_space<vmem>>
        %dma_wait3A_1737 = arith.constant 0 : i32
        %dma_wait3A_1738 = arith.constant 0 : i32
        %dma_wait3A_1739 = tpu.memref_slice %arg5[%dma_wait3A_1737, %dma_wait3A_1738] : memref<262272x128xf32, #tpu.memory_space<hbm>> -> memref<262272x128xf32, #tpu.memory_space<hbm>>
        tpu.wait_indirect_dma semaphore(%arg18 : memref<!tpu.dma_semaphore, #tpu.memory_space<semaphore_mem>>) src(%dma_wait3A_1739 : memref<262272x128xf32, #tpu.memory_space<hbm>>) dst(%arg11 : memref<128x128xf32, #tpu.memory_space<vmem>>)
        %dma_start3A_1740 = arith.constant 1 : i32
        %dma_start3A_1741 = arith.constant 0 : i32
        %dma_start3A_1742 = tpu.memref_slice %arg8[%dma_start3A_1740, %dma_start3A_1741] : memref<2x128xi32, #tpu.memory_space<vmem>> -> memref<1x128xi32, #tpu.memory_space<vmem>>
        %dma_start3A_1743 = tpu.memref_squeeze %dma_start3A_1742 : memref<1x128xi32, #tpu.memory_space<vmem>> -> memref<128xi32, #tpu.memory_space<vmem>>
        %dma_start3A_1744 = arith.constant 0 : i32
        %dma_start3A_1745 = arith.constant 0 : i32
        %dma_start3A_1746 = tpu.memref_slice %arg4[%dma_start3A_1744, %dma_start3A_1745] : memref<264192x128xf32, #tpu.memory_space<hbm>> -> memref<264192x128xf32, #tpu.memory_space<hbm>>
        tpu.enqueue_indirect_dma source(%arg11 : memref<128x128xf32, #tpu.memory_space<vmem>>) target(%dma_start3A_1746 : memref<264192x128xf32, #tpu.memory_space<hbm>>) offsets(%dma_start3A_1743 : memref<128xi32, #tpu.memory_space<vmem>>) semaphore(%arg19 : memref<!tpu.dma_semaphore, #tpu.memory_space<semaphore_mem>>)
        %dma_wait3A_1747 = arith.constant 0 : i32
        %dma_wait3A_1748 = arith.constant 0 : i32
        %dma_wait3A_1749 = tpu.memref_slice %arg8[%dma_wait3A_1747, %dma_wait3A_1748] : memref<2x128xi32, #tpu.memory_space<vmem>> -> memref<1x128xi32, #tpu.memory_space<vmem>>
        %dma_wait3A_1750 = tpu.memref_squeeze %dma_wait3A_1749 : memref<1x128xi32, #tpu.memory_space<vmem>> -> memref<128xi32, #tpu.memory_space<vmem>>
        %dma_wait3A_1751 = arith.constant 0 : i32
        %dma_wait3A_1752 = arith.constant 0 : i32
        %dma_wait3A_1753 = tpu.memref_slice %arg4[%dma_wait3A_1751, %dma_wait3A_1752] : memref<264192x128xf32, #tpu.memory_space<hbm>> -> memref<264192x128xf32, #tpu.memory_space<hbm>>
        tpu.wait_indirect_dma semaphore(%arg19 : memref<!tpu.dma_semaphore, #tpu.memory_space<semaphore_mem>>) src(%arg10 : memref<128x128xf32, #tpu.memory_space<vmem>>) dst(%dma_wait3A_1753 : memref<264192x128xf32, #tpu.memory_space<hbm>>)
        %dma_wait3A_1754 = arith.constant 1 : i32
        %dma_wait3A_1755 = arith.constant 0 : i32
        %dma_wait3A_1756 = tpu.memref_slice %arg8[%dma_wait3A_1754, %dma_wait3A_1755] : memref<2x128xi32, #tpu.memory_space<vmem>> -> memref<1x128xi32, #tpu.memory_space<vmem>>
        %dma_wait3A_1757 = tpu.memref_squeeze %dma_wait3A_1756 : memref<1x128xi32, #tpu.memory_space<vmem>> -> memref<128xi32, #tpu.memory_space<vmem>>
        %dma_wait3A_1758 = arith.constant 0 : i32
        %dma_wait3A_1759 = arith.constant 0 : i32
        %dma_wait3A_1760 = tpu.memref_slice %arg4[%dma_wait3A_1758, %dma_wait3A_1759] : memref<264192x128xf32, #tpu.memory_space<hbm>> -> memref<264192x128xf32, #tpu.memory_space<hbm>>
        tpu.wait_indirect_dma semaphore(%arg19 : memref<!tpu.dma_semaphore, #tpu.memory_space<semaphore_mem>>) src(%arg11 : memref<128x128xf32, #tpu.memory_space<vmem>>) dst(%dma_wait3A_1760 : memref<264192x128xf32, #tpu.memory_space<hbm>>)
      }
      %mul3A_1236 = arith.constant 2 : i32
      %mul3A_1237 = arith.muli %mul3A_1236, %select_n3A_1221 : i32
      %gt3A = arith.cmpi sgt, %select_n3A_1197, %mul3A_1237 : i32
      %convert_element_type3A = arith.extui %gt3A : i1 to i32
      %cond3A = arith.constant 0 : i32
      %cond3A_1238 = arith.cmpi ne, %convert_element_type3A, %cond3A : i32
      scf.if %cond3A_1238 {
        %mul3A_1239 = arith.constant 2 : i32
        %mul3A_1240 = arith.muli %mul3A_1239, %select_n3A_1221 : i32
        %mul3A_1241 = arith.constant 128 : i32
        %mul3A_1242 = arith.muli %mul3A_1240, %mul3A_1241 : i32
        %add3A_1243 = arith.addi %add3A_1124, %mul3A_1242 : i32
        %add3A_1244 = arith.constant 0 : i32
        %add3A_1245 = arith.addi %add3A_1243, %add3A_1244 : i32
        %get3A_1246 = arith.index_cast %add3A_1245 : i32 to index
        %get3A_1247 = tpu.vector_load %arg7[%get3A_1246] {strides = array<i32>} : memref<20608xi32, #tpu.memory_space<vmem>>, vector<16xi32>,
        %and3A_1248 = arith.constant 262143 : i32
        %and3A_1249 = vector.broadcast %and3A_1248 : i32 to vector<16xi32>
        %and3A_1250 = arith.andi %get3A_1247, %and3A_1249 : vector<16xi32>
        %shift_right_logical3A = arith.constant 18 : i32
        %shift_right_logical3A_1251 = vector.broadcast %shift_right_logical3A : i32 to vector<16xi32>
        %shift_right_logical3A_1252 = arith.shrui %get3A_1247, %shift_right_logical3A_1251 : vector<16xi32>
        %eq3A_1253 = arith.constant 8192 : i32
        %eq3A_1254 = vector.broadcast %eq3A_1253 : i32 to vector<16xi32>
        %eq3A_1255 = arith.cmpi eq, %shift_right_logical3A_1252, %eq3A_1254 : vector<16xi32>
        %jit3A_1256 = arith.constant 262144 : i32
        %broadcast_in_dim3A_1257 = vector.broadcast %jit3A_1256 : i32 to vector<16xi32>
        %select_n3A_1258 = arith.select %eq3A_1255, %broadcast_in_dim3A_1257, %and3A_1250 : vector<16xi1>, vector<16xi32>
        %swap3A_1259 = arith.constant 0 : i32
        %swap3A_1260 = arith.index_cast %swap3A_1259 : i32 to index
        %swap3A_1261 = arith.constant 0 : index
        %swap3A_1262 = tpu.vector_load %arg8[%swap3A_1260, %swap3A_1261] {strides = array<i32>} : memref<2x128xi32, #tpu.memory_space<vmem>>, vector<16xi32>,
        tpu.vector_store %arg8[%swap3A_1260, %swap3A_1261], %select_n3A_1258 {strides = array<i32>} : memref<2x128xi32, #tpu.memory_space<vmem>>, vector<16xi32>,
        %add3A_1263 = vector.broadcast %add3A_1226 : i32 to vector<16xi32>
        %add3A_1264 = arith.addi %add3A_1263, %shift_right_logical3A_1252 : vector<16xi32>
        %swap3A_1265 = arith.constant 0 : i32
        %swap3A_1266 = arith.index_cast %swap3A_1265 : i32 to index
        %swap3A_1267 = arith.constant 0 : index
        %swap3A_1268 = tpu.vector_load %arg9[%swap3A_1266, %swap3A_1267] {strides = array<i32>} : memref<2x128xi32, #tpu.memory_space<vmem>>, vector<16xi32>,
        tpu.vector_store %arg9[%swap3A_1266, %swap3A_1267], %add3A_1264 {strides = array<i32>} : memref<2x128xi32, #tpu.memory_space<vmem>>, vector<16xi32>,
        %mul3A_1269 = arith.constant 128 : i32
        %mul3A_1270 = arith.muli %mul3A_1240, %mul3A_1269 : i32
        %add3A_1271 = arith.addi %add3A_1124, %mul3A_1270 : i32
        %add3A_1272 = arith.constant 16 : i32
        %add3A_1273 = arith.addi %add3A_1271, %add3A_1272 : i32
        %get3A_1274 = arith.index_cast %add3A_1273 : i32 to index
        %get3A_1275 = tpu.vector_load %arg7[%get3A_1274] {strides = array<i32>} : memref<20608xi32, #tpu.memory_space<vmem>>, vector<16xi32>,
        %and3A_1276 = arith.constant 262143 : i32
        %and3A_1277 = vector.broadcast %and3A_1276 : i32 to vector<16xi32>
        %and3A_1278 = arith.andi %get3A_1275, %and3A_1277 : vector<16xi32>
        %shift_right_logical3A_1279 = arith.constant 18 : i32
        %shift_right_logical3A_1280 = vector.broadcast %shift_right_logical3A_1279 : i32 to vector<16xi32>
        %shift_right_logical3A_1281 = arith.shrui %get3A_1275, %shift_right_logical3A_1280 : vector<16xi32>
        %eq3A_1282 = arith.constant 8192 : i32
        %eq3A_1283 = vector.broadcast %eq3A_1282 : i32 to vector<16xi32>
        %eq3A_1284 = arith.cmpi eq, %shift_right_logical3A_1281, %eq3A_1283 : vector<16xi32>
        %jit3A_1285 = arith.constant 262144 : i32
        %broadcast_in_dim3A_1286 = vector.broadcast %jit3A_1285 : i32 to vector<16xi32>
        %select_n3A_1287 = arith.select %eq3A_1284, %broadcast_in_dim3A_1286, %and3A_1278 : vector<16xi1>, vector<16xi32>
        %swap3A_1288 = arith.constant 0 : i32
        %swap3A_1289 = arith.index_cast %swap3A_1288 : i32 to index
        %swap3A_1290 = arith.constant 16 : index
        %swap3A_1291 = tpu.vector_load %arg8[%swap3A_1289, %swap3A_1290] {strides = array<i32>} : memref<2x128xi32, #tpu.memory_space<vmem>>, vector<16xi32>,
        tpu.vector_store %arg8[%swap3A_1289, %swap3A_1290], %select_n3A_1287 {strides = array<i32>} : memref<2x128xi32, #tpu.memory_space<vmem>>, vector<16xi32>,
        %add3A_1292 = vector.broadcast %add3A_1226 : i32 to vector<16xi32>
        %add3A_1293 = arith.addi %add3A_1292, %shift_right_logical3A_1281 : vector<16xi32>
        %swap3A_1294 = arith.constant 0 : i32
        %swap3A_1295 = arith.index_cast %swap3A_1294 : i32 to index
        %swap3A_1296 = arith.constant 16 : index
        %swap3A_1297 = tpu.vector_load %arg9[%swap3A_1295, %swap3A_1296] {strides = array<i32>} : memref<2x128xi32, #tpu.memory_space<vmem>>, vector<16xi32>,
        tpu.vector_store %arg9[%swap3A_1295, %swap3A_1296], %add3A_1293 {strides = array<i32>} : memref<2x128xi32, #tpu.memory_space<vmem>>, vector<16xi32>,
        %mul3A_1298 = arith.constant 128 : i32
        %mul3A_1299 = arith.muli %mul3A_1240, %mul3A_1298 : i32
        %add3A_1300 = arith.addi %add3A_1124, %mul3A_1299 : i32
        %add3A_1301 = arith.constant 32 : i32
        %add3A_1302 = arith.addi %add3A_1300, %add3A_1301 : i32
        %get3A_1303 = arith.index_cast %add3A_1302 : i32 to index
        %get3A_1304 = tpu.vector_load %arg7[%get3A_1303] {strides = array<i32>} : memref<20608xi32, #tpu.memory_space<vmem>>, vector<16xi32>,
        %and3A_1305 = arith.constant 262143 : i32
        %and3A_1306 = vector.broadcast %and3A_1305 : i32 to vector<16xi32>
        %and3A_1307 = arith.andi %get3A_1304, %and3A_1306 : vector<16xi32>
        %shift_right_logical3A_1308 = arith.constant 18 : i32
        %shift_right_logical3A_1309 = vector.broadcast %shift_right_logical3A_1308 : i32 to vector<16xi32>
        %shift_right_logical3A_1310 = arith.shrui %get3A_1304, %shift_right_logical3A_1309 : vector<16xi32>
        %eq3A_1311 = arith.constant 8192 : i32
        %eq3A_1312 = vector.broadcast %eq3A_1311 : i32 to vector<16xi32>
        %eq3A_1313 = arith.cmpi eq, %shift_right_logical3A_1310, %eq3A_1312 : vector<16xi32>
        %jit3A_1314 = arith.constant 262144 : i32
        %broadcast_in_dim3A_1315 = vector.broadcast %jit3A_1314 : i32 to vector<16xi32>
        %select_n3A_1316 = arith.select %eq3A_1313, %broadcast_in_dim3A_1315, %and3A_1307 : vector<16xi1>, vector<16xi32>
        %swap3A_1317 = arith.constant 0 : i32
        %swap3A_1318 = arith.index_cast %swap3A_1317 : i32 to index
        %swap3A_1319 = arith.constant 32 : index
        %swap3A_1320 = tpu.vector_load %arg8[%swap3A_1318, %swap3A_1319] {strides = array<i32>} : memref<2x128xi32, #tpu.memory_space<vmem>>, vector<16xi32>,
        tpu.vector_store %arg8[%swap3A_1318, %swap3A_1319], %select_n3A_1316 {strides = array<i32>} : memref<2x128xi32, #tpu.memory_space<vmem>>, vector<16xi32>,
        %add3A_1321 = vector.broadcast %add3A_1226 : i32 to vector<16xi32>
        %add3A_1322 = arith.addi %add3A_1321, %shift_right_logical3A_1310 : vector<16xi32>
        %swap3A_1323 = arith.constant 0 : i32
        %swap3A_1324 = arith.index_cast %swap3A_1323 : i32 to index
        %swap3A_1325 = arith.constant 32 : index
        %swap3A_1326 = tpu.vector_load %arg9[%swap3A_1324, %swap3A_1325] {strides = array<i32>} : memref<2x128xi32, #tpu.memory_space<vmem>>, vector<16xi32>,
        tpu.vector_store %arg9[%swap3A_1324, %swap3A_1325], %add3A_1322 {strides = array<i32>} : memref<2x128xi32, #tpu.memory_space<vmem>>, vector<16xi32>,
        %mul3A_1327 = arith.constant 128 : i32
        %mul3A_1328 = arith.muli %mul3A_1240, %mul3A_1327 : i32
        %add3A_1329 = arith.addi %add3A_1124, %mul3A_1328 : i32
        %add3A_1330 = arith.constant 48 : i32
        %add3A_1331 = arith.addi %add3A_1329, %add3A_1330 : i32
        %get3A_1332 = arith.index_cast %add3A_1331 : i32 to index
        %get3A_1333 = tpu.vector_load %arg7[%get3A_1332] {strides = array<i32>} : memref<20608xi32, #tpu.memory_space<vmem>>, vector<16xi32>,
        %and3A_1334 = arith.constant 262143 : i32
        %and3A_1335 = vector.broadcast %and3A_1334 : i32 to vector<16xi32>
        %and3A_1336 = arith.andi %get3A_1333, %and3A_1335 : vector<16xi32>
        %shift_right_logical3A_1337 = arith.constant 18 : i32
        %shift_right_logical3A_1338 = vector.broadcast %shift_right_logical3A_1337 : i32 to vector<16xi32>
        %shift_right_logical3A_1339 = arith.shrui %get3A_1333, %shift_right_logical3A_1338 : vector<16xi32>
        %eq3A_1340 = arith.constant 8192 : i32
        %eq3A_1341 = vector.broadcast %eq3A_1340 : i32 to vector<16xi32>
        %eq3A_1342 = arith.cmpi eq, %shift_right_logical3A_1339, %eq3A_1341 : vector<16xi32>
        %jit3A_1343 = arith.constant 262144 : i32
        %broadcast_in_dim3A_1344 = vector.broadcast %jit3A_1343 : i32 to vector<16xi32>
        %select_n3A_1345 = arith.select %eq3A_1342, %broadcast_in_dim3A_1344, %and3A_1336 : vector<16xi1>, vector<16xi32>
        %swap3A_1346 = arith.constant 0 : i32
        %swap3A_1347 = arith.index_cast %swap3A_1346 : i32 to index
        %swap3A_1348 = arith.constant 48 : index
        %swap3A_1349 = tpu.vector_load %arg8[%swap3A_1347, %swap3A_1348] {strides = array<i32>} : memref<2x128xi32, #tpu.memory_space<vmem>>, vector<16xi32>,
        tpu.vector_store %arg8[%swap3A_1347, %swap3A_1348], %select_n3A_1345 {strides = array<i32>} : memref<2x128xi32, #tpu.memory_space<vmem>>, vector<16xi32>,
        %add3A_1350 = vector.broadcast %add3A_1226 : i32 to vector<16xi32>
        %add3A_1351 = arith.addi %add3A_1350, %shift_right_logical3A_1339 : vector<16xi32>
        %swap3A_1352 = arith.constant 0 : i32
        %swap3A_1353 = arith.index_cast %swap3A_1352 : i32 to index
        %swap3A_1354 = arith.constant 48 : index
        %swap3A_1355 = tpu.vector_load %arg9[%swap3A_1353, %swap3A_1354] {strides = array<i32>} : memref<2x128xi32, #tpu.memory_space<vmem>>, vector<16xi32>,
        tpu.vector_store %arg9[%swap3A_1353, %swap3A_1354], %add3A_1351 {strides = array<i32>} : memref<2x128xi32, #tpu.memory_space<vmem>>, vector<16xi32>,
        %mul3A_1356 = arith.constant 128 : i32
        %mul3A_1357 = arith.muli %mul3A_1240, %mul3A_1356 : i32
        %add3A_1358 = arith.addi %add3A_1124, %mul3A_1357 : i32
        %add3A_1359 = arith.constant 64 : i32
        %add3A_1360 = arith.addi %add3A_1358, %add3A_1359 : i32
        %get3A_1361 = arith.index_cast %add3A_1360 : i32 to index
        %get3A_1362 = tpu.vector_load %arg7[%get3A_1361] {strides = array<i32>} : memref<20608xi32, #tpu.memory_space<vmem>>, vector<16xi32>,
        %and3A_1363 = arith.constant 262143 : i32
        %and3A_1364 = vector.broadcast %and3A_1363 : i32 to vector<16xi32>
        %and3A_1365 = arith.andi %get3A_1362, %and3A_1364 : vector<16xi32>
        %shift_right_logical3A_1366 = arith.constant 18 : i32
        %shift_right_logical3A_1367 = vector.broadcast %shift_right_logical3A_1366 : i32 to vector<16xi32>
        %shift_right_logical3A_1368 = arith.shrui %get3A_1362, %shift_right_logical3A_1367 : vector<16xi32>
        %eq3A_1369 = arith.constant 8192 : i32
        %eq3A_1370 = vector.broadcast %eq3A_1369 : i32 to vector<16xi32>
        %eq3A_1371 = arith.cmpi eq, %shift_right_logical3A_1368, %eq3A_1370 : vector<16xi32>
        %jit3A_1372 = arith.constant 262144 : i32
        %broadcast_in_dim3A_1373 = vector.broadcast %jit3A_1372 : i32 to vector<16xi32>
        %select_n3A_1374 = arith.select %eq3A_1371, %broadcast_in_dim3A_1373, %and3A_1365 : vector<16xi1>, vector<16xi32>
        %swap3A_1375 = arith.constant 0 : i32
        %swap3A_1376 = arith.index_cast %swap3A_1375 : i32 to index
        %swap3A_1377 = arith.constant 64 : index
        %swap3A_1378 = tpu.vector_load %arg8[%swap3A_1376, %swap3A_1377] {strides = array<i32>} : memref<2x128xi32, #tpu.memory_space<vmem>>, vector<16xi32>,
        tpu.vector_store %arg8[%swap3A_1376, %swap3A_1377], %select_n3A_1374 {strides = array<i32>} : memref<2x128xi32, #tpu.memory_space<vmem>>, vector<16xi32>,
        %add3A_1379 = vector.broadcast %add3A_1226 : i32 to vector<16xi32>
        %add3A_1380 = arith.addi %add3A_1379, %shift_right_logical3A_1368 : vector<16xi32>
        %swap3A_1381 = arith.constant 0 : i32
        %swap3A_1382 = arith.index_cast %swap3A_1381 : i32 to index
        %swap3A_1383 = arith.constant 64 : index
        %swap3A_1384 = tpu.vector_load %arg9[%swap3A_1382, %swap3A_1383] {strides = array<i32>} : memref<2x128xi32, #tpu.memory_space<vmem>>, vector<16xi32>,
        tpu.vector_store %arg9[%swap3A_1382, %swap3A_1383], %add3A_1380 {strides = array<i32>} : memref<2x128xi32, #tpu.memory_space<vmem>>, vector<16xi32>,
        %mul3A_1385 = arith.constant 128 : i32
        %mul3A_1386 = arith.muli %mul3A_1240, %mul3A_1385 : i32
        %add3A_1387 = arith.addi %add3A_1124, %mul3A_1386 : i32
        %add3A_1388 = arith.constant 80 : i32
        %add3A_1389 = arith.addi %add3A_1387, %add3A_1388 : i32
        %get3A_1390 = arith.index_cast %add3A_1389 : i32 to index
        %get3A_1391 = tpu.vector_load %arg7[%get3A_1390] {strides = array<i32>} : memref<20608xi32, #tpu.memory_space<vmem>>, vector<16xi32>,
        %and3A_1392 = arith.constant 262143 : i32
        %and3A_1393 = vector.broadcast %and3A_1392 : i32 to vector<16xi32>
        %and3A_1394 = arith.andi %get3A_1391, %and3A_1393 : vector<16xi32>
        %shift_right_logical3A_1395 = arith.constant 18 : i32
        %shift_right_logical3A_1396 = vector.broadcast %shift_right_logical3A_1395 : i32 to vector<16xi32>
        %shift_right_logical3A_1397 = arith.shrui %get3A_1391, %shift_right_logical3A_1396 : vector<16xi32>
        %eq3A_1398 = arith.constant 8192 : i32
        %eq3A_1399 = vector.broadcast %eq3A_1398 : i32 to vector<16xi32>
        %eq3A_1400 = arith.cmpi eq, %shift_right_logical3A_1397, %eq3A_1399 : vector<16xi32>
        %jit3A_1401 = arith.constant 262144 : i32
        %broadcast_in_dim3A_1402 = vector.broadcast %jit3A_1401 : i32 to vector<16xi32>
        %select_n3A_1403 = arith.select %eq3A_1400, %broadcast_in_dim3A_1402, %and3A_1394 : vector<16xi1>, vector<16xi32>
        %swap3A_1404 = arith.constant 0 : i32
        %swap3A_1405 = arith.index_cast %swap3A_1404 : i32 to index
        %swap3A_1406 = arith.constant 80 : index
        %swap3A_1407 = tpu.vector_load %arg8[%swap3A_1405, %swap3A_1406] {strides = array<i32>} : memref<2x128xi32, #tpu.memory_space<vmem>>, vector<16xi32>,
        tpu.vector_store %arg8[%swap3A_1405, %swap3A_1406], %select_n3A_1403 {strides = array<i32>} : memref<2x128xi32, #tpu.memory_space<vmem>>, vector<16xi32>,
        %add3A_1408 = vector.broadcast %add3A_1226 : i32 to vector<16xi32>
        %add3A_1409 = arith.addi %add3A_1408, %shift_right_logical3A_1397 : vector<16xi32>
        %swap3A_1410 = arith.constant 0 : i32
        %swap3A_1411 = arith.index_cast %swap3A_1410 : i32 to index
        %swap3A_1412 = arith.constant 80 : index
        %swap3A_1413 = tpu.vector_load %arg9[%swap3A_1411, %swap3A_1412] {strides = array<i32>} : memref<2x128xi32, #tpu.memory_space<vmem>>, vector<16xi32>,
        tpu.vector_store %arg9[%swap3A_1411, %swap3A_1412], %add3A_1409 {strides = array<i32>} : memref<2x128xi32, #tpu.memory_space<vmem>>, vector<16xi32>,
        %mul3A_1414 = arith.constant 128 : i32
        %mul3A_1415 = arith.muli %mul3A_1240, %mul3A_1414 : i32
        %add3A_1416 = arith.addi %add3A_1124, %mul3A_1415 : i32
        %add3A_1417 = arith.constant 96 : i32
        %add3A_1418 = arith.addi %add3A_1416, %add3A_1417 : i32
        %get3A_1419 = arith.index_cast %add3A_1418 : i32 to index
        %get3A_1420 = tpu.vector_load %arg7[%get3A_1419] {strides = array<i32>} : memref<20608xi32, #tpu.memory_space<vmem>>, vector<16xi32>,
        %and3A_1421 = arith.constant 262143 : i32
        %and3A_1422 = vector.broadcast %and3A_1421 : i32 to vector<16xi32>
        %and3A_1423 = arith.andi %get3A_1420, %and3A_1422 : vector<16xi32>
        %shift_right_logical3A_1424 = arith.constant 18 : i32
        %shift_right_logical3A_1425 = vector.broadcast %shift_right_logical3A_1424 : i32 to vector<16xi32>
        %shift_right_logical3A_1426 = arith.shrui %get3A_1420, %shift_right_logical3A_1425 : vector<16xi32>
        %eq3A_1427 = arith.constant 8192 : i32
        %eq3A_1428 = vector.broadcast %eq3A_1427 : i32 to vector<16xi32>
        %eq3A_1429 = arith.cmpi eq, %shift_right_logical3A_1426, %eq3A_1428 : vector<16xi32>
        %jit3A_1430 = arith.constant 262144 : i32
        %broadcast_in_dim3A_1431 = vector.broadcast %jit3A_1430 : i32 to vector<16xi32>
        %select_n3A_1432 = arith.select %eq3A_1429, %broadcast_in_dim3A_1431, %and3A_1423 : vector<16xi1>, vector<16xi32>
        %swap3A_1433 = arith.constant 0 : i32
        %swap3A_1434 = arith.index_cast %swap3A_1433 : i32 to index
        %swap3A_1435 = arith.constant 96 : index
        %swap3A_1436 = tpu.vector_load %arg8[%swap3A_1434, %swap3A_1435] {strides = array<i32>} : memref<2x128xi32, #tpu.memory_space<vmem>>, vector<16xi32>,
        tpu.vector_store %arg8[%swap3A_1434, %swap3A_1435], %select_n3A_1432 {strides = array<i32>} : memref<2x128xi32, #tpu.memory_space<vmem>>, vector<16xi32>,
        %add3A_1437 = vector.broadcast %add3A_1226 : i32 to vector<16xi32>
        %add3A_1438 = arith.addi %add3A_1437, %shift_right_logical3A_1426 : vector<16xi32>
        %swap3A_1439 = arith.constant 0 : i32
        %swap3A_1440 = arith.index_cast %swap3A_1439 : i32 to index
        %swap3A_1441 = arith.constant 96 : index
        %swap3A_1442 = tpu.vector_load %arg9[%swap3A_1440, %swap3A_1441] {strides = array<i32>} : memref<2x128xi32, #tpu.memory_space<vmem>>, vector<16xi32>,
        tpu.vector_store %arg9[%swap3A_1440, %swap3A_1441], %add3A_1438 {strides = array<i32>} : memref<2x128xi32, #tpu.memory_space<vmem>>, vector<16xi32>,
        %mul3A_1443 = arith.constant 128 : i32
        %mul3A_1444 = arith.muli %mul3A_1240, %mul3A_1443 : i32
        %add3A_1445 = arith.addi %add3A_1124, %mul3A_1444 : i32
        %add3A_1446 = arith.constant 112 : i32
        %add3A_1447 = arith.addi %add3A_1445, %add3A_1446 : i32
        %get3A_1448 = arith.index_cast %add3A_1447 : i32 to index
        %get3A_1449 = tpu.vector_load %arg7[%get3A_1448] {strides = array<i32>} : memref<20608xi32, #tpu.memory_space<vmem>>, vector<16xi32>,
        %and3A_1450 = arith.constant 262143 : i32
        %and3A_1451 = vector.broadcast %and3A_1450 : i32 to vector<16xi32>
        %and3A_1452 = arith.andi %get3A_1449, %and3A_1451 : vector<16xi32>
        %shift_right_logical3A_1453 = arith.constant 18 : i32
        %shift_right_logical3A_1454 = vector.broadcast %shift_right_logical3A_1453 : i32 to vector<16xi32>
        %shift_right_logical3A_1455 = arith.shrui %get3A_1449, %shift_right_logical3A_1454 : vector<16xi32>
        %eq3A_1456 = arith.constant 8192 : i32
        %eq3A_1457 = vector.broadcast %eq3A_1456 : i32 to vector<16xi32>
        %eq3A_1458 = arith.cmpi eq, %shift_right_logical3A_1455, %eq3A_1457 : vector<16xi32>
        %jit3A_1459 = arith.constant 262144 : i32
        %broadcast_in_dim3A_1460 = vector.broadcast %jit3A_1459 : i32 to vector<16xi32>
        %select_n3A_1461 = arith.select %eq3A_1458, %broadcast_in_dim3A_1460, %and3A_1452 : vector<16xi1>, vector<16xi32>
        %swap3A_1462 = arith.constant 0 : i32
        %swap3A_1463 = arith.index_cast %swap3A_1462 : i32 to index
        %swap3A_1464 = arith.constant 112 : index
        %swap3A_1465 = tpu.vector_load %arg8[%swap3A_1463, %swap3A_1464] {strides = array<i32>} : memref<2x128xi32, #tpu.memory_space<vmem>>, vector<16xi32>,
        tpu.vector_store %arg8[%swap3A_1463, %swap3A_1464], %select_n3A_1461 {strides = array<i32>} : memref<2x128xi32, #tpu.memory_space<vmem>>, vector<16xi32>,
        %add3A_1466 = vector.broadcast %add3A_1226 : i32 to vector<16xi32>
        %add3A_1467 = arith.addi %add3A_1466, %shift_right_logical3A_1455 : vector<16xi32>
        %swap3A_1468 = arith.constant 0 : i32
        %swap3A_1469 = arith.index_cast %swap3A_1468 : i32 to index
        %swap3A_1470 = arith.constant 112 : index
        %swap3A_1471 = tpu.vector_load %arg9[%swap3A_1469, %swap3A_1470] {strides = array<i32>} : memref<2x128xi32, #tpu.memory_space<vmem>>, vector<16xi32>,
        tpu.vector_store %arg9[%swap3A_1469, %swap3A_1470], %add3A_1467 {strides = array<i32>} : memref<2x128xi32, #tpu.memory_space<vmem>>, vector<16xi32>,
        %dma_start3A = arith.constant 0 : i32
        %dma_start3A_1472 = arith.constant 0 : i32
        %dma_start3A_1473 = tpu.memref_slice %arg9[%dma_start3A, %dma_start3A_1472] : memref<2x128xi32, #tpu.memory_space<vmem>> -> memref<1x128xi32, #tpu.memory_space<vmem>>
        %dma_start3A_1474 = tpu.memref_squeeze %dma_start3A_1473 : memref<1x128xi32, #tpu.memory_space<vmem>> -> memref<128xi32, #tpu.memory_space<vmem>>
        %dma_start3A_1475 = arith.constant 0 : i32
        %dma_start3A_1476 = arith.constant 0 : i32
        %dma_start3A_1477 = tpu.memref_slice %arg5[%dma_start3A_1475, %dma_start3A_1476] : memref<262272x128xf32, #tpu.memory_space<hbm>> -> memref<262272x128xf32, #tpu.memory_space<hbm>>
        tpu.enqueue_indirect_dma source(%dma_start3A_1477 : memref<262272x128xf32, #tpu.memory_space<hbm>>) target(%arg10 : memref<128x128xf32, #tpu.memory_space<vmem>>) offsets(%dma_start3A_1474 : memref<128xi32, #tpu.memory_space<vmem>>) semaphore(%arg17 : memref<!tpu.dma_semaphore, #tpu.memory_space<semaphore_mem>>)
        %dma_wait3A = arith.constant 0 : i32
        %dma_wait3A_1478 = arith.constant 0 : i32
        %dma_wait3A_1479 = tpu.memref_slice %arg9[%dma_wait3A, %dma_wait3A_1478] : memref<2x128xi32, #tpu.memory_space<vmem>> -> memref<1x128xi32, #tpu.memory_space<vmem>>
        %dma_wait3A_1480 = tpu.memref_squeeze %dma_wait3A_1479 : memref<1x128xi32, #tpu.memory_space<vmem>> -> memref<128xi32, #tpu.memory_space<vmem>>
        %dma_wait3A_1481 = arith.constant 0 : i32
        %dma_wait3A_1482 = arith.constant 0 : i32
        %dma_wait3A_1483 = tpu.memref_slice %arg5[%dma_wait3A_1481, %dma_wait3A_1482] : memref<262272x128xf32, #tpu.memory_space<hbm>> -> memref<262272x128xf32, #tpu.memory_space<hbm>>
        tpu.wait_indirect_dma semaphore(%arg17 : memref<!tpu.dma_semaphore, #tpu.memory_space<semaphore_mem>>) src(%dma_wait3A_1483 : memref<262272x128xf32, #tpu.memory_space<hbm>>) dst(%arg10 : memref<128x128xf32, #tpu.memory_space<vmem>>)
        %run_scoped3A = arith.constant 0 : i32
        "tpu.region"() ({
          %run_scoped3A_1484 = tpu.sem_alloc : memref<!tpu.dma_semaphore, #tpu.memory_space<semaphore_mem>>
          %dma_start3A_1485 = arith.constant 0 : i32
          %dma_start3A_1486 = tpu.memref_slice %arg8[%run_scoped3A, %dma_start3A_1485] : memref<2x128xi32, #tpu.memory_space<vmem>> -> memref<1x128xi32, #tpu.memory_space<vmem>>
          %dma_start3A_1487 = tpu.memref_squeeze %dma_start3A_1486 : memref<1x128xi32, #tpu.memory_space<vmem>> -> memref<128xi32, #tpu.memory_space<vmem>>
          %dma_start3A_1488 = arith.constant 0 : i32
          %dma_start3A_1489 = arith.constant 0 : i32
          %dma_start3A_1490 = tpu.memref_slice %arg4[%dma_start3A_1488, %dma_start3A_1489] : memref<264192x128xf32, #tpu.memory_space<hbm>> -> memref<264192x128xf32, #tpu.memory_space<hbm>>
          tpu.enqueue_indirect_dma source(%arg10 : memref<128x128xf32, #tpu.memory_space<vmem>>) target(%dma_start3A_1490 : memref<264192x128xf32, #tpu.memory_space<hbm>>) offsets(%dma_start3A_1487 : memref<128xi32, #tpu.memory_space<vmem>>) semaphore(%run_scoped3A_1484 : memref<!tpu.dma_semaphore, #tpu.memory_space<semaphore_mem>>)
          %dma_wait3A_1491 = arith.constant 0 : i32
          %dma_wait3A_1492 = tpu.memref_slice %arg8[%run_scoped3A, %dma_wait3A_1491] : memref<2x128xi32, #tpu.memory_space<vmem>> -> memref<1x128xi32, #tpu.memory_space<vmem>>
          %dma_wait3A_1493 = tpu.memref_squeeze %dma_wait3A_1492 : memref<1x128xi32, #tpu.memory_space<vmem>> -> memref<128xi32, #tpu.memory_space<vmem>>
          %dma_wait3A_1494 = arith.constant 0 : i32
          %dma_wait3A_1495 = arith.constant 0 : i32
          %dma_wait3A_1496 = tpu.memref_slice %arg4[%dma_wait3A_1494, %dma_wait3A_1495] : memref<264192x128xf32, #tpu.memory_space<hbm>> -> memref<264192x128xf32, #tpu.memory_space<hbm>>
          tpu.wait_indirect_dma semaphore(%run_scoped3A_1484 : memref<!tpu.dma_semaphore, #tpu.memory_space<semaphore_mem>>) src(%arg10 : memref<128x128xf32, #tpu.memory_space<vmem>>) dst(%dma_wait3A_1496 : memref<264192x128xf32, #tpu.memory_space<hbm>>)
          tpu.yield
        }) : () -> ()
      } else {
      }
    }
    %scan3A_1074 = arith.constant 16 : i32
    return
  }
}

module attributes {stable_mosaic.version = 14 : i64} {
  func.func @_min_kernel(%arg0: i32, %arg1: memref<256x128xf32, #tpu.memory_space<vmem>>, %arg2: memref<256x128xf32, #tpu.memory_space<vmem>>, %arg3: memref<256x128xf32, #tpu.memory_space<vmem>>, %arg4: memref<8x128xf32, #tpu.memory_space<vmem>>) attributes {dimension_semantics = [#tpu.dimension_semantics<arbitrary>], iteration_bounds = array<i64: 8>, scalar_prefetch = 0 : i64, scratch_operands = 0 : i64, tpu.core_type = #tpu.core_type<tc>, window_params = [{transform_indices = @transform_0, window_bounds = array<i64: 256, 128>}, {transform_indices = @transform_1, window_bounds = array<i64: 256, 128>}, {transform_indices = @transform_2, window_bounds = array<i64: 256, 128>}, {pipeline_mode = #tpu.pipeline_mode<synchronous>, transform_indices = @transform_3, window_bounds = array<i64: 8, 128>}]} {
    %eq3A = arith.constant 0 : i32
    %eq3A_0 = arith.cmpi eq, %arg0, %eq3A : i32
    %convert_element_type3A = arith.extui %eq3A_0 : i1 to i32
    %cond3A = arith.constant 0 : i32
    %cond3A_1 = arith.cmpi ne, %convert_element_type3A, %cond3A : i32
    scf.if %cond3A_1 {
      %broadcast_in_dim3A_63 = arith.constant 0x7F800000 : f32
      %broadcast_in_dim3A_64 = vector.broadcast %broadcast_in_dim3A_63 : f32 to vector<8x128xf32>
      %swap3A_65 = arith.constant 0 : index
      %swap3A_66 = arith.constant 0 : index
      %swap3A_67 = vector.load %arg4[%swap3A_65, %swap3A_66] : memref<8x128xf32, #tpu.memory_space<vmem>>, vector<8x128xf32>
      tpu.vector_store %arg4[%swap3A_65, %swap3A_66], %broadcast_in_dim3A_64 {strides = array<i32>} : memref<8x128xf32, #tpu.memory_space<vmem>>, vector<8x128xf32>,
    } else {
    }
    %get3A = arith.constant 0 : index
    %get3A_2 = arith.constant 0 : index
    %get3A_3 = vector.load %arg1[%get3A, %get3A_2] : memref<256x128xf32, #tpu.memory_space<vmem>>, vector<256x128xf32>
    %get3A_4 = arith.constant 0 : index
    %get3A_5 = arith.constant 0 : index
    %get3A_6 = vector.load %arg2[%get3A_4, %get3A_5] : memref<256x128xf32, #tpu.memory_space<vmem>>, vector<256x128xf32>
    %get3A_7 = arith.constant 0 : index
    %get3A_8 = arith.constant 0 : index
    %get3A_9 = vector.load %arg3[%get3A_7, %get3A_8] : memref<256x128xf32, #tpu.memory_space<vmem>>, vector<256x128xf32>
    %mul3A = arith.mulf %get3A_3, %get3A_3 : vector<256x128xf32>
    %mul3A_10 = arith.mulf %get3A_6, %get3A_6 : vector<256x128xf32>
    %add3A = arith.addf %mul3A, %mul3A_10 : vector<256x128xf32>
    %mul3A_11 = arith.mulf %get3A_9, %get3A_9 : vector<256x128xf32>
    %add3A_12 = arith.addf %add3A, %mul3A_11 : vector<256x128xf32>
    %sqrt3A = math.sqrt %add3A_12 : vector<256x128xf32>
    %lt3A = arith.constant 6.000000e+02 : f32
    %lt3A_13 = vector.broadcast %lt3A : f32 to vector<256x128xf32>
    %lt3A_14 = arith.cmpf olt, %sqrt3A, %lt3A_13 : vector<256x128xf32>
    %mul3A_15 = arith.constant 1.000000e+01 : f32
    %mul3A_16 = vector.broadcast %mul3A_15 : f32 to vector<256x128xf32>
    %mul3A_17 = arith.mulf %get3A_3, %mul3A_16 : vector<256x128xf32>
    %jit3A = arith.constant 0x7F800000 : f32
    %broadcast_in_dim3A = vector.broadcast %jit3A : f32 to vector<256x128xf32>
    %select_n3A = arith.select %lt3A_14, %mul3A_17, %broadcast_in_dim3A : vector<256x128xi1>, vector<256x128xf32>
    %reduce_min3A = arith.constant dense<0x7F800000> : vector<128xf32>
    %reduce_min3A_18 = vector.multi_reduction <minimumf>, %select_n3A, %reduce_min3A [0] : vector<256x128xf32> to vector<128xf32>
    %mul3A_19 = arith.constant 1.000000e+01 : f32
    %mul3A_20 = vector.broadcast %mul3A_19 : f32 to vector<256x128xf32>
    %mul3A_21 = arith.mulf %get3A_6, %mul3A_20 : vector<256x128xf32>
    %jit3A_22 = arith.constant 0x7F800000 : f32
    %broadcast_in_dim3A_23 = vector.broadcast %jit3A_22 : f32 to vector<256x128xf32>
    %select_n3A_24 = arith.select %lt3A_14, %mul3A_21, %broadcast_in_dim3A_23 : vector<256x128xi1>, vector<256x128xf32>
    %reduce_min3A_25 = arith.constant dense<0x7F800000> : vector<128xf32>
    %reduce_min3A_26 = vector.multi_reduction <minimumf>, %select_n3A_24, %reduce_min3A_25 [0] : vector<256x128xf32> to vector<128xf32>
    %mul3A_27 = arith.constant 1.000000e+01 : f32
    %mul3A_28 = vector.broadcast %mul3A_27 : f32 to vector<256x128xf32>
    %mul3A_29 = arith.mulf %get3A_9, %mul3A_28 : vector<256x128xf32>
    %jit3A_30 = arith.constant 0x7F800000 : f32
    %broadcast_in_dim3A_31 = vector.broadcast %jit3A_30 : f32 to vector<256x128xf32>
    %select_n3A_32 = arith.select %lt3A_14, %mul3A_29, %broadcast_in_dim3A_31 : vector<256x128xi1>, vector<256x128xf32>
    %reduce_min3A_33 = arith.constant dense<0x7F800000> : vector<128xf32>
    %reduce_min3A_34 = vector.multi_reduction <minimumf>, %select_n3A_32, %reduce_min3A_33 [0] : vector<256x128xf32> to vector<128xf32>
    %get3A_35 = arith.constant 0 : index
    %get3A_36 = arith.constant 0 : index
    %get3A_37 = vector.load %arg4[%get3A_35, %get3A_36] : memref<8x128xf32, #tpu.memory_space<vmem>>, vector<1x128xf32>
    %get3A_38 = vector.shape_cast %get3A_37 : vector<1x128xf32> to vector<128xf32>
    %min3A = arith.minimumf %get3A_38, %reduce_min3A_18 : vector<128xf32>
    %swap3A = arith.constant 0 : index
    %swap3A_39 = arith.constant 0 : index
    %swap3A_40 = vector.load %arg4[%swap3A, %swap3A_39] : memref<8x128xf32, #tpu.memory_space<vmem>>, vector<1x128xf32>
    %swap3A_41 = vector.shape_cast %swap3A_40 : vector<1x128xf32> to vector<128xf32>
    %swap3A_42 = vector.shape_cast %min3A : vector<128xf32> to vector<1x128xf32>
    tpu.vector_store %arg4[%swap3A, %swap3A_39], %swap3A_42 {strides = array<i32>} : memref<8x128xf32, #tpu.memory_space<vmem>>, vector<1x128xf32>,
    %get3A_43 = arith.constant 1 : index
    %get3A_44 = arith.constant 0 : index
    %get3A_45 = vector.load %arg4[%get3A_43, %get3A_44] : memref<8x128xf32, #tpu.memory_space<vmem>>, vector<1x128xf32>
    %get3A_46 = vector.shape_cast %get3A_45 : vector<1x128xf32> to vector<128xf32>
    %min3A_47 = arith.minimumf %get3A_46, %reduce_min3A_26 : vector<128xf32>
    %swap3A_48 = arith.constant 1 : index
    %swap3A_49 = arith.constant 0 : index
    %swap3A_50 = vector.load %arg4[%swap3A_48, %swap3A_49] : memref<8x128xf32, #tpu.memory_space<vmem>>, vector<1x128xf32>
    %swap3A_51 = vector.shape_cast %swap3A_50 : vector<1x128xf32> to vector<128xf32>
    %swap3A_52 = vector.shape_cast %min3A_47 : vector<128xf32> to vector<1x128xf32>
    tpu.vector_store %arg4[%swap3A_48, %swap3A_49], %swap3A_52 {strides = array<i32>} : memref<8x128xf32, #tpu.memory_space<vmem>>, vector<1x128xf32>,
    %get3A_53 = arith.constant 2 : index
    %get3A_54 = arith.constant 0 : index
    %get3A_55 = vector.load %arg4[%get3A_53, %get3A_54] : memref<8x128xf32, #tpu.memory_space<vmem>>, vector<1x128xf32>
    %get3A_56 = vector.shape_cast %get3A_55 : vector<1x128xf32> to vector<128xf32>
    %min3A_57 = arith.minimumf %get3A_56, %reduce_min3A_34 : vector<128xf32>
    %swap3A_58 = arith.constant 2 : index
    %swap3A_59 = arith.constant 0 : index
    %swap3A_60 = vector.load %arg4[%swap3A_58, %swap3A_59] : memref<8x128xf32, #tpu.memory_space<vmem>>, vector<1x128xf32>
    %swap3A_61 = vector.shape_cast %swap3A_60 : vector<1x128xf32> to vector<128xf32>
    %swap3A_62 = vector.shape_cast %min3A_57 : vector<128xf32> to vector<1x128xf32>
    tpu.vector_store %arg4[%swap3A_58, %swap3A_59], %swap3A_62 {strides = array<i32>} : memref<8x128xf32, #tpu.memory_space<vmem>>, vector<1x128xf32>,
    return
  }
  func.func @transform_0(%arg0: i32) -> (i32, i32) {
    %c0_i32 = arith.constant 0 : i32
    %c0_i32_0 = arith.constant 0 : i32
    return %arg0, %c0_i32 : i32, i32
  }
  func.func @transform_1(%arg0: i32) -> (i32, i32) {
    %c0_i32 = arith.constant 0 : i32
    %c0_i32_0 = arith.constant 0 : i32
    return %arg0, %c0_i32 : i32, i32
  }
  func.func @transform_2(%arg0: i32) -> (i32, i32) {
    %c0_i32 = arith.constant 0 : i32
    %c0_i32_0 = arith.constant 0 : i32
    return %arg0, %c0_i32 : i32, i32
  }
  func.func @transform_3(%arg0: i32) -> (i32, i32) {
    %c0_i32 = arith.constant 0 : i32
    %c0_i32_0 = arith.constant 0 : i32
    %c0_i32_1 = arith.constant 0 : i32
    return %c0_i32, %c0_i32_0 : i32, i32
  }
}

module attributes {stable_mosaic.version = 14 : i64} {
  func.func @_seg_kernel(%arg0: i32, %arg1: memref<8x128xf32, #tpu.memory_space<vmem>>, %arg2: memref<256x128xf32, #tpu.memory_space<vmem>>, %arg3: memref<256x128xf32, #tpu.memory_space<vmem>>, %arg4: memref<256x128xf32, #tpu.memory_space<vmem>>, %arg5: memref<256x128xi32, #tpu.memory_space<vmem>>) attributes {dimension_semantics = [#tpu.dimension_semantics<arbitrary>], iteration_bounds = array<i64: 8>, scalar_prefetch = 0 : i64, scratch_operands = 0 : i64, tpu.core_type = #tpu.core_type<tc>, window_params = [{pipeline_mode = #tpu.pipeline_mode<synchronous>, transform_indices = @transform_0, window_bounds = array<i64: 8, 128>}, {transform_indices = @transform_1, window_bounds = array<i64: 256, 128>}, {transform_indices = @transform_2, window_bounds = array<i64: 256, 128>}, {transform_indices = @transform_3, window_bounds = array<i64: 256, 128>}, {transform_indices = @transform_4, window_bounds = array<i64: 256, 128>}]} {
    %get3A = arith.constant 0 : index
    %get3A_0 = arith.constant 0 : index
    %get3A_1 = vector.load %arg1[%get3A, %get3A_0] : memref<8x128xf32, #tpu.memory_space<vmem>>, vector<1x128xf32>
    %get3A_2 = vector.shape_cast %get3A_1 : vector<1x128xf32> to vector<128xf32>
    %reduce_min3A = vector.shape_cast %get3A_2 : vector<128xf32> to vector<1x128xf32>
    %reduce_min3A_3 = arith.constant dense<0x7F800000> : vector<1xf32>
    %reduce_min3A_4 = vector.multi_reduction <minimumf>, %reduce_min3A, %reduce_min3A_3 [1] : vector<1x128xf32> to vector<1xf32>
    %reduce_min3A_5 = vector.shape_cast %reduce_min3A_4 : vector<1xf32> to vector<1x1xf32>
    %reduce_min3A_6 = vector.extract %reduce_min3A_5[0, 0] : f32 from vector<1x1xf32>
    %floor3A = math.floor %reduce_min3A_6 : f32
    %get3A_7 = arith.constant 1 : index
    %get3A_8 = arith.constant 0 : index
    %get3A_9 = vector.load %arg1[%get3A_7, %get3A_8] : memref<8x128xf32, #tpu.memory_space<vmem>>, vector<1x128xf32>
    %get3A_10 = vector.shape_cast %get3A_9 : vector<1x128xf32> to vector<128xf32>
    %reduce_min3A_11 = vector.shape_cast %get3A_10 : vector<128xf32> to vector<1x128xf32>
    %reduce_min3A_12 = arith.constant dense<0x7F800000> : vector<1xf32>
    %reduce_min3A_13 = vector.multi_reduction <minimumf>, %reduce_min3A_11, %reduce_min3A_12 [1] : vector<1x128xf32> to vector<1xf32>
    %reduce_min3A_14 = vector.shape_cast %reduce_min3A_13 : vector<1xf32> to vector<1x1xf32>
    %reduce_min3A_15 = vector.extract %reduce_min3A_14[0, 0] : f32 from vector<1x1xf32>
    %floor3A_16 = math.floor %reduce_min3A_15 : f32
    %get3A_17 = arith.constant 2 : index
    %get3A_18 = arith.constant 0 : index
    %get3A_19 = vector.load %arg1[%get3A_17, %get3A_18] : memref<8x128xf32, #tpu.memory_space<vmem>>, vector<1x128xf32>
    %get3A_20 = vector.shape_cast %get3A_19 : vector<1x128xf32> to vector<128xf32>
    %reduce_min3A_21 = vector.shape_cast %get3A_20 : vector<128xf32> to vector<1x128xf32>
    %reduce_min3A_22 = arith.constant dense<0x7F800000> : vector<1xf32>
    %reduce_min3A_23 = vector.multi_reduction <minimumf>, %reduce_min3A_21, %reduce_min3A_22 [1] : vector<1x128xf32> to vector<1xf32>
    %reduce_min3A_24 = vector.shape_cast %reduce_min3A_23 : vector<1xf32> to vector<1x1xf32>
    %reduce_min3A_25 = vector.extract %reduce_min3A_24[0, 0] : f32 from vector<1x1xf32>
    %floor3A_26 = math.floor %reduce_min3A_25 : f32
    %get3A_27 = arith.constant 0 : index
    %get3A_28 = arith.constant 0 : index
    %get3A_29 = vector.load %arg2[%get3A_27, %get3A_28] : memref<256x128xf32, #tpu.memory_space<vmem>>, vector<256x128xf32>
    %get3A_30 = arith.constant 0 : index
    %get3A_31 = arith.constant 0 : index
    %get3A_32 = vector.load %arg3[%get3A_30, %get3A_31] : memref<256x128xf32, #tpu.memory_space<vmem>>, vector<256x128xf32>
    %get3A_33 = arith.constant 0 : index
    %get3A_34 = arith.constant 0 : index
    %get3A_35 = vector.load %arg4[%get3A_33, %get3A_34] : memref<256x128xf32, #tpu.memory_space<vmem>>, vector<256x128xf32>
    %mul3A = arith.mulf %get3A_29, %get3A_29 : vector<256x128xf32>
    %mul3A_36 = arith.mulf %get3A_32, %get3A_32 : vector<256x128xf32>
    %add3A = arith.addf %mul3A, %mul3A_36 : vector<256x128xf32>
    %mul3A_37 = arith.mulf %get3A_35, %get3A_35 : vector<256x128xf32>
    %add3A_38 = arith.addf %add3A, %mul3A_37 : vector<256x128xf32>
    %sqrt3A = math.sqrt %add3A_38 : vector<256x128xf32>
    %lt3A = arith.constant 6.000000e+02 : f32
    %lt3A_39 = vector.broadcast %lt3A : f32 to vector<256x128xf32>
    %lt3A_40 = arith.cmpf olt, %sqrt3A, %lt3A_39 : vector<256x128xf32>
    %mul3A_41 = arith.constant 1.000000e+01 : f32
    %mul3A_42 = vector.broadcast %mul3A_41 : f32 to vector<256x128xf32>
    %mul3A_43 = arith.mulf %get3A_29, %mul3A_42 : vector<256x128xf32>
    %sub3A = vector.broadcast %floor3A : f32 to vector<256x128xf32>
    %sub3A_44 = arith.subf %mul3A_43, %sub3A : vector<256x128xf32>
    %floor3A_45 = math.floor %sub3A_44 : vector<256x128xf32>
    %convert_element_type3A = arith.fptosi %floor3A_45 : vector<256x128xf32> to vector<256x128xi32>
    %mul3A_46 = arith.constant 1.000000e+01 : f32
    %mul3A_47 = vector.broadcast %mul3A_46 : f32 to vector<256x128xf32>
    %mul3A_48 = arith.mulf %get3A_32, %mul3A_47 : vector<256x128xf32>
    %sub3A_49 = vector.broadcast %floor3A_16 : f32 to vector<256x128xf32>
    %sub3A_50 = arith.subf %mul3A_48, %sub3A_49 : vector<256x128xf32>
    %floor3A_51 = math.floor %sub3A_50 : vector<256x128xf32>
    %convert_element_type3A_52 = arith.fptosi %floor3A_51 : vector<256x128xf32> to vector<256x128xi32>
    %mul3A_53 = arith.constant 1.000000e+01 : f32
    %mul3A_54 = vector.broadcast %mul3A_53 : f32 to vector<256x128xf32>
    %mul3A_55 = arith.mulf %get3A_35, %mul3A_54 : vector<256x128xf32>
    %sub3A_56 = vector.broadcast %floor3A_26 : f32 to vector<256x128xf32>
    %sub3A_57 = arith.subf %mul3A_55, %sub3A_56 : vector<256x128xf32>
    %floor3A_58 = math.floor %sub3A_57 : vector<256x128xf32>
    %convert_element_type3A_59 = arith.fptosi %floor3A_58 : vector<256x128xf32> to vector<256x128xi32>
    %mul3A_60 = arith.constant 73856093 : i32
    %mul3A_61 = vector.broadcast %mul3A_60 : i32 to vector<256x128xi32>
    %mul3A_62 = arith.muli %convert_element_type3A, %mul3A_61 : vector<256x128xi32>
    %mul3A_63 = arith.constant 19349663 : i32
    %mul3A_64 = vector.broadcast %mul3A_63 : i32 to vector<256x128xi32>
    %mul3A_65 = arith.muli %convert_element_type3A_52, %mul3A_64 : vector<256x128xi32>
    %add3A_66 = arith.addi %mul3A_62, %mul3A_65 : vector<256x128xi32>
    %mul3A_67 = arith.constant 83492791 : i32
    %mul3A_68 = vector.broadcast %mul3A_67 : i32 to vector<256x128xi32>
    %mul3A_69 = arith.muli %convert_element_type3A_59, %mul3A_68 : vector<256x128xi32>
    %add3A_70 = arith.addi %add3A_66, %mul3A_69 : vector<256x128xi32>
    %and3A = arith.constant 262143 : i32
    %and3A_71 = vector.broadcast %and3A : i32 to vector<256x128xi32>
    %and3A_72 = arith.andi %add3A_70, %and3A_71 : vector<256x128xi32>
    %jit3A = arith.constant 262144 : i32
    %broadcast_in_dim3A = vector.broadcast %jit3A : i32 to vector<256x128xi32>
    %select_n3A = arith.select %lt3A_40, %and3A_72, %broadcast_in_dim3A : vector<256x128xi1>, vector<256x128xi32>
    %swap3A = arith.constant 0 : index
    %swap3A_73 = arith.constant 0 : index
    %swap3A_74 = vector.load %arg5[%swap3A, %swap3A_73] : memref<256x128xi32, #tpu.memory_space<vmem>>, vector<256x128xi32>
    tpu.vector_store %arg5[%swap3A, %swap3A_73], %select_n3A {strides = array<i32>} : memref<256x128xi32, #tpu.memory_space<vmem>>, vector<256x128xi32>,
    return
  }
  func.func @transform_0(%arg0: i32) -> (i32, i32) {
    %c0_i32 = arith.constant 0 : i32
    %c0_i32_0 = arith.constant 0 : i32
    %c0_i32_1 = arith.constant 0 : i32
    return %c0_i32, %c0_i32_0 : i32, i32
  }
  func.func @transform_1(%arg0: i32) -> (i32, i32) {
    %c0_i32 = arith.constant 0 : i32
    %c0_i32_0 = arith.constant 0 : i32
    return %arg0, %c0_i32 : i32, i32
  }
  func.func @transform_2(%arg0: i32) -> (i32, i32) {
    %c0_i32 = arith.constant 0 : i32
    %c0_i32_0 = arith.constant 0 : i32
    return %arg0, %c0_i32 : i32, i32
  }
  func.func @transform_3(%arg0: i32) -> (i32, i32) {
    %c0_i32 = arith.constant 0 : i32
    %c0_i32_0 = arith.constant 0 : i32
    return %arg0, %c0_i32 : i32, i32
  }
  func.func @transform_4(%arg0: i32) -> (i32, i32) {
    %c0_i32 = arith.constant 0 : i32
    %c0_i32_0 = arith.constant 0 : i32
    return %arg0, %c0_i32 : i32, i32
  }
}

module attributes {stable_mosaic.version = 14 : i64} {
  func.func @_post_kernel(%arg0: i32, %arg1: memref<2048x3xf32, #tpu.memory_space<vmem>>, %arg2: memref<2048x3xf32, #tpu.memory_space<vmem>>, %arg3: memref<1x16xf32, #tpu.memory_space<vmem>>, %arg4: memref<19x64xf32, #tpu.memory_space<vmem>>, %arg5: memref<64xf32, #tpu.memory_space<vmem>>, %arg6: memref<2048x128xf32, #tpu.memory_space<vmem>>, %arg7: memref<86x3xf32, #tpu.memory_space<vmem>>, %arg8: memref<3xf32, #tpu.memory_space<vmem>>, %arg9: memref<64xf32, #tpu.memory_space<vmem>>, %arg10: memref<2048x3xf32, #tpu.memory_space<vmem>>) attributes {dimension_semantics = [#tpu.dimension_semantics<arbitrary>], iteration_bounds = array<i64: 128>, scalar_prefetch = 0 : i64, scratch_operands = 0 : i64, tpu.core_type = #tpu.core_type<tc>, window_params = [{transform_indices = @transform_0, window_bounds = array<i64: 2048, 3>}, {transform_indices = @transform_1, window_bounds = array<i64: 2048, 3>}, {pipeline_mode = #tpu.pipeline_mode<synchronous>, transform_indices = @transform_2, window_bounds = array<i64: 1, 16>}, {pipeline_mode = #tpu.pipeline_mode<synchronous>, transform_indices = @transform_3, window_bounds = array<i64: 19, 64>}, {pipeline_mode = #tpu.pipeline_mode<synchronous>, transform_indices = @transform_4, window_bounds = array<i64: 64>}, {transform_indices = @transform_5, window_bounds = array<i64: 2048, 128>}, {pipeline_mode = #tpu.pipeline_mode<synchronous>, transform_indices = @transform_6, window_bounds = array<i64: 86, 3>}, {pipeline_mode = #tpu.pipeline_mode<synchronous>, transform_indices = @transform_7, window_bounds = array<i64: 3>}, {pipeline_mode = #tpu.pipeline_mode<synchronous>, transform_indices = @transform_8, window_bounds = array<i64: 64>}, {transform_indices = @transform_9, window_bounds = array<i64: 2048, 3>}]} {
    %get3A = arith.constant 0 : index
    %get3A_0 = arith.constant 0 : index
    %get3A_1 = vector.load %arg2[%get3A, %get3A_0] : memref<2048x3xf32, #tpu.memory_space<vmem>>, vector<2048x3xf32>
    %get3A_2 = arith.constant 0 : index
    %get3A_3 = arith.constant 0 : index
    %get3A_4 = vector.load %arg3[%get3A_2, %get3A_3] : memref<1x16xf32, #tpu.memory_space<vmem>>, vector<1x16xf32>
    %get3A_5 = arith.constant 0 : index
    %get3A_6 = arith.constant 0 : index
    %get3A_7 = vector.load %arg4[%get3A_5, %get3A_6] : memref<19x64xf32, #tpu.memory_space<vmem>>, vector<19x64xf32>
    %get3A_8 = arith.constant 0 : index
    %get3A_9 = vector.load %arg5[%get3A_8] : memref<64xf32, #tpu.memory_space<vmem>>, vector<64xf32>
    %slice3A = vector.extract_strided_slice %get3A_7 {offsets = [3, 0], sizes = [16, 64], strides = [1, 1]} : vector<19x64xf32> to vector<16x64xf32>
    %dot_general3A = arith.constant dense<0.000000e+00> : vector<1x64xf32>
    %dot_general3A_10 = tpu.matmul %get3A_4, %slice3A, %dot_general3A {dimension_numbers = #tpu.dot_dimension_numbers<[1], [0], [0], [1], [0, 0, 1, 1], [], []>, transpose_lhs_hint = false} : vector<1x16xf32>, vector<16x64xf32>, vector<1x64xf32> -> vector<1x64xf32>
    %broadcast_in_dim3A = vector.shape_cast %get3A_9 : vector<64xf32> to vector<1x64xf32>
    %add3A = arith.addf %dot_general3A_10, %broadcast_in_dim3A : vector<1x64xf32>
    %slice3A_11 = vector.extract_strided_slice %get3A_7 {offsets = [0, 0], sizes = [3, 64], strides = [1, 1]} : vector<19x64xf32> to vector<3x64xf32>
    %dot_general3A_12 = arith.constant dense<0.000000e+00> : vector<2048x64xf32>
    %dot_general3A_13 = tpu.matmul %get3A_1, %slice3A_11, %dot_general3A_12 {dimension_numbers = #tpu.dot_dimension_numbers<[1], [0], [0], [1], [0, 0, 1, 1], [], []>, transpose_lhs_hint = false} : vector<2048x3xf32>, vector<3x64xf32>, vector<2048x64xf32> -> vector<2048x64xf32>
    %add3A_14 = vector.broadcast %add3A : vector<1x64xf32> to vector<2048x64xf32>
    %add3A_15 = arith.addf %dot_general3A_13, %add3A_14 : vector<2048x64xf32>
    %max3A = arith.constant 0.000000e+00 : f32
    %max3A_16 = vector.broadcast %max3A : f32 to vector<2048x64xf32>
    %max3A_17 = arith.maximumf %add3A_15, %max3A_16 : vector<2048x64xf32>
    %get3A_18 = arith.constant 0 : index
    %get3A_19 = arith.constant 0 : index
    %get3A_20 = vector.load %arg6[%get3A_18, %get3A_19] : memref<2048x128xf32, #tpu.memory_space<vmem>>, vector<2048x128xf32>
    %slice3A_21 = vector.extract_strided_slice %get3A_20 {offsets = [0, 64], sizes = [2048, 1], strides = [1, 1]} : vector<2048x128xf32> to vector<2048x1xf32>
    %max3A_22 = arith.constant 1.000000e+00 : f32
    %max3A_23 = vector.broadcast %max3A_22 : f32 to vector<2048x1xf32>
    %max3A_24 = arith.maximumf %slice3A_21, %max3A_23 : vector<2048x1xf32>
    %slice3A_25 = vector.extract_strided_slice %get3A_20 {offsets = [0, 0], sizes = [2048, 64], strides = [1, 1]} : vector<2048x128xf32> to vector<2048x64xf32>
    %div3A = vector.broadcast %max3A_24 : vector<2048x1xf32> to vector<2048x64xf32>
    %div3A_26 = arith.divf %slice3A_25, %div3A : vector<2048x64xf32>
    %add3A_27 = arith.addf %max3A_17, %div3A_26 : vector<2048x64xf32>
    %max3A_28 = arith.constant 0.000000e+00 : f32
    %max3A_29 = vector.broadcast %max3A_28 : f32 to vector<2048x64xf32>
    %max3A_30 = arith.maximumf %add3A_27, %max3A_29 : vector<2048x64xf32>
    %get3A_31 = arith.constant 3 : index
    %get3A_32 = arith.constant 0 : index
    %get3A_33 = vector.load %arg7[%get3A_31, %get3A_32] : memref<86x3xf32, #tpu.memory_space<vmem>>, vector<64x3xf32>
    %dot_general3A_34 = arith.constant dense<0.000000e+00> : vector<2048x3xf32>
    %dot_general3A_35 = tpu.matmul %max3A_30, %get3A_33, %dot_general3A_34 {dimension_numbers = #tpu.dot_dimension_numbers<[1], [0], [0], [1], [0, 0, 1, 1], [], []>, transpose_lhs_hint = false} : vector<2048x64xf32>, vector<64x3xf32>, vector<2048x3xf32> -> vector<2048x3xf32>
    %get3A_36 = arith.constant 0 : index
    %get3A_37 = vector.load %arg9[%get3A_36] : memref<64xf32, #tpu.memory_space<vmem>>, vector<64xf32>
    %broadcast_in_dim3A_38 = vector.shape_cast %get3A_37 : vector<64xf32> to vector<1x64xf32>
    %get3A_39 = arith.constant 3 : index
    %get3A_40 = arith.constant 0 : index
    %get3A_41 = vector.load %arg7[%get3A_39, %get3A_40] : memref<86x3xf32, #tpu.memory_space<vmem>>, vector<64x3xf32>
    %dot_general3A_42 = arith.constant dense<0.000000e+00> : vector<1x3xf32>
    %dot_general3A_43 = tpu.matmul %broadcast_in_dim3A_38, %get3A_41, %dot_general3A_42 {dimension_numbers = #tpu.dot_dimension_numbers<[1], [0], [0], [1], [0, 0, 1, 1], [], []>, transpose_lhs_hint = false} : vector<1x64xf32>, vector<64x3xf32>, vector<1x3xf32> -> vector<1x3xf32>
    %get3A_44 = arith.constant 0 : index
    %get3A_45 = arith.constant 0 : index
    %get3A_46 = vector.load %arg1[%get3A_44, %get3A_45] : memref<2048x3xf32, #tpu.memory_space<vmem>>, vector<2048x3xf32>
    %get3A_47 = arith.constant 0 : index
    %get3A_48 = arith.constant 0 : index
    %get3A_49 = vector.load %arg2[%get3A_47, %get3A_48] : memref<2048x3xf32, #tpu.memory_space<vmem>>, vector<2048x3xf32>
    %get3A_50 = arith.constant 0 : index
    %get3A_51 = arith.constant 0 : index
    %get3A_52 = vector.load %arg7[%get3A_50, %get3A_51] : memref<86x3xf32, #tpu.memory_space<vmem>>, vector<3x3xf32>
    %dot_general3A_53 = arith.constant dense<0.000000e+00> : vector<2048x3xf32>
    %dot_general3A_54 = tpu.matmul %get3A_49, %get3A_52, %dot_general3A_53 {dimension_numbers = #tpu.dot_dimension_numbers<[1], [0], [0], [1], [0, 0, 1, 1], [], []>, transpose_lhs_hint = false} : vector<2048x3xf32>, vector<3x3xf32>, vector<2048x3xf32> -> vector<2048x3xf32>
    %get3A_55 = arith.constant 67 : index
    %get3A_56 = arith.constant 0 : index
    %get3A_57 = vector.load %arg7[%get3A_55, %get3A_56] : memref<86x3xf32, #tpu.memory_space<vmem>>, vector<3x3xf32>
    %dot_general3A_58 = arith.constant dense<0.000000e+00> : vector<2048x3xf32>
    %dot_general3A_59 = tpu.matmul %get3A_46, %get3A_57, %dot_general3A_58 {dimension_numbers = #tpu.dot_dimension_numbers<[1], [0], [0], [1], [0, 0, 1, 1], [], []>, transpose_lhs_hint = false} : vector<2048x3xf32>, vector<3x3xf32>, vector<2048x3xf32> -> vector<2048x3xf32>
    %add3A_60 = arith.addf %dot_general3A_54, %dot_general3A_59 : vector<2048x3xf32>
    %get3A_61 = arith.constant 0 : index
    %get3A_62 = arith.constant 0 : index
    %get3A_63 = vector.load %arg3[%get3A_61, %get3A_62] : memref<1x16xf32, #tpu.memory_space<vmem>>, vector<1x16xf32>
    %get3A_64 = arith.constant 70 : index
    %get3A_65 = arith.constant 0 : index
    %get3A_66 = vector.load %arg7[%get3A_64, %get3A_65] : memref<86x3xf32, #tpu.memory_space<vmem>>, vector<16x3xf32>
    %dot_general3A_67 = arith.constant dense<0.000000e+00> : vector<1x3xf32>
    %dot_general3A_68 = tpu.matmul %get3A_63, %get3A_66, %dot_general3A_67 {dimension_numbers = #tpu.dot_dimension_numbers<[1], [0], [0], [1], [0, 0, 1, 1], [], []>, transpose_lhs_hint = false} : vector<1x16xf32>, vector<16x3xf32>, vector<1x3xf32> -> vector<1x3xf32>
    %add3A_69 = vector.broadcast %dot_general3A_68 : vector<1x3xf32> to vector<2048x3xf32>
    %add3A_70 = arith.addf %add3A_60, %add3A_69 : vector<2048x3xf32>
    %get3A_71 = arith.constant 0 : index
    %get3A_72 = vector.load %arg8[%get3A_71] : memref<3xf32, #tpu.memory_space<vmem>>, vector<3xf32>
    %broadcast_in_dim3A_73 = vector.shape_cast %get3A_72 : vector<3xf32> to vector<1x3xf32>
    %add3A_74 = vector.broadcast %broadcast_in_dim3A_73 : vector<1x3xf32> to vector<2048x3xf32>
    %add3A_75 = arith.addf %add3A_70, %add3A_74 : vector<2048x3xf32>
    %mul3A = arith.mulf %get3A_46, %get3A_46 : vector<2048x3xf32>
    %reduce_sum3A = arith.constant dense<0.000000e+00> : vector<2048xf32>
    %reduce_sum3A_76 = vector.multi_reduction <add>, %mul3A, %reduce_sum3A [1] : vector<2048x3xf32> to vector<2048xf32>
    %broadcast_in_dim3A_77 = vector.shape_cast %reduce_sum3A_76 : vector<2048xf32> to vector<2048x1xf32>
    %sqrt3A = math.sqrt %broadcast_in_dim3A_77 : vector<2048x1xf32>
    %lt3A = arith.constant 6.000000e+02 : f32
    %lt3A_78 = vector.broadcast %lt3A : f32 to vector<2048x1xf32>
    %lt3A_79 = arith.cmpf olt, %sqrt3A, %lt3A_78 : vector<2048x1xf32>
    %broadcast_in_dim3A_80 = vector.shape_cast %lt3A_79 : vector<2048x1xi1> to vector<2048x1xi1>
    %broadcast_in_dim3A_81 = vector.broadcast %broadcast_in_dim3A_80 : vector<2048x1xi1> to vector<2048x3xi1>
    %broadcast_in_dim3A_82 = vector.shape_cast %dot_general3A_43 : vector<1x3xf32> to vector<1x3xf32>
    %broadcast_in_dim3A_83 = vector.broadcast %broadcast_in_dim3A_82 : vector<1x3xf32> to vector<2048x3xf32>
    %select_n3A = arith.select %broadcast_in_dim3A_81, %dot_general3A_35, %broadcast_in_dim3A_83 : vector<2048x3xi1>, vector<2048x3xf32>
    %add3A_84 = arith.addf %add3A_75, %select_n3A : vector<2048x3xf32>
    %swap3A = arith.constant 0 : index
    %swap3A_85 = arith.constant 0 : index
    %swap3A_86 = vector.load %arg10[%swap3A, %swap3A_85] : memref<2048x3xf32, #tpu.memory_space<vmem>>, vector<2048x3xf32>
    tpu.vector_store %arg10[%swap3A, %swap3A_85], %add3A_84 {strides = array<i32>} : memref<2048x3xf32, #tpu.memory_space<vmem>>, vector<2048x3xf32>,
    return
  }
  func.func @transform_0(%arg0: i32) -> (i32, i32) {
    %c0_i32 = arith.constant 0 : i32
    %c0_i32_0 = arith.constant 0 : i32
    return %arg0, %c0_i32 : i32, i32
  }
  func.func @transform_1(%arg0: i32) -> (i32, i32) {
    %c0_i32 = arith.constant 0 : i32
    %c0_i32_0 = arith.constant 0 : i32
    return %arg0, %c0_i32 : i32, i32
  }
  func.func @transform_2(%arg0: i32) -> (i32, i32) {
    %c0_i32 = arith.constant 0 : i32
    %c0_i32_0 = arith.constant 0 : i32
    %c0_i32_1 = arith.constant 0 : i32
    return %c0_i32, %c0_i32_0 : i32, i32
  }
  func.func @transform_3(%arg0: i32) -> (i32, i32) {
    %c0_i32 = arith.constant 0 : i32
    %c0_i32_0 = arith.constant 0 : i32
    %c0_i32_1 = arith.constant 0 : i32
    return %c0_i32, %c0_i32_0 : i32, i32
  }
  func.func @transform_4(%arg0: i32) -> i32 {
    %c0_i32 = arith.constant 0 : i32
    %c0_i32_0 = arith.constant 0 : i32
    return %c0_i32 : i32
  }
  func.func @transform_5(%arg0: i32) -> (i32, i32) {
    %c0_i32 = arith.constant 0 : i32
    %c0_i32_0 = arith.constant 0 : i32
    return %arg0, %c0_i32 : i32, i32
  }
  func.func @transform_6(%arg0: i32) -> (i32, i32) {
    %c0_i32 = arith.constant 0 : i32
    %c0_i32_0 = arith.constant 0 : i32
    %c0_i32_1 = arith.constant 0 : i32
    return %c0_i32, %c0_i32_0 : i32, i32
  }
  func.func @transform_7(%arg0: i32) -> i32 {
    %c0_i32 = arith.constant 0 : i32
    %c0_i32_0 = arith.constant 0 : i32
    return %c0_i32 : i32
  }
  func.func @transform_8(%arg0: i32) -> i32 {
    %c0_i32 = arith.constant 0 : i32
    %c0_i32_0 = arith.constant 0 : i32
    return %c0_i32 : i32
  }
  func.func @transform_9(%arg0: i32) -> (i32, i32) {
    %c0_i32 = arith.constant 0 : i32
    %c0_i32_0 = arith.constant 0 : i32
    return %arg0, %c0_i32 : i32, i32
  }
}

module attributes {stable_mosaic.version = 14 : i64} {
  func.func @_pre_kernel(%arg0: i32, %arg1: memref<2048x3xf32, #tpu.memory_space<vmem>>, %arg2: memref<1x16xf32, #tpu.memory_space<vmem>>, %arg3: memref<19x64xf32, #tpu.memory_space<vmem>>, %arg4: memref<64xf32, #tpu.memory_space<vmem>>, %arg5: memref<2048x128xf32, #tpu.memory_space<vmem>>) attributes {dimension_semantics = [#tpu.dimension_semantics<arbitrary>], iteration_bounds = array<i64: 129>, scalar_prefetch = 0 : i64, scratch_operands = 0 : i64, tpu.core_type = #tpu.core_type<tc>, window_params = [{transform_indices = @transform_0, window_bounds = array<i64: 2048, 3>}, {pipeline_mode = #tpu.pipeline_mode<synchronous>, transform_indices = @transform_1, window_bounds = array<i64: 1, 16>}, {pipeline_mode = #tpu.pipeline_mode<synchronous>, transform_indices = @transform_2, window_bounds = array<i64: 19, 64>}, {pipeline_mode = #tpu.pipeline_mode<synchronous>, transform_indices = @transform_3, window_bounds = array<i64: 64>}, {transform_indices = @transform_4, window_bounds = array<i64: 2048, 128>}]} {
    %get3A = arith.constant 0 : index
    %get3A_0 = arith.constant 0 : index
    %get3A_1 = vector.load %arg1[%get3A, %get3A_0] : memref<2048x3xf32, #tpu.memory_space<vmem>>, vector<2048x3xf32>
    %get3A_2 = arith.constant 0 : index
    %get3A_3 = arith.constant 0 : index
    %get3A_4 = vector.load %arg2[%get3A_2, %get3A_3] : memref<1x16xf32, #tpu.memory_space<vmem>>, vector<1x16xf32>
    %get3A_5 = arith.constant 0 : index
    %get3A_6 = arith.constant 0 : index
    %get3A_7 = vector.load %arg3[%get3A_5, %get3A_6] : memref<19x64xf32, #tpu.memory_space<vmem>>, vector<19x64xf32>
    %get3A_8 = arith.constant 0 : index
    %get3A_9 = vector.load %arg4[%get3A_8] : memref<64xf32, #tpu.memory_space<vmem>>, vector<64xf32>
    %slice3A = vector.extract_strided_slice %get3A_7 {offsets = [3, 0], sizes = [16, 64], strides = [1, 1]} : vector<19x64xf32> to vector<16x64xf32>
    %dot_general3A = arith.constant dense<0.000000e+00> : vector<1x64xf32>
    %dot_general3A_10 = tpu.matmul %get3A_4, %slice3A, %dot_general3A {dimension_numbers = #tpu.dot_dimension_numbers<[1], [0], [0], [1], [0, 0, 1, 1], [], []>, transpose_lhs_hint = false} : vector<1x16xf32>, vector<16x64xf32>, vector<1x64xf32> -> vector<1x64xf32>
    %broadcast_in_dim3A = vector.shape_cast %get3A_9 : vector<64xf32> to vector<1x64xf32>
    %add3A = arith.addf %dot_general3A_10, %broadcast_in_dim3A : vector<1x64xf32>
    %slice3A_11 = vector.extract_strided_slice %get3A_7 {offsets = [0, 0], sizes = [3, 64], strides = [1, 1]} : vector<19x64xf32> to vector<3x64xf32>
    %dot_general3A_12 = arith.constant dense<0.000000e+00> : vector<2048x64xf32>
    %dot_general3A_13 = tpu.matmul %get3A_1, %slice3A_11, %dot_general3A_12 {dimension_numbers = #tpu.dot_dimension_numbers<[1], [0], [0], [1], [0, 0, 1, 1], [], []>, transpose_lhs_hint = false} : vector<2048x3xf32>, vector<3x64xf32>, vector<2048x64xf32> -> vector<2048x64xf32>
    %add3A_14 = vector.broadcast %add3A : vector<1x64xf32> to vector<2048x64xf32>
    %add3A_15 = arith.addf %dot_general3A_13, %add3A_14 : vector<2048x64xf32>
    %max3A = arith.constant 0.000000e+00 : f32
    %max3A_16 = vector.broadcast %max3A : f32 to vector<2048x64xf32>
    %max3A_17 = arith.maximumf %add3A_15, %max3A_16 : vector<2048x64xf32>
    %broadcast_in_dim3A_18 = arith.constant 1.000000e+00 : f32
    %broadcast_in_dim3A_19 = vector.broadcast %broadcast_in_dim3A_18 : f32 to vector<2048x1xf32>
    %broadcast_in_dim3A_20 = arith.constant 0.000000e+00 : f32
    %broadcast_in_dim3A_21 = vector.broadcast %broadcast_in_dim3A_20 : f32 to vector<2048x63xf32>
    %concatenate3A = tpu.concatenate %broadcast_in_dim3A_19, %broadcast_in_dim3A_21 in 1 : vector<2048x1xf32>, vector<2048x63xf32> -> vector<2048x64xf32>
    %concatenate3A_22 = tpu.concatenate %max3A_17, %concatenate3A in 1 : vector<2048x64xf32>, vector<2048x64xf32> -> vector<2048x128xf32>
    %swap3A = arith.constant 0 : index
    %swap3A_23 = arith.constant 0 : index
    %swap3A_24 = vector.load %arg5[%swap3A, %swap3A_23] : memref<2048x128xf32, #tpu.memory_space<vmem>>, vector<2048x128xf32>
    tpu.vector_store %arg5[%swap3A, %swap3A_23], %concatenate3A_22 {strides = array<i32>} : memref<2048x128xf32, #tpu.memory_space<vmem>>, vector<2048x128xf32>,
    return
  }
  func.func @transform_0(%arg0: i32) -> (i32, i32) {
    %c0_i32 = arith.constant 0 : i32
    %c0_i32_0 = arith.constant 0 : i32
    return %arg0, %c0_i32 : i32, i32
  }
  func.func @transform_1(%arg0: i32) -> (i32, i32) {
    %c0_i32 = arith.constant 0 : i32
    %c0_i32_0 = arith.constant 0 : i32
    %c0_i32_1 = arith.constant 0 : i32
    return %c0_i32, %c0_i32_0 : i32, i32
  }
  func.func @transform_2(%arg0: i32) -> (i32, i32) {
    %c0_i32 = arith.constant 0 : i32
    %c0_i32_0 = arith.constant 0 : i32
    %c0_i32_1 = arith.constant 0 : i32
    return %c0_i32, %c0_i32_0 : i32, i32
  }
  func.func @transform_3(%arg0: i32) -> i32 {
    %c0_i32 = arith.constant 0 : i32
    %c0_i32_0 = arith.constant 0 : i32
    return %c0_i32 : i32
  }
  func.func @transform_4(%arg0: i32) -> (i32, i32) {
    %c0_i32 = arith.constant 0 : i32
    %c0_i32_0 = arith.constant 0 : i32
    return %arg0, %c0_i32 : i32, i32
  }
}

</mosaic_0001>

<sc_bundles>
// kernel: kernel.7.cloned.1.call-start
scs
__scs_entry_jumppad:
0x0: {  	(pc) =	sbr.rel $0x88, $3  }
0x1: {  	(tag) =	ssettag $0x0;
	lr =	simm.s32 $0x1  }
0x2: {  	[smem:$0x3F99] =	sst lr;
	_ =	strace $0xD0000000  }
0x3: {  	_ = 	snop  }
0x4: {  	_ = 	snop  }
0x5: {  	_ = 	snop  }
0x6: {  	_ = 	snop  }
0x7: {  	_ = 	snop  }
__scs_overlays_trampoline_lowered:
0x8: {  	[smem:$0x3FA8] =	sst s0  }
0x9: {  	[smem:$0x3FA9] =	sst s1  }
0xa: {  	[smem:$0x3FAA] =	sst s2  }
0xb: {  	[smem:$0x3FAB] =	sst s3  }
0xc: {  	[smem:$0x3FAC] =	sst s4  }
0xd: {  	[smem:$0x3FAD] =	sst s5  }
0xe: {  	[smem:$0x3FAE] =	sst s6  }
0xf: {  	[smem:$0x3FAF] =	sst s7  }
0x10: {  	[smem:$0x3FB0] =	sst s8  }
0x11: {  	[smem:$0x3FB1] =	sst s9;
	s0 =	simm.s32 @!p0 $0x0  }
0x12: {  	s1 =	sld [smem:$0x3F97];
	s0 =	simm.s32 @p0 $0x1  }
0x13: {  	[smem:$0x3FB2] =	sst s0;
	s0 =	simm.s32 @!p1 $0x0  }
0x14: {  	s2 =	sld [smem:$0x3F96];
	s0 =	simm.s32 @p1 $0x1  }
0x15: {  	[smem:$0x3FB3] =	sst s0;
	s0 =	simm.s32 @!p2 $0x0  }
0x16: {  	s3 =	sld [smem:$0x3FDB];
	s0 =	simm.s32 @p2 $0x1  }
0x17: {  	s4 =	simm.s32 $0x1BF5;
	[smem:$0x3FB5] =	sst s0  }
0x18: {  	s0 =	sld [smem:$0x3F98];
	_ =	swait.ge [sflag:s4], $0x0  }
0x19: {  	s7 =	sld [smem:$0x3F99]  }
0x1a: {  	s8 =	sadd.s32 $0xFFFFE003, lr  }
0x1b: {  	s9 =	sadd.s32 $0xFFFFFEF7, lr;
	s5 =	simm.s32 $0xFFFFFFFF;
	p2 =	slt.u32 s8, $0xFFFFF086  }
0x1c: {  	p1 =	slt.u32 s9, $0xF7A;
	s5 =	simm.s32 @!p2 $0x0  }
0x1d: {  	s5 =	simm.s32 @p1 $0x1;
	p0 =	seq.s32 s7, s2  }
0x1e: {  	s7 =	smul.u32 @!p0 $0xF7A, s2;
	p2 =	seq.s32 @!p0 s5, $0x0  }
0x1f: {  	s9 =	smul.u32 $0xF7A, s1;
	s8 =	simm.s32 @!p0 $0x1BF5;
	p2 =	por !p2, p0  }
0x20: {  	[sflag:s8] =	ssyncset.s32 @!p0 $0xFFFFF086;
	s6 =	sadd.s32 @!p0 s3, s7;
	s7 =	simm.s32 @!p0 $0x108  }
0x21: {  	s3 =	sadd.s32 s3, s9;
	s6 =	sadd.s32 @!p0 $0x88, s6;
	s7 =	simm.s32 @p2 $0x1082  }
0x22: {  	[simem:s7], [sflag:s8] =	dma.local @!p0 [hbm:s6], $0xF7A  }
0x23: {  	s9 =	sor.u32 $0xD0000000, s2;
	s6 =	simm.s32 $0x108;
	_ =	swait.ge @!p0 [sflag:s8], $0x0  }
0x24: {  	s3 =	sadd.s32 $0x88, s3;
	s6 =	simm.s32 @!p1 $0x1082;
	[sflag:s4] =	ssyncset.s32 $0xFFFFF086  }
0x25: {  	[simem:s6], [sflag:s4] =	dma.local [hbm:s3], $0xF7A  }
0x26: {  	[smem:$0x3F99] =	sst s1;
	(tag) =	ssettag s2;
	_ =	strace s9  }
0x27: {  	s1 =	sld [smem:$0x3FA9]  }
0x28: {  	s2 =	sld [smem:$0x3FAA]  }
0x29: {  	s4 =	sld [smem:$0x3FAC]  }
0x2a: {  	p0 =	seq.s32 s5, $0x0;
	s5 =	sld [smem:$0x3FAD]  }
0x2b: {  	s6 =	sld [smem:$0x3FAE]  }
0x2c: {  	s7 =	sld [smem:$0x3FAF]  }
0x2d: {  	s3 =	simm.s32 $0x108;
	s8 =	sld [smem:$0x3FB0]  }
0x2e: {  	s3 =	simm.s32 @!p0 $0x1082;
	s9 =	sld [smem:$0x3FB1]  }
0x2f: {  	lr =	sadd.s32 s0, s3;
	s0 =	sld [smem:$0x3FA8]  }
0x30: {  	s3 =	sld [smem:$0x3FAB]  }
0x31: {  	[smem:$0x3FB4] =	sst s10  }
0x32: {  	s10 =	sld [smem:$0x3FB2];
	_ =	sdelay $0x3  }
0x33: {  	p0 =	seq.s32 s10, $0x1;
	s10 =	sld [smem:$0x3FB4];
	_ =	sdelay $0x3  }
0x34: {  	[smem:$0x3FB4] =	sst s10  }
0x35: {  	s10 =	sld [smem:$0x3FB3];
	_ =	sdelay $0x3  }
0x36: {  	p1 =	seq.s32 s10, $0x1;
	s10 =	sld [smem:$0x3FB4];
	_ =	sdelay $0x3  }
0x37: {  	[smem:$0x3FB4] =	sst s10  }
0x38: {  	s10 =	sld [smem:$0x3FB5]  }
0x39: {  	_ = 	snop;
	(pc) =	sbr.ind lr, $3  }
0x3a: {  	_ = 	snop  }
0x3b: {  	_ = 	snop  }
0x3c: {  	p2 =	seq.s32 s10, $0x1;
	s10 =	sld [smem:$0x3FB4]  }
0x3d: {  	_ =	shalt  }
0x3e: {  	_ =	shalt  }
0x3f: {  	_ =	shalt  }
0x40: {  	_ =	shalt  }
0x41: {  	_ =	shalt  }
0x42: {  	_ =	shalt  }
0x43: {  	_ =	shalt  }
0x44: {  	_ =	shalt  }
0x45: {  	_ =	shalt  }
0x46: {  	_ =	shalt  }
0x47: {  	_ =	shalt  }
0x48: {  	_ =	shalt  }
0x49: {  	_ =	shalt  }
0x4a: {  	_ =	shalt  }
0x4b: {  	_ =	shalt  }
0x4c: {  	_ =	shalt  }
0x4d: {  	_ =	shalt  }
0x4e: {  	_ =	shalt  }
0x4f: {  	_ =	shalt  }
0x50: {  	_ =	shalt  }
0x51: {  	_ =	shalt  }
0x52: {  	_ =	shalt  }
0x53: {  	_ =	shalt  }
0x54: {  	_ =	shalt  }
0x55: {  	_ =	shalt  }
0x56: {  	_ =	shalt  }
0x57: {  	_ =	shalt  }
0x58: {  	_ =	shalt  }
0x59: {  	_ =	shalt  }
0x5a: {  	_ =	shalt  }
0x5b: {  	_ =	shalt  }
0x5c: {  	_ =	shalt  }
0x5d: {  	_ =	shalt  }
0x5e: {  	_ =	shalt  }
0x5f: {  	_ =	shalt  }
0x60: {  	_ =	shalt  }
0x61: {  	_ =	shalt  }
0x62: {  	_ =	shalt  }
0x63: {  	_ =	shalt  }
0x64: {  	_ =	shalt  }
0x65: {  	_ =	shalt  }
0x66: {  	_ =	shalt  }
0x67: {  	_ =	shalt  }
0x68: {  	_ =	shalt  }
0x69: {  	_ =	shalt  }
0x6a: {  	_ =	shalt  }
0x6b: {  	_ =	shalt  }
0x6c: {  	_ =	shalt  }
0x6d: {  	_ =	shalt  }
0x6e: {  	_ =	shalt  }
0x6f: {  	_ =	shalt  }
0x70: {  	_ =	shalt  }
0x71: {  	_ =	shalt  }
0x72: {  	_ =	shalt  }
0x73: {  	_ =	shalt  }
0x74: {  	_ =	shalt  }
0x75: {  	_ =	shalt  }
0x76: {  	_ =	shalt  }
0x77: {  	_ =	shalt  }
0x78: {  	_ =	shalt  }
0x79: {  	_ =	shalt  }
0x7a: {  	_ =	shalt  }
0x7b: {  	_ =	shalt  }
0x7c: {  	_ =	shalt  }
0x7d: {  	_ =	shalt  }
0x7e: {  	_ =	shalt  }
0x7f: {  	_ =	shalt  }
0x80: {  	_ =	shalt  }
0x81: {  	_ =	shalt  }
0x82: {  	_ =	shalt  }
0x83: {  	_ =	shalt  }
0x84: {  	_ =	shalt  }
0x85: {  	_ =	shalt  }
0x86: {  	_ =	shalt  }
0x87: {  	_ =	shalt  }
.Lfunc_end0:
.L_simem_size_0:
called_computation_lowered:
.L_overlay_start_0:
0x88: {  	s2 =	sld [smem:$0x3FD9]  }
0x89: {  	s3 =	sld [smem:$0x3FFE];
	_ =	sdelay $0x1  }
0x8a: {  	s1 =	srdreg.scid  }
0x8b: {  	s0 =	sand.u32 $0x1, s1  }
0x8c: {  	s17 =	sshll.u32 s0, $0xA;
	s2 =	sadd.s32 s3, s2  }
0x8d: {  	s2 =	sadd.s32 s2, s17  }
0x8e: {  	[smem:$0x3FC0] =	sst s2  }
0x8f: {  	_ = 	snop  }
0x90: {  	s2 =	sld [smem:$0x3FD0];
	(tm) =	ssettm $0x1  }
0x91: {  	s18 =	sld [smem:$0x3FFB];
	_ =	sdelay $0x3  }
0x92: {  	_ =	strace s18  }
0x93: {  	s3 =	sld [smem:$0x3FFC];
	_ =	sdelay $0x3  }
0x94: {  	_ =	strace s3  }
0x95: {  	s3 =	sld [smem:$0x3FFD];
	_ =	sdelay $0x3  }
0x96: {  	_ =	strace s3  }
0x97: {  	_ =	strace $0x8FFFFFFF  }
0x98: {  	s19 =	sld [smem:$0x3FDB];
	_ =	sdelay $0x1  }
0x99: {  	s4 =	simm.s32 $_scs_section_size  }
0x9a: {  	s5 =	simm.s32 $_size__tile_overlayer_lowered;
	s6 =	simm.s32 $_tile_overlayer_lowered  }
0x9b: {  	s22 =	simm.s32 $0x1BFF;
	s21 =	sshll.u32 s6, $0x1;
	s3 =	sadd.s32 s4, s19  }
0x9c: {  	s7 =	simm.s32 $0x0;
	s20 =	sshll.u32 s5, $0x1;
	s5 =	sadd.s32 s21, s3  }
0x9d: {  	[timem:s7], [sflag:s22] =	dma.local [hbm:s5], s20  }
0x9e: {  	_ =	swait.ge [sflag:s22], s20  }
0x9f: {  	s4 =	ssub.s32 $0x0, s20;
	[sflag:s22] =	ssyncset.done $0x0  }
0xa0: {  	[sflag:s22] =	ssyncadd.s32 s4;
	_ =	sdelay $0x1  }
0xa1: {  	s23 =	simm.s32 $0x1B8B  }
0xa2: {  	_ =	swait.ge [sflag:s23], $0x1  }
0xa3: {  	[sflag:s23] =	ssyncset.done $0x0  }
0xa4: {  	s25 =	simm.s32 $0x1B8E;
	s24 =	sld [smem:$0x3FFE];
	[sflag:s23] =	ssyncadd.s32 $0xFFFFFFFF  }
0xa5: {  	s26 =	simm.s32 $execute0_lowered;
	[smem:$0x3FD2] =	sst s25  }
0xa6: {  	s5 =	sshll.u32 s26, $0x1;
	_ =	strace $0x80000046;
	[dreg:$0x1] =	wrdreg $0xFFFFFFFF  }
0xa7: {  	s28 =	simm.s32 $_size_execute0_lowered;
	s3 =	sadd.s32 s3, s5;
	[dreg:$0x0] =	wrdreg $0x0  }
0xa8: {  	s5 =	sshll.u32 s28, $0x1;
	[dreg:$0x2] =	wrdreg s3  }
0xa9: {  	[dreg:$0x3] =	wrdreg s5  }
0xaa: {  	[dreg:$0x4] =	wrdreg $0xC0  }
0xab: {  	_ =	task [dreg:s7], $0x5FFFF  }
0xac: {  	[dreg:$0x1] =	wrdreg $0xFFFFFFFF  }
0xad: {  	[dreg:$0x0] =	wrdreg $0x60  }
0xae: {  	[dreg:$0x2] =	wrdreg s24  }
0xaf: {  	[dreg:$0x3] =	wrdreg s2  }
0xb0: {  	[dreg:$0x4] =	wrdreg $0xE8000  }
0xb1: {  	[dreg:$0x5] =	wrdreg $0x9  }
0xb2: {  	_ =	task.clear_ibuf [dreg:s7], $0x6FFFF;
	_ =	strace $0x90000046  }
0xb3: {  	s29 =	simm.s32 $0x9;
	_ =	strace $0x80000048  }
0xb4: {  	_ =	swait.ge [sflag:s29], $0x1  }
0xb5: {  	[sflag:s29] =	ssyncadd.s32 $0xFFFFFFFF  }
0xb6: {  	_ =	strace $0x90000048  }
0xb7: {  	_ =	sfence  }
0xb8: {  	s30 =	sld [smem:$0x0];
	_ =	sdelay $0x2  }
0xb9: {  	s31 =	sshll.u32 s1, $0xD;
	s1 =	sshrl.u32 s1, $0x2  }
0xba: {  	s3 =	sand.u32 $0x4000, s31;
	s1 =	sadd.s32 s1, s30  }
0xbb: {  	s0 =	sor.u32 s3, s0;
	s1 =	sshll.u32 s1, $0x11  }
0xbc: {  	s0 =	sor.u32 s1, s0  }
0xbd: {  	s0 =	sadd.s32 $0x8F2B, s0  }
0xbe: {  	[sflag:s0] =	ssyncadd.remote.s32 $0x1  }
0xbf: {  	_ =	sfence.sel $0xFFFF  }
0xc0: {  	[dreg:$0x0] =	wrdreg $0xFFFFFFFF;
	(pc) =	sbr.abs _section_cstart, $3  }
0xc1: {  	[dreg:$0x1] =	wrdreg $0xFFFFFFFF  }
0xc2: {  	_ =	task.clear_ibuf [dreg:s7], $0x2FFFF;
	_ =	strace $0x9FFFFFFF  }
0xc3: {  	(tm) =	ssettm $0x7FFFFFFF  }
tec
execute0_lowered:
.L_overlay_start_1:
0x0: {  	(tag) =	ssettag $0x1  }
0x1: {  	s0 =	rddreg [dreg:$0x0]  }
0x2: {  	s21 =	rddreg [dreg:$0x1];
	s5 =	simm.s32 $0x0  }
0x3: {  	[smem:$0x7FF] =	sst s5  }
0x4: {  	s2 =	rddreg [dreg:$0x2];
	v0 =	vimm.s32 $0x0;
	_ =	strace $0x80000047  }
0x5: {  	(xrf0) =	vadd.scan.msk.s32 $0xffff, v0;
	_ =	sdelay $0x5  }
0x6: {  	v1, _, _ =	vpop (xrf0)  }
0x7: {  	(v2sf) =	vpush v1, $0xF;
	_ =	sdelay $0xa  }
0x8: {  	s1 =	srdreg.scid;
	s10 =	stileid.u32  }
0x9: {  	s13 =	sand.u32 $0x1, s1;
	s6 =	sadd.s32 $0xC09000, s0;
	s7 =	sadd.s32 $0x1411800, s0  }
0xa: {  	s8 =	sadd.s32 $0x1011000, s0;
	s25 =	smul.u32 $0x208, s10;
	s0 =	sadd.s32 $0x1012880, s0  }
0xb: {  	s4 =	smul.u32 $0x41000, s10;
	s1 =	ssub.s32 $0x2, s13;
	[dreg:$0x7] =	wrdreg s0  }
0xc: {  	s3 =	sshrl.u32 s1, $0x1;
	[dreg:$0x5] =	wrdreg s25;
	s11 =	spop (v2sf)  }
0xd: {  	s26 =	sshrl.u32 s4, $0x2;
	s1 =	ssub.s32 s1, s3;
	s14 =	sadd.s32 $0x7F, s11  }
0xe: {  	s15 =	smax.u32 s1, $0x1;
	[dreg:$0x6] =	wrdreg s14;
	s14 =	sadd.s32 s26, s2  }
0xf: {  	[dreg:$0x8] =	wrdreg s15;
	s16 =	sadd.s32 $0xA00, s14  }
0x10: {  	s17 =	sadd.s32 $0x1400, s14;
	[dreg:$0x9] =	wrdreg s16  }
0x11: {  	s18 =	sadd.s32 $0x1E00, s14;
	[dreg:$0xa] =	wrdreg s17  }
0x12: {  	s19 =	sadd.s32 $0x2800, s14;
	[dreg:$0xb] =	wrdreg s18  }
0x13: {  	s20 =	sadd.s32 $0x3200, s14;
	[dreg:$0xc] =	wrdreg s19  }
0x14: {  	s22 =	sadd.s32 $0x3C00, s14;
	[dreg:$0xd] =	wrdreg s20  }
0x15: {  	s23 =	sadd.s32 $0x4600, s14;
	[dreg:$0xe] =	wrdreg s22  }
0x16: {  	s24 =	sadd.s32 $0x5000, s14;
	[dreg:$0xf] =	wrdreg s23  }
0x17: {  	s25 =	sadd.s32 $0x5A00, s14;
	[dreg:$0x10] =	wrdreg s24  }
0x18: {  	s26 =	sadd.s32 $0x6400, s14;
	[dreg:$0x12] =	wrdreg s25  }
0x19: {  	s1 =	sadd.s32 $0x6E00, s14;
	[dreg:$0x13] =	wrdreg s26  }
0x1a: {  	s9 =	sshll.u32 s10, $0xE;
	s4 =	sadd.s32 $0x8200, s14;
	[dreg:$0x14] =	wrdreg s1  }
0x1b: {  	p0 =	seq.s32 s10, $0xF;
	s10 =	sadd.s32 $0x8C00, s14;
	[dreg:$0x16] =	wrdreg s4  }
0x1c: {  	s3 =	sadd.s32 $0xC400, s14;
	s15 =	sadd.s32 $0x9600, s14;
	[dreg:$0x17] =	wrdreg s10  }
0x1d: {  	s0 =	sshrl.u32 @!p0 s3, $0x3;
	[dreg:$0x18] =	wrdreg s15  }
0x1e: {  	s28 =	simm.s32 $0x3;
	s3 =	sadd.s32 $0x7800, s14;
	[dreg:$0x11] =	wrdreg s0  }
0x1f: {  	s29 =	simm.s32 $0x1;
	s16 =	sadd.s32 $0xA000, s14;
	[dreg:$0x15] =	wrdreg s3  }
0x20: {  	s30 =	simm.s32 $0x80;
	s17 =	sadd.s32 $0xAA00, s14;
	[dreg:$0x19] =	wrdreg s16  }
0x21: {  	s31 =	simm.s32 $0x5880;
	s18 =	sadd.s32 $0xB400, s14;
	[dreg:$0x1a] =	wrdreg s17  }
0x22: {  	s12 =	smov.u32 s11;
	s19 =	sadd.s32 $0xBE00, s14;
	[dreg:$0x1b] =	wrdreg s18  }
0x23: {  	s11 =	smov.u32 s13;
	s20 =	sadd.s32 $0xC800, s14;
	[dreg:$0x1c] =	wrdreg s19  }
0x24: {  	s13 =	sshll.u32 s13, $0xD;
	s22 =	sadd.s32 $0xD200, s14;
	[dreg:$0x1d] =	wrdreg s20  }
0x25: {  	s23 =	sadd.s32 $0xDC00, s14;
	s24 =	sadd.s32 $0xE600, s14;
	[dreg:$0x1e] =	wrdreg s22  }
0x26: {  	s25 =	sadd.s32 $0xF000, s14;
	s26 =	sadd.s32 $0xFA00, s14;
	[dreg:$0x1f] =	wrdreg s23  }
.Ltmp0:
0x27: {  	s1 =	simm.s32 $0x5980;
	[smem:$0x7FB] =	sst s24;
	(pc) =	sbr.rel .LBB2_1-.Ltmp0, $4  }
0x28: {  	s4 =	simm.s32 $0x2;
	s10 =	simm.s32 $0x5A00;
	[smem:$0x7FC] =	sst s25  }
0x29: {  	[smem:$0x7FD] =	sst s26;
	s22 =	simm.s32 $0x4;
	s23 =	simm.s32 $0xE680  }
0x2a: {  	v1 =	vlaneseq.u32;
	s24 =	simm.s32 $0xE780;
	s25 =	simm.s32 $0x800;
	s26 =	simm.s32 $0xDA80  }
0x2b: {  	v2 =	vimm.f32 $0.0e+00;
	v3 =	vimm.s32 $0x80000000;
	v4 =	vor.u32 $0x10, v1;
	s0 =	simm.s32 $0x5A80;
	s16 =	simm.s32 $0x5900;
	s3 =	simm.s32 $0x9A80  }
.LBB2_25:
0x2c: {  	s5 =	rddreg [dreg:$0x4]  }
0x2d: {  	s15 =	rddreg [dreg:$0x8];
	s5 =	sadd.s32 $0x1, s5  }
0x2e: {  	p1 =	sne.s32 s5, s15  }
.Ltmp1:
0x2f: {  	_ = 	snop;
	(pc) =	sbr.rel @!p1 .LBB2_26-.Ltmp1, $2  }
0x30: {  	_ =	sdelay $0x2  }
0x31: {  	s21 =	rddreg [dreg:$0x1]  }
.LBB2_1:
0x32: {  	[tilespmem:$0xDA80] =	vst v2  }
0x33: {  	[tilespmem:$0xDA90] =	vst v2  }
0x34: {  	[tilespmem:$0xDAA0] =	vst v2  }
0x35: {  	[tilespmem:$0xDAB0] =	vst v2  }
0x36: {  	[tilespmem:$0xDAC0] =	vst v2  }
0x37: {  	[tilespmem:$0xDAD0] =	vst v2  }
0x38: {  	[tilespmem:$0xDAE0] =	vst v2  }
0x39: {  	[tilespmem:$0xDAF0] =	vst v2  }
0x3a: {  	[tilespmem:$0xDB00] =	vst v2  }
0x3b: {  	[tilespmem:$0xDB10] =	vst v2  }
0x3c: {  	[tilespmem:$0xDB20] =	vst v2  }
0x3d: {  	[tilespmem:$0xDB30] =	vst v2  }
0x3e: {  	[tilespmem:$0xDB40] =	vst v2  }
0x3f: {  	[tilespmem:$0xDB50] =	vst v2  }
0x40: {  	[tilespmem:$0xDB60] =	vst v2  }
0x41: {  	[tilespmem:$0xDB70] =	vst v2  }
0x42: {  	[tilespmem:$0xDB80] =	vst v2  }
0x43: {  	[tilespmem:$0xDB90] =	vst v2  }
0x44: {  	[tilespmem:$0xDBA0] =	vst v2  }
0x45: {  	[tilespmem:$0xDBB0] =	vst v2  }
0x46: {  	[tilespmem:$0xDBC0] =	vst v2  }
0x47: {  	[tilespmem:$0xDBD0] =	vst v2  }
0x48: {  	[tilespmem:$0xDBE0] =	vst v2  }
0x49: {  	[tilespmem:$0xDBF0] =	vst v2  }
0x4a: {  	[tilespmem:$0xDC00] =	vst v2  }
0x4b: {  	[tilespmem:$0xDC10] =	vst v2  }
0x4c: {  	[tilespmem:$0xDC20] =	vst v2  }
0x4d: {  	[tilespmem:$0xDC30] =	vst v2  }
0x4e: {  	[tilespmem:$0xDC40] =	vst v2  }
0x4f: {  	[tilespmem:$0xDC50] =	vst v2  }
0x50: {  	[tilespmem:$0xDC60] =	vst v2  }
0x51: {  	[tilespmem:$0xDC70] =	vst v2  }
0x52: {  	[tilespmem:$0xDC80] =	vst v2  }
0x53: {  	[tilespmem:$0xDC90] =	vst v2  }
0x54: {  	[tilespmem:$0xDCA0] =	vst v2  }
0x55: {  	[tilespmem:$0xDCB0] =	vst v2  }
0x56: {  	[tilespmem:$0xDCC0] =	vst v2  }
0x57: {  	[tilespmem:$0xDCD0] =	vst v2  }
0x58: {  	[tilespmem:$0xDCE0] =	vst v2  }
0x59: {  	[tilespmem:$0xDCF0] =	vst v2  }
0x5a: {  	[tilespmem:$0xDD00] =	vst v2  }
0x5b: {  	[tilespmem:$0xDD10] =	vst v2  }
0x5c: {  	[tilespmem:$0xDD20] =	vst v2  }
0x5d: {  	[tilespmem:$0xDD30] =	vst v2  }
0x5e: {  	[tilespmem:$0xDD40] =	vst v2  }
0x5f: {  	[tilespmem:$0xDD50] =	vst v2  }
0x60: {  	[tilespmem:$0xDD60] =	vst v2  }
0x61: {  	[tilespmem:$0xDD70] =	vst v2  }
0x62: {  	[tilespmem:$0xDD80] =	vst v2  }
0x63: {  	[tilespmem:$0xDD90] =	vst v2  }
0x64: {  	[tilespmem:$0xDDA0] =	vst v2  }
0x65: {  	[tilespmem:$0xDDB0] =	vst v2  }
0x66: {  	[tilespmem:$0xDDC0] =	vst v2  }
0x67: {  	[tilespmem:$0xDDD0] =	vst v2  }
0x68: {  	[tilespmem:$0xDDE0] =	vst v2  }
0x69: {  	[tilespmem:$0xDDF0] =	vst v2  }
0x6a: {  	[tilespmem:$0xDE00] =	vst v2  }
0x6b: {  	[tilespmem:$0xDE10] =	vst v2  }
0x6c: {  	[tilespmem:$0xDE20] =	vst v2  }
0x6d: {  	[tilespmem:$0xDE30] =	vst v2  }
0x6e: {  	[tilespmem:$0xDE40] =	vst v2  }
0x6f: {  	[tilespmem:$0xDE50] =	vst v2  }
0x70: {  	[tilespmem:$0xDE60] =	vst v2  }
0x71: {  	[tilespmem:$0xDE70] =	vst v2  }
0x72: {  	[tilespmem:$0xDE80] =	vst v2  }
0x73: {  	[tilespmem:$0xDE90] =	vst v2  }
0x74: {  	[tilespmem:$0xDEA0] =	vst v2  }
0x75: {  	[tilespmem:$0xDEB0] =	vst v2  }
0x76: {  	[tilespmem:$0xDEC0] =	vst v2  }
0x77: {  	[tilespmem:$0xDED0] =	vst v2  }
0x78: {  	[tilespmem:$0xDEE0] =	vst v2  }
0x79: {  	[tilespmem:$0xDEF0] =	vst v2  }
0x7a: {  	[tilespmem:$0xDF00] =	vst v2  }
0x7b: {  	[tilespmem:$0xDF10] =	vst v2  }
0x7c: {  	[tilespmem:$0xDF20] =	vst v2  }
0x7d: {  	[tilespmem:$0xDF30] =	vst v2  }
0x7e: {  	[tilespmem:$0xDF40] =	vst v2  }
0x7f: {  	[tilespmem:$0xDF50] =	vst v2  }
0x80: {  	[tilespmem:$0xDF60] =	vst v2  }
0x81: {  	[tilespmem:$0xDF70] =	vst v2  }
0x82: {  	[tilespmem:$0xDF80] =	vst v2  }
0x83: {  	[tilespmem:$0xDF90] =	vst v2  }
0x84: {  	[tilespmem:$0xDFA0] =	vst v2  }
0x85: {  	[tilespmem:$0xDFB0] =	vst v2  }
0x86: {  	[tilespmem:$0xDFC0] =	vst v2  }
0x87: {  	[tilespmem:$0xDFD0] =	vst v2  }
0x88: {  	[tilespmem:$0xDFE0] =	vst v2  }
0x89: {  	[tilespmem:$0xDFF0] =	vst v2  }
0x8a: {  	[tilespmem:$0xE000] =	vst v2  }
0x8b: {  	[tilespmem:$0xE010] =	vst v2  }
0x8c: {  	[tilespmem:$0xE020] =	vst v2  }
0x8d: {  	[tilespmem:$0xE030] =	vst v2  }
0x8e: {  	[tilespmem:$0xE040] =	vst v2  }
0x8f: {  	[tilespmem:$0xE050] =	vst v2  }
0x90: {  	[tilespmem:$0xE060] =	vst v2  }
0x91: {  	[tilespmem:$0xE070] =	vst v2  }
0x92: {  	[tilespmem:$0xE080] =	vst v2  }
0x93: {  	[tilespmem:$0xE090] =	vst v2  }
0x94: {  	[tilespmem:$0xE0A0] =	vst v2  }
0x95: {  	[tilespmem:$0xE0B0] =	vst v2  }
0x96: {  	[tilespmem:$0xE0C0] =	vst v2  }
0x97: {  	[tilespmem:$0xE0D0] =	vst v2  }
0x98: {  	[tilespmem:$0xE0E0] =	vst v2  }
0x99: {  	[tilespmem:$0xE0F0] =	vst v2  }
0x9a: {  	[tilespmem:$0xE100] =	vst v2  }
0x9b: {  	[tilespmem:$0xE110] =	vst v2  }
0x9c: {  	[tilespmem:$0xE120] =	vst v2  }
0x9d: {  	[tilespmem:$0xE130] =	vst v2  }
0x9e: {  	[tilespmem:$0xE140] =	vst v2  }
0x9f: {  	[tilespmem:$0xE150] =	vst v2  }
0xa0: {  	[tilespmem:$0xE160] =	vst v2  }
0xa1: {  	[tilespmem:$0xE170] =	vst v2  }
0xa2: {  	[tilespmem:$0xE180] =	vst v2  }
0xa3: {  	[tilespmem:$0xE190] =	vst v2  }
0xa4: {  	[tilespmem:$0xE1A0] =	vst v2  }
0xa5: {  	[tilespmem:$0xE1B0] =	vst v2  }
0xa6: {  	[tilespmem:$0xE1C0] =	vst v2  }
0xa7: {  	[tilespmem:$0xE1D0] =	vst v2  }
0xa8: {  	[tilespmem:$0xE1E0] =	vst v2  }
0xa9: {  	[tilespmem:$0xE1F0] =	vst v2  }
0xaa: {  	[tilespmem:$0xE200] =	vst v2  }
0xab: {  	[tilespmem:$0xE210] =	vst v2  }
0xac: {  	[tilespmem:$0xE220] =	vst v2  }
0xad: {  	[tilespmem:$0xE230] =	vst v2  }
0xae: {  	[tilespmem:$0xE240] =	vst v2  }
0xaf: {  	[tilespmem:$0xE250] =	vst v2  }
0xb0: {  	[tilespmem:$0xE260] =	vst v2  }
0xb1: {  	[tilespmem:$0xE270] =	vst v2  }
0xb2: {  	[tilespmem:$0xE280] =	vst v2  }
0xb3: {  	[tilespmem:$0xE290] =	vst v2  }
0xb4: {  	[tilespmem:$0xE2A0] =	vst v2  }
0xb5: {  	[tilespmem:$0xE2B0] =	vst v2  }
0xb6: {  	[tilespmem:$0xE2C0] =	vst v2  }
0xb7: {  	[tilespmem:$0xE2D0] =	vst v2  }
0xb8: {  	[tilespmem:$0xE2E0] =	vst v2  }
0xb9: {  	[tilespmem:$0xE2F0] =	vst v2  }
0xba: {  	[tilespmem:$0xE300] =	vst v2  }
0xbb: {  	[tilespmem:$0xE310] =	vst v2  }
0xbc: {  	[tilespmem:$0xE320] =	vst v2  }
0xbd: {  	[tilespmem:$0xE330] =	vst v2  }
0xbe: {  	[tilespmem:$0xE340] =	vst v2  }
0xbf: {  	[tilespmem:$0xE350] =	vst v2  }
0xc0: {  	[tilespmem:$0xE360] =	vst v2  }
0xc1: {  	[tilespmem:$0xE370] =	vst v2  }
0xc2: {  	[tilespmem:$0xE380] =	vst v2  }
0xc3: {  	[tilespmem:$0xE390] =	vst v2  }
0xc4: {  	[tilespmem:$0xE3A0] =	vst v2  }
0xc5: {  	[tilespmem:$0xE3B0] =	vst v2  }
0xc6: {  	[tilespmem:$0xE3C0] =	vst v2  }
0xc7: {  	[tilespmem:$0xE3D0] =	vst v2  }
0xc8: {  	[tilespmem:$0xE3E0] =	vst v2  }
0xc9: {  	[tilespmem:$0xE3F0] =	vst v2  }
0xca: {  	[tilespmem:$0xE400] =	vst v2  }
0xcb: {  	[tilespmem:$0xE410] =	vst v2  }
0xcc: {  	[tilespmem:$0xE420] =	vst v2  }
0xcd: {  	[tilespmem:$0xE430] =	vst v2  }
0xce: {  	[tilespmem:$0xE440] =	vst v2  }
0xcf: {  	[tilespmem:$0xE450] =	vst v2  }
0xd0: {  	[tilespmem:$0xE460] =	vst v2  }
0xd1: {  	[tilespmem:$0xE470] =	vst v2  }
0xd2: {  	[tilespmem:$0xE680] =	vst v0  }
0xd3: {  	[tilespmem:$0xE690] =	vst v0  }
0xd4: {  	[dreg:$0x4] =	wrdreg s5;
	[tilespmem:$0xE6A0] =	vst v0;
	s5 =	simm.s32 $0x40;
	s15 =	simm.s32 $0x0  }
.LBB2_2:
0xd5: {  	p1 =	sne.s32 s5, $0x141C0;
	[tilespmem:s15+$0x800] =	vst v3;
	s15 =	smov.u32 s5;
	s5 =	sadd.s32 $0x40, s5  }
.Ltmp2:
0xd6: {  	(pc) =	sbr.rel @p1 .LBB2_2-.Ltmp2, $2  }
0xd7: {  	_ =	sdelay $0x2  }
0xd8: {  	s15 =	sshra.s32 s15, $0x2  }
0xd9: {  	[tilespmem:s15+$0x800] =	vst v3;
	s5 =	simm.s32 $0x0;
	s15 =	simm.s32 $0x0  }
.LBB2_4:
0xda: {  	s17 =	sshll.u32 s15, $0xB  }
0xdb: {  	s17 =	sadd.s32 s9, s17  }
0xdc: {  	s17 =	sshrl.u32 s17, $0x3  }
0xdd: {  	s17 =	sadd.s32 s21, s17  }
0xde: {  	[tilespmem:s5], [sflag:$0x4] =	stream.linear.gather [hbm4b:s17+s5], $0x800, $0x38;
	[tilespmem:$0x1EC00] =	vst v63  }
0xdf: {  	_ =	swait.ge [sflag:s22], $0x800  }
0xe0: {  	[sflag:s22] =	ssyncset.done $0x0  }
0xe1: {  	s18 =	simm.s32 $0x0;
	s17 =	simm.s32 $0x40;
	[sflag:s22] =	ssyncadd.s32 $0xFFFFF800  }
.LBB2_5:
0xe2: {  	p1 =	sne.s32 s17, $0x1FC0;
	v5 =	vld [tilespmem:s18+$0x0];
	_ =	sdelay $0x4  }
0xe3: {  	v5 =	vshrl.u32 v5, $0xD  }
0xe4: {  	(xrf1) =	vunique.msk.u32 $0xffff, v5;
	_ =	sdelay $0xd  }
0xe5: {  	_, v6, vm0 =	vpop (xrf1);
	_ =	sdelay $0x1  }
.Ltmp3:
0xe6: {  	(pc) =	sbr.rel @p1 .LBB2_5-.Ltmp3, $2  }
0xe7: {  	_ =	sdelay $0x2  }
0xe8: {  	s18 =	sshra.s32 s17, $0x2;
	s17 =	sadd.s32 $0x40, s17;
	[tilespmem:v5+s23+$0x0] =	vst.idx.add.s32.msk vm0, v6  }
0xe9: {  	v5 =	vld [tilespmem:s18+$0x0];
	_ =	sdelay $0x4  }
0xea: {  	v5 =	vshrl.u32 v5, $0xD  }
0xeb: {  	(xrf1) =	vunique.msk.u32 $0xffff, v5;
	_ =	sdelay $0xd  }
0xec: {  	s15 =	sadd.s32 $0x1, s15;
	_, v6, vm0 =	vpop (xrf1)  }
0xed: {  	p1 =	sne.s32 s15, $0x8  }
.Ltmp4:
0xee: {  	_ = 	snop;
	(pc) =	sbr.rel @p1 .LBB2_4-.Ltmp4, $2  }
0xef: {  	_ =	sdelay $0x2  }
0xf0: {  	[tilespmem:v5+s23+$0x0] =	vst.idx.add.s32.msk vm0, v6  }
0xf1: {  	v5 =	vld [tilespmem:$0xE680]  }
0xf2: {  	v6 =	vld [tilespmem:$0xE690];
	_ =	sdelay $0x3  }
0xf3: {  	v5 =	vadd.s32 $0x7F, v5  }
0xf4: {  	v6 =	vadd.s32 $0x7F, v6;
	v5 =	vand.u32 $0xFFFFFF80, v5  }
0xf5: {  	v6 =	vand.u32 $0xFFFFFF80, v6;
	(xrf0) =	vadd.scan.msk.s32 $0xffff, v5  }
0xf6: {  	(xrf0) =	vadd.scan.msk.s32 $0xffff, v6;
	_ =	sdelay $0x4  }
0xf7: {  	v7, _, _ =	vpop (xrf0)  }
0xf8: {  	(v2sf) =	vpush v7, $0xF;
	v8, _, _ =	vpop (xrf0)  }
0xf9: {  	(v2sf) =	vpush v8, $0xF;
	_ =	sdelay $0x1  }
0xfa: {  	v9 =	vld [tilespmem:$0xE6A0];
	_ =	sdelay $0x4  }
0xfb: {  	v9 =	vadd.s32 $0x7F, v9  }
0xfc: {  	v9 =	vand.u32 $0xFFFFFF80, v9  }
0xfd: {  	(xrf0) =	vadd.scan.msk.s32 $0xffff, v9;
	_ =	sdelay $0x2  }
0xfe: {  	v6 =	vsub.s32 v8, v6  }
0xff: {  	v5 =	vsub.s32 v7, v5;
	v7 =	vbroadcast v7, $0xF  }
0x100: {  	[tilespmem:$0xE700] =	vst v5;
	s5 =	spop (v2sf)  }
0x101: {  	[tilespmem:$0xE780] =	vst v5;
	v5 =	vadd.s32 v7, v6;
	v6, _, _ =	vpop (xrf0);
	s15 =	spop (v2sf)  }
0x102: {  	[tilespmem:$0xE710] =	vst v5;
	v6 =	vsub.s32 v6, v9;
	s5 =	sadd.s32 s5, s15  }
0x103: {  	[tilespmem:$0xE790] =	vst v5;
	v5 =	vadd.s32 s5, v6  }
0x104: {  	[tilespmem:$0xE720] =	vst v5  }
0x105: {  	s17 =	simm.s32 $0x0;
	s15 =	smov.u32 s9;
	s5 =	simm.s32 $0x0;
	[tilespmem:$0xE7A0] =	vst v5  }
.LBB2_8:
0x106: {  	s18 =	sshll.u32 s17, $0xB  }
0x107: {  	s18 =	sadd.s32 s9, s18  }
0x108: {  	s18 =	sshrl.u32 s18, $0x3  }
0x109: {  	s18 =	sadd.s32 s21, s18  }
0x10a: {  	[tilespmem:s5], [sflag:$0x4] =	stream.linear.gather [hbm4b:s18+s5], $0x800, $0x38;
	[tilespmem:$0x1EC00] =	vst v63  }
0x10b: {  	_ =	swait.ge [sflag:s22], $0x800  }
0x10c: {  	[sflag:s22] =	ssyncset.done $0x0  }
0x10d: {  	s20 =	simm.s32 $0x0;
	[sflag:s22] =	ssyncadd.s32 $0xFFFFF800  }
0x10e: {  	v5 =	vld [tilespmem:s20+$0x0];
	_ =	sdelay $0x4  }
0x10f: {  	v6 =	vshrl.u32 v5, $0xD  }
0x110: {  	(xrf1) =	vunique.msk.u32 $0xffff, v6;
	_ =	sdelay $0x9  }
0x111: {  	v7 =	vld.idx.msk [tilespmem:v6+s24+$0x0], $0xffff;
	_ =	sdelay $0x3  }
0x112: {  	_, v8, vm0 =	vpop (xrf1)  }
0x113: {  	v7 =	vadd.s32 v7, v8  }
0x114: {  	v8 =	vadd.s32 $0xFFFFFFFF, v7  }
0x115: {  	v5 =	vshll.u32 v5, $0x12  }
0x116: {  	v5 =	vand.u32 $0x7FFC0000, v5  }
0x117: {  	v5 =	vor.u32 s15, v5  }
0x118: {  	v5 =	vor.u32 v1, v5;
	[tilespmem:v6+s24+$0x0] =	vst.idx.msk vm0, v7  }
0x119: {  	s19 =	simm.s32 $0x80;
	s18 =	smov.u32 s15;
	s20 =	simm.s32 $0x10;
	[tilespmem:v8+s25+$0x0] =	vst.idx.msk $0xffff, v5  }
.LBB2_9:
0x11a: {  	p1 =	sne.s32 s19, $0x1FC0;
	v5 =	vld [tilespmem:s20+$0x0];
	_ =	sdelay $0x4  }
0x11b: {  	v6 =	vshrl.u32 v5, $0xD  }
0x11c: {  	(xrf1) =	vunique.msk.u32 $0xffff, v6;
	_ =	sdelay $0x8  }
0x11d: {  	v7 =	vld.idx.msk [tilespmem:v6+s24+$0x0], $0xffff;
	_ =	sdelay $0x4  }
0x11e: {  	_, v8, vm0 =	vpop (xrf1)  }
0x11f: {  	v7 =	vadd.s32 v7, v8  }
0x120: {  	v8 =	vadd.s32 $0xFFFFFFFF, v7  }
.Ltmp5:
0x121: {  	v5 =	vshll.u32 v5, $0x12;
	(pc) =	sbr.rel @p1 .LBB2_9-.Ltmp5, $4  }
0x122: {  	s18 =	sadd.s32 $0x10, s18;
	v5 =	vand.u32 $0x7FFC0000, v5  }
0x123: {  	v5 =	vor.u32 s18, v5  }
0x124: {  	v5 =	vor.u32 v1, v5;
	[tilespmem:v6+s24+$0x0] =	vst.idx.msk vm0, v7  }
0x125: {  	s20 =	sshra.s32 s19, $0x2;
	s19 =	sadd.s32 $0x40, s19;
	[tilespmem:v8+s25+$0x0] =	vst.idx.msk $0xffff, v5  }
0x126: {  	v5 =	vld [tilespmem:s20+$0x0];
	_ =	sdelay $0x4  }
0x127: {  	v6 =	vshrl.u32 v5, $0xD  }
0x128: {  	(xrf1) =	vunique.msk.u32 $0xffff, v6;
	_ =	sdelay $0x9  }
0x129: {  	v7 =	vld.idx.msk [tilespmem:v6+s24+$0x0], $0xffff;
	_ =	sdelay $0x3  }
0x12a: {  	_, v8, vm0 =	vpop (xrf1)  }
0x12b: {  	s17 =	sadd.s32 $0x1, s17;
	v7 =	vadd.s32 v7, v8  }
0x12c: {  	p1 =	sne.s32 s17, $0x8;
	v8 =	vadd.s32 $0xFFFFFFFF, v7  }
.Ltmp6:
0x12d: {  	v5 =	vshll.u32 v5, $0x12;
	(pc) =	sbr.rel @p1 .LBB2_8-.Ltmp6, $4  }
0x12e: {  	s18 =	sadd.s32 $0x10, s18;
	v5 =	vand.u32 $0x7FFC0000, v5  }
0x12f: {  	v5 =	vor.u32 s18, v5  }
0x130: {  	v5 =	vor.u32 v1, v5;
	[tilespmem:v6+s24+$0x0] =	vst.idx.msk vm0, v7  }
0x131: {  	s15 =	sadd.s32 $0x800, s15;
	[tilespmem:v8+s25+$0x0] =	vst.idx.msk $0xffff, v5  }
.Ltmp7:
0x132: {  	(pc) =	sbr.rel .LBB2_12-.Ltmp7, $2  }
0x133: {  	_ =	sdelay $0x2  }
0x134: {  	s15 =	simm.s32 $0x0;
	s21 =	stileid.u32  }
.LBB2_15:
0x135: {  	[tilespmem:$0x5970] =	vst v6  }
0x136: {  	[tilespmem:$0x5A70] =	vst v5  }
0x137: {  	[tilespmem:s3], [sflag:$0x2] =	stream.indirect.gather [hbm4b:s6+s30], $0x80, s16, s30, $0xb8;
	[tilespmem:$0x1EC00] =	vst v63  }
0x138: {  	_ =	swait.ge [sflag:s29], $0x4000  }
0x139: {  	[sflag:s29] =	ssyncset.done $0x0  }
0x13a: {  	[sflag:s29] =	ssyncadd.s32 $0xFFFFC000  }
0x13b: {  	[spmem:s2] =	stream.indirect.scatter.add.f32 [tilespmem:s0], [sflag:$0x4], $0x80, s1, s30, $0xb8;
	[tilespmem:$0x1EC00] =	vst v63  }
0x13c: {  	_ =	swait.ge [sflag:s22], $0x4000  }
0x13d: {  	[sflag:s22] =	ssyncset.done $0x0  }
0x13e: {  	[sflag:s22] =	ssyncadd.s32 $0xFFFFC000  }
0x13f: {  	_ =	swait.ge [sflag:s4], $0x4000  }
0x140: {  	[sflag:s4] =	ssyncset.done $0x0  }
0x141: {  	[sflag:s4] =	ssyncadd.s32 $0xFFFFC000  }
0x142: {  	[spmem:s2] =	stream.indirect.scatter.add.f32 [tilespmem:s3], [sflag:$0x4], $0x80, s10, s30, $0xb8;
	[tilespmem:$0x1EC00] =	vst v63  }
0x143: {  	_ =	swait.ge [sflag:s22], $0x4000  }
0x144: {  	[sflag:s22] =	ssyncset.done $0x0  }
0x145: {  	[sflag:s22] =	ssyncadd.s32 $0xFFFFC000  }
.LBB2_16:
0x146: {  	s5 =	sshll.u32 s18, $0x1  }
0x147: {  	p1 =	sle.s32 s17, s5  }
0x148: {  	s5 =	sshll.u32 @!p1 s18, $0xA  }
0x149: {  	s5 =	sshra.s32 @!p1 s5, $0x2  }
0x14a: {  	s5 =	sadd.s32 @!p1 s5, s19  }
0x14b: {  	v5 =	vld @!p1 [tilespmem:s5+$0x800];
	_ =	sdelay $0x4  }
0x14c: {  	v6 =	vand.u32 @!p1 $0x3FFFF, v5  }
0x14d: {  	v5 =	vshrl.u32 @!p1 v5, $0x12;
	[tilespmem:$0x5880] =	vst @!p1 v6  }
0x14e: {  	[tilespmem:$0x5980] =	vst @!p1 v5  }
0x14f: {  	v5 =	vld @!p1 [tilespmem:s5+$0x810];
	_ =	sdelay $0x4  }
0x150: {  	v6 =	vand.u32 @!p1 $0x3FFFF, v5  }
0x151: {  	v5 =	vshrl.u32 @!p1 v5, $0x12;
	[tilespmem:$0x5890] =	vst @!p1 v6  }
0x152: {  	[tilespmem:$0x5990] =	vst @!p1 v5  }
0x153: {  	v5 =	vld @!p1 [tilespmem:s5+$0x820];
	_ =	sdelay $0x4  }
0x154: {  	v6 =	vand.u32 @!p1 $0x3FFFF, v5  }
0x155: {  	v5 =	vshrl.u32 @!p1 v5, $0x12;
	[tilespmem:$0x58A0] =	vst @!p1 v6  }
0x156: {  	[tilespmem:$0x59A0] =	vst @!p1 v5  }
0x157: {  	v5 =	vld @!p1 [tilespmem:s5+$0x830];
	_ =	sdelay $0x4  }
0x158: {  	v6 =	vand.u32 @!p1 $0x3FFFF, v5  }
0x159: {  	v5 =	vshrl.u32 @!p1 v5, $0x12;
	[tilespmem:$0x58B0] =	vst @!p1 v6  }
0x15a: {  	[tilespmem:$0x59B0] =	vst @!p1 v5  }
0x15b: {  	v5 =	vld @!p1 [tilespmem:s5+$0x840];
	_ =	sdelay $0x4  }
0x15c: {  	v6 =	vand.u32 @!p1 $0x3FFFF, v5  }
0x15d: {  	v5 =	vshrl.u32 @!p1 v5, $0x12;
	[tilespmem:$0x58C0] =	vst @!p1 v6  }
0x15e: {  	[tilespmem:$0x59C0] =	vst @!p1 v5  }
0x15f: {  	v5 =	vld @!p1 [tilespmem:s5+$0x850];
	_ =	sdelay $0x4  }
0x160: {  	v6 =	vand.u32 @!p1 $0x3FFFF, v5  }
0x161: {  	v5 =	vshrl.u32 @!p1 v5, $0x12;
	[tilespmem:$0x58D0] =	vst @!p1 v6  }
0x162: {  	[tilespmem:$0x59D0] =	vst @!p1 v5  }
0x163: {  	v5 =	vld @!p1 [tilespmem:s5+$0x860];
	_ =	sdelay $0x4  }
0x164: {  	v6 =	vand.u32 @!p1 $0x3FFFF, v5  }
0x165: {  	v5 =	vshrl.u32 @!p1 v5, $0x12;
	[tilespmem:$0x58E0] =	vst @!p1 v6  }
0x166: {  	[tilespmem:$0x59E0] =	vst @!p1 v5  }
0x167: {  	v5 =	vld @!p1 [tilespmem:s5+$0x870];
	_ =	sdelay $0x4  }
0x168: {  	v6 =	vand.u32 @!p1 $0x3FFFF, v5  }
0x169: {  	v5 =	vshrl.u32 @!p1 v5, $0x12;
	[tilespmem:$0x58F0] =	vst @!p1 v6  }
0x16a: {  	s17 =	simm.s32 @!p1 $0x5880;
	s18 =	simm.s32 @!p1 $0x5A80;
	s5 =	simm.s32 @!p1 $0x80;
	[tilespmem:$0x59F0] =	vst @!p1 v5  }
0x16b: {  	[tilespmem:s18], [sflag:$0x1] =	stream.indirect.gather @!p1 [hbm4b:s6+s5], $0x80, s17, s5, $0xb8;
	[tilespmem:$0x1EC00] =	vst v63  }
0x16c: {  	s17 =	simm.s32 @!p1 $0x1  }
0x16d: {  	_ =	swait.ge @!p1 [sflag:s17], $0x4000  }
0x16e: {  	[sflag:s17] =	ssyncset.done @!p1 $0x0  }
0x16f: {  	[sflag:s17] =	ssyncadd.s32 @!p1 $0xFFFFC000;
	s17 =	simm.s32 @!p1 $0x5980  }
0x170: {  	[spmem:s2] =	stream.indirect.scatter.add.f32 @!p1 [tilespmem:s18], [sflag:$0x4], $0x80, s17, s5, $0xb8;
	[tilespmem:$0x1EC00] =	vst v63  }
0x171: {  	s5 =	simm.s32 @!p1 $0x4  }
0x172: {  	_ =	swait.ge @!p1 [sflag:s5], $0x4000  }
0x173: {  	s19 =	sshll.u32 s15, $0xE;
	s20 =	rddreg [dreg:$0x5]  }
0x174: {  	s17 =	sor.u32 s19, s20  }
0x175: {  	s18 =	sshll.u32 s21, $0x6;
	[sflag:s5] =	ssyncset.done @!p1 $0x0;
	s17 =	sor.u32 s13, s17  }
0x176: {  	[sflag:s5] =	ssyncadd.s32 @!p1 $0xFFFFC000;
	s20 =	sshrl.u32 s14, $0x3;
	s5 =	sshll.u32 s17, $0x4  }
0x177: {  	[bflag:$0x0] =	sbarrier.arrive $0xFFFF;
	s17 =	sor.u32 $0x1C01, s18;
	s19 =	sadd.s32 s8, s5  }
0x178: {  	[hbm:s19], [sflag:s17] =	dma.local [spmem:s20], $0x1880  }
0x179: {  	s17 =	simm.s32 @p0 $0x1  }
0x17a: {  	_ =	swait.ge @p0 [sflag:s17], $0x1880  }
0x17b: {  	[sflag:s17] =	ssyncset.done @p0 $0x0  }
0x17c: {  	s18 =	sshll.u32 @!p0 s21, $0x6;
	[sflag:s17] =	ssyncadd.s32 @p0 $0xFFFFE780;
	s17 =	rddreg [dreg:$0x7]  }
0x17d: {  	s5 =	sadd.s32 @!p0 s5, s17;
	s17 =	sor.u32 @!p0 $0x1C02, s18;
	s18 =	rddreg [dreg:$0x11]  }
0x17e: {  	[hbm:s5], [sflag:s17] =	dma.local @!p0 [spmem:s18], $0x800  }
0x17f: {  	s5 =	simm.s32 @!p0 $0x1  }
0x180: {  	_ =	swait.ge @!p0 [sflag:s5], $0x1880  }
0x181: {  	s15 =	sadd.s32 $0x1, s15;
	[sflag:s5] =	ssyncset.done @!p0 $0x0  }
0x182: {  	p1 =	sne.s32 s15, $0x10;
	[sflag:s5] =	ssyncadd.s32 @!p0 $0xFFFFE780;
	s5 =	simm.s32 @!p0 $0x2  }
.Ltmp8:
0x183: {  	_ =	swait.ge @!p0 [sflag:s5], $0x800;
	(pc) =	sbr.rel @!p1 .LBB2_17-.Ltmp8, $3  }
0x184: {  	[sflag:s5] =	ssyncset.done @!p0 $0x0  }
0x185: {  	[sflag:s5] =	ssyncadd.s32 @!p0 $0xFFFFF800  }
0x186: {  	[bflag:$0x0] =	sbarrier.arrive $0xFFFF;
	_ =	sdelay $0x1  }
.LBB2_12:
0x187: {  	[spmem:s14] =	stream.linear.scatter [tilespmem:s26], [sflag:$0x3], $0xA00, $0x38;
	[tilespmem:$0x1EC00] =	vst v63  }
0x188: {  	s5 =	rddreg [dreg:$0x9]  }
0x189: {  	s19 =	rddreg [dreg:$0xa]  }
0x18a: {  	[spmem:s5] =	stream.linear.scatter [tilespmem:s26], [sflag:$0x3], $0xA00, $0x38;
	[tilespmem:$0x1EC00] =	vst v63  }
0x18b: {  	s20 =	rddreg [dreg:$0xb]  }
0x18c: {  	[spmem:s19] =	stream.linear.scatter [tilespmem:s26], [sflag:$0x3], $0xA00, $0x38;
	[tilespmem:$0x1EC00] =	vst v63  }
0x18d: {  	s17 =	rddreg [dreg:$0xc]  }
0x18e: {  	[spmem:s20] =	stream.linear.scatter [tilespmem:s26], [sflag:$0x3], $0xA00, $0x38;
	[tilespmem:$0x1EC00] =	vst v63  }
0x18f: {  	s18 =	rddreg [dreg:$0xd]  }
0x190: {  	[spmem:s17] =	stream.linear.scatter [tilespmem:s26], [sflag:$0x3], $0xA00, $0x38;
	[tilespmem:$0x1EC00] =	vst v63  }
0x191: {  	s19 =	rddreg [dreg:$0xe]  }
0x192: {  	[spmem:s18] =	stream.linear.scatter [tilespmem:s26], [sflag:$0x3], $0xA00, $0x38;
	[tilespmem:$0x1EC00] =	vst v63  }
0x193: {  	s20 =	rddreg [dreg:$0xf]  }
0x194: {  	[spmem:s19] =	stream.linear.scatter [tilespmem:s26], [sflag:$0x3], $0xA00, $0x38;
	[tilespmem:$0x1EC00] =	vst v63  }
0x195: {  	s17 =	rddreg [dreg:$0x10]  }
0x196: {  	[spmem:s20] =	stream.linear.scatter [tilespmem:s26], [sflag:$0x3], $0xA00, $0x38;
	[tilespmem:$0x1EC00] =	vst v63  }
0x197: {  	s18 =	rddreg [dreg:$0x12]  }
0x198: {  	[spmem:s17] =	stream.linear.scatter [tilespmem:s26], [sflag:$0x3], $0xA00, $0x38;
	[tilespmem:$0x1EC00] =	vst v63  }
0x199: {  	s19 =	rddreg [dreg:$0x13]  }
0x19a: {  	[spmem:s18] =	stream.linear.scatter [tilespmem:s26], [sflag:$0x3], $0xA00, $0x38;
	[tilespmem:$0x1EC00] =	vst v63  }
0x19b: {  	s20 =	rddreg [dreg:$0x14]  }
0x19c: {  	[spmem:s19] =	stream.linear.scatter [tilespmem:s26], [sflag:$0x3], $0xA00, $0x38;
	[tilespmem:$0x1EC00] =	vst v63  }
0x19d: {  	s17 =	rddreg [dreg:$0x15]  }
0x19e: {  	[spmem:s20] =	stream.linear.scatter [tilespmem:s26], [sflag:$0x3], $0xA00, $0x38;
	[tilespmem:$0x1EC00] =	vst v63  }
0x19f: {  	s18 =	rddreg [dreg:$0x16]  }
0x1a0: {  	[spmem:s17] =	stream.linear.scatter [tilespmem:s26], [sflag:$0x3], $0xA00, $0x38;
	[tilespmem:$0x1EC00] =	vst v63  }
0x1a1: {  	s19 =	rddreg [dreg:$0x17]  }
0x1a2: {  	[spmem:s18] =	stream.linear.scatter [tilespmem:s26], [sflag:$0x3], $0xA00, $0x38;
	[tilespmem:$0x1EC00] =	vst v63  }
0x1a3: {  	s20 =	rddreg [dreg:$0x18]  }
0x1a4: {  	[spmem:s19] =	stream.linear.scatter [tilespmem:s26], [sflag:$0x3], $0xA00, $0x38;
	[tilespmem:$0x1EC00] =	vst v63  }
0x1a5: {  	s17 =	rddreg [dreg:$0x19]  }
0x1a6: {  	[spmem:s20] =	stream.linear.scatter [tilespmem:s26], [sflag:$0x3], $0xA00, $0x38;
	[tilespmem:$0x1EC00] =	vst v63  }
0x1a7: {  	s18 =	rddreg [dreg:$0x1a]  }
0x1a8: {  	[spmem:s17] =	stream.linear.scatter [tilespmem:s26], [sflag:$0x3], $0xA00, $0x38;
	[tilespmem:$0x1EC00] =	vst v63  }
0x1a9: {  	s19 =	rddreg [dreg:$0x1b]  }
0x1aa: {  	[spmem:s18] =	stream.linear.scatter [tilespmem:s26], [sflag:$0x3], $0xA00, $0x38;
	[tilespmem:$0x1EC00] =	vst v63  }
0x1ab: {  	s20 =	rddreg [dreg:$0x1c]  }
0x1ac: {  	[spmem:s19] =	stream.linear.scatter [tilespmem:s26], [sflag:$0x3], $0xA00, $0x38;
	[tilespmem:$0x1EC00] =	vst v63  }
0x1ad: {  	s17 =	rddreg [dreg:$0x1d]  }
0x1ae: {  	[spmem:s20] =	stream.linear.scatter [tilespmem:s26], [sflag:$0x3], $0xA00, $0x38;
	[tilespmem:$0x1EC00] =	vst v63  }
0x1af: {  	s18 =	rddreg [dreg:$0x1e]  }
0x1b0: {  	[spmem:s17] =	stream.linear.scatter [tilespmem:s26], [sflag:$0x3], $0xA00, $0x38;
	[tilespmem:$0x1EC00] =	vst v63  }
0x1b1: {  	s19 =	rddreg [dreg:$0x1f]  }
0x1b2: {  	[spmem:s18] =	stream.linear.scatter [tilespmem:s26], [sflag:$0x3], $0xA00, $0x38;
	[tilespmem:$0x1EC00] =	vst v63  }
0x1b3: {  	s20 =	sld [smem:$0x7FB]  }
0x1b4: {  	[spmem:s19] =	stream.linear.scatter [tilespmem:s26], [sflag:$0x3], $0xA00, $0x38;
	[tilespmem:$0x1EC00] =	vst v63  }
0x1b5: {  	s17 =	sld [smem:$0x7FC]  }
0x1b6: {  	[spmem:s20] =	stream.linear.scatter [tilespmem:s26], [sflag:$0x3], $0xA00, $0x38;
	[tilespmem:$0x1EC00] =	vst v63  }
0x1b7: {  	s18 =	sld [smem:$0x7FD]  }
0x1b8: {  	[spmem:s17] =	stream.linear.scatter [tilespmem:s26], [sflag:$0x3], $0xA00, $0x38;
	[tilespmem:$0x1EC00] =	vst v63  }
0x1b9: {  	_ = 	snop  }
0x1ba: {  	[spmem:s18] =	stream.linear.scatter [tilespmem:s26], [sflag:$0x3], $0xA00, $0x38;
	[tilespmem:$0x1EC00] =	vst v63  }
0x1bb: {  	_ =	swait.ge [sflag:s28], $0xA00  }
0x1bc: {  	[sflag:s28] =	ssyncset.done $0x0  }
0x1bd: {  	[sflag:s28] =	ssyncadd.s32 $0xFFFFF600  }
0x1be: {  	_ =	swait.ge [sflag:s28], $0xA00  }
0x1bf: {  	[sflag:s28] =	ssyncset.done $0x0  }
0x1c0: {  	[sflag:s28] =	ssyncadd.s32 $0xFFFFF600  }
0x1c1: {  	_ =	swait.ge [sflag:s28], $0xA00  }
0x1c2: {  	[sflag:s28] =	ssyncset.done $0x0  }
0x1c3: {  	[sflag:s28] =	ssyncadd.s32 $0xFFFFF600  }
0x1c4: {  	_ =	swait.ge [sflag:s28], $0xA00  }
0x1c5: {  	[sflag:s28] =	ssyncset.done $0x0  }
0x1c6: {  	[sflag:s28] =	ssyncadd.s32 $0xFFFFF600  }
0x1c7: {  	_ =	swait.ge [sflag:s28], $0xA00  }
0x1c8: {  	[sflag:s28] =	ssyncset.done $0x0  }
0x1c9: {  	[sflag:s28] =	ssyncadd.s32 $0xFFFFF600  }
0x1ca: {  	_ =	swait.ge [sflag:s28], $0xA00  }
0x1cb: {  	[sflag:s28] =	ssyncset.done $0x0  }
0x1cc: {  	[sflag:s28] =	ssyncadd.s32 $0xFFFFF600  }
0x1cd: {  	_ =	swait.ge [sflag:s28], $0xA00  }
0x1ce: {  	[sflag:s28] =	ssyncset.done $0x0  }
0x1cf: {  	[sflag:s28] =	ssyncadd.s32 $0xFFFFF600  }
0x1d0: {  	_ =	swait.ge [sflag:s28], $0xA00  }
0x1d1: {  	[sflag:s28] =	ssyncset.done $0x0  }
0x1d2: {  	[sflag:s28] =	ssyncadd.s32 $0xFFFFF600  }
0x1d3: {  	_ =	swait.ge [sflag:s28], $0xA00  }
0x1d4: {  	[sflag:s28] =	ssyncset.done $0x0  }
0x1d5: {  	[sflag:s28] =	ssyncadd.s32 $0xFFFFF600  }
0x1d6: {  	_ =	swait.ge [sflag:s28], $0xA00  }
0x1d7: {  	[sflag:s28] =	ssyncset.done $0x0  }
0x1d8: {  	[sflag:s28] =	ssyncadd.s32 $0xFFFFF600  }
0x1d9: {  	_ =	swait.ge [sflag:s28], $0xA00  }
0x1da: {  	[sflag:s28] =	ssyncset.done $0x0  }
0x1db: {  	[sflag:s28] =	ssyncadd.s32 $0xFFFFF600  }
0x1dc: {  	_ =	swait.ge [sflag:s28], $0xA00  }
0x1dd: {  	[sflag:s28] =	ssyncset.done $0x0  }
0x1de: {  	[sflag:s28] =	ssyncadd.s32 $0xFFFFF600  }
0x1df: {  	_ =	swait.ge [sflag:s28], $0xA00  }
0x1e0: {  	[sflag:s28] =	ssyncset.done $0x0  }
0x1e1: {  	[sflag:s28] =	ssyncadd.s32 $0xFFFFF600  }
0x1e2: {  	_ =	swait.ge [sflag:s28], $0xA00  }
0x1e3: {  	[sflag:s28] =	ssyncset.done $0x0  }
0x1e4: {  	[sflag:s28] =	ssyncadd.s32 $0xFFFFF600  }
0x1e5: {  	_ =	swait.ge [sflag:s28], $0xA00  }
0x1e6: {  	[sflag:s28] =	ssyncset.done $0x0  }
0x1e7: {  	[sflag:s28] =	ssyncadd.s32 $0xFFFFF600  }
0x1e8: {  	_ =	swait.ge [sflag:s28], $0xA00  }
0x1e9: {  	[sflag:s28] =	ssyncset.done $0x0  }
0x1ea: {  	[sflag:s28] =	ssyncadd.s32 $0xFFFFF600  }
0x1eb: {  	_ =	swait.ge [sflag:s28], $0xA00  }
0x1ec: {  	[sflag:s28] =	ssyncset.done $0x0  }
0x1ed: {  	[sflag:s28] =	ssyncadd.s32 $0xFFFFF600  }
0x1ee: {  	_ =	swait.ge [sflag:s28], $0xA00  }
0x1ef: {  	[sflag:s28] =	ssyncset.done $0x0  }
0x1f0: {  	[sflag:s28] =	ssyncadd.s32 $0xFFFFF600  }
0x1f1: {  	_ =	swait.ge [sflag:s28], $0xA00  }
0x1f2: {  	[sflag:s28] =	ssyncset.done $0x0  }
0x1f3: {  	[sflag:s28] =	ssyncadd.s32 $0xFFFFF600  }
0x1f4: {  	_ =	swait.ge [sflag:s28], $0xA00  }
0x1f5: {  	[sflag:s28] =	ssyncset.done $0x0  }
0x1f6: {  	[sflag:s28] =	ssyncadd.s32 $0xFFFFF600  }
0x1f7: {  	_ =	swait.ge [sflag:s28], $0xA00  }
0x1f8: {  	[sflag:s28] =	ssyncset.done $0x0  }
0x1f9: {  	[sflag:s28] =	ssyncadd.s32 $0xFFFFF600  }
0x1fa: {  	_ =	swait.ge [sflag:s28], $0xA00  }
0x1fb: {  	[sflag:s28] =	ssyncset.done $0x0  }
0x1fc: {  	[sflag:s28] =	ssyncadd.s32 $0xFFFFF600  }
0x1fd: {  	_ =	swait.ge [sflag:s28], $0xA00  }
0x1fe: {  	[sflag:s28] =	ssyncset.done $0x0  }
0x1ff: {  	[sflag:s28] =	ssyncadd.s32 $0xFFFFF600  }
0x200: {  	_ =	swait.ge [sflag:s28], $0xA00  }
0x201: {  	[sflag:s28] =	ssyncset.done $0x0  }
0x202: {  	[sflag:s28] =	ssyncadd.s32 $0xFFFFF600  }
0x203: {  	_ =	swait.ge [sflag:s28], $0xA00  }
0x204: {  	[sflag:s28] =	ssyncset.done $0x0  }
0x205: {  	[sflag:s28] =	ssyncadd.s32 $0xFFFFF600  }
0x206: {  	_ =	swait.ge [sflag:s28], $0xA00  }
0x207: {  	[sflag:s28] =	ssyncset.done $0x0  }
0x208: {  	[sflag:s28] =	ssyncadd.s32 $0xFFFFF600  }
0x209: {  	[bflag:$0x0] =	sbarrier.arrive $0xFFFF  }
0x20a: {  	v5 =	vld [tilespmem:$0xE700]  }
0x20b: {  	s19 =	sshll.u32 s15, $0x1;
	v6 =	vld [tilespmem:$0xE710]  }
0x20c: {  	s5 =	sor.u32 s11, s19;
	v7 =	vld [tilespmem:$0xE680]  }
0x20d: {  	v8 =	vmov s5;
	v9 =	vld [tilespmem:$0xE690]  }
0x20e: {  	vm0 =	veq.s32 v8, v1  }
0x20f: {  	vm1 =	veq.s32 v8, v4;
	v5 =	vnsel vm0, $0x0, v5  }
0x210: {  	(xrf0) =	vadd.scan.msk.s32 $0xffff, v5;
	v5 =	vnsel vm1, $0x0, v6  }
0x211: {  	(xrf0) =	vadd.scan.msk.s32 $0xffff, v5;
	v5 =	vnsel vm0, $0x0, v7  }
0x212: {  	(xrf0) =	vadd.scan.msk.s32 $0xffff, v5;
	v5 =	vnsel vm1, $0x0, v9  }
0x213: {  	(xrf0) =	vadd.scan.msk.s32 $0xffff, v5;
	_ =	sdelay $0x2  }
0x214: {  	v5, _, _ =	vpop (xrf0)  }
0x215: {  	v6, _, _ =	vpop (xrf0);
	(v2sf) =	vpush v5, $0xF  }
0x216: {  	v5, _, _ =	vpop (xrf0);
	(v2sf) =	vpush v6, $0xF  }
0x217: {  	(v2sf) =	vpush v5, $0xF;
	v5, _, _ =	vpop (xrf0)  }
0x218: {  	(v2sf) =	vpush v5, $0xF;
	_ =	sdelay $0xb  }
0x219: {  	s5 =	spop (v2sf)  }
0x21a: {  	s19 =	spop (v2sf)  }
0x21b: {  	s20 =	rddreg [dreg:$0x6];
	s17 =	spop (v2sf)  }
0x21c: {  	s18 =	spop (v2sf);
	s17 =	sadd.s32 s17, s20  }
0x21d: {  	s17 =	sadd.s32 s18, s17  }
0x21e: {  	s18 =	sand.u32 $0x7F, s17  }
0x21f: {  	s20 =	sshra.s32 s17, $0x1F;
	p1 =	slt.s32 s17, $0x1;
	p2 =	sne.s32 s18, $0x0  }
0x220: {  	s20 =	sshrl.u32 s20, $0x19;
	p1 =	por !p1, !p2  }
0x221: {  	s18 =	simm.s32 $0x1;
	s17 =	sadd.s32 s20, s17;
	p1 =	por !p1, !p1  }
0x222: {  	s17 =	sshra.s32 s17, $0x7;
	s18 =	simm.s32 @!p1 $0x0  }
0x223: {  	s17 =	ssub.s32 s17, s18  }
0x224: {  	s18 =	sand.u32 $0x1, s17  }
0x225: {  	p5 =	slt.s32 s17, $0x1;
	p6 =	seq.s32 s18, $0x1  }
0x226: {  	s20 =	sshrl.u32 s17, $0x1F;
	p1 =	por !p5, !p6  }
0x227: {  	s18 =	sadd.s32 s20, s17;
	s20 =	simm.s32 $0x1;
	p1 =	por !p1, !p1  }
0x228: {  	s18 =	sshra.s32 s18, $0x1;
	s20 =	simm.s32 @!p1 $0x0  }
0x229: {  	s18 =	ssub.s32 s18, s20  }
0x22a: {  	p1 =	slt.s32 s18, $0x1  }
.Ltmp9:
0x22b: {  	_ = 	snop;
	(pc) =	sbr.rel @p1 .LBB2_16-.Ltmp9, $3  }
0x22c: {  	_ =	sdelay $0x1  }
0x22d: {  	s5 =	sadd.s32 s12, s5  }
0x22e: {  	s19 =	sadd.s32 s19, s5  }
0x22f: {  	s5 =	sshll.u32 s19, $0x2  }
0x230: {  	s5 =	sshra.s32 s5, $0x2  }
0x231: {  	s20 =	sadd.s32 $0x880, s5  }
0x232: {  	v5 =	vld [tilespmem:s20+$0xFFFFFF80];
	_ =	sdelay $0x4  }
0x233: {  	v6 =	vand.u32 $0x3FFFF, v5  }
0x234: {  	v5 =	vshrl.u32 v5, $0x12;
	[tilespmem:$0x5880] =	vst v6  }
0x235: {  	[tilespmem:$0x5980] =	vst v5  }
0x236: {  	v5 =	vld [tilespmem:s20+$0xFFFFFF90];
	_ =	sdelay $0x4  }
0x237: {  	v6 =	vand.u32 $0x3FFFF, v5  }
0x238: {  	v5 =	vshrl.u32 v5, $0x12;
	[tilespmem:$0x5890] =	vst v6  }
0x239: {  	[tilespmem:$0x5990] =	vst v5  }
0x23a: {  	v5 =	vld [tilespmem:s20+$0xFFFFFFA0];
	_ =	sdelay $0x4  }
0x23b: {  	v6 =	vand.u32 $0x3FFFF, v5  }
0x23c: {  	v5 =	vshrl.u32 v5, $0x12;
	[tilespmem:$0x58A0] =	vst v6  }
0x23d: {  	[tilespmem:$0x59A0] =	vst v5  }
0x23e: {  	v5 =	vld [tilespmem:s20+$0xFFFFFFB0];
	_ =	sdelay $0x4  }
0x23f: {  	v6 =	vand.u32 $0x3FFFF, v5  }
0x240: {  	v5 =	vshrl.u32 v5, $0x12;
	[tilespmem:$0x58B0] =	vst v6  }
0x241: {  	[tilespmem:$0x59B0] =	vst v5  }
0x242: {  	v5 =	vld [tilespmem:s20+$0xFFFFFFC0];
	_ =	sdelay $0x4  }
0x243: {  	v6 =	vand.u32 $0x3FFFF, v5  }
0x244: {  	v5 =	vshrl.u32 v5, $0x12;
	[tilespmem:$0x58C0] =	vst v6  }
0x245: {  	[tilespmem:$0x59C0] =	vst v5  }
0x246: {  	v5 =	vld [tilespmem:s20+$0xFFFFFFD0];
	_ =	sdelay $0x4  }
0x247: {  	v6 =	vand.u32 $0x3FFFF, v5  }
0x248: {  	v5 =	vshrl.u32 v5, $0x12;
	[tilespmem:$0x58D0] =	vst v6  }
0x249: {  	[tilespmem:$0x59D0] =	vst v5  }
0x24a: {  	v5 =	vld [tilespmem:s20+$0xFFFFFFE0];
	_ =	sdelay $0x4  }
0x24b: {  	v6 =	vand.u32 $0x3FFFF, v5  }
0x24c: {  	v5 =	vshrl.u32 v5, $0x12;
	[tilespmem:$0x58E0] =	vst v6  }
0x24d: {  	[tilespmem:$0x59E0] =	vst v5  }
0x24e: {  	v5 =	vld [tilespmem:s20+$0xFFFFFFF0];
	_ =	sdelay $0x4  }
0x24f: {  	v6 =	vand.u32 $0x3FFFF, v5  }
0x250: {  	v5 =	vshrl.u32 v5, $0x12;
	[tilespmem:$0x58F0] =	vst v6  }
0x251: {  	[tilespmem:$0x59F0] =	vst v5  }
0x252: {  	[tilespmem:s0], [sflag:$0x1] =	stream.indirect.gather [hbm4b:s6+s30], $0x80, s31, s30, $0xb8;
	[tilespmem:$0x1EC00] =	vst v63  }
0x253: {  	v5 =	vld [tilespmem:s20+$0x0];
	_ =	sdelay $0x4  }
0x254: {  	v6 =	vand.u32 $0x3FFFF, v5  }
0x255: {  	v5 =	vshrl.u32 v5, $0x12;
	[tilespmem:$0x5900] =	vst v6  }
0x256: {  	[tilespmem:$0x5A00] =	vst v5  }
0x257: {  	v5 =	vld [tilespmem:s20+$0x10];
	_ =	sdelay $0x4  }
0x258: {  	v6 =	vand.u32 $0x3FFFF, v5  }
0x259: {  	v5 =	vshrl.u32 v5, $0x12;
	[tilespmem:$0x5910] =	vst v6  }
0x25a: {  	[tilespmem:$0x5A10] =	vst v5  }
0x25b: {  	v5 =	vld [tilespmem:s20+$0x20];
	_ =	sdelay $0x4  }
0x25c: {  	v6 =	vand.u32 $0x3FFFF, v5  }
0x25d: {  	v5 =	vshrl.u32 v5, $0x12;
	[tilespmem:$0x5920] =	vst v6  }
0x25e: {  	[tilespmem:$0x5A20] =	vst v5  }
0x25f: {  	v5 =	vld [tilespmem:s20+$0x30];
	_ =	sdelay $0x4  }
0x260: {  	v6 =	vand.u32 $0x3FFFF, v5  }
0x261: {  	v5 =	vshrl.u32 v5, $0x12;
	[tilespmem:$0x5930] =	vst v6  }
0x262: {  	[tilespmem:$0x5A30] =	vst v5  }
0x263: {  	v5 =	vld [tilespmem:s20+$0x40];
	_ =	sdelay $0x4  }
0x264: {  	v6 =	vand.u32 $0x3FFFF, v5  }
0x265: {  	v5 =	vshrl.u32 v5, $0x12;
	[tilespmem:$0x5940] =	vst v6  }
0x266: {  	[tilespmem:$0x5A40] =	vst v5  }
0x267: {  	v5 =	vld [tilespmem:s20+$0x50];
	_ =	sdelay $0x4  }
0x268: {  	v6 =	vand.u32 $0x3FFFF, v5  }
0x269: {  	v5 =	vshrl.u32 v5, $0x12;
	[tilespmem:$0x5950] =	vst v6  }
0x26a: {  	[tilespmem:$0x5A50] =	vst v5  }
0x26b: {  	v5 =	vld [tilespmem:s20+$0x60];
	_ =	sdelay $0x4  }
0x26c: {  	v6 =	vand.u32 $0x3FFFF, v5  }
0x26d: {  	v5 =	vshrl.u32 v5, $0x12;
	[tilespmem:$0x5960] =	vst v6  }
0x26e: {  	[tilespmem:$0x5A60] =	vst v5  }
0x26f: {  	p1 =	sne.s32 s18, $0x1;
	v5 =	vld [tilespmem:s20+$0x70]  }
.Ltmp10:
0x270: {  	_ = 	snop;
	(pc) =	sbr.rel @!p1 .LBB2_15-.Ltmp10, $2  }
0x271: {  	_ =	sdelay $0x2  }
0x272: {  	s5 =	sadd.s32 $0xFFFFFFFF, s18;
	v6 =	vand.u32 $0x3FFFF, v5;
	v5 =	vshrl.u32 v5, $0x12  }
.LBB2_14:
0x273: {  	p1 =	sne.s32 s5, $0x1;
	s5 =	sadd.s32 $0xFFFFFFFF, s5;
	[tilespmem:$0x5970] =	vst v6;
	s20 =	sadd.s32 $0x100, s20  }
0x274: {  	[tilespmem:$0x5A70] =	vst v5  }
0x275: {  	[tilespmem:s3], [sflag:$0x2] =	stream.indirect.gather [hbm4b:s6+s30], $0x80, s16, s30, $0xb8;
	[tilespmem:$0x1EC00] =	vst v63  }
0x276: {  	_ =	swait.ge [sflag:s29], $0x4000  }
0x277: {  	[sflag:s29] =	ssyncset.done $0x0  }
0x278: {  	[sflag:s29] =	ssyncadd.s32 $0xFFFFC000  }
0x279: {  	[spmem:s2] =	stream.indirect.scatter.add.f32 [tilespmem:s0], [sflag:$0x4], $0x80, s1, s30, $0xb8;
	[tilespmem:$0x1EC00] =	vst v63  }
0x27a: {  	_ =	swait.ge [sflag:s22], $0x4000  }
0x27b: {  	[sflag:s22] =	ssyncset.done $0x0  }
0x27c: {  	[sflag:s22] =	ssyncadd.s32 $0xFFFFC000  }
0x27d: {  	_ =	swait.ge [sflag:s4], $0x4000  }
0x27e: {  	[sflag:s4] =	ssyncset.done $0x0  }
0x27f: {  	[sflag:s4] =	ssyncadd.s32 $0xFFFFC000  }
0x280: {  	[spmem:s2] =	stream.indirect.scatter.add.f32 [tilespmem:s3], [sflag:$0x4], $0x80, s10, s30, $0xb8;
	[tilespmem:$0x1EC00] =	vst v63  }
0x281: {  	_ =	swait.ge [sflag:s22], $0x4000  }
0x282: {  	[sflag:s22] =	ssyncset.done $0x0  }
0x283: {  	[sflag:s22] =	ssyncadd.s32 $0xFFFFC000  }
0x284: {  	v5 =	vld [tilespmem:s20+$0xFFFFFF80];
	_ =	sdelay $0x4  }
0x285: {  	v6 =	vand.u32 $0x3FFFF, v5;
	v5 =	vshrl.u32 v5, $0x12  }
0x286: {  	[tilespmem:$0x5880] =	vst v6  }
0x287: {  	[tilespmem:$0x5980] =	vst v5  }
0x288: {  	v5 =	vld [tilespmem:s20+$0xFFFFFF90];
	_ =	sdelay $0x4  }
0x289: {  	v6 =	vand.u32 $0x3FFFF, v5;
	v5 =	vshrl.u32 v5, $0x12  }
0x28a: {  	[tilespmem:$0x5890] =	vst v6  }
0x28b: {  	[tilespmem:$0x5990] =	vst v5  }
0x28c: {  	v5 =	vld [tilespmem:s20+$0xFFFFFFA0];
	_ =	sdelay $0x4  }
0x28d: {  	v6 =	vand.u32 $0x3FFFF, v5;
	v5 =	vshrl.u32 v5, $0x12  }
0x28e: {  	[tilespmem:$0x58A0] =	vst v6  }
0x28f: {  	[tilespmem:$0x59A0] =	vst v5  }
0x290: {  	v5 =	vld [tilespmem:s20+$0xFFFFFFB0];
	_ =	sdelay $0x4  }
0x291: {  	v6 =	vand.u32 $0x3FFFF, v5;
	v5 =	vshrl.u32 v5, $0x12  }
0x292: {  	[tilespmem:$0x58B0] =	vst v6  }
0x293: {  	[tilespmem:$0x59B0] =	vst v5  }
0x294: {  	v5 =	vld [tilespmem:s20+$0xFFFFFFC0];
	_ =	sdelay $0x4  }
0x295: {  	v6 =	vand.u32 $0x3FFFF, v5;
	v5 =	vshrl.u32 v5, $0x12  }
0x296: {  	[tilespmem:$0x58C0] =	vst v6  }
0x297: {  	[tilespmem:$0x59C0] =	vst v5  }
0x298: {  	v5 =	vld [tilespmem:s20+$0xFFFFFFD0];
	_ =	sdelay $0x4  }
0x299: {  	v6 =	vand.u32 $0x3FFFF, v5;
	v5 =	vshrl.u32 v5, $0x12  }
0x29a: {  	[tilespmem:$0x58D0] =	vst v6  }
0x29b: {  	[tilespmem:$0x59D0] =	vst v5  }
0x29c: {  	v5 =	vld [tilespmem:s20+$0xFFFFFFE0];
	_ =	sdelay $0x4  }
0x29d: {  	v6 =	vand.u32 $0x3FFFF, v5;
	v5 =	vshrl.u32 v5, $0x12  }
0x29e: {  	[tilespmem:$0x58E0] =	vst v6  }
0x29f: {  	[tilespmem:$0x59E0] =	vst v5  }
0x2a0: {  	v5 =	vld [tilespmem:s20+$0xFFFFFFF0];
	_ =	sdelay $0x4  }
0x2a1: {  	v6 =	vand.u32 $0x3FFFF, v5;
	v5 =	vshrl.u32 v5, $0x12  }
0x2a2: {  	[tilespmem:$0x58F0] =	vst v6  }
0x2a3: {  	[tilespmem:$0x59F0] =	vst v5  }
0x2a4: {  	[tilespmem:s0], [sflag:$0x1] =	stream.indirect.gather [hbm4b:s6+s30], $0x80, s31, s30, $0xb8;
	[tilespmem:$0x1EC00] =	vst v63  }
0x2a5: {  	v5 =	vld [tilespmem:s20+$0x0];
	_ =	sdelay $0x4  }
0x2a6: {  	v6 =	vand.u32 $0x3FFFF, v5;
	v5 =	vshrl.u32 v5, $0x12  }
0x2a7: {  	[tilespmem:$0x5900] =	vst v6  }
0x2a8: {  	[tilespmem:$0x5A00] =	vst v5  }
0x2a9: {  	v5 =	vld [tilespmem:s20+$0x10];
	_ =	sdelay $0x4  }
0x2aa: {  	v6 =	vand.u32 $0x3FFFF, v5;
	v5 =	vshrl.u32 v5, $0x12  }
0x2ab: {  	[tilespmem:$0x5910] =	vst v6  }
0x2ac: {  	[tilespmem:$0x5A10] =	vst v5  }
0x2ad: {  	v5 =	vld [tilespmem:s20+$0x20];
	_ =	sdelay $0x4  }
0x2ae: {  	v6 =	vand.u32 $0x3FFFF, v5;
	v5 =	vshrl.u32 v5, $0x12  }
0x2af: {  	[tilespmem:$0x5920] =	vst v6  }
0x2b0: {  	[tilespmem:$0x5A20] =	vst v5  }
0x2b1: {  	v5 =	vld [tilespmem:s20+$0x30];
	_ =	sdelay $0x4  }
0x2b2: {  	v6 =	vand.u32 $0x3FFFF, v5;
	v5 =	vshrl.u32 v5, $0x12  }
0x2b3: {  	[tilespmem:$0x5930] =	vst v6  }
0x2b4: {  	[tilespmem:$0x5A30] =	vst v5  }
0x2b5: {  	v5 =	vld [tilespmem:s20+$0x40];
	_ =	sdelay $0x4  }
0x2b6: {  	v6 =	vand.u32 $0x3FFFF, v5;
	v5 =	vshrl.u32 v5, $0x12  }
0x2b7: {  	[tilespmem:$0x5940] =	vst v6  }
0x2b8: {  	[tilespmem:$0x5A40] =	vst v5  }
0x2b9: {  	v5 =	vld [tilespmem:s20+$0x50];
	_ =	sdelay $0x4  }
0x2ba: {  	v6 =	vand.u32 $0x3FFFF, v5;
	v5 =	vshrl.u32 v5, $0x12  }
0x2bb: {  	[tilespmem:$0x5950] =	vst v6  }
0x2bc: {  	[tilespmem:$0x5A50] =	vst v5  }
0x2bd: {  	v5 =	vld [tilespmem:s20+$0x60];
	_ =	sdelay $0x4  }
0x2be: {  	v6 =	vand.u32 $0x3FFFF, v5;
	v5 =	vshrl.u32 v5, $0x12  }
0x2bf: {  	[tilespmem:$0x5960] =	vst v6  }
0x2c0: {  	[tilespmem:$0x5A60] =	vst v5  }
0x2c1: {  	v5 =	vld [tilespmem:s20+$0x70]  }
.Ltmp11:
0x2c2: {  	(pc) =	sbr.rel @p1 .LBB2_14-.Ltmp11, $2  }
0x2c3: {  	_ =	sdelay $0x2  }
0x2c4: {  	v6 =	vand.u32 $0x3FFFF, v5;
	v5 =	vshrl.u32 v5, $0x12  }
.Ltmp12:
0x2c5: {  	_ = 	snop;
	(pc) =	sbr.rel .LBB2_15-.Ltmp12, $1  }
0x2c6: {  	_ =	sdelay $0x3  }
.LBB2_17:
.Ltmp13:
0x2c7: {  	(pc) =	sbr.rel .LBB2_18-.Ltmp13, $2  }
0x2c8: {  	_ =	sdelay $0x2  }
0x2c9: {  	s15 =	simm.s32 $0x0  }
.LBB2_24:
0x2ca: {  	s15 =	sadd.s32 $0x1, s15  }
0x2cb: {  	p1 =	sne.s32 s15, $0x10  }
.Ltmp14:
0x2cc: {  	_ = 	snop;
	(pc) =	sbr.rel @!p1 .LBB2_25-.Ltmp14, $1  }
0x2cd: {  	_ =	sdelay $0x3  }
.LBB2_18:
0x2ce: {  	v5 =	vld [tilespmem:$0xE700]  }
0x2cf: {  	s5 =	sshll.u32 s15, $0x1;
	v6 =	vld [tilespmem:$0xE710]  }
0x2d0: {  	v7 =	vld [tilespmem:$0xE680];
	s5 =	sor.u32 s11, s5  }
0x2d1: {  	v9 =	vld [tilespmem:$0xE690];
	v8 =	vmov s5  }
0x2d2: {  	vm0 =	veq.s32 v8, v1  }
0x2d3: {  	vm1 =	veq.s32 v8, v4;
	v5 =	vnsel vm0, $0x0, v5  }
0x2d4: {  	(xrf0) =	vadd.scan.msk.s32 $0xffff, v5;
	v5 =	vnsel vm1, $0x0, v6  }
0x2d5: {  	(xrf0) =	vadd.scan.msk.s32 $0xffff, v5;
	v5 =	vnsel vm0, $0x0, v7  }
0x2d6: {  	(xrf0) =	vadd.scan.msk.s32 $0xffff, v5;
	v5 =	vnsel vm1, $0x0, v9  }
0x2d7: {  	(xrf0) =	vadd.scan.msk.s32 $0xffff, v5;
	_ =	sdelay $0x2  }
0x2d8: {  	v5, _, _ =	vpop (xrf0)  }
0x2d9: {  	v6, _, _ =	vpop (xrf0);
	(v2sf) =	vpush v5, $0xF  }
0x2da: {  	v5, _, _ =	vpop (xrf0);
	(v2sf) =	vpush v6, $0xF  }
0x2db: {  	(v2sf) =	vpush v5, $0xF;
	v5, _, _ =	vpop (xrf0)  }
0x2dc: {  	(v2sf) =	vpush v5, $0xF;
	_ =	sdelay $0xb  }
0x2dd: {  	s5 =	spop (v2sf)  }
0x2de: {  	s17 =	spop (v2sf)  }
0x2df: {  	s20 =	rddreg [dreg:$0x6];
	s18 =	spop (v2sf)  }
0x2e0: {  	s19 =	spop (v2sf);
	s18 =	sadd.s32 s18, s20  }
0x2e1: {  	s18 =	sadd.s32 s19, s18  }
0x2e2: {  	s19 =	sand.u32 $0x7F, s18  }
0x2e3: {  	s21 =	sshra.s32 s18, $0x1F;
	p1 =	slt.s32 s18, $0x1;
	p2 =	sne.s32 s19, $0x0  }
0x2e4: {  	s20 =	sshrl.u32 s21, $0x19;
	p1 =	por !p1, !p2  }
0x2e5: {  	s19 =	simm.s32 $0x1;
	s18 =	sadd.s32 s20, s18;
	p1 =	por !p1, !p1  }
0x2e6: {  	s18 =	sshra.s32 s18, $0x7;
	s19 =	simm.s32 @!p1 $0x0  }
0x2e7: {  	s18 =	ssub.s32 s18, s19  }
0x2e8: {  	s19 =	sand.u32 $0x1, s18  }
0x2e9: {  	p5 =	slt.s32 s18, $0x1;
	p6 =	seq.s32 s19, $0x1  }
0x2ea: {  	s21 =	sshrl.u32 s18, $0x1F;
	p1 =	por !p5, !p6  }
0x2eb: {  	s20 =	simm.s32 $0x1;
	s19 =	sadd.s32 s21, s18;
	p1 =	por !p1, !p1  }
0x2ec: {  	s19 =	sshra.s32 s19, $0x1;
	s20 =	simm.s32 @!p1 $0x0  }
0x2ed: {  	s19 =	ssub.s32 s19, s20  }
0x2ee: {  	p1 =	slt.s32 s19, $0x1  }
.Ltmp15:
0x2ef: {  	_ = 	snop;
	(pc) =	sbr.rel @p1 .LBB2_22-.Ltmp15, $3  }
0x2f0: {  	_ =	sdelay $0x1  }
0x2f1: {  	s5 =	sadd.s32 s12, s5;
	s21 =	sshll.u32 s15, $0xE  }
0x2f2: {  	s20 =	sadd.s32 s17, s5;
	s17 =	sor.u32 s13, s21  }
0x2f3: {  	s5 =	sshll.u32 s20, $0x2  }
0x2f4: {  	s5 =	sshra.s32 s5, $0x2  }
0x2f5: {  	s21 =	sadd.s32 $0x880, s5  }
0x2f6: {  	v6 =	vld [tilespmem:s21+$0xFFFFFF80];
	_ =	sdelay $0x4  }
0x2f7: {  	v5 =	vmov s17;
	v7 =	vshrl.u32 v6, $0x12  }
0x2f8: {  	v6 =	vand.u32 $0x3FFFF, v6;
	vm0 =	veq.s32 v7, $0x2000;
	v7 =	vadd.s32 v5, v7  }
0x2f9: {  	v6 =	vsel vm0, $0x40000, v6;
	[tilespmem:$0x5980] =	vst v7  }
0x2fa: {  	[tilespmem:$0x5880] =	vst v6  }
0x2fb: {  	v6 =	vld [tilespmem:s21+$0xFFFFFF90];
	_ =	sdelay $0x4  }
0x2fc: {  	v7 =	vshrl.u32 v6, $0x12  }
0x2fd: {  	v6 =	vand.u32 $0x3FFFF, v6;
	vm13 =	veq.s32 v7, $0x2000;
	v7 =	vadd.s32 v5, v7  }
0x2fe: {  	v6 =	vsel vm13, $0x40000, v6;
	[tilespmem:$0x5990] =	vst v7  }
0x2ff: {  	[tilespmem:$0x5890] =	vst v6  }
0x300: {  	v6 =	vld [tilespmem:s21+$0xFFFFFFA0];
	_ =	sdelay $0x4  }
0x301: {  	v7 =	vshrl.u32 v6, $0x12  }
0x302: {  	v6 =	vand.u32 $0x3FFFF, v6;
	vm14 =	veq.s32 v7, $0x2000;
	v7 =	vadd.s32 v5, v7  }
0x303: {  	v6 =	vsel vm14, $0x40000, v6;
	[tilespmem:$0x59A0] =	vst v7  }
0x304: {  	[tilespmem:$0x58A0] =	vst v6  }
0x305: {  	v6 =	vld [tilespmem:s21+$0xFFFFFFB0];
	_ =	sdelay $0x4  }
0x306: {  	v7 =	vshrl.u32 v6, $0x12  }
0x307: {  	v6 =	vand.u32 $0x3FFFF, v6;
	vm15 =	veq.s32 v7, $0x2000;
	v7 =	vadd.s32 v5, v7  }
0x308: {  	v6 =	vsel vm15, $0x40000, v6;
	[tilespmem:$0x59B0] =	vst v7  }
0x309: {  	[tilespmem:$0x58B0] =	vst v6  }
0x30a: {  	v6 =	vld [tilespmem:s21+$0xFFFFFFC0];
	_ =	sdelay $0x4  }
0x30b: {  	v7 =	vshrl.u32 v6, $0x12  }
0x30c: {  	v6 =	vand.u32 $0x3FFFF, v6;
	vm4 =	veq.s32 v7, $0x2000;
	v7 =	vadd.s32 v5, v7  }
0x30d: {  	v6 =	vsel vm4, $0x40000, v6;
	[tilespmem:$0x59C0] =	vst v7  }
0x30e: {  	[tilespmem:$0x58C0] =	vst v6  }
0x30f: {  	v6 =	vld [tilespmem:s21+$0xFFFFFFD0];
	_ =	sdelay $0x4  }
0x310: {  	v7 =	vshrl.u32 v6, $0x12  }
0x311: {  	v6 =	vand.u32 $0x3FFFF, v6;
	vm5 =	veq.s32 v7, $0x2000;
	v7 =	vadd.s32 v5, v7  }
0x312: {  	v6 =	vsel vm5, $0x40000, v6;
	[tilespmem:$0x59D0] =	vst v7  }
0x313: {  	[tilespmem:$0x58D0] =	vst v6  }
0x314: {  	v6 =	vld [tilespmem:s21+$0xFFFFFFE0];
	_ =	sdelay $0x4  }
0x315: {  	v7 =	vshrl.u32 v6, $0x12  }
0x316: {  	v6 =	vand.u32 $0x3FFFF, v6;
	vm6 =	veq.s32 v7, $0x2000;
	v7 =	vadd.s32 v5, v7  }
0x317: {  	v6 =	vsel vm6, $0x40000, v6;
	[tilespmem:$0x59E0] =	vst v7  }
0x318: {  	[tilespmem:$0x58E0] =	vst v6  }
0x319: {  	v6 =	vld [tilespmem:s21+$0xFFFFFFF0];
	_ =	sdelay $0x4  }
0x31a: {  	v7 =	vshrl.u32 v6, $0x12  }
0x31b: {  	v6 =	vand.u32 $0x3FFFF, v6;
	vm7 =	veq.s32 v7, $0x2000;
	v7 =	vadd.s32 v5, v7  }
0x31c: {  	v6 =	vsel vm7, $0x40000, v6;
	[tilespmem:$0x59F0] =	vst v7  }
0x31d: {  	[tilespmem:$0x58F0] =	vst v6  }
0x31e: {  	[tilespmem:s0], [sflag:$0x1] =	stream.indirect.gather [hbm4b:s8+s30], $0x80, s1, s30, $0xb8;
	[tilespmem:$0x1EC00] =	vst v63  }
0x31f: {  	v6 =	vld [tilespmem:s21+$0x0];
	_ =	sdelay $0x4  }
0x320: {  	v7 =	vshrl.u32 v6, $0x12  }
0x321: {  	v6 =	vand.u32 $0x3FFFF, v6;
	vm8 =	veq.s32 v7, $0x2000;
	v7 =	vadd.s32 v5, v7  }
0x322: {  	v6 =	vsel vm8, $0x40000, v6;
	[tilespmem:$0x5A00] =	vst v7  }
0x323: {  	[tilespmem:$0x5900] =	vst v6  }
0x324: {  	v6 =	vld [tilespmem:s21+$0x10];
	_ =	sdelay $0x4  }
0x325: {  	v7 =	vshrl.u32 v6, $0x12  }
0x326: {  	v6 =	vand.u32 $0x3FFFF, v6;
	vm9 =	veq.s32 v7, $0x2000;
	v7 =	vadd.s32 v5, v7  }
0x327: {  	v6 =	vsel vm9, $0x40000, v6;
	[tilespmem:$0x5A10] =	vst v7  }
0x328: {  	[tilespmem:$0x5910] =	vst v6  }
0x329: {  	v6 =	vld [tilespmem:s21+$0x20];
	_ =	sdelay $0x4  }
0x32a: {  	v7 =	vshrl.u32 v6, $0x12  }
0x32b: {  	v6 =	vand.u32 $0x3FFFF, v6;
	vm10 =	veq.s32 v7, $0x2000;
	v7 =	vadd.s32 v5, v7  }
0x32c: {  	v6 =	vsel vm10, $0x40000, v6;
	[tilespmem:$0x5A20] =	vst v7  }
0x32d: {  	[tilespmem:$0x5920] =	vst v6  }
0x32e: {  	v6 =	vld [tilespmem:s21+$0x30];
	_ =	sdelay $0x4  }
0x32f: {  	v7 =	vshrl.u32 v6, $0x12  }
0x330: {  	v6 =	vand.u32 $0x3FFFF, v6;
	vm11 =	veq.s32 v7, $0x2000;
	v7 =	vadd.s32 v5, v7  }
0x331: {  	v6 =	vsel vm11, $0x40000, v6;
	[tilespmem:$0x5A30] =	vst v7  }
0x332: {  	[tilespmem:$0x5930] =	vst v6  }
0x333: {  	v6 =	vld [tilespmem:s21+$0x40];
	_ =	sdelay $0x4  }
0x334: {  	v7 =	vshrl.u32 v6, $0x12  }
0x335: {  	v6 =	vand.u32 $0x3FFFF, v6;
	vm12 =	veq.s32 v7, $0x2000;
	v7 =	vadd.s32 v5, v7  }
0x336: {  	v6 =	vsel vm12, $0x40000, v6;
	[tilespmem:$0x5A40] =	vst v7  }
0x337: {  	[tilespmem:$0x5940] =	vst v6  }
0x338: {  	v6 =	vld [tilespmem:s21+$0x50];
	_ =	sdelay $0x4  }
0x339: {  	v7 =	vshrl.u32 v6, $0x12  }
0x33a: {  	v6 =	vand.u32 $0x3FFFF, v6;
	vm13 =	veq.s32 v7, $0x2000;
	v7 =	vadd.s32 v5, v7  }
0x33b: {  	v6 =	vsel vm13, $0x40000, v6;
	[tilespmem:$0x5A50] =	vst v7  }
0x33c: {  	[tilespmem:$0x5950] =	vst v6  }
0x33d: {  	v6 =	vld [tilespmem:s21+$0x60];
	_ =	sdelay $0x4  }
0x33e: {  	v7 =	vshrl.u32 v6, $0x12  }
0x33f: {  	v6 =	vand.u32 $0x3FFFF, v6;
	vm14 =	veq.s32 v7, $0x2000;
	v7 =	vadd.s32 v5, v7  }
0x340: {  	v6 =	vsel vm14, $0x40000, v6;
	[tilespmem:$0x5A60] =	vst v7  }
0x341: {  	[tilespmem:$0x5960] =	vst v6  }
0x342: {  	v6 =	vld [tilespmem:s21+$0x70];
	_ =	sdelay $0x4  }
0x343: {  	v7 =	vshrl.u32 v6, $0x12  }
0x344: {  	v6 =	vand.u32 $0x3FFFF, v6;
	vm15 =	veq.s32 v7, $0x2000;
	v7 =	vadd.s32 v5, v7  }
0x345: {  	v6 =	vsel vm15, $0x40000, v6;
	[tilespmem:$0x5A70] =	vst v7  }
0x346: {  	[tilespmem:$0x5970] =	vst v6  }
0x347: {  	[tilespmem:s3], [sflag:$0x2] =	stream.indirect.gather [hbm4b:s8+s30], $0x80, s10, s30, $0xb8;
	[tilespmem:$0x1EC00] =	vst v63  }
0x348: {  	_ =	swait.ge [sflag:s29], $0x4000  }
0x349: {  	[sflag:s29] =	ssyncset.done $0x0  }
0x34a: {  	[sflag:s29] =	ssyncadd.s32 $0xFFFFC000  }
0x34b: {  	[hbm4b:s7+s30] =	stream.indirect.scatter [tilespmem:s0], [sflag:$0x3], $0x80, s31, s30, $0xb8;
	[tilespmem:$0x1EC00] =	vst v63  }
0x34c: {  	_ =	swait.ge [sflag:s4], $0x4000  }
0x34d: {  	[sflag:s4] =	ssyncset.done $0x0  }
0x34e: {  	p1 =	sne.s32 s19, $0x1;
	[sflag:s4] =	ssyncadd.s32 $0xFFFFC000  }
0x34f: {  	[hbm4b:s7+s30] =	stream.indirect.scatter [tilespmem:s3], [sflag:$0x3], $0x80, s16, s30, $0xb8;
	[tilespmem:$0x1EC00] =	vst v63  }
.Ltmp16:
0x350: {  	_ =	swait.ge [sflag:s28], $0x4000;
	(pc) =	sbr.rel @!p1 .LBB2_21-.Ltmp16, $4  }
0x351: {  	[sflag:s28] =	ssyncset.done $0x0  }
0x352: {  	[sflag:s28] =	ssyncadd.s32 $0xFFFFC000  }
0x353: {  	_ =	swait.ge [sflag:s28], $0x4000  }
0x354: {  	s5 =	sadd.s32 $0xFFFFFFFF, s19;
	[sflag:s28] =	ssyncset.done $0x0  }
.LBB2_20:
0x355: {  	p1 =	sne.s32 s5, $0x1;
	[sflag:s28] =	ssyncadd.s32 $0xFFFFC000;
	s21 =	sadd.s32 $0x100, s21  }
0x356: {  	s5 =	sadd.s32 $0xFFFFFFFF, s5;
	v6 =	vld [tilespmem:s21+$0xFFFFFF80];
	_ =	sdelay $0x4  }
0x357: {  	v7 =	vshrl.u32 v6, $0x12  }
0x358: {  	v6 =	vand.u32 $0x3FFFF, v6;
	vm0 =	veq.s32 v7, $0x2000;
	v7 =	vadd.s32 v5, v7  }
0x359: {  	v6 =	vsel vm0, $0x40000, v6;
	[tilespmem:$0x5980] =	vst v7  }
0x35a: {  	[tilespmem:$0x5880] =	vst v6  }
0x35b: {  	v6 =	vld [tilespmem:s21+$0xFFFFFF90];
	_ =	sdelay $0x4  }
0x35c: {  	v7 =	vshrl.u32 v6, $0x12  }
0x35d: {  	v6 =	vand.u32 $0x3FFFF, v6;
	vm0 =	veq.s32 v7, $0x2000;
	v7 =	vadd.s32 v5, v7  }
0x35e: {  	v6 =	vsel vm0, $0x40000, v6;
	[tilespmem:$0x5990] =	vst v7  }
0x35f: {  	[tilespmem:$0x5890] =	vst v6  }
0x360: {  	v6 =	vld [tilespmem:s21+$0xFFFFFFA0];
	_ =	sdelay $0x4  }
0x361: {  	v7 =	vshrl.u32 v6, $0x12  }
0x362: {  	v6 =	vand.u32 $0x3FFFF, v6;
	vm0 =	veq.s32 v7, $0x2000;
	v7 =	vadd.s32 v5, v7  }
0x363: {  	v6 =	vsel vm0, $0x40000, v6;
	[tilespmem:$0x59A0] =	vst v7  }
0x364: {  	[tilespmem:$0x58A0] =	vst v6  }
0x365: {  	v6 =	vld [tilespmem:s21+$0xFFFFFFB0];
	_ =	sdelay $0x4  }
0x366: {  	v7 =	vshrl.u32 v6, $0x12  }
0x367: {  	v6 =	vand.u32 $0x3FFFF, v6;
	vm0 =	veq.s32 v7, $0x2000;
	v7 =	vadd.s32 v5, v7  }
0x368: {  	v6 =	vsel vm0, $0x40000, v6;
	[tilespmem:$0x59B0] =	vst v7  }
0x369: {  	[tilespmem:$0x58B0] =	vst v6  }
0x36a: {  	v6 =	vld [tilespmem:s21+$0xFFFFFFC0];
	_ =	sdelay $0x4  }
0x36b: {  	v7 =	vshrl.u32 v6, $0x12  }
0x36c: {  	v6 =	vand.u32 $0x3FFFF, v6;
	vm0 =	veq.s32 v7, $0x2000;
	v7 =	vadd.s32 v5, v7  }
0x36d: {  	v6 =	vsel vm0, $0x40000, v6;
	[tilespmem:$0x59C0] =	vst v7  }
0x36e: {  	[tilespmem:$0x58C0] =	vst v6  }
0x36f: {  	v6 =	vld [tilespmem:s21+$0xFFFFFFD0];
	_ =	sdelay $0x4  }
0x370: {  	v7 =	vshrl.u32 v6, $0x12  }
0x371: {  	v6 =	vand.u32 $0x3FFFF, v6;
	vm0 =	veq.s32 v7, $0x2000;
	v7 =	vadd.s32 v5, v7  }
0x372: {  	v6 =	vsel vm0, $0x40000, v6;
	[tilespmem:$0x59D0] =	vst v7  }
0x373: {  	[tilespmem:$0x58D0] =	vst v6  }
0x374: {  	v6 =	vld [tilespmem:s21+$0xFFFFFFE0];
	_ =	sdelay $0x4  }
0x375: {  	v7 =	vshrl.u32 v6, $0x12  }
0x376: {  	v6 =	vand.u32 $0x3FFFF, v6;
	vm0 =	veq.s32 v7, $0x2000;
	v7 =	vadd.s32 v5, v7  }
0x377: {  	v6 =	vsel vm0, $0x40000, v6;
	[tilespmem:$0x59E0] =	vst v7  }
0x378: {  	[tilespmem:$0x58E0] =	vst v6  }
0x379: {  	v6 =	vld [tilespmem:s21+$0xFFFFFFF0];
	_ =	sdelay $0x4  }
0x37a: {  	v7 =	vshrl.u32 v6, $0x12  }
0x37b: {  	v6 =	vand.u32 $0x3FFFF, v6;
	vm0 =	veq.s32 v7, $0x2000;
	v7 =	vadd.s32 v5, v7  }
0x37c: {  	v6 =	vsel vm0, $0x40000, v6;
	[tilespmem:$0x59F0] =	vst v7  }
0x37d: {  	[tilespmem:$0x58F0] =	vst v6  }
0x37e: {  	[tilespmem:s0], [sflag:$0x1] =	stream.indirect.gather [hbm4b:s8+s30], $0x80, s1, s30, $0xb8;
	[tilespmem:$0x1EC00] =	vst v63  }
0x37f: {  	v6 =	vld [tilespmem:s21+$0x0];
	_ =	sdelay $0x4  }
0x380: {  	v7 =	vshrl.u32 v6, $0x12  }
0x381: {  	v6 =	vand.u32 $0x3FFFF, v6;
	vm0 =	veq.s32 v7, $0x2000;
	v7 =	vadd.s32 v5, v7  }
0x382: {  	v6 =	vsel vm0, $0x40000, v6;
	[tilespmem:$0x5A00] =	vst v7  }
0x383: {  	[tilespmem:$0x5900] =	vst v6  }
0x384: {  	v6 =	vld [tilespmem:s21+$0x10];
	_ =	sdelay $0x4  }
0x385: {  	v7 =	vshrl.u32 v6, $0x12  }
0x386: {  	v6 =	vand.u32 $0x3FFFF, v6;
	vm0 =	veq.s32 v7, $0x2000;
	v7 =	vadd.s32 v5, v7  }
0x387: {  	v6 =	vsel vm0, $0x40000, v6;
	[tilespmem:$0x5A10] =	vst v7  }
0x388: {  	[tilespmem:$0x5910] =	vst v6  }
0x389: {  	v6 =	vld [tilespmem:s21+$0x20];
	_ =	sdelay $0x4  }
0x38a: {  	v7 =	vshrl.u32 v6, $0x12  }
0x38b: {  	v6 =	vand.u32 $0x3FFFF, v6;
	vm0 =	veq.s32 v7, $0x2000;
	v7 =	vadd.s32 v5, v7  }
0x38c: {  	v6 =	vsel vm0, $0x40000, v6;
	[tilespmem:$0x5A20] =	vst v7  }
0x38d: {  	[tilespmem:$0x5920] =	vst v6  }
0x38e: {  	v6 =	vld [tilespmem:s21+$0x30];
	_ =	sdelay $0x4  }
0x38f: {  	v7 =	vshrl.u32 v6, $0x12  }
0x390: {  	v6 =	vand.u32 $0x3FFFF, v6;
	vm0 =	veq.s32 v7, $0x2000;
	v7 =	vadd.s32 v5, v7  }
0x391: {  	v6 =	vsel vm0, $0x40000, v6;
	[tilespmem:$0x5A30] =	vst v7  }
0x392: {  	[tilespmem:$0x5930] =	vst v6  }
0x393: {  	v6 =	vld [tilespmem:s21+$0x40];
	_ =	sdelay $0x4  }
0x394: {  	v7 =	vshrl.u32 v6, $0x12  }
0x395: {  	v6 =	vand.u32 $0x3FFFF, v6;
	vm0 =	veq.s32 v7, $0x2000;
	v7 =	vadd.s32 v5, v7  }
0x396: {  	v6 =	vsel vm0, $0x40000, v6;
	[tilespmem:$0x5A40] =	vst v7  }
0x397: {  	[tilespmem:$0x5940] =	vst v6  }
0x398: {  	v6 =	vld [tilespmem:s21+$0x50];
	_ =	sdelay $0x4  }
0x399: {  	v7 =	vshrl.u32 v6, $0x12  }
0x39a: {  	v6 =	vand.u32 $0x3FFFF, v6;
	vm0 =	veq.s32 v7, $0x2000;
	v7 =	vadd.s32 v5, v7  }
0x39b: {  	v6 =	vsel vm0, $0x40000, v6;
	[tilespmem:$0x5A50] =	vst v7  }
0x39c: {  	[tilespmem:$0x5950] =	vst v6  }
0x39d: {  	v6 =	vld [tilespmem:s21+$0x60];
	_ =	sdelay $0x4  }
0x39e: {  	v7 =	vshrl.u32 v6, $0x12  }
0x39f: {  	v6 =	vand.u32 $0x3FFFF, v6;
	vm0 =	veq.s32 v7, $0x2000;
	v7 =	vadd.s32 v5, v7  }
0x3a0: {  	v6 =	vsel vm0, $0x40000, v6;
	[tilespmem:$0x5A60] =	vst v7  }
0x3a1: {  	[tilespmem:$0x5960] =	vst v6  }
0x3a2: {  	v6 =	vld [tilespmem:s21+$0x70];
	_ =	sdelay $0x4  }
0x3a3: {  	v7 =	vshrl.u32 v6, $0x12  }
0x3a4: {  	v6 =	vand.u32 $0x3FFFF, v6;
	vm0 =	veq.s32 v7, $0x2000;
	v7 =	vadd.s32 v5, v7  }
0x3a5: {  	v6 =	vsel vm0, $0x40000, v6;
	[tilespmem:$0x5A70] =	vst v7  }
0x3a6: {  	[tilespmem:$0x5970] =	vst v6  }
0x3a7: {  	[tilespmem:s3], [sflag:$0x2] =	stream.indirect.gather [hbm4b:s8+s30], $0x80, s10, s30, $0xb8;
	[tilespmem:$0x1EC00] =	vst v63  }
0x3a8: {  	_ =	swait.ge [sflag:s29], $0x4000  }
0x3a9: {  	[sflag:s29] =	ssyncset.done $0x0  }
0x3aa: {  	[sflag:s29] =	ssyncadd.s32 $0xFFFFC000  }
0x3ab: {  	[hbm4b:s7+s30] =	stream.indirect.scatter [tilespmem:s0], [sflag:$0x3], $0x80, s31, s30, $0xb8;
	[tilespmem:$0x1EC00] =	vst v63  }
0x3ac: {  	_ =	swait.ge [sflag:s4], $0x4000  }
0x3ad: {  	[sflag:s4] =	ssyncset.done $0x0  }
0x3ae: {  	[sflag:s4] =	ssyncadd.s32 $0xFFFFC000  }
0x3af: {  	[hbm4b:s7+s30] =	stream.indirect.scatter [tilespmem:s3], [sflag:$0x3], $0x80, s16, s30, $0xb8;
	[tilespmem:$0x1EC00] =	vst v63  }
.Ltmp17:
0x3b0: {  	_ =	swait.ge [sflag:s28], $0x4000;
	(pc) =	sbr.rel @p1 .LBB2_20-.Ltmp17, $4  }
0x3b1: {  	[sflag:s28] =	ssyncset.done $0x0  }
0x3b2: {  	[sflag:s28] =	ssyncadd.s32 $0xFFFFC000  }
0x3b3: {  	_ =	swait.ge [sflag:s28], $0x4000  }
0x3b4: {  	[sflag:s28] =	ssyncset.done $0x0  }
.LBB2_21:
0x3b5: {  	[sflag:s28] =	ssyncadd.s32 $0xFFFFC000  }
.LBB2_22:
0x3b6: {  	s5 =	sshll.u32 s19, $0x1  }
0x3b7: {  	p1 =	sle.s32 s18, s5  }
.Ltmp18:
0x3b8: {  	_ = 	snop;
	(pc) =	sbr.rel @p1 .LBB2_24-.Ltmp18, $1  }
0x3b9: {  	_ =	sdelay $0x3  }
0x3ba: {  	s5 =	sshll.u32 s19, $0xA  }
0x3bb: {  	s5 =	sshra.s32 s5, $0x2  }
0x3bc: {  	s5 =	sadd.s32 s5, s20  }
0x3bd: {  	v5 =	vld [tilespmem:s5+$0x800];
	_ =	sdelay $0x4  }
0x3be: {  	v6 =	vshrl.u32 v5, $0x12  }
0x3bf: {  	v5 =	vand.u32 $0x3FFFF, v5;
	vm0 =	veq.s32 v6, $0x2000  }
0x3c0: {  	v5 =	vsel vm0, $0x40000, v5  }
0x3c1: {  	[tilespmem:$0x5880] =	vst v5;
	v5 =	vadd.s32 s17, v6  }
0x3c2: {  	[tilespmem:$0x5980] =	vst v5  }
0x3c3: {  	v5 =	vld [tilespmem:s5+$0x810];
	_ =	sdelay $0x4  }
0x3c4: {  	v6 =	vshrl.u32 v5, $0x12  }
0x3c5: {  	v5 =	vand.u32 $0x3FFFF, v5;
	vm9 =	veq.s32 v6, $0x2000  }
0x3c6: {  	v5 =	vsel vm9, $0x40000, v5  }
0x3c7: {  	[tilespmem:$0x5890] =	vst v5;
	v5 =	vadd.s32 s17, v6  }
0x3c8: {  	[tilespmem:$0x5990] =	vst v5  }
0x3c9: {  	v5 =	vld [tilespmem:s5+$0x820];
	_ =	sdelay $0x4  }
0x3ca: {  	v6 =	vshrl.u32 v5, $0x12  }
0x3cb: {  	v5 =	vand.u32 $0x3FFFF, v5;
	vm10 =	veq.s32 v6, $0x2000  }
0x3cc: {  	v5 =	vsel vm10, $0x40000, v5  }
0x3cd: {  	[tilespmem:$0x58A0] =	vst v5;
	v5 =	vadd.s32 s17, v6  }
0x3ce: {  	[tilespmem:$0x59A0] =	vst v5  }
0x3cf: {  	v5 =	vld [tilespmem:s5+$0x830];
	_ =	sdelay $0x4  }
0x3d0: {  	v6 =	vshrl.u32 v5, $0x12  }
0x3d1: {  	v5 =	vand.u32 $0x3FFFF, v5;
	vm11 =	veq.s32 v6, $0x2000  }
0x3d2: {  	v5 =	vsel vm11, $0x40000, v5  }
0x3d3: {  	[tilespmem:$0x58B0] =	vst v5;
	v5 =	vadd.s32 s17, v6  }
0x3d4: {  	[tilespmem:$0x59B0] =	vst v5  }
0x3d5: {  	v5 =	vld [tilespmem:s5+$0x840];
	_ =	sdelay $0x4  }
0x3d6: {  	v6 =	vshrl.u32 v5, $0x12  }
0x3d7: {  	v5 =	vand.u32 $0x3FFFF, v5;
	vm12 =	veq.s32 v6, $0x2000  }
0x3d8: {  	v5 =	vsel vm12, $0x40000, v5  }
0x3d9: {  	[tilespmem:$0x58C0] =	vst v5;
	v5 =	vadd.s32 s17, v6  }
0x3da: {  	[tilespmem:$0x59C0] =	vst v5  }
0x3db: {  	v5 =	vld [tilespmem:s5+$0x850];
	_ =	sdelay $0x4  }
0x3dc: {  	v6 =	vshrl.u32 v5, $0x12  }
0x3dd: {  	v5 =	vand.u32 $0x3FFFF, v5;
	vm13 =	veq.s32 v6, $0x2000  }
0x3de: {  	v5 =	vsel vm13, $0x40000, v5  }
0x3df: {  	[tilespmem:$0x58D0] =	vst v5;
	v5 =	vadd.s32 s17, v6  }
0x3e0: {  	[tilespmem:$0x59D0] =	vst v5  }
0x3e1: {  	v5 =	vld [tilespmem:s5+$0x860];
	_ =	sdelay $0x4  }
0x3e2: {  	v6 =	vshrl.u32 v5, $0x12  }
0x3e3: {  	v5 =	vand.u32 $0x3FFFF, v5;
	vm14 =	veq.s32 v6, $0x2000  }
0x3e4: {  	v5 =	vsel vm14, $0x40000, v5  }
0x3e5: {  	[tilespmem:$0x58E0] =	vst v5;
	v5 =	vadd.s32 s17, v6  }
0x3e6: {  	[tilespmem:$0x59E0] =	vst v5  }
0x3e7: {  	v5 =	vld [tilespmem:s5+$0x870];
	_ =	sdelay $0x4  }
0x3e8: {  	v6 =	vshrl.u32 v5, $0x12  }
0x3e9: {  	v5 =	vand.u32 $0x3FFFF, v5;
	vm15 =	veq.s32 v6, $0x2000  }
0x3ea: {  	v5 =	vsel vm15, $0x40000, v5  }
0x3eb: {  	[tilespmem:$0x58F0] =	vst v5;
	v5 =	vadd.s32 s17, v6  }
0x3ec: {  	[tilespmem:$0x59F0] =	vst v5  }
0x3ed: {  	[tilespmem:s0], [sflag:$0x1] =	stream.indirect.gather [hbm4b:s8+s30], $0x80, s1, s30, $0xb8;
	[tilespmem:$0x1EC00] =	vst v63  }
0x3ee: {  	_ =	swait.ge [sflag:s29], $0x4000  }
0x3ef: {  	[sflag:s29] =	ssyncset.done $0x0  }
.Ltmp19:
0x3f0: {  	[sflag:s29] =	ssyncadd.s32 $0xFFFFC000;
	(pc) =	sbr.rel .LBB2_24-.Ltmp19, $4  }
0x3f1: {  	[hbm4b:s7+s30] =	stream.indirect.scatter [tilespmem:s0], [sflag:$0x4], $0x80, s31, s30, $0xb8;
	[tilespmem:$0x1EC00] =	vst v63  }
0x3f2: {  	_ =	swait.ge [sflag:s22], $0x4000  }
0x3f3: {  	[sflag:s22] =	ssyncset.done $0x0  }
0x3f4: {  	[sflag:s22] =	ssyncadd.s32 $0xFFFFC000  }
.LBB2_26:
0x3f5: {  	_ =	sfence.sel $0x180000  }
0x3f6: {  	[bflag:$0x0] =	sbarrier.arrive $0xFFFF  }
0x3f7: {  	_ =	strace $0x90000047  }
0x3f8: {  	s0 =	stileid.u32;
	[bflag:$0x2] =	sbarrier.arrive $0xFFFF  }
0x3f9: {  	p0 =	sne.s32 s0, $0x0;
	s0 =	rddreg [dreg:$0x3]  }
0x3fa: {  	s0 =	sadd.s32 @!p0 $0x100000, s0  }
0x3fb: {  	[sflag:s0] =	ssyncadd.tile.s32 @!p0 $0x1;
	_ =	shalt  }
.Lfunc_end2:
_tile_overlayer_lowered:
.L_overlay_start_2:
0x3fc: {  	(tag) =	ssettag $0x2  }
0x3fd: {  	s0 =	rddreg [dreg:$0x0];
	s2 =	stileid.u32  }
0x3fe: {  	s1 =	rddreg [dreg:$0x1];
	p0 =	sne.s32 s2, $0x0  }
0x3ff: {  	s3 =	rddreg [dreg:$0x2];
	[bflag:$0x3] =	sbarrier.arrive $0xFFFF;
	s2 =	simm.s32 @!p0 $0x1C04  }
0x400: {  	[timem:s3], [sflag:s2] =	dma.local @!p0 [hbm:s0], s1  }
0x401: {  	s0 =	simm.s32 @!p0 $0x4  }
0x402: {  	_ =	swait.ge @!p0 [sflag:s0], s1  }
0x403: {  	s1 =	ssub.s32 @!p0 $0x0, s1;
	[sflag:s0] =	ssyncset.done @!p0 $0x0  }
0x404: {  	[sflag:s0] =	ssyncadd.s32 @!p0 s1  }
0x405: {  	[bflag:$0x3] =	sbarrier.arrive $0xFFFF  }
0x406: {  	_ =	shalt  }

</sc_bundles>
